<compile_context>
chip_gen: v7x
topology: tpu7x:2x2x1
jax: 0.10.2.dev20260603
libtpu: 0.0.44.dev20260713+nightly
codegen_flags: <defaults>
</compile_context>

<pallas_src>
import functools

import jax
import jax.numpy as jnp
from jax import lax
from jax.experimental import pallas as pl
from jax.experimental.pallas import tpu as pltpu
from jax.experimental.pallas import tpu_sc as plsc

N = 10000
E = 160000
D = 256
H = 128
NT = 16
C = 128
NCH = 80
E_PAD = NT * C * NCH
ACC_ROWS = 10240
ZROWS = 640
BB = 8
RBLK = 400
GRID = N // RBLK


def _seg_mean(with_deg):
    outs = [jax.ShapeDtypeStruct((2 * ACC_ROWS, H), jnp.float32)]
    if with_deg:
        outs.append(jax.ShapeDtypeStruct((2 * ACC_ROWS, H), jnp.float32))
    scratch = [
        pltpu.VMEM((ZROWS // C, C), jnp.int32),
        pltpu.VMEM((BB * C,), jnp.int32),
        pltpu.VMEM((NCH, C), jnp.int32),
        pltpu.VMEM((C, H), jnp.float32),
        pltpu.VMEM((C, H), jnp.float32),
        pltpu.VMEM_SHARED((ACC_ROWS, H), jnp.float32),
        pltpu.SemaphoreType.DMA,
        pltpu.SemaphoreType.DMA,
        pltpu.SemaphoreType.DMA,
        pltpu.SemaphoreType.DMA,
    ]
    mesh = plsc.VectorSubcoreMesh(core_axis_name="c", subcore_axis_name="s",
                                  num_cores=2, num_subcores=NT)

    @functools.partial(pl.kernel, out_type=outs, mesh=mesh,
                       scratch_types=scratch)
    def k(y2n, srcs2, dsts2, rowidx2, zrow, ones_in, *rest):
        if with_deg:
            (agg_out, deg_out, idx_v, src_b, dst_b,
             rows_v0, rows_v1, acc, sem0, sem1, sem2, sem3) = rest
        else:
            (agg_out, idx_v, src_b, dst_b,
             rows_v0, rows_v1, acc, sem0, sem1, sem2, sem3) = rest
        rows = (rows_v0, rows_v1)
        sems = (sem0, sem1)
        c = lax.axis_index("c")
        s = lax.axis_index("s")
        nslab = ZROWS // C

        def load_slab_idx():
            pltpu.sync_copy(rowidx2.at[s], idx_v)

        def zero_slab():
            pltpu.sync_copy(zrow, rows_v0)
            for j in range(nslab):
                pltpu.sync_copy(rows_v0, acc.at[idx_v.at[j]])

        def read_slab(out_ref):
            g = pltpu.async_copy(acc.at[idx_v.at[0]], rows_v0, sem0)
            for j in range(nslab):
                if j + 1 < nslab:
                    gn = pltpu.async_copy(acc.at[idx_v.at[j + 1]],
                                          rows[(j + 1) % 2], sems[(j + 1) % 2])
                g.wait()
                orows = pl.ds(c * ACC_ROWS + s * ZROWS + j * C, C)
                pltpu.sync_copy(rows[j % 2], out_ref.at[orows])
                if j + 1 < nslab:
                    g = gn

        load_slab_idx()
        pltpu.sync_copy(dsts2.at[pl.ds(s * NCH, NCH)], dst_b)
        if with_deg:
            zero_slab()
            pltpu.sync_copy(ones_in, rows_v1)
            plsc.subcore_barrier()
            descs = []
            for j in range(NCH):
                descs.append(pltpu.async_copy(rows_v1, acc.at[dst_b.at[j]],
                                              sem0, add=True))
                if j >= 8:
                    descs[j - 8].wait()
            for d in descs[-8:]:
                d.wait()
            plsc.subcore_barrier()
            read_slab(deg_out)
            plsc.subcore_barrier()

        zero_slab()
        plsc.subcore_barrier()

        scsems = (sem2, sem3)

        def step(t, carry):
            base = c * E_PAD + (s * NCH + t * BB) * C
            pltpu.sync_copy(srcs2.at[pl.ds(base, BB * C)], src_b)
            g = pltpu.async_copy(y2n.at[src_b.at[pl.ds(0, C)]],
                                 rows_v0, sem0)
            scd = [None, None]
            for j in range(BB):
                slot = j % 2
                if j + 1 < BB:
                    nslot = (j + 1) % 2
                    if scd[nslot] is not None:
                        scd[nslot].wait()
                        scd[nslot] = None
                    gn = pltpu.async_copy(
                        y2n.at[src_b.at[pl.ds((j + 1) * C, C)]],
                        rows[nslot], sems[nslot])
                g.wait()
                scd[slot] = pltpu.async_copy(
                    rows[slot], acc.at[dst_b.at[t * BB + j]],
                    scsems[slot], add=True)
                if j + 1 < BB:
                    g = gn
            for dsc in scd:
                if dsc is not None:
                    dsc.wait()
            return carry

        lax.fori_loop(0, NCH // BB, step, 0)
        plsc.subcore_barrier()
        read_slab(agg_out)

    return k


def _mm(x, w):
    def body(x_ref, w_ref, o_ref):
        r = jnp.dot(x_ref[...], w_ref[...], preferred_element_type=jnp.float32)
        o_ref[0] = r[:, :H]
        o_ref[1] = r[:, H:]

    return pl.pallas_call(
        body, grid=(GRID,),
        in_specs=[pl.BlockSpec((RBLK, D), lambda i: (i, 0)),
                  pl.BlockSpec((D, D), lambda i: (0, 0))],
        out_specs=pl.BlockSpec((2, RBLK, H), lambda i: (0, i, 0)),
        out_shape=jax.ShapeDtypeStruct((2, N, H), jnp.float32),
    )(x, w)


def _mid(y_st, agg_st, deg_st, b, w):
    def body(y_ref, a_ref, deg_ref, b_ref, w_ref, o_ref):
        inv = 1.0 / jnp.maximum(deg_ref[0][:, 0:1], 1.0)
        xlo = y_ref[0] + a_ref[0] * inv
        xhi = y_ref[1] + a_ref[1] * inv
        xx = jnp.concatenate([xlo, xhi], axis=1) + b_ref[...]
        xx = jnp.maximum(xx, 0.0)
        r = jnp.dot(xx, w_ref[...], preferred_element_type=jnp.float32)
        o_ref[0] = r[:, :H]
        o_ref[1] = r[:, H:]

    return pl.pallas_call(
        body, grid=(GRID,),
        in_specs=[pl.BlockSpec((2, RBLK, H), lambda i: (0, i, 0)),
                  pl.BlockSpec((2, RBLK, H), lambda i: (0, i, 0)),
                  pl.BlockSpec((1, RBLK, H), lambda i: (0, i, 0)),
                  pl.BlockSpec((1, D), lambda i: (0, 0)),
                  pl.BlockSpec((D, D), lambda i: (0, 0))],
        out_specs=pl.BlockSpec((2, RBLK, H), lambda i: (0, i, 0)),
        out_shape=jax.ShapeDtypeStruct((2, N, H), jnp.float32),
    )(y_st, agg_st, deg_st, b, w)


def _fin(y_st, agg_st, deg_st, b):
    def body(y_ref, a_ref, deg_ref, b_ref, o_ref):
        inv = 1.0 / jnp.maximum(deg_ref[0][:, 0:1], 1.0)
        xlo = y_ref[0] + a_ref[0] * inv
        xhi = y_ref[1] + a_ref[1] * inv
        o_ref[...] = jnp.concatenate([xlo, xhi], axis=1) + b_ref[...]

    return pl.pallas_call(
        body, grid=(GRID,),
        in_specs=[pl.BlockSpec((2, RBLK, H), lambda i: (0, i, 0)),
                  pl.BlockSpec((2, RBLK, H), lambda i: (0, i, 0)),
                  pl.BlockSpec((1, RBLK, H), lambda i: (0, i, 0)),
                  pl.BlockSpec((1, D), lambda i: (0, 0))],
        out_specs=pl.BlockSpec((RBLK, D), lambda i: (i, 0)),
        out_shape=jax.ShapeDtypeStruct((N, D), jnp.float32),
    )(y_st, agg_st, deg_st, b)


def kernel(features, edge_index, W1, b1, W2, b2):
    x = features.astype(jnp.float32)
    ei = edge_index.astype(jnp.int32)
    pad = E_PAD - E
    srcs = jnp.concatenate([ei[0], jnp.zeros((pad,), jnp.int32)])
    srcs2 = jnp.concatenate([srcs, srcs + N])
    dsts = jnp.concatenate([ei[1], jnp.full((pad,), N, jnp.int32)])
    dsts2 = dsts.reshape(E_PAD // C, C)
    rowidx2 = jnp.arange(ACC_ROWS, dtype=jnp.int32).reshape(NT, ZROWS // C, C)
    zrow = jnp.zeros((C, H), jnp.float32)
    ones = jnp.ones((C, H), jnp.float32)
    b1r = b1.reshape(1, D)
    b2r = b2.reshape(1, D)

    y1 = _mm(x, W1)
    a1f, degf = _seg_mean(True)(y1.reshape(2 * N, H), srcs2, dsts2,
                                rowidx2, zrow, ones)
    a1 = a1f.reshape(2, ACC_ROWS, H)
    deg = degf.reshape(2, ACC_ROWS, H)
    y2 = _mid(y1, a1, deg, b1r, W2)
    a2f, = _seg_mean(False)(y2.reshape(2 * N, H), srcs2, dsts2,
                            rowidx2, zrow, ones)
    a2 = a2f.reshape(2, ACC_ROWS, H)
    return _fin(y2, a2, deg, b2r)

# --- scband reference (transcript-rebuilt; emitter-appended) ---
"""Pipeline reference for scband-gin-90297392431157 (READ-ONLY COPY).

The authoritative reference and input builder live on the scoring server;
editing this copy changes nothing except your own understanding.
"""

import jax, jax.numpy as jnp
import numpy as np

N_NODES = 10000
N_EDGES = 160000
D_IN = 256
D_HID = 256
D_OUT = 256


def setup_inputs(seed: int = 0) -> dict:
    key = jax.random.key(seed)
    k1, k2, k3, k4, k5, k6 = jax.random.split(key, 6)
    features = jax.random.normal(k1, (N_NODES, D_IN), dtype=jnp.float32)
    edge_index = jax.random.randint(k2, (2, N_EDGES), 0, N_NODES, dtype=jnp.int64)
    # xavier_uniform with relu gain for linear weights
    gain = float(np.sqrt(2.0))
    lim1 = gain * float(np.sqrt(6.0 / (D_IN + D_HID)))
    W1 = jax.random.uniform(k3, (D_IN, D_HID), dtype=jnp.float32, minval=-lim1, maxval=lim1)
    stdv1 = 1.0 / float(np.sqrt(D_HID))
    b1 = jax.random.uniform(k4, (D_HID,), dtype=jnp.float32, minval=-stdv1, maxval=stdv1)
    lim2 = gain * float(np.sqrt(6.0 / (D_HID + D_OUT)))
    W2 = jax.random.uniform(k5, (D_HID, D_OUT), dtype=jnp.float32, minval=-lim2, maxval=lim2)
    stdv2 = 1.0 / float(np.sqrt(D_OUT))
    b2 = jax.random.uniform(k6, (D_OUT,), dtype=jnp.float32, minval=-stdv2, maxval=stdv2)
    return {"features": features, "edge_index": edge_index, "W1": W1, "b1": b1, "W2": W2, "b2": b2}


def _gin_conv(x, edge_index, W, b):
    # DGL GINConv with aggregator_type='mean', eps=0 (default, non-learnable):
    # rst = (1 + eps) * x + mean_{j in N_in(i)} x_j ; out = Linear(rst)
    src = edge_index[0]
    dst = edge_index[1]
    msg = jnp.take(x, src, axis=0)
    summed = jax.ops.segment_sum(msg, dst, num_segments=N_NODES)
    deg = jax.ops.segment_sum(jnp.ones((msg.shape[0],), dtype=x.dtype), dst, num_segments=N_NODES)
    mean_agg = summed / jnp.maximum(deg, 1.0)[:, None]
    rst = x + mean_agg  # eps = 0
    return rst @ W + b


def reference(features, edge_index, W1, b1, W2, b2):
    x1 = jax.nn.relu(_gin_conv(features.astype(jnp.float32), edge_index, W1, b1))
    x2 = _gin_conv(x1, edge_index, W2, b2)
    return x2

if __name__ == "__main__":
    import jax
    _d = setup_inputs()
    print(jax.jit(kernel)(*tuple(_d.values())))

</pallas_src>

<mosaic_0001>
#map = affine_map<(d0, d1) -> (0, 0)>
#map1 = affine_map<(d0, d1) -> (0)>
#map2 = affine_map<(d0, d1) -> (0, 0, 0)>
module attributes {stable_mosaic.version = 14 : i64} {
  func.func @k(%arg0: i32, %arg1: i32, %arg2: memref<20000x128xf32, #tpu.memory_space<hbm>>, %arg3: memref<327680xi32, #tpu.memory_space<hbm>>, %arg4: memref<1280x128xi32, #tpu.memory_space<hbm>>, %arg5: memref<16x5x128xi32, #tpu.memory_space<hbm>>, %arg6: memref<128x128xf32, #tpu.memory_space<hbm>>, %arg7: memref<128x128xf32, #tpu.memory_space<hbm>>, %arg8: memref<20480x128xf32, #tpu.memory_space<hbm>>, %arg9: memref<5x128xi32, #tpu.memory_space<vmem>>, %arg10: memref<1024xi32, #tpu.memory_space<vmem>>, %arg11: memref<80x128xi32, #tpu.memory_space<vmem>>, %arg12: memref<128x128xf32, #tpu.memory_space<vmem>>, %arg13: memref<128x128xf32, #tpu.memory_space<vmem>>, %arg14: memref<10240x128xf32, #tpu.memory_space<vmem_shared>>, %arg15: memref<!tpu.dma_semaphore, #tpu.memory_space<semaphore_mem>>, %arg16: memref<!tpu.dma_semaphore, #tpu.memory_space<semaphore_mem>>, %arg17: memref<!tpu.dma_semaphore, #tpu.memory_space<semaphore_mem>>, %arg18: memref<!tpu.dma_semaphore, #tpu.memory_space<semaphore_mem>>) attributes {dimension_semantics = [#tpu.dimension_semantics<core_parallel>, #tpu.dimension_semantics<subcore_parallel>], iteration_bounds = array<i64: 2, 16>, scalar_prefetch = 0 : i64, scratch_operands = 10 : i64, tpu.core_type = #tpu.core_type<sc_vector_subcore>, window_params = [{transform_indices = #map}, {transform_indices = #map1}, {transform_indices = #map}, {transform_indices = #map2}, {transform_indices = #map}, {transform_indices = #map}, {transform_indices = #map}]} {
    "tpu.region"() ({
      %run_scoped3A_113 = tpu.sem_alloc : memref<!tpu.dma_semaphore, #tpu.memory_space<semaphore_mem>>
      %dma_start3A_114 = arith.constant 0 : i32
      %dma_start3A_115 = arith.constant 0 : i32
      %dma_start3A_116 = tpu.memref_slice %arg5[%arg1, %dma_start3A_114, %dma_start3A_115] : memref<16x5x128xi32, #tpu.memory_space<hbm>> -> memref<1x5x128xi32, #tpu.memory_space<hbm>>
      %dma_start3A_117 = tpu.memref_squeeze %dma_start3A_116 : memref<1x5x128xi32, #tpu.memory_space<hbm>> -> memref<5x128xi32, #tpu.memory_space<hbm>>
      %dma_start3A_118 = arith.constant 0 : i32
      %dma_start3A_119 = arith.constant 0 : i32
      %dma_start3A_120 = tpu.memref_slice %arg5[%arg1, %dma_start3A_118, %dma_start3A_119] : memref<16x5x128xi32, #tpu.memory_space<hbm>> -> memref<1x5x128xi32, #tpu.memory_space<hbm>>
      %dma_start3A_121 = tpu.memref_squeeze %dma_start3A_120 : memref<1x5x128xi32, #tpu.memory_space<hbm>> -> memref<5x128xi32, #tpu.memory_space<hbm>>
      tpu.enqueue_dma source(%dma_start3A_121 : memref<5x128xi32, #tpu.memory_space<hbm>>) target(%arg9 : memref<5x128xi32, #tpu.memory_space<vmem>>) target_semaphore(%run_scoped3A_113 : memref<!tpu.dma_semaphore, #tpu.memory_space<semaphore_mem>>)
      %dma_wait3A_122 = arith.constant 0 : i32
      %dma_wait3A_123 = arith.constant 0 : i32
      %dma_wait3A_124 = tpu.memref_slice %arg5[%arg1, %dma_wait3A_122, %dma_wait3A_123] : memref<16x5x128xi32, #tpu.memory_space<hbm>> -> memref<1x5x128xi32, #tpu.memory_space<hbm>>
      %dma_wait3A_125 = tpu.memref_squeeze %dma_wait3A_124 : memref<1x5x128xi32, #tpu.memory_space<hbm>> -> memref<5x128xi32, #tpu.memory_space<hbm>>
      %dma_wait3A_126 = arith.constant 0 : i32
      %dma_wait3A_127 = arith.constant 0 : i32
      %dma_wait3A_128 = tpu.memref_slice %arg5[%arg1, %dma_wait3A_126, %dma_wait3A_127] : memref<16x5x128xi32, #tpu.memory_space<hbm>> -> memref<1x5x128xi32, #tpu.memory_space<hbm>>
      %dma_wait3A_129 = tpu.memref_squeeze %dma_wait3A_128 : memref<1x5x128xi32, #tpu.memory_space<hbm>> -> memref<5x128xi32, #tpu.memory_space<hbm>>
      tpu.wait_dma2 semaphore(%run_scoped3A_113 : memref<!tpu.dma_semaphore, #tpu.memory_space<semaphore_mem>>) src(%dma_wait3A_129 : memref<5x128xi32, #tpu.memory_space<hbm>>) dst(%arg9 : memref<5x128xi32, #tpu.memory_space<vmem>>)
      tpu.yield
    }) : () -> ()
    %mul3A = arith.constant 80 : i32
    %mul3A_0 = arith.muli %arg1, %mul3A : i32
    "tpu.region"() ({
      %run_scoped3A_113 = tpu.sem_alloc : memref<!tpu.dma_semaphore, #tpu.memory_space<semaphore_mem>>
      %dma_start3A_114 = arith.constant 0 : i32
      %dma_start3A_115 = tpu.memref_slice %arg4[%mul3A_0, %dma_start3A_114] : memref<1280x128xi32, #tpu.memory_space<hbm>> -> memref<80x128xi32, #tpu.memory_space<hbm>>
      %dma_start3A_116 = arith.constant 0 : i32
      %dma_start3A_117 = tpu.memref_slice %arg4[%mul3A_0, %dma_start3A_116] : memref<1280x128xi32, #tpu.memory_space<hbm>> -> memref<80x128xi32, #tpu.memory_space<hbm>>
      tpu.enqueue_dma source(%dma_start3A_117 : memref<80x128xi32, #tpu.memory_space<hbm>>) target(%arg11 : memref<80x128xi32, #tpu.memory_space<vmem>>) target_semaphore(%run_scoped3A_113 : memref<!tpu.dma_semaphore, #tpu.memory_space<semaphore_mem>>)
      %dma_wait3A_118 = arith.constant 0 : i32
      %dma_wait3A_119 = tpu.memref_slice %arg4[%mul3A_0, %dma_wait3A_118] : memref<1280x128xi32, #tpu.memory_space<hbm>> -> memref<80x128xi32, #tpu.memory_space<hbm>>
      %dma_wait3A_120 = arith.constant 0 : i32
      %dma_wait3A_121 = tpu.memref_slice %arg4[%mul3A_0, %dma_wait3A_120] : memref<1280x128xi32, #tpu.memory_space<hbm>> -> memref<80x128xi32, #tpu.memory_space<hbm>>
      tpu.wait_dma2 semaphore(%run_scoped3A_113 : memref<!tpu.dma_semaphore, #tpu.memory_space<semaphore_mem>>) src(%dma_wait3A_121 : memref<80x128xi32, #tpu.memory_space<hbm>>) dst(%arg11 : memref<80x128xi32, #tpu.memory_space<vmem>>)
      tpu.yield
    }) : () -> ()
    "tpu.region"() ({
      %run_scoped3A_113 = tpu.sem_alloc : memref<!tpu.dma_semaphore, #tpu.memory_space<semaphore_mem>>
      tpu.enqueue_dma source(%arg6 : memref<128x128xf32, #tpu.memory_space<hbm>>) target(%arg12 : memref<128x128xf32, #tpu.memory_space<vmem>>) target_semaphore(%run_scoped3A_113 : memref<!tpu.dma_semaphore, #tpu.memory_space<semaphore_mem>>)
      tpu.wait_dma2 semaphore(%run_scoped3A_113 : memref<!tpu.dma_semaphore, #tpu.memory_space<semaphore_mem>>) src(%arg6 : memref<128x128xf32, #tpu.memory_space<hbm>>) dst(%arg12 : memref<128x128xf32, #tpu.memory_space<vmem>>)
      tpu.yield
    }) : () -> ()
    %run_scoped3A = arith.constant 0 : i32
    "tpu.region"() ({
      %run_scoped3A_113 = tpu.sem_alloc : memref<!tpu.dma_semaphore, #tpu.memory_space<semaphore_mem>>
      %dma_start3A_114 = arith.constant 0 : i32
      %dma_start3A_115 = tpu.memref_slice %arg9[%run_scoped3A, %dma_start3A_114] : memref<5x128xi32, #tpu.memory_space<vmem>> -> memref<1x128xi32, #tpu.memory_space<vmem>>
      %dma_start3A_116 = tpu.memref_squeeze %dma_start3A_115 : memref<1x128xi32, #tpu.memory_space<vmem>> -> memref<128xi32, #tpu.memory_space<vmem>>
      %dma_start3A_117 = arith.constant 0 : i32
      %dma_start3A_118 = arith.constant 0 : i32
      %dma_start3A_119 = tpu.memref_slice %arg14[%dma_start3A_117, %dma_start3A_118] : memref<10240x128xf32, #tpu.memory_space<vmem_shared>> -> memref<10240x128xf32, #tpu.memory_space<vmem_shared>>
      tpu.enqueue_indirect_dma source(%arg12 : memref<128x128xf32, #tpu.memory_space<vmem>>) target(%dma_start3A_119 : memref<10240x128xf32, #tpu.memory_space<vmem_shared>>) offsets(%dma_start3A_116 : memref<128xi32, #tpu.memory_space<vmem>>) semaphore(%run_scoped3A_113 : memref<!tpu.dma_semaphore, #tpu.memory_space<semaphore_mem>>)
      %dma_wait3A_120 = arith.constant 0 : i32
      %dma_wait3A_121 = tpu.memref_slice %arg9[%run_scoped3A, %dma_wait3A_120] : memref<5x128xi32, #tpu.memory_space<vmem>> -> memref<1x128xi32, #tpu.memory_space<vmem>>
      %dma_wait3A_122 = tpu.memref_squeeze %dma_wait3A_121 : memref<1x128xi32, #tpu.memory_space<vmem>> -> memref<128xi32, #tpu.memory_space<vmem>>
      %dma_wait3A_123 = arith.constant 0 : i32
      %dma_wait3A_124 = arith.constant 0 : i32
      %dma_wait3A_125 = tpu.memref_slice %arg14[%dma_wait3A_123, %dma_wait3A_124] : memref<10240x128xf32, #tpu.memory_space<vmem_shared>> -> memref<10240x128xf32, #tpu.memory_space<vmem_shared>>
      tpu.wait_indirect_dma semaphore(%run_scoped3A_113 : memref<!tpu.dma_semaphore, #tpu.memory_space<semaphore_mem>>) src(%arg12 : memref<128x128xf32, #tpu.memory_space<vmem>>) dst(%dma_wait3A_125 : memref<10240x128xf32, #tpu.memory_space<vmem_shared>>)
      tpu.yield
    }) : () -> ()
    %run_scoped3A_1 = arith.constant 1 : i32
    "tpu.region"() ({
      %run_scoped3A_113 = tpu.sem_alloc : memref<!tpu.dma_semaphore, #tpu.memory_space<semaphore_mem>>
      %dma_start3A_114 = arith.constant 0 : i32
      %dma_start3A_115 = tpu.memref_slice %arg9[%run_scoped3A_1, %dma_start3A_114] : memref<5x128xi32, #tpu.memory_space<vmem>> -> memref<1x128xi32, #tpu.memory_space<vmem>>
      %dma_start3A_116 = tpu.memref_squeeze %dma_start3A_115 : memref<1x128xi32, #tpu.memory_space<vmem>> -> memref<128xi32, #tpu.memory_space<vmem>>
      %dma_start3A_117 = arith.constant 0 : i32
      %dma_start3A_118 = arith.constant 0 : i32
      %dma_start3A_119 = tpu.memref_slice %arg14[%dma_start3A_117, %dma_start3A_118] : memref<10240x128xf32, #tpu.memory_space<vmem_shared>> -> memref<10240x128xf32, #tpu.memory_space<vmem_shared>>
      tpu.enqueue_indirect_dma source(%arg12 : memref<128x128xf32, #tpu.memory_space<vmem>>) target(%dma_start3A_119 : memref<10240x128xf32, #tpu.memory_space<vmem_shared>>) offsets(%dma_start3A_116 : memref<128xi32, #tpu.memory_space<vmem>>) semaphore(%run_scoped3A_113 : memref<!tpu.dma_semaphore, #tpu.memory_space<semaphore_mem>>)
      %dma_wait3A_120 = arith.constant 0 : i32
      %dma_wait3A_121 = tpu.memref_slice %arg9[%run_scoped3A_1, %dma_wait3A_120] : memref<5x128xi32, #tpu.memory_space<vmem>> -> memref<1x128xi32, #tpu.memory_space<vmem>>
      %dma_wait3A_122 = tpu.memref_squeeze %dma_wait3A_121 : memref<1x128xi32, #tpu.memory_space<vmem>> -> memref<128xi32, #tpu.memory_space<vmem>>
      %dma_wait3A_123 = arith.constant 0 : i32
      %dma_wait3A_124 = arith.constant 0 : i32
      %dma_wait3A_125 = tpu.memref_slice %arg14[%dma_wait3A_123, %dma_wait3A_124] : memref<10240x128xf32, #tpu.memory_space<vmem_shared>> -> memref<10240x128xf32, #tpu.memory_space<vmem_shared>>
      tpu.wait_indirect_dma semaphore(%run_scoped3A_113 : memref<!tpu.dma_semaphore, #tpu.memory_space<semaphore_mem>>) src(%arg12 : memref<128x128xf32, #tpu.memory_space<vmem>>) dst(%dma_wait3A_125 : memref<10240x128xf32, #tpu.memory_space<vmem_shared>>)
      tpu.yield
    }) : () -> ()
    %run_scoped3A_2 = arith.constant 2 : i32
    "tpu.region"() ({
      %run_scoped3A_113 = tpu.sem_alloc : memref<!tpu.dma_semaphore, #tpu.memory_space<semaphore_mem>>
      %dma_start3A_114 = arith.constant 0 : i32
      %dma_start3A_115 = tpu.memref_slice %arg9[%run_scoped3A_2, %dma_start3A_114] : memref<5x128xi32, #tpu.memory_space<vmem>> -> memref<1x128xi32, #tpu.memory_space<vmem>>
      %dma_start3A_116 = tpu.memref_squeeze %dma_start3A_115 : memref<1x128xi32, #tpu.memory_space<vmem>> -> memref<128xi32, #tpu.memory_space<vmem>>
      %dma_start3A_117 = arith.constant 0 : i32
      %dma_start3A_118 = arith.constant 0 : i32
      %dma_start3A_119 = tpu.memref_slice %arg14[%dma_start3A_117, %dma_start3A_118] : memref<10240x128xf32, #tpu.memory_space<vmem_shared>> -> memref<10240x128xf32, #tpu.memory_space<vmem_shared>>
      tpu.enqueue_indirect_dma source(%arg12 : memref<128x128xf32, #tpu.memory_space<vmem>>) target(%dma_start3A_119 : memref<10240x128xf32, #tpu.memory_space<vmem_shared>>) offsets(%dma_start3A_116 : memref<128xi32, #tpu.memory_space<vmem>>) semaphore(%run_scoped3A_113 : memref<!tpu.dma_semaphore, #tpu.memory_space<semaphore_mem>>)
      %dma_wait3A_120 = arith.constant 0 : i32
      %dma_wait3A_121 = tpu.memref_slice %arg9[%run_scoped3A_2, %dma_wait3A_120] : memref<5x128xi32, #tpu.memory_space<vmem>> -> memref<1x128xi32, #tpu.memory_space<vmem>>
      %dma_wait3A_122 = tpu.memref_squeeze %dma_wait3A_121 : memref<1x128xi32, #tpu.memory_space<vmem>> -> memref<128xi32, #tpu.memory_space<vmem>>
      %dma_wait3A_123 = arith.constant 0 : i32
      %dma_wait3A_124 = arith.constant 0 : i32
      %dma_wait3A_125 = tpu.memref_slice %arg14[%dma_wait3A_123, %dma_wait3A_124] : memref<10240x128xf32, #tpu.memory_space<vmem_shared>> -> memref<10240x128xf32, #tpu.memory_space<vmem_shared>>
      tpu.wait_indirect_dma semaphore(%run_scoped3A_113 : memref<!tpu.dma_semaphore, #tpu.memory_space<semaphore_mem>>) src(%arg12 : memref<128x128xf32, #tpu.memory_space<vmem>>) dst(%dma_wait3A_125 : memref<10240x128xf32, #tpu.memory_space<vmem_shared>>)
      tpu.yield
    }) : () -> ()
    %run_scoped3A_3 = arith.constant 3 : i32
    "tpu.region"() ({
      %run_scoped3A_113 = tpu.sem_alloc : memref<!tpu.dma_semaphore, #tpu.memory_space<semaphore_mem>>
      %dma_start3A_114 = arith.constant 0 : i32
      %dma_start3A_115 = tpu.memref_slice %arg9[%run_scoped3A_3, %dma_start3A_114] : memref<5x128xi32, #tpu.memory_space<vmem>> -> memref<1x128xi32, #tpu.memory_space<vmem>>
      %dma_start3A_116 = tpu.memref_squeeze %dma_start3A_115 : memref<1x128xi32, #tpu.memory_space<vmem>> -> memref<128xi32, #tpu.memory_space<vmem>>
      %dma_start3A_117 = arith.constant 0 : i32
      %dma_start3A_118 = arith.constant 0 : i32
      %dma_start3A_119 = tpu.memref_slice %arg14[%dma_start3A_117, %dma_start3A_118] : memref<10240x128xf32, #tpu.memory_space<vmem_shared>> -> memref<10240x128xf32, #tpu.memory_space<vmem_shared>>
      tpu.enqueue_indirect_dma source(%arg12 : memref<128x128xf32, #tpu.memory_space<vmem>>) target(%dma_start3A_119 : memref<10240x128xf32, #tpu.memory_space<vmem_shared>>) offsets(%dma_start3A_116 : memref<128xi32, #tpu.memory_space<vmem>>) semaphore(%run_scoped3A_113 : memref<!tpu.dma_semaphore, #tpu.memory_space<semaphore_mem>>)
      %dma_wait3A_120 = arith.constant 0 : i32
      %dma_wait3A_121 = tpu.memref_slice %arg9[%run_scoped3A_3, %dma_wait3A_120] : memref<5x128xi32, #tpu.memory_space<vmem>> -> memref<1x128xi32, #tpu.memory_space<vmem>>
      %dma_wait3A_122 = tpu.memref_squeeze %dma_wait3A_121 : memref<1x128xi32, #tpu.memory_space<vmem>> -> memref<128xi32, #tpu.memory_space<vmem>>
      %dma_wait3A_123 = arith.constant 0 : i32
      %dma_wait3A_124 = arith.constant 0 : i32
      %dma_wait3A_125 = tpu.memref_slice %arg14[%dma_wait3A_123, %dma_wait3A_124] : memref<10240x128xf32, #tpu.memory_space<vmem_shared>> -> memref<10240x128xf32, #tpu.memory_space<vmem_shared>>
      tpu.wait_indirect_dma semaphore(%run_scoped3A_113 : memref<!tpu.dma_semaphore, #tpu.memory_space<semaphore_mem>>) src(%arg12 : memref<128x128xf32, #tpu.memory_space<vmem>>) dst(%dma_wait3A_125 : memref<10240x128xf32, #tpu.memory_space<vmem_shared>>)
      tpu.yield
    }) : () -> ()
    %run_scoped3A_4 = arith.constant 4 : i32
    "tpu.region"() ({
      %run_scoped3A_113 = tpu.sem_alloc : memref<!tpu.dma_semaphore, #tpu.memory_space<semaphore_mem>>
      %dma_start3A_114 = arith.constant 0 : i32
      %dma_start3A_115 = tpu.memref_slice %arg9[%run_scoped3A_4, %dma_start3A_114] : memref<5x128xi32, #tpu.memory_space<vmem>> -> memref<1x128xi32, #tpu.memory_space<vmem>>
      %dma_start3A_116 = tpu.memref_squeeze %dma_start3A_115 : memref<1x128xi32, #tpu.memory_space<vmem>> -> memref<128xi32, #tpu.memory_space<vmem>>
      %dma_start3A_117 = arith.constant 0 : i32
      %dma_start3A_118 = arith.constant 0 : i32
      %dma_start3A_119 = tpu.memref_slice %arg14[%dma_start3A_117, %dma_start3A_118] : memref<10240x128xf32, #tpu.memory_space<vmem_shared>> -> memref<10240x128xf32, #tpu.memory_space<vmem_shared>>
      tpu.enqueue_indirect_dma source(%arg12 : memref<128x128xf32, #tpu.memory_space<vmem>>) target(%dma_start3A_119 : memref<10240x128xf32, #tpu.memory_space<vmem_shared>>) offsets(%dma_start3A_116 : memref<128xi32, #tpu.memory_space<vmem>>) semaphore(%run_scoped3A_113 : memref<!tpu.dma_semaphore, #tpu.memory_space<semaphore_mem>>)
      %dma_wait3A_120 = arith.constant 0 : i32
      %dma_wait3A_121 = tpu.memref_slice %arg9[%run_scoped3A_4, %dma_wait3A_120] : memref<5x128xi32, #tpu.memory_space<vmem>> -> memref<1x128xi32, #tpu.memory_space<vmem>>
      %dma_wait3A_122 = tpu.memref_squeeze %dma_wait3A_121 : memref<1x128xi32, #tpu.memory_space<vmem>> -> memref<128xi32, #tpu.memory_space<vmem>>
      %dma_wait3A_123 = arith.constant 0 : i32
      %dma_wait3A_124 = arith.constant 0 : i32
      %dma_wait3A_125 = tpu.memref_slice %arg14[%dma_wait3A_123, %dma_wait3A_124] : memref<10240x128xf32, #tpu.memory_space<vmem_shared>> -> memref<10240x128xf32, #tpu.memory_space<vmem_shared>>
      tpu.wait_indirect_dma semaphore(%run_scoped3A_113 : memref<!tpu.dma_semaphore, #tpu.memory_space<semaphore_mem>>) src(%arg12 : memref<128x128xf32, #tpu.memory_space<vmem>>) dst(%dma_wait3A_125 : memref<10240x128xf32, #tpu.memory_space<vmem_shared>>)
      tpu.yield
    }) : () -> ()
    %barrier3A = arith.constant 0 : index
    tpu.barrier barrier_id(%barrier3A)
    %scan3A = arith.constant 0 : i32
    %scan3A_5 = arith.constant 0 : i32
    %scan3A_6 = arith.constant 10 : i32
    %scan3A_7 = arith.addi %scan3A_5, %scan3A_6 : i32
    %scan3A_8 = arith.constant 1 : i32
    scf.for %scan3A_113 = %scan3A_5 to %scan3A_7 step %scan3A_8  : i32 {
      %mul3A_114 = arith.constant 163840 : i32
      %mul3A_115 = arith.muli %arg0, %mul3A_114 : i32
      %mul3A_116 = arith.constant 80 : i32
      %mul3A_117 = arith.muli %arg1, %mul3A_116 : i32
      %mul3A_118 = arith.constant 8 : i32
      %mul3A_119 = arith.muli %scan3A_113, %mul3A_118 : i32
      %add3A_120 = arith.addi %mul3A_117, %mul3A_119 : i32
      %mul3A_121 = arith.constant 128 : i32
      %mul3A_122 = arith.muli %add3A_120, %mul3A_121 : i32
      %add3A_123 = arith.addi %mul3A_115, %mul3A_122 : i32
      "tpu.region"() ({
        %run_scoped3A_332 = tpu.sem_alloc : memref<!tpu.dma_semaphore, #tpu.memory_space<semaphore_mem>>
        %dma_start3A_333 = tpu.memref_slice %arg3[%add3A_123] : memref<327680xi32, #tpu.memory_space<hbm>> -> memref<1024xi32, #tpu.memory_space<hbm>>
        %dma_start3A_334 = tpu.memref_slice %arg3[%add3A_123] : memref<327680xi32, #tpu.memory_space<hbm>> -> memref<1024xi32, #tpu.memory_space<hbm>>
        tpu.enqueue_dma source(%dma_start3A_334 : memref<1024xi32, #tpu.memory_space<hbm>>) target(%arg10 : memref<1024xi32, #tpu.memory_space<vmem>>) target_semaphore(%run_scoped3A_332 : memref<!tpu.dma_semaphore, #tpu.memory_space<semaphore_mem>>)
        %dma_wait3A_335 = tpu.memref_slice %arg3[%add3A_123] : memref<327680xi32, #tpu.memory_space<hbm>> -> memref<1024xi32, #tpu.memory_space<hbm>>
        %dma_wait3A_336 = tpu.memref_slice %arg3[%add3A_123] : memref<327680xi32, #tpu.memory_space<hbm>> -> memref<1024xi32, #tpu.memory_space<hbm>>
        tpu.wait_dma2 semaphore(%run_scoped3A_332 : memref<!tpu.dma_semaphore, #tpu.memory_space<semaphore_mem>>) src(%dma_wait3A_336 : memref<1024xi32, #tpu.memory_space<hbm>>) dst(%arg10 : memref<1024xi32, #tpu.memory_space<vmem>>)
        tpu.yield
      }) : () -> ()
      %dma_start3A_124 = arith.constant 0 : i32
      %dma_start3A_125 = tpu.memref_slice %arg10[%dma_start3A_124] : memref<1024xi32, #tpu.memory_space<vmem>> -> memref<128xi32, #tpu.memory_space<vmem>>
      %dma_start3A_126 = arith.constant 0 : i32
      %dma_start3A_127 = arith.constant 0 : i32
      %dma_start3A_128 = tpu.memref_slice %arg2[%dma_start3A_126, %dma_start3A_127] : memref<20000x128xf32, #tpu.memory_space<hbm>> -> memref<20000x128xf32, #tpu.memory_space<hbm>>
      tpu.enqueue_indirect_dma source(%dma_start3A_128 : memref<20000x128xf32, #tpu.memory_space<hbm>>) target(%arg12 : memref<128x128xf32, #tpu.memory_space<vmem>>) offsets(%dma_start3A_125 : memref<128xi32, #tpu.memory_space<vmem>>) semaphore(%arg15 : memref<!tpu.dma_semaphore, #tpu.memory_space<semaphore_mem>>)
      %dma_start3A_129 = arith.constant 128 : i32
      %dma_start3A_130 = tpu.memref_slice %arg10[%dma_start3A_129] : memref<1024xi32, #tpu.memory_space<vmem>> -> memref<128xi32, #tpu.memory_space<vmem>>
      %dma_start3A_131 = arith.constant 0 : i32
      %dma_start3A_132 = arith.constant 0 : i32
      %dma_start3A_133 = tpu.memref_slice %arg2[%dma_start3A_131, %dma_start3A_132] : memref<20000x128xf32, #tpu.memory_space<hbm>> -> memref<20000x128xf32, #tpu.memory_space<hbm>>
      tpu.enqueue_indirect_dma source(%dma_start3A_133 : memref<20000x128xf32, #tpu.memory_space<hbm>>) target(%arg13 : memref<128x128xf32, #tpu.memory_space<vmem>>) offsets(%dma_start3A_130 : memref<128xi32, #tpu.memory_space<vmem>>) semaphore(%arg16 : memref<!tpu.dma_semaphore, #tpu.memory_space<semaphore_mem>>)
      %dma_wait3A_134 = arith.constant 0 : i32
      %dma_wait3A_135 = tpu.memref_slice %arg10[%dma_wait3A_134] : memref<1024xi32, #tpu.memory_space<vmem>> -> memref<128xi32, #tpu.memory_space<vmem>>
      %dma_wait3A_136 = arith.constant 0 : i32
      %dma_wait3A_137 = arith.constant 0 : i32
      %dma_wait3A_138 = tpu.memref_slice %arg2[%dma_wait3A_136, %dma_wait3A_137] : memref<20000x128xf32, #tpu.memory_space<hbm>> -> memref<20000x128xf32, #tpu.memory_space<hbm>>
      tpu.wait_indirect_dma semaphore(%arg15 : memref<!tpu.dma_semaphore, #tpu.memory_space<semaphore_mem>>) src(%dma_wait3A_138 : memref<20000x128xf32, #tpu.memory_space<hbm>>) dst(%arg12 : memref<128x128xf32, #tpu.memory_space<vmem>>)
      %mul3A_139 = arith.constant 8 : i32
      %mul3A_140 = arith.muli %scan3A_113, %mul3A_139 : i32
      %add3A_141 = arith.constant 0 : i32
      %add3A_142 = arith.addi %mul3A_140, %add3A_141 : i32
      %dma_start3A_143 = arith.constant 0 : i32
      %dma_start3A_144 = tpu.memref_slice %arg11[%add3A_142, %dma_start3A_143] : memref<80x128xi32, #tpu.memory_space<vmem>> -> memref<1x128xi32, #tpu.memory_space<vmem>>
      %dma_start3A_145 = tpu.memref_squeeze %dma_start3A_144 : memref<1x128xi32, #tpu.memory_space<vmem>> -> memref<128xi32, #tpu.memory_space<vmem>>
      %dma_start3A_146 = arith.constant 0 : i32
      %dma_start3A_147 = arith.constant 0 : i32
      %dma_start3A_148 = tpu.memref_slice %arg14[%dma_start3A_146, %dma_start3A_147] : memref<10240x128xf32, #tpu.memory_space<vmem_shared>> -> memref<10240x128xf32, #tpu.memory_space<vmem_shared>>
      tpu.enqueue_indirect_dma source(%arg12 : memref<128x128xf32, #tpu.memory_space<vmem>>) target(%dma_start3A_148 : memref<10240x128xf32, #tpu.memory_space<vmem_shared>>) offsets(%dma_start3A_145 : memref<128xi32, #tpu.memory_space<vmem>>) semaphore(%arg17 : memref<!tpu.dma_semaphore, #tpu.memory_space<semaphore_mem>>) {add = true}
      %dma_wait3A_149 = arith.constant 0 : i32
      %dma_wait3A_150 = tpu.memref_slice %arg11[%add3A_142, %dma_wait3A_149] : memref<80x128xi32, #tpu.memory_space<vmem>> -> memref<1x128xi32, #tpu.memory_space<vmem>>
      %dma_wait3A_151 = tpu.memref_squeeze %dma_wait3A_150 : memref<1x128xi32, #tpu.memory_space<vmem>> -> memref<128xi32, #tpu.memory_space<vmem>>
      %dma_wait3A_152 = arith.constant 0 : i32
      %dma_wait3A_153 = arith.constant 0 : i32
      %dma_wait3A_154 = tpu.memref_slice %arg14[%dma_wait3A_152, %dma_wait3A_153] : memref<10240x128xf32, #tpu.memory_space<vmem_shared>> -> memref<10240x128xf32, #tpu.memory_space<vmem_shared>>
      tpu.wait_indirect_dma semaphore(%arg17 : memref<!tpu.dma_semaphore, #tpu.memory_space<semaphore_mem>>) src(%arg12 : memref<128x128xf32, #tpu.memory_space<vmem>>) dst(%dma_wait3A_154 : memref<10240x128xf32, #tpu.memory_space<vmem_shared>>)
      %dma_start3A_155 = arith.constant 256 : i32
      %dma_start3A_156 = tpu.memref_slice %arg10[%dma_start3A_155] : memref<1024xi32, #tpu.memory_space<vmem>> -> memref<128xi32, #tpu.memory_space<vmem>>
      %dma_start3A_157 = arith.constant 0 : i32
      %dma_start3A_158 = arith.constant 0 : i32
      %dma_start3A_159 = tpu.memref_slice %arg2[%dma_start3A_157, %dma_start3A_158] : memref<20000x128xf32, #tpu.memory_space<hbm>> -> memref<20000x128xf32, #tpu.memory_space<hbm>>
      tpu.enqueue_indirect_dma source(%dma_start3A_159 : memref<20000x128xf32, #tpu.memory_space<hbm>>) target(%arg12 : memref<128x128xf32, #tpu.memory_space<vmem>>) offsets(%dma_start3A_156 : memref<128xi32, #tpu.memory_space<vmem>>) semaphore(%arg15 : memref<!tpu.dma_semaphore, #tpu.memory_space<semaphore_mem>>)
      %dma_wait3A_160 = arith.constant 128 : i32
      %dma_wait3A_161 = tpu.memref_slice %arg10[%dma_wait3A_160] : memref<1024xi32, #tpu.memory_space<vmem>> -> memref<128xi32, #tpu.memory_space<vmem>>
      %dma_wait3A_162 = arith.constant 0 : i32
      %dma_wait3A_163 = arith.constant 0 : i32
      %dma_wait3A_164 = tpu.memref_slice %arg2[%dma_wait3A_162, %dma_wait3A_163] : memref<20000x128xf32, #tpu.memory_space<hbm>> -> memref<20000x128xf32, #tpu.memory_space<hbm>>
      tpu.wait_indirect_dma semaphore(%arg16 : memref<!tpu.dma_semaphore, #tpu.memory_space<semaphore_mem>>) src(%dma_wait3A_164 : memref<20000x128xf32, #tpu.memory_space<hbm>>) dst(%arg13 : memref<128x128xf32, #tpu.memory_space<vmem>>)
      %mul3A_165 = arith.constant 8 : i32
      %mul3A_166 = arith.muli %scan3A_113, %mul3A_165 : i32
      %add3A_167 = arith.constant 1 : i32
      %add3A_168 = arith.addi %mul3A_166, %add3A_167 : i32
      %dma_start3A_169 = arith.constant 0 : i32
      %dma_start3A_170 = tpu.memref_slice %arg11[%add3A_168, %dma_start3A_169] : memref<80x128xi32, #tpu.memory_space<vmem>> -> memref<1x128xi32, #tpu.memory_space<vmem>>
      %dma_start3A_171 = tpu.memref_squeeze %dma_start3A_170 : memref<1x128xi32, #tpu.memory_space<vmem>> -> memref<128xi32, #tpu.memory_space<vmem>>
      %dma_start3A_172 = arith.constant 0 : i32
      %dma_start3A_173 = arith.constant 0 : i32
      %dma_start3A_174 = tpu.memref_slice %arg14[%dma_start3A_172, %dma_start3A_173] : memref<10240x128xf32, #tpu.memory_space<vmem_shared>> -> memref<10240x128xf32, #tpu.memory_space<vmem_shared>>
      tpu.enqueue_indirect_dma source(%arg13 : memref<128x128xf32, #tpu.memory_space<vmem>>) target(%dma_start3A_174 : memref<10240x128xf32, #tpu.memory_space<vmem_shared>>) offsets(%dma_start3A_171 : memref<128xi32, #tpu.memory_space<vmem>>) semaphore(%arg18 : memref<!tpu.dma_semaphore, #tpu.memory_space<semaphore_mem>>) {add = true}
      %dma_wait3A_175 = arith.constant 0 : i32
      %dma_wait3A_176 = tpu.memref_slice %arg11[%add3A_168, %dma_wait3A_175] : memref<80x128xi32, #tpu.memory_space<vmem>> -> memref<1x128xi32, #tpu.memory_space<vmem>>
      %dma_wait3A_177 = tpu.memref_squeeze %dma_wait3A_176 : memref<1x128xi32, #tpu.memory_space<vmem>> -> memref<128xi32, #tpu.memory_space<vmem>>
      %dma_wait3A_178 = arith.constant 0 : i32
      %dma_wait3A_179 = arith.constant 0 : i32
      %dma_wait3A_180 = tpu.memref_slice %arg14[%dma_wait3A_178, %dma_wait3A_179] : memref<10240x128xf32, #tpu.memory_space<vmem_shared>> -> memref<10240x128xf32, #tpu.memory_space<vmem_shared>>
      tpu.wait_indirect_dma semaphore(%arg18 : memref<!tpu.dma_semaphore, #tpu.memory_space<semaphore_mem>>) src(%arg13 : memref<128x128xf32, #tpu.memory_space<vmem>>) dst(%dma_wait3A_180 : memref<10240x128xf32, #tpu.memory_space<vmem_shared>>)
      %dma_start3A_181 = arith.constant 384 : i32
      %dma_start3A_182 = tpu.memref_slice %arg10[%dma_start3A_181] : memref<1024xi32, #tpu.memory_space<vmem>> -> memref<128xi32, #tpu.memory_space<vmem>>
      %dma_start3A_183 = arith.constant 0 : i32
      %dma_start3A_184 = arith.constant 0 : i32
      %dma_start3A_185 = tpu.memref_slice %arg2[%dma_start3A_183, %dma_start3A_184] : memref<20000x128xf32, #tpu.memory_space<hbm>> -> memref<20000x128xf32, #tpu.memory_space<hbm>>
      tpu.enqueue_indirect_dma source(%dma_start3A_185 : memref<20000x128xf32, #tpu.memory_space<hbm>>) target(%arg13 : memref<128x128xf32, #tpu.memory_space<vmem>>) offsets(%dma_start3A_182 : memref<128xi32, #tpu.memory_space<vmem>>) semaphore(%arg16 : memref<!tpu.dma_semaphore, #tpu.memory_space<semaphore_mem>>)
      %dma_wait3A_186 = arith.constant 256 : i32
      %dma_wait3A_187 = tpu.memref_slice %arg10[%dma_wait3A_186] : memref<1024xi32, #tpu.memory_space<vmem>> -> memref<128xi32, #tpu.memory_space<vmem>>
      %dma_wait3A_188 = arith.constant 0 : i32
      %dma_wait3A_189 = arith.constant 0 : i32
      %dma_wait3A_190 = tpu.memref_slice %arg2[%dma_wait3A_188, %dma_wait3A_189] : memref<20000x128xf32, #tpu.memory_space<hbm>> -> memref<20000x128xf32, #tpu.memory_space<hbm>>
      tpu.wait_indirect_dma semaphore(%arg15 : memref<!tpu.dma_semaphore, #tpu.memory_space<semaphore_mem>>) src(%dma_wait3A_190 : memref<20000x128xf32, #tpu.memory_space<hbm>>) dst(%arg12 : memref<128x128xf32, #tpu.memory_space<vmem>>)
      %mul3A_191 = arith.constant 8 : i32
      %mul3A_192 = arith.muli %scan3A_113, %mul3A_191 : i32
      %add3A_193 = arith.constant 2 : i32
      %add3A_194 = arith.addi %mul3A_192, %add3A_193 : i32
      %dma_start3A_195 = arith.constant 0 : i32
      %dma_start3A_196 = tpu.memref_slice %arg11[%add3A_194, %dma_start3A_195] : memref<80x128xi32, #tpu.memory_space<vmem>> -> memref<1x128xi32, #tpu.memory_space<vmem>>
      %dma_start3A_197 = tpu.memref_squeeze %dma_start3A_196 : memref<1x128xi32, #tpu.memory_space<vmem>> -> memref<128xi32, #tpu.memory_space<vmem>>
      %dma_start3A_198 = arith.constant 0 : i32
      %dma_start3A_199 = arith.constant 0 : i32
      %dma_start3A_200 = tpu.memref_slice %arg14[%dma_start3A_198, %dma_start3A_199] : memref<10240x128xf32, #tpu.memory_space<vmem_shared>> -> memref<10240x128xf32, #tpu.memory_space<vmem_shared>>
      tpu.enqueue_indirect_dma source(%arg12 : memref<128x128xf32, #tpu.memory_space<vmem>>) target(%dma_start3A_200 : memref<10240x128xf32, #tpu.memory_space<vmem_shared>>) offsets(%dma_start3A_197 : memref<128xi32, #tpu.memory_space<vmem>>) semaphore(%arg17 : memref<!tpu.dma_semaphore, #tpu.memory_space<semaphore_mem>>) {add = true}
      %dma_wait3A_201 = arith.constant 0 : i32
      %dma_wait3A_202 = tpu.memref_slice %arg11[%add3A_194, %dma_wait3A_201] : memref<80x128xi32, #tpu.memory_space<vmem>> -> memref<1x128xi32, #tpu.memory_space<vmem>>
      %dma_wait3A_203 = tpu.memref_squeeze %dma_wait3A_202 : memref<1x128xi32, #tpu.memory_space<vmem>> -> memref<128xi32, #tpu.memory_space<vmem>>
      %dma_wait3A_204 = arith.constant 0 : i32
      %dma_wait3A_205 = arith.constant 0 : i32
      %dma_wait3A_206 = tpu.memref_slice %arg14[%dma_wait3A_204, %dma_wait3A_205] : memref<10240x128xf32, #tpu.memory_space<vmem_shared>> -> memref<10240x128xf32, #tpu.memory_space<vmem_shared>>
      tpu.wait_indirect_dma semaphore(%arg17 : memref<!tpu.dma_semaphore, #tpu.memory_space<semaphore_mem>>) src(%arg12 : memref<128x128xf32, #tpu.memory_space<vmem>>) dst(%dma_wait3A_206 : memref<10240x128xf32, #tpu.memory_space<vmem_shared>>)
      %dma_start3A_207 = arith.constant 512 : i32
      %dma_start3A_208 = tpu.memref_slice %arg10[%dma_start3A_207] : memref<1024xi32, #tpu.memory_space<vmem>> -> memref<128xi32, #tpu.memory_space<vmem>>
      %dma_start3A_209 = arith.constant 0 : i32
      %dma_start3A_210 = arith.constant 0 : i32
      %dma_start3A_211 = tpu.memref_slice %arg2[%dma_start3A_209, %dma_start3A_210] : memref<20000x128xf32, #tpu.memory_space<hbm>> -> memref<20000x128xf32, #tpu.memory_space<hbm>>
      tpu.enqueue_indirect_dma source(%dma_start3A_211 : memref<20000x128xf32, #tpu.memory_space<hbm>>) target(%arg12 : memref<128x128xf32, #tpu.memory_space<vmem>>) offsets(%dma_start3A_208 : memref<128xi32, #tpu.memory_space<vmem>>) semaphore(%arg15 : memref<!tpu.dma_semaphore, #tpu.memory_space<semaphore_mem>>)
      %dma_wait3A_212 = arith.constant 384 : i32
      %dma_wait3A_213 = tpu.memref_slice %arg10[%dma_wait3A_212] : memref<1024xi32, #tpu.memory_space<vmem>> -> memref<128xi32, #tpu.memory_space<vmem>>
      %dma_wait3A_214 = arith.constant 0 : i32
      %dma_wait3A_215 = arith.constant 0 : i32
      %dma_wait3A_216 = tpu.memref_slice %arg2[%dma_wait3A_214, %dma_wait3A_215] : memref<20000x128xf32, #tpu.memory_space<hbm>> -> memref<20000x128xf32, #tpu.memory_space<hbm>>
      tpu.wait_indirect_dma semaphore(%arg16 : memref<!tpu.dma_semaphore, #tpu.memory_space<semaphore_mem>>) src(%dma_wait3A_216 : memref<20000x128xf32, #tpu.memory_space<hbm>>) dst(%arg13 : memref<128x128xf32, #tpu.memory_space<vmem>>)
      %mul3A_217 = arith.constant 8 : i32
      %mul3A_218 = arith.muli %scan3A_113, %mul3A_217 : i32
      %add3A_219 = arith.constant 3 : i32
      %add3A_220 = arith.addi %mul3A_218, %add3A_219 : i32
      %dma_start3A_221 = arith.constant 0 : i32
      %dma_start3A_222 = tpu.memref_slice %arg11[%add3A_220, %dma_start3A_221] : memref<80x128xi32, #tpu.memory_space<vmem>> -> memref<1x128xi32, #tpu.memory_space<vmem>>
      %dma_start3A_223 = tpu.memref_squeeze %dma_start3A_222 : memref<1x128xi32, #tpu.memory_space<vmem>> -> memref<128xi32, #tpu.memory_space<vmem>>
      %dma_start3A_224 = arith.constant 0 : i32
      %dma_start3A_225 = arith.constant 0 : i32
      %dma_start3A_226 = tpu.memref_slice %arg14[%dma_start3A_224, %dma_start3A_225] : memref<10240x128xf32, #tpu.memory_space<vmem_shared>> -> memref<10240x128xf32, #tpu.memory_space<vmem_shared>>
      tpu.enqueue_indirect_dma source(%arg13 : memref<128x128xf32, #tpu.memory_space<vmem>>) target(%dma_start3A_226 : memref<10240x128xf32, #tpu.memory_space<vmem_shared>>) offsets(%dma_start3A_223 : memref<128xi32, #tpu.memory_space<vmem>>) semaphore(%arg18 : memref<!tpu.dma_semaphore, #tpu.memory_space<semaphore_mem>>) {add = true}
      %dma_wait3A_227 = arith.constant 0 : i32
      %dma_wait3A_228 = tpu.memref_slice %arg11[%add3A_220, %dma_wait3A_227] : memref<80x128xi32, #tpu.memory_space<vmem>> -> memref<1x128xi32, #tpu.memory_space<vmem>>
      %dma_wait3A_229 = tpu.memref_squeeze %dma_wait3A_228 : memref<1x128xi32, #tpu.memory_space<vmem>> -> memref<128xi32, #tpu.memory_space<vmem>>
      %dma_wait3A_230 = arith.constant 0 : i32
      %dma_wait3A_231 = arith.constant 0 : i32
      %dma_wait3A_232 = tpu.memref_slice %arg14[%dma_wait3A_230, %dma_wait3A_231] : memref<10240x128xf32, #tpu.memory_space<vmem_shared>> -> memref<10240x128xf32, #tpu.memory_space<vmem_shared>>
      tpu.wait_indirect_dma semaphore(%arg18 : memref<!tpu.dma_semaphore, #tpu.memory_space<semaphore_mem>>) src(%arg13 : memref<128x128xf32, #tpu.memory_space<vmem>>) dst(%dma_wait3A_232 : memref<10240x128xf32, #tpu.memory_space<vmem_shared>>)
      %dma_start3A_233 = arith.constant 640 : i32
      %dma_start3A_234 = tpu.memref_slice %arg10[%dma_start3A_233] : memref<1024xi32, #tpu.memory_space<vmem>> -> memref<128xi32, #tpu.memory_space<vmem>>
      %dma_start3A_235 = arith.constant 0 : i32
      %dma_start3A_236 = arith.constant 0 : i32
      %dma_start3A_237 = tpu.memref_slice %arg2[%dma_start3A_235, %dma_start3A_236] : memref<20000x128xf32, #tpu.memory_space<hbm>> -> memref<20000x128xf32, #tpu.memory_space<hbm>>
      tpu.enqueue_indirect_dma source(%dma_start3A_237 : memref<20000x128xf32, #tpu.memory_space<hbm>>) target(%arg13 : memref<128x128xf32, #tpu.memory_space<vmem>>) offsets(%dma_start3A_234 : memref<128xi32, #tpu.memory_space<vmem>>) semaphore(%arg16 : memref<!tpu.dma_semaphore, #tpu.memory_space<semaphore_mem>>)
      %dma_wait3A_238 = arith.constant 512 : i32
      %dma_wait3A_239 = tpu.memref_slice %arg10[%dma_wait3A_238] : memref<1024xi32, #tpu.memory_space<vmem>> -> memref<128xi32, #tpu.memory_space<vmem>>
      %dma_wait3A_240 = arith.constant 0 : i32
      %dma_wait3A_241 = arith.constant 0 : i32
      %dma_wait3A_242 = tpu.memref_slice %arg2[%dma_wait3A_240, %dma_wait3A_241] : memref<20000x128xf32, #tpu.memory_space<hbm>> -> memref<20000x128xf32, #tpu.memory_space<hbm>>
      tpu.wait_indirect_dma semaphore(%arg15 : memref<!tpu.dma_semaphore, #tpu.memory_space<semaphore_mem>>) src(%dma_wait3A_242 : memref<20000x128xf32, #tpu.memory_space<hbm>>) dst(%arg12 : memref<128x128xf32, #tpu.memory_space<vmem>>)
      %mul3A_243 = arith.constant 8 : i32
      %mul3A_244 = arith.muli %scan3A_113, %mul3A_243 : i32
      %add3A_245 = arith.constant 4 : i32
      %add3A_246 = arith.addi %mul3A_244, %add3A_245 : i32
      %dma_start3A_247 = arith.constant 0 : i32
      %dma_start3A_248 = tpu.memref_slice %arg11[%add3A_246, %dma_start3A_247] : memref<80x128xi32, #tpu.memory_space<vmem>> -> memref<1x128xi32, #tpu.memory_space<vmem>>
      %dma_start3A_249 = tpu.memref_squeeze %dma_start3A_248 : memref<1x128xi32, #tpu.memory_space<vmem>> -> memref<128xi32, #tpu.memory_space<vmem>>
      %dma_start3A_250 = arith.constant 0 : i32
      %dma_start3A_251 = arith.constant 0 : i32
      %dma_start3A_252 = tpu.memref_slice %arg14[%dma_start3A_250, %dma_start3A_251] : memref<10240x128xf32, #tpu.memory_space<vmem_shared>> -> memref<10240x128xf32, #tpu.memory_space<vmem_shared>>
      tpu.enqueue_indirect_dma source(%arg12 : memref<128x128xf32, #tpu.memory_space<vmem>>) target(%dma_start3A_252 : memref<10240x128xf32, #tpu.memory_space<vmem_shared>>) offsets(%dma_start3A_249 : memref<128xi32, #tpu.memory_space<vmem>>) semaphore(%arg17 : memref<!tpu.dma_semaphore, #tpu.memory_space<semaphore_mem>>) {add = true}
      %dma_wait3A_253 = arith.constant 0 : i32
      %dma_wait3A_254 = tpu.memref_slice %arg11[%add3A_246, %dma_wait3A_253] : memref<80x128xi32, #tpu.memory_space<vmem>> -> memref<1x128xi32, #tpu.memory_space<vmem>>
      %dma_wait3A_255 = tpu.memref_squeeze %dma_wait3A_254 : memref<1x128xi32, #tpu.memory_space<vmem>> -> memref<128xi32, #tpu.memory_space<vmem>>
      %dma_wait3A_256 = arith.constant 0 : i32
      %dma_wait3A_257 = arith.constant 0 : i32
      %dma_wait3A_258 = tpu.memref_slice %arg14[%dma_wait3A_256, %dma_wait3A_257] : memref<10240x128xf32, #tpu.memory_space<vmem_shared>> -> memref<10240x128xf32, #tpu.memory_space<vmem_shared>>
      tpu.wait_indirect_dma semaphore(%arg17 : memref<!tpu.dma_semaphore, #tpu.memory_space<semaphore_mem>>) src(%arg12 : memref<128x128xf32, #tpu.memory_space<vmem>>) dst(%dma_wait3A_258 : memref<10240x128xf32, #tpu.memory_space<vmem_shared>>)
      %dma_start3A_259 = arith.constant 768 : i32
      %dma_start3A_260 = tpu.memref_slice %arg10[%dma_start3A_259] : memref<1024xi32, #tpu.memory_space<vmem>> -> memref<128xi32, #tpu.memory_space<vmem>>
      %dma_start3A_261 = arith.constant 0 : i32
      %dma_start3A_262 = arith.constant 0 : i32
      %dma_start3A_263 = tpu.memref_slice %arg2[%dma_start3A_261, %dma_start3A_262] : memref<20000x128xf32, #tpu.memory_space<hbm>> -> memref<20000x128xf32, #tpu.memory_space<hbm>>
      tpu.enqueue_indirect_dma source(%dma_start3A_263 : memref<20000x128xf32, #tpu.memory_space<hbm>>) target(%arg12 : memref<128x128xf32, #tpu.memory_space<vmem>>) offsets(%dma_start3A_260 : memref<128xi32, #tpu.memory_space<vmem>>) semaphore(%arg15 : memref<!tpu.dma_semaphore, #tpu.memory_space<semaphore_mem>>)
      %dma_wait3A_264 = arith.constant 640 : i32
      %dma_wait3A_265 = tpu.memref_slice %arg10[%dma_wait3A_264] : memref<1024xi32, #tpu.memory_space<vmem>> -> memref<128xi32, #tpu.memory_space<vmem>>
      %dma_wait3A_266 = arith.constant 0 : i32
      %dma_wait3A_267 = arith.constant 0 : i32
      %dma_wait3A_268 = tpu.memref_slice %arg2[%dma_wait3A_266, %dma_wait3A_267] : memref<20000x128xf32, #tpu.memory_space<hbm>> -> memref<20000x128xf32, #tpu.memory_space<hbm>>
      tpu.wait_indirect_dma semaphore(%arg16 : memref<!tpu.dma_semaphore, #tpu.memory_space<semaphore_mem>>) src(%dma_wait3A_268 : memref<20000x128xf32, #tpu.memory_space<hbm>>) dst(%arg13 : memref<128x128xf32, #tpu.memory_space<vmem>>)
      %mul3A_269 = arith.constant 8 : i32
      %mul3A_270 = arith.muli %scan3A_113, %mul3A_269 : i32
      %add3A_271 = arith.constant 5 : i32
      %add3A_272 = arith.addi %mul3A_270, %add3A_271 : i32
      %dma_start3A_273 = arith.constant 0 : i32
      %dma_start3A_274 = tpu.memref_slice %arg11[%add3A_272, %dma_start3A_273] : memref<80x128xi32, #tpu.memory_space<vmem>> -> memref<1x128xi32, #tpu.memory_space<vmem>>
      %dma_start3A_275 = tpu.memref_squeeze %dma_start3A_274 : memref<1x128xi32, #tpu.memory_space<vmem>> -> memref<128xi32, #tpu.memory_space<vmem>>
      %dma_start3A_276 = arith.constant 0 : i32
      %dma_start3A_277 = arith.constant 0 : i32
      %dma_start3A_278 = tpu.memref_slice %arg14[%dma_start3A_276, %dma_start3A_277] : memref<10240x128xf32, #tpu.memory_space<vmem_shared>> -> memref<10240x128xf32, #tpu.memory_space<vmem_shared>>
      tpu.enqueue_indirect_dma source(%arg13 : memref<128x128xf32, #tpu.memory_space<vmem>>) target(%dma_start3A_278 : memref<10240x128xf32, #tpu.memory_space<vmem_shared>>) offsets(%dma_start3A_275 : memref<128xi32, #tpu.memory_space<vmem>>) semaphore(%arg18 : memref<!tpu.dma_semaphore, #tpu.memory_space<semaphore_mem>>) {add = true}
      %dma_wait3A_279 = arith.constant 0 : i32
      %dma_wait3A_280 = tpu.memref_slice %arg11[%add3A_272, %dma_wait3A_279] : memref<80x128xi32, #tpu.memory_space<vmem>> -> memref<1x128xi32, #tpu.memory_space<vmem>>
      %dma_wait3A_281 = tpu.memref_squeeze %dma_wait3A_280 : memref<1x128xi32, #tpu.memory_space<vmem>> -> memref<128xi32, #tpu.memory_space<vmem>>
      %dma_wait3A_282 = arith.constant 0 : i32
      %dma_wait3A_283 = arith.constant 0 : i32
      %dma_wait3A_284 = tpu.memref_slice %arg14[%dma_wait3A_282, %dma_wait3A_283] : memref<10240x128xf32, #tpu.memory_space<vmem_shared>> -> memref<10240x128xf32, #tpu.memory_space<vmem_shared>>
      tpu.wait_indirect_dma semaphore(%arg18 : memref<!tpu.dma_semaphore, #tpu.memory_space<semaphore_mem>>) src(%arg13 : memref<128x128xf32, #tpu.memory_space<vmem>>) dst(%dma_wait3A_284 : memref<10240x128xf32, #tpu.memory_space<vmem_shared>>)
      %dma_start3A_285 = arith.constant 896 : i32
      %dma_start3A_286 = tpu.memref_slice %arg10[%dma_start3A_285] : memref<1024xi32, #tpu.memory_space<vmem>> -> memref<128xi32, #tpu.memory_space<vmem>>
      %dma_start3A_287 = arith.constant 0 : i32
      %dma_start3A_288 = arith.constant 0 : i32
      %dma_start3A_289 = tpu.memref_slice %arg2[%dma_start3A_287, %dma_start3A_288] : memref<20000x128xf32, #tpu.memory_space<hbm>> -> memref<20000x128xf32, #tpu.memory_space<hbm>>
      tpu.enqueue_indirect_dma source(%dma_start3A_289 : memref<20000x128xf32, #tpu.memory_space<hbm>>) target(%arg13 : memref<128x128xf32, #tpu.memory_space<vmem>>) offsets(%dma_start3A_286 : memref<128xi32, #tpu.memory_space<vmem>>) semaphore(%arg16 : memref<!tpu.dma_semaphore, #tpu.memory_space<semaphore_mem>>)
      %dma_wait3A_290 = arith.constant 768 : i32
      %dma_wait3A_291 = tpu.memref_slice %arg10[%dma_wait3A_290] : memref<1024xi32, #tpu.memory_space<vmem>> -> memref<128xi32, #tpu.memory_space<vmem>>
      %dma_wait3A_292 = arith.constant 0 : i32
      %dma_wait3A_293 = arith.constant 0 : i32
      %dma_wait3A_294 = tpu.memref_slice %arg2[%dma_wait3A_292, %dma_wait3A_293] : memref<20000x128xf32, #tpu.memory_space<hbm>> -> memref<20000x128xf32, #tpu.memory_space<hbm>>
      tpu.wait_indirect_dma semaphore(%arg15 : memref<!tpu.dma_semaphore, #tpu.memory_space<semaphore_mem>>) src(%dma_wait3A_294 : memref<20000x128xf32, #tpu.memory_space<hbm>>) dst(%arg12 : memref<128x128xf32, #tpu.memory_space<vmem>>)
      %mul3A_295 = arith.constant 8 : i32
      %mul3A_296 = arith.muli %scan3A_113, %mul3A_295 : i32
      %add3A_297 = arith.constant 6 : i32
      %add3A_298 = arith.addi %mul3A_296, %add3A_297 : i32
      %dma_start3A_299 = arith.constant 0 : i32
      %dma_start3A_300 = tpu.memref_slice %arg11[%add3A_298, %dma_start3A_299] : memref<80x128xi32, #tpu.memory_space<vmem>> -> memref<1x128xi32, #tpu.memory_space<vmem>>
      %dma_start3A_301 = tpu.memref_squeeze %dma_start3A_300 : memref<1x128xi32, #tpu.memory_space<vmem>> -> memref<128xi32, #tpu.memory_space<vmem>>
      %dma_start3A_302 = arith.constant 0 : i32
      %dma_start3A_303 = arith.constant 0 : i32
      %dma_start3A_304 = tpu.memref_slice %arg14[%dma_start3A_302, %dma_start3A_303] : memref<10240x128xf32, #tpu.memory_space<vmem_shared>> -> memref<10240x128xf32, #tpu.memory_space<vmem_shared>>
      tpu.enqueue_indirect_dma source(%arg12 : memref<128x128xf32, #tpu.memory_space<vmem>>) target(%dma_start3A_304 : memref<10240x128xf32, #tpu.memory_space<vmem_shared>>) offsets(%dma_start3A_301 : memref<128xi32, #tpu.memory_space<vmem>>) semaphore(%arg17 : memref<!tpu.dma_semaphore, #tpu.memory_space<semaphore_mem>>) {add = true}
      %dma_wait3A_305 = arith.constant 896 : i32
      %dma_wait3A_306 = tpu.memref_slice %arg10[%dma_wait3A_305] : memref<1024xi32, #tpu.memory_space<vmem>> -> memref<128xi32, #tpu.memory_space<vmem>>
      %dma_wait3A_307 = arith.constant 0 : i32
      %dma_wait3A_308 = arith.constant 0 : i32
      %dma_wait3A_309 = tpu.memref_slice %arg2[%dma_wait3A_307, %dma_wait3A_308] : memref<20000x128xf32, #tpu.memory_space<hbm>> -> memref<20000x128xf32, #tpu.memory_space<hbm>>
      tpu.wait_indirect_dma semaphore(%arg16 : memref<!tpu.dma_semaphore, #tpu.memory_space<semaphore_mem>>) src(%dma_wait3A_309 : memref<20000x128xf32, #tpu.memory_space<hbm>>) dst(%arg13 : memref<128x128xf32, #tpu.memory_space<vmem>>)
      %mul3A_310 = arith.constant 8 : i32
      %mul3A_311 = arith.muli %scan3A_113, %mul3A_310 : i32
      %add3A_312 = arith.constant 7 : i32
      %add3A_313 = arith.addi %mul3A_311, %add3A_312 : i32
      %dma_start3A_314 = arith.constant 0 : i32
      %dma_start3A_315 = tpu.memref_slice %arg11[%add3A_313, %dma_start3A_314] : memref<80x128xi32, #tpu.memory_space<vmem>> -> memref<1x128xi32, #tpu.memory_space<vmem>>
      %dma_start3A_316 = tpu.memref_squeeze %dma_start3A_315 : memref<1x128xi32, #tpu.memory_space<vmem>> -> memref<128xi32, #tpu.memory_space<vmem>>
      %dma_start3A_317 = arith.constant 0 : i32
      %dma_start3A_318 = arith.constant 0 : i32
      %dma_start3A_319 = tpu.memref_slice %arg14[%dma_start3A_317, %dma_start3A_318] : memref<10240x128xf32, #tpu.memory_space<vmem_shared>> -> memref<10240x128xf32, #tpu.memory_space<vmem_shared>>
      tpu.enqueue_indirect_dma source(%arg13 : memref<128x128xf32, #tpu.memory_space<vmem>>) target(%dma_start3A_319 : memref<10240x128xf32, #tpu.memory_space<vmem_shared>>) offsets(%dma_start3A_316 : memref<128xi32, #tpu.memory_space<vmem>>) semaphore(%arg18 : memref<!tpu.dma_semaphore, #tpu.memory_space<semaphore_mem>>) {add = true}
      %dma_wait3A_320 = arith.constant 0 : i32
      %dma_wait3A_321 = tpu.memref_slice %arg11[%add3A_298, %dma_wait3A_320] : memref<80x128xi32, #tpu.memory_space<vmem>> -> memref<1x128xi32, #tpu.memory_space<vmem>>
      %dma_wait3A_322 = tpu.memref_squeeze %dma_wait3A_321 : memref<1x128xi32, #tpu.memory_space<vmem>> -> memref<128xi32, #tpu.memory_space<vmem>>
      %dma_wait3A_323 = arith.constant 0 : i32
      %dma_wait3A_324 = arith.constant 0 : i32
      %dma_wait3A_325 = tpu.memref_slice %arg14[%dma_wait3A_323, %dma_wait3A_324] : memref<10240x128xf32, #tpu.memory_space<vmem_shared>> -> memref<10240x128xf32, #tpu.memory_space<vmem_shared>>
      tpu.wait_indirect_dma semaphore(%arg17 : memref<!tpu.dma_semaphore, #tpu.memory_space<semaphore_mem>>) src(%arg12 : memref<128x128xf32, #tpu.memory_space<vmem>>) dst(%dma_wait3A_325 : memref<10240x128xf32, #tpu.memory_space<vmem_shared>>)
      %dma_wait3A_326 = arith.constant 0 : i32
      %dma_wait3A_327 = tpu.memref_slice %arg11[%add3A_313, %dma_wait3A_326] : memref<80x128xi32, #tpu.memory_space<vmem>> -> memref<1x128xi32, #tpu.memory_space<vmem>>
      %dma_wait3A_328 = tpu.memref_squeeze %dma_wait3A_327 : memref<1x128xi32, #tpu.memory_space<vmem>> -> memref<128xi32, #tpu.memory_space<vmem>>
      %dma_wait3A_329 = arith.constant 0 : i32
      %dma_wait3A_330 = arith.constant 0 : i32
      %dma_wait3A_331 = tpu.memref_slice %arg14[%dma_wait3A_329, %dma_wait3A_330] : memref<10240x128xf32, #tpu.memory_space<vmem_shared>> -> memref<10240x128xf32, #tpu.memory_space<vmem_shared>>
      tpu.wait_indirect_dma semaphore(%arg18 : memref<!tpu.dma_semaphore, #tpu.memory_space<semaphore_mem>>) src(%arg13 : memref<128x128xf32, #tpu.memory_space<vmem>>) dst(%dma_wait3A_331 : memref<10240x128xf32, #tpu.memory_space<vmem_shared>>)
    }
    %scan3A_9 = arith.constant 10 : i32
    %barrier3A_10 = arith.constant 0 : index
    tpu.barrier barrier_id(%barrier3A_10)
    %dma_start3A = arith.constant 0 : i32
    %dma_start3A_11 = arith.constant 0 : i32
    %dma_start3A_12 = tpu.memref_slice %arg9[%dma_start3A, %dma_start3A_11] : memref<5x128xi32, #tpu.memory_space<vmem>> -> memref<1x128xi32, #tpu.memory_space<vmem>>
    %dma_start3A_13 = tpu.memref_squeeze %dma_start3A_12 : memref<1x128xi32, #tpu.memory_space<vmem>> -> memref<128xi32, #tpu.memory_space<vmem>>
    %dma_start3A_14 = arith.constant 0 : i32
    %dma_start3A_15 = arith.constant 0 : i32
    %dma_start3A_16 = tpu.memref_slice %arg14[%dma_start3A_14, %dma_start3A_15] : memref<10240x128xf32, #tpu.memory_space<vmem_shared>> -> memref<10240x128xf32, #tpu.memory_space<vmem_shared>>
    tpu.enqueue_indirect_dma source(%dma_start3A_16 : memref<10240x128xf32, #tpu.memory_space<vmem_shared>>) target(%arg12 : memref<128x128xf32, #tpu.memory_space<vmem>>) offsets(%dma_start3A_13 : memref<128xi32, #tpu.memory_space<vmem>>) semaphore(%arg15 : memref<!tpu.dma_semaphore, #tpu.memory_space<semaphore_mem>>)
    %dma_start3A_17 = arith.constant 1 : i32
    %dma_start3A_18 = arith.constant 0 : i32
    %dma_start3A_19 = tpu.memref_slice %arg9[%dma_start3A_17, %dma_start3A_18] : memref<5x128xi32, #tpu.memory_space<vmem>> -> memref<1x128xi32, #tpu.memory_space<vmem>>
    %dma_start3A_20 = tpu.memref_squeeze %dma_start3A_19 : memref<1x128xi32, #tpu.memory_space<vmem>> -> memref<128xi32, #tpu.memory_space<vmem>>
    %dma_start3A_21 = arith.constant 0 : i32
    %dma_start3A_22 = arith.constant 0 : i32
    %dma_start3A_23 = tpu.memref_slice %arg14[%dma_start3A_21, %dma_start3A_22] : memref<10240x128xf32, #tpu.memory_space<vmem_shared>> -> memref<10240x128xf32, #tpu.memory_space<vmem_shared>>
    tpu.enqueue_indirect_dma source(%dma_start3A_23 : memref<10240x128xf32, #tpu.memory_space<vmem_shared>>) target(%arg13 : memref<128x128xf32, #tpu.memory_space<vmem>>) offsets(%dma_start3A_20 : memref<128xi32, #tpu.memory_space<vmem>>) semaphore(%arg16 : memref<!tpu.dma_semaphore, #tpu.memory_space<semaphore_mem>>)
    %dma_wait3A = arith.constant 0 : i32
    %dma_wait3A_24 = arith.constant 0 : i32
    %dma_wait3A_25 = tpu.memref_slice %arg9[%dma_wait3A, %dma_wait3A_24] : memref<5x128xi32, #tpu.memory_space<vmem>> -> memref<1x128xi32, #tpu.memory_space<vmem>>
    %dma_wait3A_26 = tpu.memref_squeeze %dma_wait3A_25 : memref<1x128xi32, #tpu.memory_space<vmem>> -> memref<128xi32, #tpu.memory_space<vmem>>
    %dma_wait3A_27 = arith.constant 0 : i32
    %dma_wait3A_28 = arith.constant 0 : i32
    %dma_wait3A_29 = tpu.memref_slice %arg14[%dma_wait3A_27, %dma_wait3A_28] : memref<10240x128xf32, #tpu.memory_space<vmem_shared>> -> memref<10240x128xf32, #tpu.memory_space<vmem_shared>>
    tpu.wait_indirect_dma semaphore(%arg15 : memref<!tpu.dma_semaphore, #tpu.memory_space<semaphore_mem>>) src(%dma_wait3A_29 : memref<10240x128xf32, #tpu.memory_space<vmem_shared>>) dst(%arg12 : memref<128x128xf32, #tpu.memory_space<vmem>>)
    %mul3A_30 = arith.constant 10240 : i32
    %mul3A_31 = arith.muli %arg0, %mul3A_30 : i32
    %mul3A_32 = arith.constant 640 : i32
    %mul3A_33 = arith.muli %arg1, %mul3A_32 : i32
    %add3A = arith.addi %mul3A_31, %mul3A_33 : i32
    %add3A_34 = arith.constant 0 : i32
    %add3A_35 = arith.addi %add3A, %add3A_34 : i32
    "tpu.region"() ({
      %run_scoped3A_113 = tpu.sem_alloc : memref<!tpu.dma_semaphore, #tpu.memory_space<semaphore_mem>>
      %dma_start3A_114 = arith.constant 0 : i32
      %dma_start3A_115 = tpu.memref_slice %arg8[%add3A_35, %dma_start3A_114] : memref<20480x128xf32, #tpu.memory_space<hbm>> -> memref<128x128xf32, #tpu.memory_space<hbm>>
      %dma_start3A_116 = arith.constant 0 : i32
      %dma_start3A_117 = tpu.memref_slice %arg8[%add3A_35, %dma_start3A_116] : memref<20480x128xf32, #tpu.memory_space<hbm>> -> memref<128x128xf32, #tpu.memory_space<hbm>>
      tpu.enqueue_dma source(%arg12 : memref<128x128xf32, #tpu.memory_space<vmem>>) target(%dma_start3A_117 : memref<128x128xf32, #tpu.memory_space<hbm>>) target_semaphore(%run_scoped3A_113 : memref<!tpu.dma_semaphore, #tpu.memory_space<semaphore_mem>>)
      %dma_wait3A_118 = arith.constant 0 : i32
      %dma_wait3A_119 = tpu.memref_slice %arg8[%add3A_35, %dma_wait3A_118] : memref<20480x128xf32, #tpu.memory_space<hbm>> -> memref<128x128xf32, #tpu.memory_space<hbm>>
      %dma_wait3A_120 = arith.constant 0 : i32
      %dma_wait3A_121 = tpu.memref_slice %arg8[%add3A_35, %dma_wait3A_120] : memref<20480x128xf32, #tpu.memory_space<hbm>> -> memref<128x128xf32, #tpu.memory_space<hbm>>
      tpu.wait_dma2 semaphore(%run_scoped3A_113 : memref<!tpu.dma_semaphore, #tpu.memory_space<semaphore_mem>>) src(%arg12 : memref<128x128xf32, #tpu.memory_space<vmem>>) dst(%dma_wait3A_121 : memref<128x128xf32, #tpu.memory_space<hbm>>)
      tpu.yield
    }) : () -> ()
    %dma_start3A_36 = arith.constant 2 : i32
    %dma_start3A_37 = arith.constant 0 : i32
    %dma_start3A_38 = tpu.memref_slice %arg9[%dma_start3A_36, %dma_start3A_37] : memref<5x128xi32, #tpu.memory_space<vmem>> -> memref<1x128xi32, #tpu.memory_space<vmem>>
    %dma_start3A_39 = tpu.memref_squeeze %dma_start3A_38 : memref<1x128xi32, #tpu.memory_space<vmem>> -> memref<128xi32, #tpu.memory_space<vmem>>
    %dma_start3A_40 = arith.constant 0 : i32
    %dma_start3A_41 = arith.constant 0 : i32
    %dma_start3A_42 = tpu.memref_slice %arg14[%dma_start3A_40, %dma_start3A_41] : memref<10240x128xf32, #tpu.memory_space<vmem_shared>> -> memref<10240x128xf32, #tpu.memory_space<vmem_shared>>
    tpu.enqueue_indirect_dma source(%dma_start3A_42 : memref<10240x128xf32, #tpu.memory_space<vmem_shared>>) target(%arg12 : memref<128x128xf32, #tpu.memory_space<vmem>>) offsets(%dma_start3A_39 : memref<128xi32, #tpu.memory_space<vmem>>) semaphore(%arg15 : memref<!tpu.dma_semaphore, #tpu.memory_space<semaphore_mem>>)
    %dma_wait3A_43 = arith.constant 1 : i32
    %dma_wait3A_44 = arith.constant 0 : i32
    %dma_wait3A_45 = tpu.memref_slice %arg9[%dma_wait3A_43, %dma_wait3A_44] : memref<5x128xi32, #tpu.memory_space<vmem>> -> memref<1x128xi32, #tpu.memory_space<vmem>>
    %dma_wait3A_46 = tpu.memref_squeeze %dma_wait3A_45 : memref<1x128xi32, #tpu.memory_space<vmem>> -> memref<128xi32, #tpu.memory_space<vmem>>
    %dma_wait3A_47 = arith.constant 0 : i32
    %dma_wait3A_48 = arith.constant 0 : i32
    %dma_wait3A_49 = tpu.memref_slice %arg14[%dma_wait3A_47, %dma_wait3A_48] : memref<10240x128xf32, #tpu.memory_space<vmem_shared>> -> memref<10240x128xf32, #tpu.memory_space<vmem_shared>>
    tpu.wait_indirect_dma semaphore(%arg16 : memref<!tpu.dma_semaphore, #tpu.memory_space<semaphore_mem>>) src(%dma_wait3A_49 : memref<10240x128xf32, #tpu.memory_space<vmem_shared>>) dst(%arg13 : memref<128x128xf32, #tpu.memory_space<vmem>>)
    %mul3A_50 = arith.constant 10240 : i32
    %mul3A_51 = arith.muli %arg0, %mul3A_50 : i32
    %mul3A_52 = arith.constant 640 : i32
    %mul3A_53 = arith.muli %arg1, %mul3A_52 : i32
    %add3A_54 = arith.addi %mul3A_51, %mul3A_53 : i32
    %add3A_55 = arith.constant 128 : i32
    %add3A_56 = arith.addi %add3A_54, %add3A_55 : i32
    "tpu.region"() ({
      %run_scoped3A_113 = tpu.sem_alloc : memref<!tpu.dma_semaphore, #tpu.memory_space<semaphore_mem>>
      %dma_start3A_114 = arith.constant 0 : i32
      %dma_start3A_115 = tpu.memref_slice %arg8[%add3A_56, %dma_start3A_114] : memref<20480x128xf32, #tpu.memory_space<hbm>> -> memref<128x128xf32, #tpu.memory_space<hbm>>
      %dma_start3A_116 = arith.constant 0 : i32
      %dma_start3A_117 = tpu.memref_slice %arg8[%add3A_56, %dma_start3A_116] : memref<20480x128xf32, #tpu.memory_space<hbm>> -> memref<128x128xf32, #tpu.memory_space<hbm>>
      tpu.enqueue_dma source(%arg13 : memref<128x128xf32, #tpu.memory_space<vmem>>) target(%dma_start3A_117 : memref<128x128xf32, #tpu.memory_space<hbm>>) target_semaphore(%run_scoped3A_113 : memref<!tpu.dma_semaphore, #tpu.memory_space<semaphore_mem>>)
      %dma_wait3A_118 = arith.constant 0 : i32
      %dma_wait3A_119 = tpu.memref_slice %arg8[%add3A_56, %dma_wait3A_118] : memref<20480x128xf32, #tpu.memory_space<hbm>> -> memref<128x128xf32, #tpu.memory_space<hbm>>
      %dma_wait3A_120 = arith.constant 0 : i32
      %dma_wait3A_121 = tpu.memref_slice %arg8[%add3A_56, %dma_wait3A_120] : memref<20480x128xf32, #tpu.memory_space<hbm>> -> memref<128x128xf32, #tpu.memory_space<hbm>>
      tpu.wait_dma2 semaphore(%run_scoped3A_113 : memref<!tpu.dma_semaphore, #tpu.memory_space<semaphore_mem>>) src(%arg13 : memref<128x128xf32, #tpu.memory_space<vmem>>) dst(%dma_wait3A_121 : memref<128x128xf32, #tpu.memory_space<hbm>>)
      tpu.yield
    }) : () -> ()
    %dma_start3A_57 = arith.constant 3 : i32
    %dma_start3A_58 = arith.constant 0 : i32
    %dma_start3A_59 = tpu.memref_slice %arg9[%dma_start3A_57, %dma_start3A_58] : memref<5x128xi32, #tpu.memory_space<vmem>> -> memref<1x128xi32, #tpu.memory_space<vmem>>
    %dma_start3A_60 = tpu.memref_squeeze %dma_start3A_59 : memref<1x128xi32, #tpu.memory_space<vmem>> -> memref<128xi32, #tpu.memory_space<vmem>>
    %dma_start3A_61 = arith.constant 0 : i32
    %dma_start3A_62 = arith.constant 0 : i32
    %dma_start3A_63 = tpu.memref_slice %arg14[%dma_start3A_61, %dma_start3A_62] : memref<10240x128xf32, #tpu.memory_space<vmem_shared>> -> memref<10240x128xf32, #tpu.memory_space<vmem_shared>>
    tpu.enqueue_indirect_dma source(%dma_start3A_63 : memref<10240x128xf32, #tpu.memory_space<vmem_shared>>) target(%arg13 : memref<128x128xf32, #tpu.memory_space<vmem>>) offsets(%dma_start3A_60 : memref<128xi32, #tpu.memory_space<vmem>>) semaphore(%arg16 : memref<!tpu.dma_semaphore, #tpu.memory_space<semaphore_mem>>)
    %dma_wait3A_64 = arith.constant 2 : i32
    %dma_wait3A_65 = arith.constant 0 : i32
    %dma_wait3A_66 = tpu.memref_slice %arg9[%dma_wait3A_64, %dma_wait3A_65] : memref<5x128xi32, #tpu.memory_space<vmem>> -> memref<1x128xi32, #tpu.memory_space<vmem>>
    %dma_wait3A_67 = tpu.memref_squeeze %dma_wait3A_66 : memref<1x128xi32, #tpu.memory_space<vmem>> -> memref<128xi32, #tpu.memory_space<vmem>>
    %dma_wait3A_68 = arith.constant 0 : i32
    %dma_wait3A_69 = arith.constant 0 : i32
    %dma_wait3A_70 = tpu.memref_slice %arg14[%dma_wait3A_68, %dma_wait3A_69] : memref<10240x128xf32, #tpu.memory_space<vmem_shared>> -> memref<10240x128xf32, #tpu.memory_space<vmem_shared>>
    tpu.wait_indirect_dma semaphore(%arg15 : memref<!tpu.dma_semaphore, #tpu.memory_space<semaphore_mem>>) src(%dma_wait3A_70 : memref<10240x128xf32, #tpu.memory_space<vmem_shared>>) dst(%arg12 : memref<128x128xf32, #tpu.memory_space<vmem>>)
    %mul3A_71 = arith.constant 10240 : i32
    %mul3A_72 = arith.muli %arg0, %mul3A_71 : i32
    %mul3A_73 = arith.constant 640 : i32
    %mul3A_74 = arith.muli %arg1, %mul3A_73 : i32
    %add3A_75 = arith.addi %mul3A_72, %mul3A_74 : i32
    %add3A_76 = arith.constant 256 : i32
    %add3A_77 = arith.addi %add3A_75, %add3A_76 : i32
    "tpu.region"() ({
      %run_scoped3A_113 = tpu.sem_alloc : memref<!tpu.dma_semaphore, #tpu.memory_space<semaphore_mem>>
      %dma_start3A_114 = arith.constant 0 : i32
      %dma_start3A_115 = tpu.memref_slice %arg8[%add3A_77, %dma_start3A_114] : memref<20480x128xf32, #tpu.memory_space<hbm>> -> memref<128x128xf32, #tpu.memory_space<hbm>>
      %dma_start3A_116 = arith.constant 0 : i32
      %dma_start3A_117 = tpu.memref_slice %arg8[%add3A_77, %dma_start3A_116] : memref<20480x128xf32, #tpu.memory_space<hbm>> -> memref<128x128xf32, #tpu.memory_space<hbm>>
      tpu.enqueue_dma source(%arg12 : memref<128x128xf32, #tpu.memory_space<vmem>>) target(%dma_start3A_117 : memref<128x128xf32, #tpu.memory_space<hbm>>) target_semaphore(%run_scoped3A_113 : memref<!tpu.dma_semaphore, #tpu.memory_space<semaphore_mem>>)
      %dma_wait3A_118 = arith.constant 0 : i32
      %dma_wait3A_119 = tpu.memref_slice %arg8[%add3A_77, %dma_wait3A_118] : memref<20480x128xf32, #tpu.memory_space<hbm>> -> memref<128x128xf32, #tpu.memory_space<hbm>>
      %dma_wait3A_120 = arith.constant 0 : i32
      %dma_wait3A_121 = tpu.memref_slice %arg8[%add3A_77, %dma_wait3A_120] : memref<20480x128xf32, #tpu.memory_space<hbm>> -> memref<128x128xf32, #tpu.memory_space<hbm>>
      tpu.wait_dma2 semaphore(%run_scoped3A_113 : memref<!tpu.dma_semaphore, #tpu.memory_space<semaphore_mem>>) src(%arg12 : memref<128x128xf32, #tpu.memory_space<vmem>>) dst(%dma_wait3A_121 : memref<128x128xf32, #tpu.memory_space<hbm>>)
      tpu.yield
    }) : () -> ()
    %dma_start3A_78 = arith.constant 4 : i32
    %dma_start3A_79 = arith.constant 0 : i32
    %dma_start3A_80 = tpu.memref_slice %arg9[%dma_start3A_78, %dma_start3A_79] : memref<5x128xi32, #tpu.memory_space<vmem>> -> memref<1x128xi32, #tpu.memory_space<vmem>>
    %dma_start3A_81 = tpu.memref_squeeze %dma_start3A_80 : memref<1x128xi32, #tpu.memory_space<vmem>> -> memref<128xi32, #tpu.memory_space<vmem>>
    %dma_start3A_82 = arith.constant 0 : i32
    %dma_start3A_83 = arith.constant 0 : i32
    %dma_start3A_84 = tpu.memref_slice %arg14[%dma_start3A_82, %dma_start3A_83] : memref<10240x128xf32, #tpu.memory_space<vmem_shared>> -> memref<10240x128xf32, #tpu.memory_space<vmem_shared>>
    tpu.enqueue_indirect_dma source(%dma_start3A_84 : memref<10240x128xf32, #tpu.memory_space<vmem_shared>>) target(%arg12 : memref<128x128xf32, #tpu.memory_space<vmem>>) offsets(%dma_start3A_81 : memref<128xi32, #tpu.memory_space<vmem>>) semaphore(%arg15 : memref<!tpu.dma_semaphore, #tpu.memory_space<semaphore_mem>>)
    %dma_wait3A_85 = arith.constant 3 : i32
    %dma_wait3A_86 = arith.constant 0 : i32
    %dma_wait3A_87 = tpu.memref_slice %arg9[%dma_wait3A_85, %dma_wait3A_86] : memref<5x128xi32, #tpu.memory_space<vmem>> -> memref<1x128xi32, #tpu.memory_space<vmem>>
    %dma_wait3A_88 = tpu.memref_squeeze %dma_wait3A_87 : memref<1x128xi32, #tpu.memory_space<vmem>> -> memref<128xi32, #tpu.memory_space<vmem>>
    %dma_wait3A_89 = arith.constant 0 : i32
    %dma_wait3A_90 = arith.constant 0 : i32
    %dma_wait3A_91 = tpu.memref_slice %arg14[%dma_wait3A_89, %dma_wait3A_90] : memref<10240x128xf32, #tpu.memory_space<vmem_shared>> -> memref<10240x128xf32, #tpu.memory_space<vmem_shared>>
    tpu.wait_indirect_dma semaphore(%arg16 : memref<!tpu.dma_semaphore, #tpu.memory_space<semaphore_mem>>) src(%dma_wait3A_91 : memref<10240x128xf32, #tpu.memory_space<vmem_shared>>) dst(%arg13 : memref<128x128xf32, #tpu.memory_space<vmem>>)
    %mul3A_92 = arith.constant 10240 : i32
    %mul3A_93 = arith.muli %arg0, %mul3A_92 : i32
    %mul3A_94 = arith.constant 640 : i32
    %mul3A_95 = arith.muli %arg1, %mul3A_94 : i32
    %add3A_96 = arith.addi %mul3A_93, %mul3A_95 : i32
    %add3A_97 = arith.constant 384 : i32
    %add3A_98 = arith.addi %add3A_96, %add3A_97 : i32
    "tpu.region"() ({
      %run_scoped3A_113 = tpu.sem_alloc : memref<!tpu.dma_semaphore, #tpu.memory_space<semaphore_mem>>
      %dma_start3A_114 = arith.constant 0 : i32
      %dma_start3A_115 = tpu.memref_slice %arg8[%add3A_98, %dma_start3A_114] : memref<20480x128xf32, #tpu.memory_space<hbm>> -> memref<128x128xf32, #tpu.memory_space<hbm>>
      %dma_start3A_116 = arith.constant 0 : i32
      %dma_start3A_117 = tpu.memref_slice %arg8[%add3A_98, %dma_start3A_116] : memref<20480x128xf32, #tpu.memory_space<hbm>> -> memref<128x128xf32, #tpu.memory_space<hbm>>
      tpu.enqueue_dma source(%arg13 : memref<128x128xf32, #tpu.memory_space<vmem>>) target(%dma_start3A_117 : memref<128x128xf32, #tpu.memory_space<hbm>>) target_semaphore(%run_scoped3A_113 : memref<!tpu.dma_semaphore, #tpu.memory_space<semaphore_mem>>)
      %dma_wait3A_118 = arith.constant 0 : i32
      %dma_wait3A_119 = tpu.memref_slice %arg8[%add3A_98, %dma_wait3A_118] : memref<20480x128xf32, #tpu.memory_space<hbm>> -> memref<128x128xf32, #tpu.memory_space<hbm>>
      %dma_wait3A_120 = arith.constant 0 : i32
      %dma_wait3A_121 = tpu.memref_slice %arg8[%add3A_98, %dma_wait3A_120] : memref<20480x128xf32, #tpu.memory_space<hbm>> -> memref<128x128xf32, #tpu.memory_space<hbm>>
      tpu.wait_dma2 semaphore(%run_scoped3A_113 : memref<!tpu.dma_semaphore, #tpu.memory_space<semaphore_mem>>) src(%arg13 : memref<128x128xf32, #tpu.memory_space<vmem>>) dst(%dma_wait3A_121 : memref<128x128xf32, #tpu.memory_space<hbm>>)
      tpu.yield
    }) : () -> ()
    %dma_wait3A_99 = arith.constant 4 : i32
    %dma_wait3A_100 = arith.constant 0 : i32
    %dma_wait3A_101 = tpu.memref_slice %arg9[%dma_wait3A_99, %dma_wait3A_100] : memref<5x128xi32, #tpu.memory_space<vmem>> -> memref<1x128xi32, #tpu.memory_space<vmem>>
    %dma_wait3A_102 = tpu.memref_squeeze %dma_wait3A_101 : memref<1x128xi32, #tpu.memory_space<vmem>> -> memref<128xi32, #tpu.memory_space<vmem>>
    %dma_wait3A_103 = arith.constant 0 : i32
    %dma_wait3A_104 = arith.constant 0 : i32
    %dma_wait3A_105 = tpu.memref_slice %arg14[%dma_wait3A_103, %dma_wait3A_104] : memref<10240x128xf32, #tpu.memory_space<vmem_shared>> -> memref<10240x128xf32, #tpu.memory_space<vmem_shared>>
    tpu.wait_indirect_dma semaphore(%arg15 : memref<!tpu.dma_semaphore, #tpu.memory_space<semaphore_mem>>) src(%dma_wait3A_105 : memref<10240x128xf32, #tpu.memory_space<vmem_shared>>) dst(%arg12 : memref<128x128xf32, #tpu.memory_space<vmem>>)
    %mul3A_106 = arith.constant 10240 : i32
    %mul3A_107 = arith.muli %arg0, %mul3A_106 : i32
    %mul3A_108 = arith.constant 640 : i32
    %mul3A_109 = arith.muli %arg1, %mul3A_108 : i32
    %add3A_110 = arith.addi %mul3A_107, %mul3A_109 : i32
    %add3A_111 = arith.constant 512 : i32
    %add3A_112 = arith.addi %add3A_110, %add3A_111 : i32
    "tpu.region"() ({
      %run_scoped3A_113 = tpu.sem_alloc : memref<!tpu.dma_semaphore, #tpu.memory_space<semaphore_mem>>
      %dma_start3A_114 = arith.constant 0 : i32
      %dma_start3A_115 = tpu.memref_slice %arg8[%add3A_112, %dma_start3A_114] : memref<20480x128xf32, #tpu.memory_space<hbm>> -> memref<128x128xf32, #tpu.memory_space<hbm>>
      %dma_start3A_116 = arith.constant 0 : i32
      %dma_start3A_117 = tpu.memref_slice %arg8[%add3A_112, %dma_start3A_116] : memref<20480x128xf32, #tpu.memory_space<hbm>> -> memref<128x128xf32, #tpu.memory_space<hbm>>
      tpu.enqueue_dma source(%arg12 : memref<128x128xf32, #tpu.memory_space<vmem>>) target(%dma_start3A_117 : memref<128x128xf32, #tpu.memory_space<hbm>>) target_semaphore(%run_scoped3A_113 : memref<!tpu.dma_semaphore, #tpu.memory_space<semaphore_mem>>)
      %dma_wait3A_118 = arith.constant 0 : i32
      %dma_wait3A_119 = tpu.memref_slice %arg8[%add3A_112, %dma_wait3A_118] : memref<20480x128xf32, #tpu.memory_space<hbm>> -> memref<128x128xf32, #tpu.memory_space<hbm>>
      %dma_wait3A_120 = arith.constant 0 : i32
      %dma_wait3A_121 = tpu.memref_slice %arg8[%add3A_112, %dma_wait3A_120] : memref<20480x128xf32, #tpu.memory_space<hbm>> -> memref<128x128xf32, #tpu.memory_space<hbm>>
      tpu.wait_dma2 semaphore(%run_scoped3A_113 : memref<!tpu.dma_semaphore, #tpu.memory_space<semaphore_mem>>) src(%arg12 : memref<128x128xf32, #tpu.memory_space<vmem>>) dst(%dma_wait3A_121 : memref<128x128xf32, #tpu.memory_space<hbm>>)
      tpu.yield
    }) : () -> ()
    return
  }
}

#map = affine_map<(d0, d1) -> (0, 0)>
#map1 = affine_map<(d0, d1) -> (0)>
#map2 = affine_map<(d0, d1) -> (0, 0, 0)>
module attributes {stable_mosaic.version = 14 : i64} {
  func.func @k(%arg0: i32, %arg1: i32, %arg2: memref<20000x128xf32, #tpu.memory_space<hbm>>, %arg3: memref<327680xi32, #tpu.memory_space<hbm>>, %arg4: memref<1280x128xi32, #tpu.memory_space<hbm>>, %arg5: memref<16x5x128xi32, #tpu.memory_space<hbm>>, %arg6: memref<128x128xf32, #tpu.memory_space<hbm>>, %arg7: memref<128x128xf32, #tpu.memory_space<hbm>>, %arg8: memref<20480x128xf32, #tpu.memory_space<hbm>>, %arg9: memref<20480x128xf32, #tpu.memory_space<hbm>>, %arg10: memref<5x128xi32, #tpu.memory_space<vmem>>, %arg11: memref<1024xi32, #tpu.memory_space<vmem>>, %arg12: memref<80x128xi32, #tpu.memory_space<vmem>>, %arg13: memref<128x128xf32, #tpu.memory_space<vmem>>, %arg14: memref<128x128xf32, #tpu.memory_space<vmem>>, %arg15: memref<10240x128xf32, #tpu.memory_space<vmem_shared>>, %arg16: memref<!tpu.dma_semaphore, #tpu.memory_space<semaphore_mem>>, %arg17: memref<!tpu.dma_semaphore, #tpu.memory_space<semaphore_mem>>, %arg18: memref<!tpu.dma_semaphore, #tpu.memory_space<semaphore_mem>>, %arg19: memref<!tpu.dma_semaphore, #tpu.memory_space<semaphore_mem>>) attributes {dimension_semantics = [#tpu.dimension_semantics<core_parallel>, #tpu.dimension_semantics<subcore_parallel>], iteration_bounds = array<i64: 2, 16>, scalar_prefetch = 0 : i64, scratch_operands = 10 : i64, tpu.core_type = #tpu.core_type<sc_vector_subcore>, window_params = [{transform_indices = #map}, {transform_indices = #map1}, {transform_indices = #map}, {transform_indices = #map2}, {transform_indices = #map}, {transform_indices = #map}, {transform_indices = #map}, {transform_indices = #map}]} {
    "tpu.region"() ({
      %run_scoped3A_1346 = tpu.sem_alloc : memref<!tpu.dma_semaphore, #tpu.memory_space<semaphore_mem>>
      %dma_start3A_1347 = arith.constant 0 : i32
      %dma_start3A_1348 = arith.constant 0 : i32
      %dma_start3A_1349 = tpu.memref_slice %arg5[%arg1, %dma_start3A_1347, %dma_start3A_1348] : memref<16x5x128xi32, #tpu.memory_space<hbm>> -> memref<1x5x128xi32, #tpu.memory_space<hbm>>
      %dma_start3A_1350 = tpu.memref_squeeze %dma_start3A_1349 : memref<1x5x128xi32, #tpu.memory_space<hbm>> -> memref<5x128xi32, #tpu.memory_space<hbm>>
      %dma_start3A_1351 = arith.constant 0 : i32
      %dma_start3A_1352 = arith.constant 0 : i32
      %dma_start3A_1353 = tpu.memref_slice %arg5[%arg1, %dma_start3A_1351, %dma_start3A_1352] : memref<16x5x128xi32, #tpu.memory_space<hbm>> -> memref<1x5x128xi32, #tpu.memory_space<hbm>>
      %dma_start3A_1354 = tpu.memref_squeeze %dma_start3A_1353 : memref<1x5x128xi32, #tpu.memory_space<hbm>> -> memref<5x128xi32, #tpu.memory_space<hbm>>
      tpu.enqueue_dma source(%dma_start3A_1354 : memref<5x128xi32, #tpu.memory_space<hbm>>) target(%arg10 : memref<5x128xi32, #tpu.memory_space<vmem>>) target_semaphore(%run_scoped3A_1346 : memref<!tpu.dma_semaphore, #tpu.memory_space<semaphore_mem>>)
      %dma_wait3A_1355 = arith.constant 0 : i32
      %dma_wait3A_1356 = arith.constant 0 : i32
      %dma_wait3A_1357 = tpu.memref_slice %arg5[%arg1, %dma_wait3A_1355, %dma_wait3A_1356] : memref<16x5x128xi32, #tpu.memory_space<hbm>> -> memref<1x5x128xi32, #tpu.memory_space<hbm>>
      %dma_wait3A_1358 = tpu.memref_squeeze %dma_wait3A_1357 : memref<1x5x128xi32, #tpu.memory_space<hbm>> -> memref<5x128xi32, #tpu.memory_space<hbm>>
      %dma_wait3A_1359 = arith.constant 0 : i32
      %dma_wait3A_1360 = arith.constant 0 : i32
      %dma_wait3A_1361 = tpu.memref_slice %arg5[%arg1, %dma_wait3A_1359, %dma_wait3A_1360] : memref<16x5x128xi32, #tpu.memory_space<hbm>> -> memref<1x5x128xi32, #tpu.memory_space<hbm>>
      %dma_wait3A_1362 = tpu.memref_squeeze %dma_wait3A_1361 : memref<1x5x128xi32, #tpu.memory_space<hbm>> -> memref<5x128xi32, #tpu.memory_space<hbm>>
      tpu.wait_dma2 semaphore(%run_scoped3A_1346 : memref<!tpu.dma_semaphore, #tpu.memory_space<semaphore_mem>>) src(%dma_wait3A_1362 : memref<5x128xi32, #tpu.memory_space<hbm>>) dst(%arg10 : memref<5x128xi32, #tpu.memory_space<vmem>>)
      tpu.yield
    }) : () -> ()
    %mul3A = arith.constant 80 : i32
    %mul3A_0 = arith.muli %arg1, %mul3A : i32
    "tpu.region"() ({
      %run_scoped3A_1346 = tpu.sem_alloc : memref<!tpu.dma_semaphore, #tpu.memory_space<semaphore_mem>>
      %dma_start3A_1347 = arith.constant 0 : i32
      %dma_start3A_1348 = tpu.memref_slice %arg4[%mul3A_0, %dma_start3A_1347] : memref<1280x128xi32, #tpu.memory_space<hbm>> -> memref<80x128xi32, #tpu.memory_space<hbm>>
      %dma_start3A_1349 = arith.constant 0 : i32
      %dma_start3A_1350 = tpu.memref_slice %arg4[%mul3A_0, %dma_start3A_1349] : memref<1280x128xi32, #tpu.memory_space<hbm>> -> memref<80x128xi32, #tpu.memory_space<hbm>>
      tpu.enqueue_dma source(%dma_start3A_1350 : memref<80x128xi32, #tpu.memory_space<hbm>>) target(%arg12 : memref<80x128xi32, #tpu.memory_space<vmem>>) target_semaphore(%run_scoped3A_1346 : memref<!tpu.dma_semaphore, #tpu.memory_space<semaphore_mem>>)
      %dma_wait3A_1351 = arith.constant 0 : i32
      %dma_wait3A_1352 = tpu.memref_slice %arg4[%mul3A_0, %dma_wait3A_1351] : memref<1280x128xi32, #tpu.memory_space<hbm>> -> memref<80x128xi32, #tpu.memory_space<hbm>>
      %dma_wait3A_1353 = arith.constant 0 : i32
      %dma_wait3A_1354 = tpu.memref_slice %arg4[%mul3A_0, %dma_wait3A_1353] : memref<1280x128xi32, #tpu.memory_space<hbm>> -> memref<80x128xi32, #tpu.memory_space<hbm>>
      tpu.wait_dma2 semaphore(%run_scoped3A_1346 : memref<!tpu.dma_semaphore, #tpu.memory_space<semaphore_mem>>) src(%dma_wait3A_1354 : memref<80x128xi32, #tpu.memory_space<hbm>>) dst(%arg12 : memref<80x128xi32, #tpu.memory_space<vmem>>)
      tpu.yield
    }) : () -> ()
    "tpu.region"() ({
      %run_scoped3A_1346 = tpu.sem_alloc : memref<!tpu.dma_semaphore, #tpu.memory_space<semaphore_mem>>
      tpu.enqueue_dma source(%arg6 : memref<128x128xf32, #tpu.memory_space<hbm>>) target(%arg13 : memref<128x128xf32, #tpu.memory_space<vmem>>) target_semaphore(%run_scoped3A_1346 : memref<!tpu.dma_semaphore, #tpu.memory_space<semaphore_mem>>)
      tpu.wait_dma2 semaphore(%run_scoped3A_1346 : memref<!tpu.dma_semaphore, #tpu.memory_space<semaphore_mem>>) src(%arg6 : memref<128x128xf32, #tpu.memory_space<hbm>>) dst(%arg13 : memref<128x128xf32, #tpu.memory_space<vmem>>)
      tpu.yield
    }) : () -> ()
    %run_scoped3A = arith.constant 0 : i32
    "tpu.region"() ({
      %run_scoped3A_1346 = tpu.sem_alloc : memref<!tpu.dma_semaphore, #tpu.memory_space<semaphore_mem>>
      %dma_start3A_1347 = arith.constant 0 : i32
      %dma_start3A_1348 = tpu.memref_slice %arg10[%run_scoped3A, %dma_start3A_1347] : memref<5x128xi32, #tpu.memory_space<vmem>> -> memref<1x128xi32, #tpu.memory_space<vmem>>
      %dma_start3A_1349 = tpu.memref_squeeze %dma_start3A_1348 : memref<1x128xi32, #tpu.memory_space<vmem>> -> memref<128xi32, #tpu.memory_space<vmem>>
      %dma_start3A_1350 = arith.constant 0 : i32
      %dma_start3A_1351 = arith.constant 0 : i32
      %dma_start3A_1352 = tpu.memref_slice %arg15[%dma_start3A_1350, %dma_start3A_1351] : memref<10240x128xf32, #tpu.memory_space<vmem_shared>> -> memref<10240x128xf32, #tpu.memory_space<vmem_shared>>
      tpu.enqueue_indirect_dma source(%arg13 : memref<128x128xf32, #tpu.memory_space<vmem>>) target(%dma_start3A_1352 : memref<10240x128xf32, #tpu.memory_space<vmem_shared>>) offsets(%dma_start3A_1349 : memref<128xi32, #tpu.memory_space<vmem>>) semaphore(%run_scoped3A_1346 : memref<!tpu.dma_semaphore, #tpu.memory_space<semaphore_mem>>)
      %dma_wait3A_1353 = arith.constant 0 : i32
      %dma_wait3A_1354 = tpu.memref_slice %arg10[%run_scoped3A, %dma_wait3A_1353] : memref<5x128xi32, #tpu.memory_space<vmem>> -> memref<1x128xi32, #tpu.memory_space<vmem>>
      %dma_wait3A_1355 = tpu.memref_squeeze %dma_wait3A_1354 : memref<1x128xi32, #tpu.memory_space<vmem>> -> memref<128xi32, #tpu.memory_space<vmem>>
      %dma_wait3A_1356 = arith.constant 0 : i32
      %dma_wait3A_1357 = arith.constant 0 : i32
      %dma_wait3A_1358 = tpu.memref_slice %arg15[%dma_wait3A_1356, %dma_wait3A_1357] : memref<10240x128xf32, #tpu.memory_space<vmem_shared>> -> memref<10240x128xf32, #tpu.memory_space<vmem_shared>>
      tpu.wait_indirect_dma semaphore(%run_scoped3A_1346 : memref<!tpu.dma_semaphore, #tpu.memory_space<semaphore_mem>>) src(%arg13 : memref<128x128xf32, #tpu.memory_space<vmem>>) dst(%dma_wait3A_1358 : memref<10240x128xf32, #tpu.memory_space<vmem_shared>>)
      tpu.yield
    }) : () -> ()
    %run_scoped3A_1 = arith.constant 1 : i32
    "tpu.region"() ({
      %run_scoped3A_1346 = tpu.sem_alloc : memref<!tpu.dma_semaphore, #tpu.memory_space<semaphore_mem>>
      %dma_start3A_1347 = arith.constant 0 : i32
      %dma_start3A_1348 = tpu.memref_slice %arg10[%run_scoped3A_1, %dma_start3A_1347] : memref<5x128xi32, #tpu.memory_space<vmem>> -> memref<1x128xi32, #tpu.memory_space<vmem>>
      %dma_start3A_1349 = tpu.memref_squeeze %dma_start3A_1348 : memref<1x128xi32, #tpu.memory_space<vmem>> -> memref<128xi32, #tpu.memory_space<vmem>>
      %dma_start3A_1350 = arith.constant 0 : i32
      %dma_start3A_1351 = arith.constant 0 : i32
      %dma_start3A_1352 = tpu.memref_slice %arg15[%dma_start3A_1350, %dma_start3A_1351] : memref<10240x128xf32, #tpu.memory_space<vmem_shared>> -> memref<10240x128xf32, #tpu.memory_space<vmem_shared>>
      tpu.enqueue_indirect_dma source(%arg13 : memref<128x128xf32, #tpu.memory_space<vmem>>) target(%dma_start3A_1352 : memref<10240x128xf32, #tpu.memory_space<vmem_shared>>) offsets(%dma_start3A_1349 : memref<128xi32, #tpu.memory_space<vmem>>) semaphore(%run_scoped3A_1346 : memref<!tpu.dma_semaphore, #tpu.memory_space<semaphore_mem>>)
      %dma_wait3A_1353 = arith.constant 0 : i32
      %dma_wait3A_1354 = tpu.memref_slice %arg10[%run_scoped3A_1, %dma_wait3A_1353] : memref<5x128xi32, #tpu.memory_space<vmem>> -> memref<1x128xi32, #tpu.memory_space<vmem>>
      %dma_wait3A_1355 = tpu.memref_squeeze %dma_wait3A_1354 : memref<1x128xi32, #tpu.memory_space<vmem>> -> memref<128xi32, #tpu.memory_space<vmem>>
      %dma_wait3A_1356 = arith.constant 0 : i32
      %dma_wait3A_1357 = arith.constant 0 : i32
      %dma_wait3A_1358 = tpu.memref_slice %arg15[%dma_wait3A_1356, %dma_wait3A_1357] : memref<10240x128xf32, #tpu.memory_space<vmem_shared>> -> memref<10240x128xf32, #tpu.memory_space<vmem_shared>>
      tpu.wait_indirect_dma semaphore(%run_scoped3A_1346 : memref<!tpu.dma_semaphore, #tpu.memory_space<semaphore_mem>>) src(%arg13 : memref<128x128xf32, #tpu.memory_space<vmem>>) dst(%dma_wait3A_1358 : memref<10240x128xf32, #tpu.memory_space<vmem_shared>>)
      tpu.yield
    }) : () -> ()
    %run_scoped3A_2 = arith.constant 2 : i32
    "tpu.region"() ({
      %run_scoped3A_1346 = tpu.sem_alloc : memref<!tpu.dma_semaphore, #tpu.memory_space<semaphore_mem>>
      %dma_start3A_1347 = arith.constant 0 : i32
      %dma_start3A_1348 = tpu.memref_slice %arg10[%run_scoped3A_2, %dma_start3A_1347] : memref<5x128xi32, #tpu.memory_space<vmem>> -> memref<1x128xi32, #tpu.memory_space<vmem>>
      %dma_start3A_1349 = tpu.memref_squeeze %dma_start3A_1348 : memref<1x128xi32, #tpu.memory_space<vmem>> -> memref<128xi32, #tpu.memory_space<vmem>>
      %dma_start3A_1350 = arith.constant 0 : i32
      %dma_start3A_1351 = arith.constant 0 : i32
      %dma_start3A_1352 = tpu.memref_slice %arg15[%dma_start3A_1350, %dma_start3A_1351] : memref<10240x128xf32, #tpu.memory_space<vmem_shared>> -> memref<10240x128xf32, #tpu.memory_space<vmem_shared>>
      tpu.enqueue_indirect_dma source(%arg13 : memref<128x128xf32, #tpu.memory_space<vmem>>) target(%dma_start3A_1352 : memref<10240x128xf32, #tpu.memory_space<vmem_shared>>) offsets(%dma_start3A_1349 : memref<128xi32, #tpu.memory_space<vmem>>) semaphore(%run_scoped3A_1346 : memref<!tpu.dma_semaphore, #tpu.memory_space<semaphore_mem>>)
      %dma_wait3A_1353 = arith.constant 0 : i32
      %dma_wait3A_1354 = tpu.memref_slice %arg10[%run_scoped3A_2, %dma_wait3A_1353] : memref<5x128xi32, #tpu.memory_space<vmem>> -> memref<1x128xi32, #tpu.memory_space<vmem>>
      %dma_wait3A_1355 = tpu.memref_squeeze %dma_wait3A_1354 : memref<1x128xi32, #tpu.memory_space<vmem>> -> memref<128xi32, #tpu.memory_space<vmem>>
      %dma_wait3A_1356 = arith.constant 0 : i32
      %dma_wait3A_1357 = arith.constant 0 : i32
      %dma_wait3A_1358 = tpu.memref_slice %arg15[%dma_wait3A_1356, %dma_wait3A_1357] : memref<10240x128xf32, #tpu.memory_space<vmem_shared>> -> memref<10240x128xf32, #tpu.memory_space<vmem_shared>>
      tpu.wait_indirect_dma semaphore(%run_scoped3A_1346 : memref<!tpu.dma_semaphore, #tpu.memory_space<semaphore_mem>>) src(%arg13 : memref<128x128xf32, #tpu.memory_space<vmem>>) dst(%dma_wait3A_1358 : memref<10240x128xf32, #tpu.memory_space<vmem_shared>>)
      tpu.yield
    }) : () -> ()
    %run_scoped3A_3 = arith.constant 3 : i32
    "tpu.region"() ({
      %run_scoped3A_1346 = tpu.sem_alloc : memref<!tpu.dma_semaphore, #tpu.memory_space<semaphore_mem>>
      %dma_start3A_1347 = arith.constant 0 : i32
      %dma_start3A_1348 = tpu.memref_slice %arg10[%run_scoped3A_3, %dma_start3A_1347] : memref<5x128xi32, #tpu.memory_space<vmem>> -> memref<1x128xi32, #tpu.memory_space<vmem>>
      %dma_start3A_1349 = tpu.memref_squeeze %dma_start3A_1348 : memref<1x128xi32, #tpu.memory_space<vmem>> -> memref<128xi32, #tpu.memory_space<vmem>>
      %dma_start3A_1350 = arith.constant 0 : i32
      %dma_start3A_1351 = arith.constant 0 : i32
      %dma_start3A_1352 = tpu.memref_slice %arg15[%dma_start3A_1350, %dma_start3A_1351] : memref<10240x128xf32, #tpu.memory_space<vmem_shared>> -> memref<10240x128xf32, #tpu.memory_space<vmem_shared>>
      tpu.enqueue_indirect_dma source(%arg13 : memref<128x128xf32, #tpu.memory_space<vmem>>) target(%dma_start3A_1352 : memref<10240x128xf32, #tpu.memory_space<vmem_shared>>) offsets(%dma_start3A_1349 : memref<128xi32, #tpu.memory_space<vmem>>) semaphore(%run_scoped3A_1346 : memref<!tpu.dma_semaphore, #tpu.memory_space<semaphore_mem>>)
      %dma_wait3A_1353 = arith.constant 0 : i32
      %dma_wait3A_1354 = tpu.memref_slice %arg10[%run_scoped3A_3, %dma_wait3A_1353] : memref<5x128xi32, #tpu.memory_space<vmem>> -> memref<1x128xi32, #tpu.memory_space<vmem>>
      %dma_wait3A_1355 = tpu.memref_squeeze %dma_wait3A_1354 : memref<1x128xi32, #tpu.memory_space<vmem>> -> memref<128xi32, #tpu.memory_space<vmem>>
      %dma_wait3A_1356 = arith.constant 0 : i32
      %dma_wait3A_1357 = arith.constant 0 : i32
      %dma_wait3A_1358 = tpu.memref_slice %arg15[%dma_wait3A_1356, %dma_wait3A_1357] : memref<10240x128xf32, #tpu.memory_space<vmem_shared>> -> memref<10240x128xf32, #tpu.memory_space<vmem_shared>>
      tpu.wait_indirect_dma semaphore(%run_scoped3A_1346 : memref<!tpu.dma_semaphore, #tpu.memory_space<semaphore_mem>>) src(%arg13 : memref<128x128xf32, #tpu.memory_space<vmem>>) dst(%dma_wait3A_1358 : memref<10240x128xf32, #tpu.memory_space<vmem_shared>>)
      tpu.yield
    }) : () -> ()
    %run_scoped3A_4 = arith.constant 4 : i32
    "tpu.region"() ({
      %run_scoped3A_1346 = tpu.sem_alloc : memref<!tpu.dma_semaphore, #tpu.memory_space<semaphore_mem>>
      %dma_start3A_1347 = arith.constant 0 : i32
      %dma_start3A_1348 = tpu.memref_slice %arg10[%run_scoped3A_4, %dma_start3A_1347] : memref<5x128xi32, #tpu.memory_space<vmem>> -> memref<1x128xi32, #tpu.memory_space<vmem>>
      %dma_start3A_1349 = tpu.memref_squeeze %dma_start3A_1348 : memref<1x128xi32, #tpu.memory_space<vmem>> -> memref<128xi32, #tpu.memory_space<vmem>>
      %dma_start3A_1350 = arith.constant 0 : i32
      %dma_start3A_1351 = arith.constant 0 : i32
      %dma_start3A_1352 = tpu.memref_slice %arg15[%dma_start3A_1350, %dma_start3A_1351] : memref<10240x128xf32, #tpu.memory_space<vmem_shared>> -> memref<10240x128xf32, #tpu.memory_space<vmem_shared>>
      tpu.enqueue_indirect_dma source(%arg13 : memref<128x128xf32, #tpu.memory_space<vmem>>) target(%dma_start3A_1352 : memref<10240x128xf32, #tpu.memory_space<vmem_shared>>) offsets(%dma_start3A_1349 : memref<128xi32, #tpu.memory_space<vmem>>) semaphore(%run_scoped3A_1346 : memref<!tpu.dma_semaphore, #tpu.memory_space<semaphore_mem>>)
      %dma_wait3A_1353 = arith.constant 0 : i32
      %dma_wait3A_1354 = tpu.memref_slice %arg10[%run_scoped3A_4, %dma_wait3A_1353] : memref<5x128xi32, #tpu.memory_space<vmem>> -> memref<1x128xi32, #tpu.memory_space<vmem>>
      %dma_wait3A_1355 = tpu.memref_squeeze %dma_wait3A_1354 : memref<1x128xi32, #tpu.memory_space<vmem>> -> memref<128xi32, #tpu.memory_space<vmem>>
      %dma_wait3A_1356 = arith.constant 0 : i32
      %dma_wait3A_1357 = arith.constant 0 : i32
      %dma_wait3A_1358 = tpu.memref_slice %arg15[%dma_wait3A_1356, %dma_wait3A_1357] : memref<10240x128xf32, #tpu.memory_space<vmem_shared>> -> memref<10240x128xf32, #tpu.memory_space<vmem_shared>>
      tpu.wait_indirect_dma semaphore(%run_scoped3A_1346 : memref<!tpu.dma_semaphore, #tpu.memory_space<semaphore_mem>>) src(%arg13 : memref<128x128xf32, #tpu.memory_space<vmem>>) dst(%dma_wait3A_1358 : memref<10240x128xf32, #tpu.memory_space<vmem_shared>>)
      tpu.yield
    }) : () -> ()
    "tpu.region"() ({
      %run_scoped3A_1346 = tpu.sem_alloc : memref<!tpu.dma_semaphore, #tpu.memory_space<semaphore_mem>>
      tpu.enqueue_dma source(%arg7 : memref<128x128xf32, #tpu.memory_space<hbm>>) target(%arg14 : memref<128x128xf32, #tpu.memory_space<vmem>>) target_semaphore(%run_scoped3A_1346 : memref<!tpu.dma_semaphore, #tpu.memory_space<semaphore_mem>>)
      tpu.wait_dma2 semaphore(%run_scoped3A_1346 : memref<!tpu.dma_semaphore, #tpu.memory_space<semaphore_mem>>) src(%arg7 : memref<128x128xf32, #tpu.memory_space<hbm>>) dst(%arg14 : memref<128x128xf32, #tpu.memory_space<vmem>>)
      tpu.yield
    }) : () -> ()
    %barrier3A = arith.constant 0 : index
    tpu.barrier barrier_id(%barrier3A)
    %dma_start3A = arith.constant 0 : i32
    %dma_start3A_5 = arith.constant 0 : i32
    %dma_start3A_6 = tpu.memref_slice %arg12[%dma_start3A, %dma_start3A_5] : memref<80x128xi32, #tpu.memory_space<vmem>> -> memref<1x128xi32, #tpu.memory_space<vmem>>
    %dma_start3A_7 = tpu.memref_squeeze %dma_start3A_6 : memref<1x128xi32, #tpu.memory_space<vmem>> -> memref<128xi32, #tpu.memory_space<vmem>>
    %dma_start3A_8 = arith.constant 0 : i32
    %dma_start3A_9 = arith.constant 0 : i32
    %dma_start3A_10 = tpu.memref_slice %arg15[%dma_start3A_8, %dma_start3A_9] : memref<10240x128xf32, #tpu.memory_space<vmem_shared>> -> memref<10240x128xf32, #tpu.memory_space<vmem_shared>>
    tpu.enqueue_indirect_dma source(%arg14 : memref<128x128xf32, #tpu.memory_space<vmem>>) target(%dma_start3A_10 : memref<10240x128xf32, #tpu.memory_space<vmem_shared>>) offsets(%dma_start3A_7 : memref<128xi32, #tpu.memory_space<vmem>>) semaphore(%arg16 : memref<!tpu.dma_semaphore, #tpu.memory_space<semaphore_mem>>) {add = true}
    %dma_start3A_11 = arith.constant 1 : i32
    %dma_start3A_12 = arith.constant 0 : i32
    %dma_start3A_13 = tpu.memref_slice %arg12[%dma_start3A_11, %dma_start3A_12] : memref<80x128xi32, #tpu.memory_space<vmem>> -> memref<1x128xi32, #tpu.memory_space<vmem>>
    %dma_start3A_14 = tpu.memref_squeeze %dma_start3A_13 : memref<1x128xi32, #tpu.memory_space<vmem>> -> memref<128xi32, #tpu.memory_space<vmem>>
    %dma_start3A_15 = arith.constant 0 : i32
    %dma_start3A_16 = arith.constant 0 : i32
    %dma_start3A_17 = tpu.memref_slice %arg15[%dma_start3A_15, %dma_start3A_16] : memref<10240x128xf32, #tpu.memory_space<vmem_shared>> -> memref<10240x128xf32, #tpu.memory_space<vmem_shared>>
    tpu.enqueue_indirect_dma source(%arg14 : memref<128x128xf32, #tpu.memory_space<vmem>>) target(%dma_start3A_17 : memref<10240x128xf32, #tpu.memory_space<vmem_shared>>) offsets(%dma_start3A_14 : memref<128xi32, #tpu.memory_space<vmem>>) semaphore(%arg16 : memref<!tpu.dma_semaphore, #tpu.memory_space<semaphore_mem>>) {add = true}
    %dma_start3A_18 = arith.constant 2 : i32
    %dma_start3A_19 = arith.constant 0 : i32
    %dma_start3A_20 = tpu.memref_slice %arg12[%dma_start3A_18, %dma_start3A_19] : memref<80x128xi32, #tpu.memory_space<vmem>> -> memref<1x128xi32, #tpu.memory_space<vmem>>
    %dma_start3A_21 = tpu.memref_squeeze %dma_start3A_20 : memref<1x128xi32, #tpu.memory_space<vmem>> -> memref<128xi32, #tpu.memory_space<vmem>>
    %dma_start3A_22 = arith.constant 0 : i32
    %dma_start3A_23 = arith.constant 0 : i32
    %dma_start3A_24 = tpu.memref_slice %arg15[%dma_start3A_22, %dma_start3A_23] : memref<10240x128xf32, #tpu.memory_space<vmem_shared>> -> memref<10240x128xf32, #tpu.memory_space<vmem_shared>>
    tpu.enqueue_indirect_dma source(%arg14 : memref<128x128xf32, #tpu.memory_space<vmem>>) target(%dma_start3A_24 : memref<10240x128xf32, #tpu.memory_space<vmem_shared>>) offsets(%dma_start3A_21 : memref<128xi32, #tpu.memory_space<vmem>>) semaphore(%arg16 : memref<!tpu.dma_semaphore, #tpu.memory_space<semaphore_mem>>) {add = true}
    %dma_start3A_25 = arith.constant 3 : i32
    %dma_start3A_26 = arith.constant 0 : i32
    %dma_start3A_27 = tpu.memref_slice %arg12[%dma_start3A_25, %dma_start3A_26] : memref<80x128xi32, #tpu.memory_space<vmem>> -> memref<1x128xi32, #tpu.memory_space<vmem>>
    %dma_start3A_28 = tpu.memref_squeeze %dma_start3A_27 : memref<1x128xi32, #tpu.memory_space<vmem>> -> memref<128xi32, #tpu.memory_space<vmem>>
    %dma_start3A_29 = arith.constant 0 : i32
    %dma_start3A_30 = arith.constant 0 : i32
    %dma_start3A_31 = tpu.memref_slice %arg15[%dma_start3A_29, %dma_start3A_30] : memref<10240x128xf32, #tpu.memory_space<vmem_shared>> -> memref<10240x128xf32, #tpu.memory_space<vmem_shared>>
    tpu.enqueue_indirect_dma source(%arg14 : memref<128x128xf32, #tpu.memory_space<vmem>>) target(%dma_start3A_31 : memref<10240x128xf32, #tpu.memory_space<vmem_shared>>) offsets(%dma_start3A_28 : memref<128xi32, #tpu.memory_space<vmem>>) semaphore(%arg16 : memref<!tpu.dma_semaphore, #tpu.memory_space<semaphore_mem>>) {add = true}
    %dma_start3A_32 = arith.constant 4 : i32
    %dma_start3A_33 = arith.constant 0 : i32
    %dma_start3A_34 = tpu.memref_slice %arg12[%dma_start3A_32, %dma_start3A_33] : memref<80x128xi32, #tpu.memory_space<vmem>> -> memref<1x128xi32, #tpu.memory_space<vmem>>
    %dma_start3A_35 = tpu.memref_squeeze %dma_start3A_34 : memref<1x128xi32, #tpu.memory_space<vmem>> -> memref<128xi32, #tpu.memory_space<vmem>>
    %dma_start3A_36 = arith.constant 0 : i32
    %dma_start3A_37 = arith.constant 0 : i32
    %dma_start3A_38 = tpu.memref_slice %arg15[%dma_start3A_36, %dma_start3A_37] : memref<10240x128xf32, #tpu.memory_space<vmem_shared>> -> memref<10240x128xf32, #tpu.memory_space<vmem_shared>>
    tpu.enqueue_indirect_dma source(%arg14 : memref<128x128xf32, #tpu.memory_space<vmem>>) target(%dma_start3A_38 : memref<10240x128xf32, #tpu.memory_space<vmem_shared>>) offsets(%dma_start3A_35 : memref<128xi32, #tpu.memory_space<vmem>>) semaphore(%arg16 : memref<!tpu.dma_semaphore, #tpu.memory_space<semaphore_mem>>) {add = true}
    %dma_start3A_39 = arith.constant 5 : i32
    %dma_start3A_40 = arith.constant 0 : i32
    %dma_start3A_41 = tpu.memref_slice %arg12[%dma_start3A_39, %dma_start3A_40] : memref<80x128xi32, #tpu.memory_space<vmem>> -> memref<1x128xi32, #tpu.memory_space<vmem>>
    %dma_start3A_42 = tpu.memref_squeeze %dma_start3A_41 : memref<1x128xi32, #tpu.memory_space<vmem>> -> memref<128xi32, #tpu.memory_space<vmem>>
    %dma_start3A_43 = arith.constant 0 : i32
    %dma_start3A_44 = arith.constant 0 : i32
    %dma_start3A_45 = tpu.memref_slice %arg15[%dma_start3A_43, %dma_start3A_44] : memref<10240x128xf32, #tpu.memory_space<vmem_shared>> -> memref<10240x128xf32, #tpu.memory_space<vmem_shared>>
    tpu.enqueue_indirect_dma source(%arg14 : memref<128x128xf32, #tpu.memory_space<vmem>>) target(%dma_start3A_45 : memref<10240x128xf32, #tpu.memory_space<vmem_shared>>) offsets(%dma_start3A_42 : memref<128xi32, #tpu.memory_space<vmem>>) semaphore(%arg16 : memref<!tpu.dma_semaphore, #tpu.memory_space<semaphore_mem>>) {add = true}
    %dma_start3A_46 = arith.constant 6 : i32
    %dma_start3A_47 = arith.constant 0 : i32
    %dma_start3A_48 = tpu.memref_slice %arg12[%dma_start3A_46, %dma_start3A_47] : memref<80x128xi32, #tpu.memory_space<vmem>> -> memref<1x128xi32, #tpu.memory_space<vmem>>
    %dma_start3A_49 = tpu.memref_squeeze %dma_start3A_48 : memref<1x128xi32, #tpu.memory_space<vmem>> -> memref<128xi32, #tpu.memory_space<vmem>>
    %dma_start3A_50 = arith.constant 0 : i32
    %dma_start3A_51 = arith.constant 0 : i32
    %dma_start3A_52 = tpu.memref_slice %arg15[%dma_start3A_50, %dma_start3A_51] : memref<10240x128xf32, #tpu.memory_space<vmem_shared>> -> memref<10240x128xf32, #tpu.memory_space<vmem_shared>>
    tpu.enqueue_indirect_dma source(%arg14 : memref<128x128xf32, #tpu.memory_space<vmem>>) target(%dma_start3A_52 : memref<10240x128xf32, #tpu.memory_space<vmem_shared>>) offsets(%dma_start3A_49 : memref<128xi32, #tpu.memory_space<vmem>>) semaphore(%arg16 : memref<!tpu.dma_semaphore, #tpu.memory_space<semaphore_mem>>) {add = true}
    %dma_start3A_53 = arith.constant 7 : i32
    %dma_start3A_54 = arith.constant 0 : i32
    %dma_start3A_55 = tpu.memref_slice %arg12[%dma_start3A_53, %dma_start3A_54] : memref<80x128xi32, #tpu.memory_space<vmem>> -> memref<1x128xi32, #tpu.memory_space<vmem>>
    %dma_start3A_56 = tpu.memref_squeeze %dma_start3A_55 : memref<1x128xi32, #tpu.memory_space<vmem>> -> memref<128xi32, #tpu.memory_space<vmem>>
    %dma_start3A_57 = arith.constant 0 : i32
    %dma_start3A_58 = arith.constant 0 : i32
    %dma_start3A_59 = tpu.memref_slice %arg15[%dma_start3A_57, %dma_start3A_58] : memref<10240x128xf32, #tpu.memory_space<vmem_shared>> -> memref<10240x128xf32, #tpu.memory_space<vmem_shared>>
    tpu.enqueue_indirect_dma source(%arg14 : memref<128x128xf32, #tpu.memory_space<vmem>>) target(%dma_start3A_59 : memref<10240x128xf32, #tpu.memory_space<vmem_shared>>) offsets(%dma_start3A_56 : memref<128xi32, #tpu.memory_space<vmem>>) semaphore(%arg16 : memref<!tpu.dma_semaphore, #tpu.memory_space<semaphore_mem>>) {add = true}
    %dma_start3A_60 = arith.constant 8 : i32
    %dma_start3A_61 = arith.constant 0 : i32
    %dma_start3A_62 = tpu.memref_slice %arg12[%dma_start3A_60, %dma_start3A_61] : memref<80x128xi32, #tpu.memory_space<vmem>> -> memref<1x128xi32, #tpu.memory_space<vmem>>
    %dma_start3A_63 = tpu.memref_squeeze %dma_start3A_62 : memref<1x128xi32, #tpu.memory_space<vmem>> -> memref<128xi32, #tpu.memory_space<vmem>>
    %dma_start3A_64 = arith.constant 0 : i32
    %dma_start3A_65 = arith.constant 0 : i32
    %dma_start3A_66 = tpu.memref_slice %arg15[%dma_start3A_64, %dma_start3A_65] : memref<10240x128xf32, #tpu.memory_space<vmem_shared>> -> memref<10240x128xf32, #tpu.memory_space<vmem_shared>>
    tpu.enqueue_indirect_dma source(%arg14 : memref<128x128xf32, #tpu.memory_space<vmem>>) target(%dma_start3A_66 : memref<10240x128xf32, #tpu.memory_space<vmem_shared>>) offsets(%dma_start3A_63 : memref<128xi32, #tpu.memory_space<vmem>>) semaphore(%arg16 : memref<!tpu.dma_semaphore, #tpu.memory_space<semaphore_mem>>) {add = true}
    %dma_wait3A = arith.constant 0 : i32
    %dma_wait3A_67 = arith.constant 0 : i32
    %dma_wait3A_68 = tpu.memref_slice %arg12[%dma_wait3A, %dma_wait3A_67] : memref<80x128xi32, #tpu.memory_space<vmem>> -> memref<1x128xi32, #tpu.memory_space<vmem>>
    %dma_wait3A_69 = tpu.memref_squeeze %dma_wait3A_68 : memref<1x128xi32, #tpu.memory_space<vmem>> -> memref<128xi32, #tpu.memory_space<vmem>>
    %dma_wait3A_70 = arith.constant 0 : i32
    %dma_wait3A_71 = arith.constant 0 : i32
    %dma_wait3A_72 = tpu.memref_slice %arg15[%dma_wait3A_70, %dma_wait3A_71] : memref<10240x128xf32, #tpu.memory_space<vmem_shared>> -> memref<10240x128xf32, #tpu.memory_space<vmem_shared>>
    tpu.wait_indirect_dma semaphore(%arg16 : memref<!tpu.dma_semaphore, #tpu.memory_space<semaphore_mem>>) src(%arg14 : memref<128x128xf32, #tpu.memory_space<vmem>>) dst(%dma_wait3A_72 : memref<10240x128xf32, #tpu.memory_space<vmem_shared>>)
    %dma_start3A_73 = arith.constant 9 : i32
    %dma_start3A_74 = arith.constant 0 : i32
    %dma_start3A_75 = tpu.memref_slice %arg12[%dma_start3A_73, %dma_start3A_74] : memref<80x128xi32, #tpu.memory_space<vmem>> -> memref<1x128xi32, #tpu.memory_space<vmem>>
    %dma_start3A_76 = tpu.memref_squeeze %dma_start3A_75 : memref<1x128xi32, #tpu.memory_space<vmem>> -> memref<128xi32, #tpu.memory_space<vmem>>
    %dma_start3A_77 = arith.constant 0 : i32
    %dma_start3A_78 = arith.constant 0 : i32
    %dma_start3A_79 = tpu.memref_slice %arg15[%dma_start3A_77, %dma_start3A_78] : memref<10240x128xf32, #tpu.memory_space<vmem_shared>> -> memref<10240x128xf32, #tpu.memory_space<vmem_shared>>
    tpu.enqueue_indirect_dma source(%arg14 : memref<128x128xf32, #tpu.memory_space<vmem>>) target(%dma_start3A_79 : memref<10240x128xf32, #tpu.memory_space<vmem_shared>>) offsets(%dma_start3A_76 : memref<128xi32, #tpu.memory_space<vmem>>) semaphore(%arg16 : memref<!tpu.dma_semaphore, #tpu.memory_space<semaphore_mem>>) {add = true}
    %dma_wait3A_80 = arith.constant 1 : i32
    %dma_wait3A_81 = arith.constant 0 : i32
    %dma_wait3A_82 = tpu.memref_slice %arg12[%dma_wait3A_80, %dma_wait3A_81] : memref<80x128xi32, #tpu.memory_space<vmem>> -> memref<1x128xi32, #tpu.memory_space<vmem>>
    %dma_wait3A_83 = tpu.memref_squeeze %dma_wait3A_82 : memref<1x128xi32, #tpu.memory_space<vmem>> -> memref<128xi32, #tpu.memory_space<vmem>>
    %dma_wait3A_84 = arith.constant 0 : i32
    %dma_wait3A_85 = arith.constant 0 : i32
    %dma_wait3A_86 = tpu.memref_slice %arg15[%dma_wait3A_84, %dma_wait3A_85] : memref<10240x128xf32, #tpu.memory_space<vmem_shared>> -> memref<10240x128xf32, #tpu.memory_space<vmem_shared>>
    tpu.wait_indirect_dma semaphore(%arg16 : memref<!tpu.dma_semaphore, #tpu.memory_space<semaphore_mem>>) src(%arg14 : memref<128x128xf32, #tpu.memory_space<vmem>>) dst(%dma_wait3A_86 : memref<10240x128xf32, #tpu.memory_space<vmem_shared>>)
    %dma_start3A_87 = arith.constant 10 : i32
    %dma_start3A_88 = arith.constant 0 : i32
    %dma_start3A_89 = tpu.memref_slice %arg12[%dma_start3A_87, %dma_start3A_88] : memref<80x128xi32, #tpu.memory_space<vmem>> -> memref<1x128xi32, #tpu.memory_space<vmem>>
    %dma_start3A_90 = tpu.memref_squeeze %dma_start3A_89 : memref<1x128xi32, #tpu.memory_space<vmem>> -> memref<128xi32, #tpu.memory_space<vmem>>
    %dma_start3A_91 = arith.constant 0 : i32
    %dma_start3A_92 = arith.constant 0 : i32
    %dma_start3A_93 = tpu.memref_slice %arg15[%dma_start3A_91, %dma_start3A_92] : memref<10240x128xf32, #tpu.memory_space<vmem_shared>> -> memref<10240x128xf32, #tpu.memory_space<vmem_shared>>
    tpu.enqueue_indirect_dma source(%arg14 : memref<128x128xf32, #tpu.memory_space<vmem>>) target(%dma_start3A_93 : memref<10240x128xf32, #tpu.memory_space<vmem_shared>>) offsets(%dma_start3A_90 : memref<128xi32, #tpu.memory_space<vmem>>) semaphore(%arg16 : memref<!tpu.dma_semaphore, #tpu.memory_space<semaphore_mem>>) {add = true}
    %dma_wait3A_94 = arith.constant 2 : i32
    %dma_wait3A_95 = arith.constant 0 : i32
    %dma_wait3A_96 = tpu.memref_slice %arg12[%dma_wait3A_94, %dma_wait3A_95] : memref<80x128xi32, #tpu.memory_space<vmem>> -> memref<1x128xi32, #tpu.memory_space<vmem>>
    %dma_wait3A_97 = tpu.memref_squeeze %dma_wait3A_96 : memref<1x128xi32, #tpu.memory_space<vmem>> -> memref<128xi32, #tpu.memory_space<vmem>>
    %dma_wait3A_98 = arith.constant 0 : i32
    %dma_wait3A_99 = arith.constant 0 : i32
    %dma_wait3A_100 = tpu.memref_slice %arg15[%dma_wait3A_98, %dma_wait3A_99] : memref<10240x128xf32, #tpu.memory_space<vmem_shared>> -> memref<10240x128xf32, #tpu.memory_space<vmem_shared>>
    tpu.wait_indirect_dma semaphore(%arg16 : memref<!tpu.dma_semaphore, #tpu.memory_space<semaphore_mem>>) src(%arg14 : memref<128x128xf32, #tpu.memory_space<vmem>>) dst(%dma_wait3A_100 : memref<10240x128xf32, #tpu.memory_space<vmem_shared>>)
    %dma_start3A_101 = arith.constant 11 : i32
    %dma_start3A_102 = arith.constant 0 : i32
    %dma_start3A_103 = tpu.memref_slice %arg12[%dma_start3A_101, %dma_start3A_102] : memref<80x128xi32, #tpu.memory_space<vmem>> -> memref<1x128xi32, #tpu.memory_space<vmem>>
    %dma_start3A_104 = tpu.memref_squeeze %dma_start3A_103 : memref<1x128xi32, #tpu.memory_space<vmem>> -> memref<128xi32, #tpu.memory_space<vmem>>
    %dma_start3A_105 = arith.constant 0 : i32
    %dma_start3A_106 = arith.constant 0 : i32
    %dma_start3A_107 = tpu.memref_slice %arg15[%dma_start3A_105, %dma_start3A_106] : memref<10240x128xf32, #tpu.memory_space<vmem_shared>> -> memref<10240x128xf32, #tpu.memory_space<vmem_shared>>
    tpu.enqueue_indirect_dma source(%arg14 : memref<128x128xf32, #tpu.memory_space<vmem>>) target(%dma_start3A_107 : memref<10240x128xf32, #tpu.memory_space<vmem_shared>>) offsets(%dma_start3A_104 : memref<128xi32, #tpu.memory_space<vmem>>) semaphore(%arg16 : memref<!tpu.dma_semaphore, #tpu.memory_space<semaphore_mem>>) {add = true}
    %dma_wait3A_108 = arith.constant 3 : i32
    %dma_wait3A_109 = arith.constant 0 : i32
    %dma_wait3A_110 = tpu.memref_slice %arg12[%dma_wait3A_108, %dma_wait3A_109] : memref<80x128xi32, #tpu.memory_space<vmem>> -> memref<1x128xi32, #tpu.memory_space<vmem>>
    %dma_wait3A_111 = tpu.memref_squeeze %dma_wait3A_110 : memref<1x128xi32, #tpu.memory_space<vmem>> -> memref<128xi32, #tpu.memory_space<vmem>>
    %dma_wait3A_112 = arith.constant 0 : i32
    %dma_wait3A_113 = arith.constant 0 : i32
    %dma_wait3A_114 = tpu.memref_slice %arg15[%dma_wait3A_112, %dma_wait3A_113] : memref<10240x128xf32, #tpu.memory_space<vmem_shared>> -> memref<10240x128xf32, #tpu.memory_space<vmem_shared>>
    tpu.wait_indirect_dma semaphore(%arg16 : memref<!tpu.dma_semaphore, #tpu.memory_space<semaphore_mem>>) src(%arg14 : memref<128x128xf32, #tpu.memory_space<vmem>>) dst(%dma_wait3A_114 : memref<10240x128xf32, #tpu.memory_space<vmem_shared>>)
    %dma_start3A_115 = arith.constant 12 : i32
    %dma_start3A_116 = arith.constant 0 : i32
    %dma_start3A_117 = tpu.memref_slice %arg12[%dma_start3A_115, %dma_start3A_116] : memref<80x128xi32, #tpu.memory_space<vmem>> -> memref<1x128xi32, #tpu.memory_space<vmem>>
    %dma_start3A_118 = tpu.memref_squeeze %dma_start3A_117 : memref<1x128xi32, #tpu.memory_space<vmem>> -> memref<128xi32, #tpu.memory_space<vmem>>
    %dma_start3A_119 = arith.constant 0 : i32
    %dma_start3A_120 = arith.constant 0 : i32
    %dma_start3A_121 = tpu.memref_slice %arg15[%dma_start3A_119, %dma_start3A_120] : memref<10240x128xf32, #tpu.memory_space<vmem_shared>> -> memref<10240x128xf32, #tpu.memory_space<vmem_shared>>
    tpu.enqueue_indirect_dma source(%arg14 : memref<128x128xf32, #tpu.memory_space<vmem>>) target(%dma_start3A_121 : memref<10240x128xf32, #tpu.memory_space<vmem_shared>>) offsets(%dma_start3A_118 : memref<128xi32, #tpu.memory_space<vmem>>) semaphore(%arg16 : memref<!tpu.dma_semaphore, #tpu.memory_space<semaphore_mem>>) {add = true}
    %dma_wait3A_122 = arith.constant 4 : i32
    %dma_wait3A_123 = arith.constant 0 : i32
    %dma_wait3A_124 = tpu.memref_slice %arg12[%dma_wait3A_122, %dma_wait3A_123] : memref<80x128xi32, #tpu.memory_space<vmem>> -> memref<1x128xi32, #tpu.memory_space<vmem>>
    %dma_wait3A_125 = tpu.memref_squeeze %dma_wait3A_124 : memref<1x128xi32, #tpu.memory_space<vmem>> -> memref<128xi32, #tpu.memory_space<vmem>>
    %dma_wait3A_126 = arith.constant 0 : i32
    %dma_wait3A_127 = arith.constant 0 : i32
    %dma_wait3A_128 = tpu.memref_slice %arg15[%dma_wait3A_126, %dma_wait3A_127] : memref<10240x128xf32, #tpu.memory_space<vmem_shared>> -> memref<10240x128xf32, #tpu.memory_space<vmem_shared>>
    tpu.wait_indirect_dma semaphore(%arg16 : memref<!tpu.dma_semaphore, #tpu.memory_space<semaphore_mem>>) src(%arg14 : memref<128x128xf32, #tpu.memory_space<vmem>>) dst(%dma_wait3A_128 : memref<10240x128xf32, #tpu.memory_space<vmem_shared>>)
    %dma_start3A_129 = arith.constant 13 : i32
    %dma_start3A_130 = arith.constant 0 : i32
    %dma_start3A_131 = tpu.memref_slice %arg12[%dma_start3A_129, %dma_start3A_130] : memref<80x128xi32, #tpu.memory_space<vmem>> -> memref<1x128xi32, #tpu.memory_space<vmem>>
    %dma_start3A_132 = tpu.memref_squeeze %dma_start3A_131 : memref<1x128xi32, #tpu.memory_space<vmem>> -> memref<128xi32, #tpu.memory_space<vmem>>
    %dma_start3A_133 = arith.constant 0 : i32
    %dma_start3A_134 = arith.constant 0 : i32
    %dma_start3A_135 = tpu.memref_slice %arg15[%dma_start3A_133, %dma_start3A_134] : memref<10240x128xf32, #tpu.memory_space<vmem_shared>> -> memref<10240x128xf32, #tpu.memory_space<vmem_shared>>
    tpu.enqueue_indirect_dma source(%arg14 : memref<128x128xf32, #tpu.memory_space<vmem>>) target(%dma_start3A_135 : memref<10240x128xf32, #tpu.memory_space<vmem_shared>>) offsets(%dma_start3A_132 : memref<128xi32, #tpu.memory_space<vmem>>) semaphore(%arg16 : memref<!tpu.dma_semaphore, #tpu.memory_space<semaphore_mem>>) {add = true}
    %dma_wait3A_136 = arith.constant 5 : i32
    %dma_wait3A_137 = arith.constant 0 : i32
    %dma_wait3A_138 = tpu.memref_slice %arg12[%dma_wait3A_136, %dma_wait3A_137] : memref<80x128xi32, #tpu.memory_space<vmem>> -> memref<1x128xi32, #tpu.memory_space<vmem>>
    %dma_wait3A_139 = tpu.memref_squeeze %dma_wait3A_138 : memref<1x128xi32, #tpu.memory_space<vmem>> -> memref<128xi32, #tpu.memory_space<vmem>>
    %dma_wait3A_140 = arith.constant 0 : i32
    %dma_wait3A_141 = arith.constant 0 : i32
    %dma_wait3A_142 = tpu.memref_slice %arg15[%dma_wait3A_140, %dma_wait3A_141] : memref<10240x128xf32, #tpu.memory_space<vmem_shared>> -> memref<10240x128xf32, #tpu.memory_space<vmem_shared>>
    tpu.wait_indirect_dma semaphore(%arg16 : memref<!tpu.dma_semaphore, #tpu.memory_space<semaphore_mem>>) src(%arg14 : memref<128x128xf32, #tpu.memory_space<vmem>>) dst(%dma_wait3A_142 : memref<10240x128xf32, #tpu.memory_space<vmem_shared>>)
    %dma_start3A_143 = arith.constant 14 : i32
    %dma_start3A_144 = arith.constant 0 : i32
    %dma_start3A_145 = tpu.memref_slice %arg12[%dma_start3A_143, %dma_start3A_144] : memref<80x128xi32, #tpu.memory_space<vmem>> -> memref<1x128xi32, #tpu.memory_space<vmem>>
    %dma_start3A_146 = tpu.memref_squeeze %dma_start3A_145 : memref<1x128xi32, #tpu.memory_space<vmem>> -> memref<128xi32, #tpu.memory_space<vmem>>
    %dma_start3A_147 = arith.constant 0 : i32
    %dma_start3A_148 = arith.constant 0 : i32
    %dma_start3A_149 = tpu.memref_slice %arg15[%dma_start3A_147, %dma_start3A_148] : memref<10240x128xf32, #tpu.memory_space<vmem_shared>> -> memref<10240x128xf32, #tpu.memory_space<vmem_shared>>
    tpu.enqueue_indirect_dma source(%arg14 : memref<128x128xf32, #tpu.memory_space<vmem>>) target(%dma_start3A_149 : memref<10240x128xf32, #tpu.memory_space<vmem_shared>>) offsets(%dma_start3A_146 : memref<128xi32, #tpu.memory_space<vmem>>) semaphore(%arg16 : memref<!tpu.dma_semaphore, #tpu.memory_space<semaphore_mem>>) {add = true}
    %dma_wait3A_150 = arith.constant 6 : i32
    %dma_wait3A_151 = arith.constant 0 : i32
    %dma_wait3A_152 = tpu.memref_slice %arg12[%dma_wait3A_150, %dma_wait3A_151] : memref<80x128xi32, #tpu.memory_space<vmem>> -> memref<1x128xi32, #tpu.memory_space<vmem>>
    %dma_wait3A_153 = tpu.memref_squeeze %dma_wait3A_152 : memref<1x128xi32, #tpu.memory_space<vmem>> -> memref<128xi32, #tpu.memory_space<vmem>>
    %dma_wait3A_154 = arith.constant 0 : i32
    %dma_wait3A_155 = arith.constant 0 : i32
    %dma_wait3A_156 = tpu.memref_slice %arg15[%dma_wait3A_154, %dma_wait3A_155] : memref<10240x128xf32, #tpu.memory_space<vmem_shared>> -> memref<10240x128xf32, #tpu.memory_space<vmem_shared>>
    tpu.wait_indirect_dma semaphore(%arg16 : memref<!tpu.dma_semaphore, #tpu.memory_space<semaphore_mem>>) src(%arg14 : memref<128x128xf32, #tpu.memory_space<vmem>>) dst(%dma_wait3A_156 : memref<10240x128xf32, #tpu.memory_space<vmem_shared>>)
    %dma_start3A_157 = arith.constant 15 : i32
    %dma_start3A_158 = arith.constant 0 : i32
    %dma_start3A_159 = tpu.memref_slice %arg12[%dma_start3A_157, %dma_start3A_158] : memref<80x128xi32, #tpu.memory_space<vmem>> -> memref<1x128xi32, #tpu.memory_space<vmem>>
    %dma_start3A_160 = tpu.memref_squeeze %dma_start3A_159 : memref<1x128xi32, #tpu.memory_space<vmem>> -> memref<128xi32, #tpu.memory_space<vmem>>
    %dma_start3A_161 = arith.constant 0 : i32
    %dma_start3A_162 = arith.constant 0 : i32
    %dma_start3A_163 = tpu.memref_slice %arg15[%dma_start3A_161, %dma_start3A_162] : memref<10240x128xf32, #tpu.memory_space<vmem_shared>> -> memref<10240x128xf32, #tpu.memory_space<vmem_shared>>
    tpu.enqueue_indirect_dma source(%arg14 : memref<128x128xf32, #tpu.memory_space<vmem>>) target(%dma_start3A_163 : memref<10240x128xf32, #tpu.memory_space<vmem_shared>>) offsets(%dma_start3A_160 : memref<128xi32, #tpu.memory_space<vmem>>) semaphore(%arg16 : memref<!tpu.dma_semaphore, #tpu.memory_space<semaphore_mem>>) {add = true}
    %dma_wait3A_164 = arith.constant 7 : i32
    %dma_wait3A_165 = arith.constant 0 : i32
    %dma_wait3A_166 = tpu.memref_slice %arg12[%dma_wait3A_164, %dma_wait3A_165] : memref<80x128xi32, #tpu.memory_space<vmem>> -> memref<1x128xi32, #tpu.memory_space<vmem>>
    %dma_wait3A_167 = tpu.memref_squeeze %dma_wait3A_166 : memref<1x128xi32, #tpu.memory_space<vmem>> -> memref<128xi32, #tpu.memory_space<vmem>>
    %dma_wait3A_168 = arith.constant 0 : i32
    %dma_wait3A_169 = arith.constant 0 : i32
    %dma_wait3A_170 = tpu.memref_slice %arg15[%dma_wait3A_168, %dma_wait3A_169] : memref<10240x128xf32, #tpu.memory_space<vmem_shared>> -> memref<10240x128xf32, #tpu.memory_space<vmem_shared>>
    tpu.wait_indirect_dma semaphore(%arg16 : memref<!tpu.dma_semaphore, #tpu.memory_space<semaphore_mem>>) src(%arg14 : memref<128x128xf32, #tpu.memory_space<vmem>>) dst(%dma_wait3A_170 : memref<10240x128xf32, #tpu.memory_space<vmem_shared>>)
    %dma_start3A_171 = arith.constant 16 : i32
    %dma_start3A_172 = arith.constant 0 : i32
    %dma_start3A_173 = tpu.memref_slice %arg12[%dma_start3A_171, %dma_start3A_172] : memref<80x128xi32, #tpu.memory_space<vmem>> -> memref<1x128xi32, #tpu.memory_space<vmem>>
    %dma_start3A_174 = tpu.memref_squeeze %dma_start3A_173 : memref<1x128xi32, #tpu.memory_space<vmem>> -> memref<128xi32, #tpu.memory_space<vmem>>
    %dma_start3A_175 = arith.constant 0 : i32
    %dma_start3A_176 = arith.constant 0 : i32
    %dma_start3A_177 = tpu.memref_slice %arg15[%dma_start3A_175, %dma_start3A_176] : memref<10240x128xf32, #tpu.memory_space<vmem_shared>> -> memref<10240x128xf32, #tpu.memory_space<vmem_shared>>
    tpu.enqueue_indirect_dma source(%arg14 : memref<128x128xf32, #tpu.memory_space<vmem>>) target(%dma_start3A_177 : memref<10240x128xf32, #tpu.memory_space<vmem_shared>>) offsets(%dma_start3A_174 : memref<128xi32, #tpu.memory_space<vmem>>) semaphore(%arg16 : memref<!tpu.dma_semaphore, #tpu.memory_space<semaphore_mem>>) {add = true}
    %dma_wait3A_178 = arith.constant 8 : i32
    %dma_wait3A_179 = arith.constant 0 : i32
    %dma_wait3A_180 = tpu.memref_slice %arg12[%dma_wait3A_178, %dma_wait3A_179] : memref<80x128xi32, #tpu.memory_space<vmem>> -> memref<1x128xi32, #tpu.memory_space<vmem>>
    %dma_wait3A_181 = tpu.memref_squeeze %dma_wait3A_180 : memref<1x128xi32, #tpu.memory_space<vmem>> -> memref<128xi32, #tpu.memory_space<vmem>>
    %dma_wait3A_182 = arith.constant 0 : i32
    %dma_wait3A_183 = arith.constant 0 : i32
    %dma_wait3A_184 = tpu.memref_slice %arg15[%dma_wait3A_182, %dma_wait3A_183] : memref<10240x128xf32, #tpu.memory_space<vmem_shared>> -> memref<10240x128xf32, #tpu.memory_space<vmem_shared>>
    tpu.wait_indirect_dma semaphore(%arg16 : memref<!tpu.dma_semaphore, #tpu.memory_space<semaphore_mem>>) src(%arg14 : memref<128x128xf32, #tpu.memory_space<vmem>>) dst(%dma_wait3A_184 : memref<10240x128xf32, #tpu.memory_space<vmem_shared>>)
    %dma_start3A_185 = arith.constant 17 : i32
    %dma_start3A_186 = arith.constant 0 : i32
    %dma_start3A_187 = tpu.memref_slice %arg12[%dma_start3A_185, %dma_start3A_186] : memref<80x128xi32, #tpu.memory_space<vmem>> -> memref<1x128xi32, #tpu.memory_space<vmem>>
    %dma_start3A_188 = tpu.memref_squeeze %dma_start3A_187 : memref<1x128xi32, #tpu.memory_space<vmem>> -> memref<128xi32, #tpu.memory_space<vmem>>
    %dma_start3A_189 = arith.constant 0 : i32
    %dma_start3A_190 = arith.constant 0 : i32
    %dma_start3A_191 = tpu.memref_slice %arg15[%dma_start3A_189, %dma_start3A_190] : memref<10240x128xf32, #tpu.memory_space<vmem_shared>> -> memref<10240x128xf32, #tpu.memory_space<vmem_shared>>
    tpu.enqueue_indirect_dma source(%arg14 : memref<128x128xf32, #tpu.memory_space<vmem>>) target(%dma_start3A_191 : memref<10240x128xf32, #tpu.memory_space<vmem_shared>>) offsets(%dma_start3A_188 : memref<128xi32, #tpu.memory_space<vmem>>) semaphore(%arg16 : memref<!tpu.dma_semaphore, #tpu.memory_space<semaphore_mem>>) {add = true}
    %dma_wait3A_192 = arith.constant 9 : i32
    %dma_wait3A_193 = arith.constant 0 : i32
    %dma_wait3A_194 = tpu.memref_slice %arg12[%dma_wait3A_192, %dma_wait3A_193] : memref<80x128xi32, #tpu.memory_space<vmem>> -> memref<1x128xi32, #tpu.memory_space<vmem>>
    %dma_wait3A_195 = tpu.memref_squeeze %dma_wait3A_194 : memref<1x128xi32, #tpu.memory_space<vmem>> -> memref<128xi32, #tpu.memory_space<vmem>>
    %dma_wait3A_196 = arith.constant 0 : i32
    %dma_wait3A_197 = arith.constant 0 : i32
    %dma_wait3A_198 = tpu.memref_slice %arg15[%dma_wait3A_196, %dma_wait3A_197] : memref<10240x128xf32, #tpu.memory_space<vmem_shared>> -> memref<10240x128xf32, #tpu.memory_space<vmem_shared>>
    tpu.wait_indirect_dma semaphore(%arg16 : memref<!tpu.dma_semaphore, #tpu.memory_space<semaphore_mem>>) src(%arg14 : memref<128x128xf32, #tpu.memory_space<vmem>>) dst(%dma_wait3A_198 : memref<10240x128xf32, #tpu.memory_space<vmem_shared>>)
    %dma_start3A_199 = arith.constant 18 : i32
    %dma_start3A_200 = arith.constant 0 : i32
    %dma_start3A_201 = tpu.memref_slice %arg12[%dma_start3A_199, %dma_start3A_200] : memref<80x128xi32, #tpu.memory_space<vmem>> -> memref<1x128xi32, #tpu.memory_space<vmem>>
    %dma_start3A_202 = tpu.memref_squeeze %dma_start3A_201 : memref<1x128xi32, #tpu.memory_space<vmem>> -> memref<128xi32, #tpu.memory_space<vmem>>
    %dma_start3A_203 = arith.constant 0 : i32
    %dma_start3A_204 = arith.constant 0 : i32
    %dma_start3A_205 = tpu.memref_slice %arg15[%dma_start3A_203, %dma_start3A_204] : memref<10240x128xf32, #tpu.memory_space<vmem_shared>> -> memref<10240x128xf32, #tpu.memory_space<vmem_shared>>
    tpu.enqueue_indirect_dma source(%arg14 : memref<128x128xf32, #tpu.memory_space<vmem>>) target(%dma_start3A_205 : memref<10240x128xf32, #tpu.memory_space<vmem_shared>>) offsets(%dma_start3A_202 : memref<128xi32, #tpu.memory_space<vmem>>) semaphore(%arg16 : memref<!tpu.dma_semaphore, #tpu.memory_space<semaphore_mem>>) {add = true}
    %dma_wait3A_206 = arith.constant 10 : i32
    %dma_wait3A_207 = arith.constant 0 : i32
    %dma_wait3A_208 = tpu.memref_slice %arg12[%dma_wait3A_206, %dma_wait3A_207] : memref<80x128xi32, #tpu.memory_space<vmem>> -> memref<1x128xi32, #tpu.memory_space<vmem>>
    %dma_wait3A_209 = tpu.memref_squeeze %dma_wait3A_208 : memref<1x128xi32, #tpu.memory_space<vmem>> -> memref<128xi32, #tpu.memory_space<vmem>>
    %dma_wait3A_210 = arith.constant 0 : i32
    %dma_wait3A_211 = arith.constant 0 : i32
    %dma_wait3A_212 = tpu.memref_slice %arg15[%dma_wait3A_210, %dma_wait3A_211] : memref<10240x128xf32, #tpu.memory_space<vmem_shared>> -> memref<10240x128xf32, #tpu.memory_space<vmem_shared>>
    tpu.wait_indirect_dma semaphore(%arg16 : memref<!tpu.dma_semaphore, #tpu.memory_space<semaphore_mem>>) src(%arg14 : memref<128x128xf32, #tpu.memory_space<vmem>>) dst(%dma_wait3A_212 : memref<10240x128xf32, #tpu.memory_space<vmem_shared>>)
    %dma_start3A_213 = arith.constant 19 : i32
    %dma_start3A_214 = arith.constant 0 : i32
    %dma_start3A_215 = tpu.memref_slice %arg12[%dma_start3A_213, %dma_start3A_214] : memref<80x128xi32, #tpu.memory_space<vmem>> -> memref<1x128xi32, #tpu.memory_space<vmem>>
    %dma_start3A_216 = tpu.memref_squeeze %dma_start3A_215 : memref<1x128xi32, #tpu.memory_space<vmem>> -> memref<128xi32, #tpu.memory_space<vmem>>
    %dma_start3A_217 = arith.constant 0 : i32
    %dma_start3A_218 = arith.constant 0 : i32
    %dma_start3A_219 = tpu.memref_slice %arg15[%dma_start3A_217, %dma_start3A_218] : memref<10240x128xf32, #tpu.memory_space<vmem_shared>> -> memref<10240x128xf32, #tpu.memory_space<vmem_shared>>
    tpu.enqueue_indirect_dma source(%arg14 : memref<128x128xf32, #tpu.memory_space<vmem>>) target(%dma_start3A_219 : memref<10240x128xf32, #tpu.memory_space<vmem_shared>>) offsets(%dma_start3A_216 : memref<128xi32, #tpu.memory_space<vmem>>) semaphore(%arg16 : memref<!tpu.dma_semaphore, #tpu.memory_space<semaphore_mem>>) {add = true}
    %dma_wait3A_220 = arith.constant 11 : i32
    %dma_wait3A_221 = arith.constant 0 : i32
    %dma_wait3A_222 = tpu.memref_slice %arg12[%dma_wait3A_220, %dma_wait3A_221] : memref<80x128xi32, #tpu.memory_space<vmem>> -> memref<1x128xi32, #tpu.memory_space<vmem>>
    %dma_wait3A_223 = tpu.memref_squeeze %dma_wait3A_222 : memref<1x128xi32, #tpu.memory_space<vmem>> -> memref<128xi32, #tpu.memory_space<vmem>>
    %dma_wait3A_224 = arith.constant 0 : i32
    %dma_wait3A_225 = arith.constant 0 : i32
    %dma_wait3A_226 = tpu.memref_slice %arg15[%dma_wait3A_224, %dma_wait3A_225] : memref<10240x128xf32, #tpu.memory_space<vmem_shared>> -> memref<10240x128xf32, #tpu.memory_space<vmem_shared>>
    tpu.wait_indirect_dma semaphore(%arg16 : memref<!tpu.dma_semaphore, #tpu.memory_space<semaphore_mem>>) src(%arg14 : memref<128x128xf32, #tpu.memory_space<vmem>>) dst(%dma_wait3A_226 : memref<10240x128xf32, #tpu.memory_space<vmem_shared>>)
    %dma_start3A_227 = arith.constant 20 : i32
    %dma_start3A_228 = arith.constant 0 : i32
    %dma_start3A_229 = tpu.memref_slice %arg12[%dma_start3A_227, %dma_start3A_228] : memref<80x128xi32, #tpu.memory_space<vmem>> -> memref<1x128xi32, #tpu.memory_space<vmem>>
    %dma_start3A_230 = tpu.memref_squeeze %dma_start3A_229 : memref<1x128xi32, #tpu.memory_space<vmem>> -> memref<128xi32, #tpu.memory_space<vmem>>
    %dma_start3A_231 = arith.constant 0 : i32
    %dma_start3A_232 = arith.constant 0 : i32
    %dma_start3A_233 = tpu.memref_slice %arg15[%dma_start3A_231, %dma_start3A_232] : memref<10240x128xf32, #tpu.memory_space<vmem_shared>> -> memref<10240x128xf32, #tpu.memory_space<vmem_shared>>
    tpu.enqueue_indirect_dma source(%arg14 : memref<128x128xf32, #tpu.memory_space<vmem>>) target(%dma_start3A_233 : memref<10240x128xf32, #tpu.memory_space<vmem_shared>>) offsets(%dma_start3A_230 : memref<128xi32, #tpu.memory_space<vmem>>) semaphore(%arg16 : memref<!tpu.dma_semaphore, #tpu.memory_space<semaphore_mem>>) {add = true}
    %dma_wait3A_234 = arith.constant 12 : i32
    %dma_wait3A_235 = arith.constant 0 : i32
    %dma_wait3A_236 = tpu.memref_slice %arg12[%dma_wait3A_234, %dma_wait3A_235] : memref<80x128xi32, #tpu.memory_space<vmem>> -> memref<1x128xi32, #tpu.memory_space<vmem>>
    %dma_wait3A_237 = tpu.memref_squeeze %dma_wait3A_236 : memref<1x128xi32, #tpu.memory_space<vmem>> -> memref<128xi32, #tpu.memory_space<vmem>>
    %dma_wait3A_238 = arith.constant 0 : i32
    %dma_wait3A_239 = arith.constant 0 : i32
    %dma_wait3A_240 = tpu.memref_slice %arg15[%dma_wait3A_238, %dma_wait3A_239] : memref<10240x128xf32, #tpu.memory_space<vmem_shared>> -> memref<10240x128xf32, #tpu.memory_space<vmem_shared>>
    tpu.wait_indirect_dma semaphore(%arg16 : memref<!tpu.dma_semaphore, #tpu.memory_space<semaphore_mem>>) src(%arg14 : memref<128x128xf32, #tpu.memory_space<vmem>>) dst(%dma_wait3A_240 : memref<10240x128xf32, #tpu.memory_space<vmem_shared>>)
    %dma_start3A_241 = arith.constant 21 : i32
    %dma_start3A_242 = arith.constant 0 : i32
    %dma_start3A_243 = tpu.memref_slice %arg12[%dma_start3A_241, %dma_start3A_242] : memref<80x128xi32, #tpu.memory_space<vmem>> -> memref<1x128xi32, #tpu.memory_space<vmem>>
    %dma_start3A_244 = tpu.memref_squeeze %dma_start3A_243 : memref<1x128xi32, #tpu.memory_space<vmem>> -> memref<128xi32, #tpu.memory_space<vmem>>
    %dma_start3A_245 = arith.constant 0 : i32
    %dma_start3A_246 = arith.constant 0 : i32
    %dma_start3A_247 = tpu.memref_slice %arg15[%dma_start3A_245, %dma_start3A_246] : memref<10240x128xf32, #tpu.memory_space<vmem_shared>> -> memref<10240x128xf32, #tpu.memory_space<vmem_shared>>
    tpu.enqueue_indirect_dma source(%arg14 : memref<128x128xf32, #tpu.memory_space<vmem>>) target(%dma_start3A_247 : memref<10240x128xf32, #tpu.memory_space<vmem_shared>>) offsets(%dma_start3A_244 : memref<128xi32, #tpu.memory_space<vmem>>) semaphore(%arg16 : memref<!tpu.dma_semaphore, #tpu.memory_space<semaphore_mem>>) {add = true}
    %dma_wait3A_248 = arith.constant 13 : i32
    %dma_wait3A_249 = arith.constant 0 : i32
    %dma_wait3A_250 = tpu.memref_slice %arg12[%dma_wait3A_248, %dma_wait3A_249] : memref<80x128xi32, #tpu.memory_space<vmem>> -> memref<1x128xi32, #tpu.memory_space<vmem>>
    %dma_wait3A_251 = tpu.memref_squeeze %dma_wait3A_250 : memref<1x128xi32, #tpu.memory_space<vmem>> -> memref<128xi32, #tpu.memory_space<vmem>>
    %dma_wait3A_252 = arith.constant 0 : i32
    %dma_wait3A_253 = arith.constant 0 : i32
    %dma_wait3A_254 = tpu.memref_slice %arg15[%dma_wait3A_252, %dma_wait3A_253] : memref<10240x128xf32, #tpu.memory_space<vmem_shared>> -> memref<10240x128xf32, #tpu.memory_space<vmem_shared>>
    tpu.wait_indirect_dma semaphore(%arg16 : memref<!tpu.dma_semaphore, #tpu.memory_space<semaphore_mem>>) src(%arg14 : memref<128x128xf32, #tpu.memory_space<vmem>>) dst(%dma_wait3A_254 : memref<10240x128xf32, #tpu.memory_space<vmem_shared>>)
    %dma_start3A_255 = arith.constant 22 : i32
    %dma_start3A_256 = arith.constant 0 : i32
    %dma_start3A_257 = tpu.memref_slice %arg12[%dma_start3A_255, %dma_start3A_256] : memref<80x128xi32, #tpu.memory_space<vmem>> -> memref<1x128xi32, #tpu.memory_space<vmem>>
    %dma_start3A_258 = tpu.memref_squeeze %dma_start3A_257 : memref<1x128xi32, #tpu.memory_space<vmem>> -> memref<128xi32, #tpu.memory_space<vmem>>
    %dma_start3A_259 = arith.constant 0 : i32
    %dma_start3A_260 = arith.constant 0 : i32
    %dma_start3A_261 = tpu.memref_slice %arg15[%dma_start3A_259, %dma_start3A_260] : memref<10240x128xf32, #tpu.memory_space<vmem_shared>> -> memref<10240x128xf32, #tpu.memory_space<vmem_shared>>
    tpu.enqueue_indirect_dma source(%arg14 : memref<128x128xf32, #tpu.memory_space<vmem>>) target(%dma_start3A_261 : memref<10240x128xf32, #tpu.memory_space<vmem_shared>>) offsets(%dma_start3A_258 : memref<128xi32, #tpu.memory_space<vmem>>) semaphore(%arg16 : memref<!tpu.dma_semaphore, #tpu.memory_space<semaphore_mem>>) {add = true}
    %dma_wait3A_262 = arith.constant 14 : i32
    %dma_wait3A_263 = arith.constant 0 : i32
    %dma_wait3A_264 = tpu.memref_slice %arg12[%dma_wait3A_262, %dma_wait3A_263] : memref<80x128xi32, #tpu.memory_space<vmem>> -> memref<1x128xi32, #tpu.memory_space<vmem>>
    %dma_wait3A_265 = tpu.memref_squeeze %dma_wait3A_264 : memref<1x128xi32, #tpu.memory_space<vmem>> -> memref<128xi32, #tpu.memory_space<vmem>>
    %dma_wait3A_266 = arith.constant 0 : i32
    %dma_wait3A_267 = arith.constant 0 : i32
    %dma_wait3A_268 = tpu.memref_slice %arg15[%dma_wait3A_266, %dma_wait3A_267] : memref<10240x128xf32, #tpu.memory_space<vmem_shared>> -> memref<10240x128xf32, #tpu.memory_space<vmem_shared>>
    tpu.wait_indirect_dma semaphore(%arg16 : memref<!tpu.dma_semaphore, #tpu.memory_space<semaphore_mem>>) src(%arg14 : memref<128x128xf32, #tpu.memory_space<vmem>>) dst(%dma_wait3A_268 : memref<10240x128xf32, #tpu.memory_space<vmem_shared>>)
    %dma_start3A_269 = arith.constant 23 : i32
    %dma_start3A_270 = arith.constant 0 : i32
    %dma_start3A_271 = tpu.memref_slice %arg12[%dma_start3A_269, %dma_start3A_270] : memref<80x128xi32, #tpu.memory_space<vmem>> -> memref<1x128xi32, #tpu.memory_space<vmem>>
    %dma_start3A_272 = tpu.memref_squeeze %dma_start3A_271 : memref<1x128xi32, #tpu.memory_space<vmem>> -> memref<128xi32, #tpu.memory_space<vmem>>
    %dma_start3A_273 = arith.constant 0 : i32
    %dma_start3A_274 = arith.constant 0 : i32
    %dma_start3A_275 = tpu.memref_slice %arg15[%dma_start3A_273, %dma_start3A_274] : memref<10240x128xf32, #tpu.memory_space<vmem_shared>> -> memref<10240x128xf32, #tpu.memory_space<vmem_shared>>
    tpu.enqueue_indirect_dma source(%arg14 : memref<128x128xf32, #tpu.memory_space<vmem>>) target(%dma_start3A_275 : memref<10240x128xf32, #tpu.memory_space<vmem_shared>>) offsets(%dma_start3A_272 : memref<128xi32, #tpu.memory_space<vmem>>) semaphore(%arg16 : memref<!tpu.dma_semaphore, #tpu.memory_space<semaphore_mem>>) {add = true}
    %dma_wait3A_276 = arith.constant 15 : i32
    %dma_wait3A_277 = arith.constant 0 : i32
    %dma_wait3A_278 = tpu.memref_slice %arg12[%dma_wait3A_276, %dma_wait3A_277] : memref<80x128xi32, #tpu.memory_space<vmem>> -> memref<1x128xi32, #tpu.memory_space<vmem>>
    %dma_wait3A_279 = tpu.memref_squeeze %dma_wait3A_278 : memref<1x128xi32, #tpu.memory_space<vmem>> -> memref<128xi32, #tpu.memory_space<vmem>>
    %dma_wait3A_280 = arith.constant 0 : i32
    %dma_wait3A_281 = arith.constant 0 : i32
    %dma_wait3A_282 = tpu.memref_slice %arg15[%dma_wait3A_280, %dma_wait3A_281] : memref<10240x128xf32, #tpu.memory_space<vmem_shared>> -> memref<10240x128xf32, #tpu.memory_space<vmem_shared>>
    tpu.wait_indirect_dma semaphore(%arg16 : memref<!tpu.dma_semaphore, #tpu.memory_space<semaphore_mem>>) src(%arg14 : memref<128x128xf32, #tpu.memory_space<vmem>>) dst(%dma_wait3A_282 : memref<10240x128xf32, #tpu.memory_space<vmem_shared>>)
    %dma_start3A_283 = arith.constant 24 : i32
    %dma_start3A_284 = arith.constant 0 : i32
    %dma_start3A_285 = tpu.memref_slice %arg12[%dma_start3A_283, %dma_start3A_284] : memref<80x128xi32, #tpu.memory_space<vmem>> -> memref<1x128xi32, #tpu.memory_space<vmem>>
    %dma_start3A_286 = tpu.memref_squeeze %dma_start3A_285 : memref<1x128xi32, #tpu.memory_space<vmem>> -> memref<128xi32, #tpu.memory_space<vmem>>
    %dma_start3A_287 = arith.constant 0 : i32
    %dma_start3A_288 = arith.constant 0 : i32
    %dma_start3A_289 = tpu.memref_slice %arg15[%dma_start3A_287, %dma_start3A_288] : memref<10240x128xf32, #tpu.memory_space<vmem_shared>> -> memref<10240x128xf32, #tpu.memory_space<vmem_shared>>
    tpu.enqueue_indirect_dma source(%arg14 : memref<128x128xf32, #tpu.memory_space<vmem>>) target(%dma_start3A_289 : memref<10240x128xf32, #tpu.memory_space<vmem_shared>>) offsets(%dma_start3A_286 : memref<128xi32, #tpu.memory_space<vmem>>) semaphore(%arg16 : memref<!tpu.dma_semaphore, #tpu.memory_space<semaphore_mem>>) {add = true}
    %dma_wait3A_290 = arith.constant 16 : i32
    %dma_wait3A_291 = arith.constant 0 : i32
    %dma_wait3A_292 = tpu.memref_slice %arg12[%dma_wait3A_290, %dma_wait3A_291] : memref<80x128xi32, #tpu.memory_space<vmem>> -> memref<1x128xi32, #tpu.memory_space<vmem>>
    %dma_wait3A_293 = tpu.memref_squeeze %dma_wait3A_292 : memref<1x128xi32, #tpu.memory_space<vmem>> -> memref<128xi32, #tpu.memory_space<vmem>>
    %dma_wait3A_294 = arith.constant 0 : i32
    %dma_wait3A_295 = arith.constant 0 : i32
    %dma_wait3A_296 = tpu.memref_slice %arg15[%dma_wait3A_294, %dma_wait3A_295] : memref<10240x128xf32, #tpu.memory_space<vmem_shared>> -> memref<10240x128xf32, #tpu.memory_space<vmem_shared>>
    tpu.wait_indirect_dma semaphore(%arg16 : memref<!tpu.dma_semaphore, #tpu.memory_space<semaphore_mem>>) src(%arg14 : memref<128x128xf32, #tpu.memory_space<vmem>>) dst(%dma_wait3A_296 : memref<10240x128xf32, #tpu.memory_space<vmem_shared>>)
    %dma_start3A_297 = arith.constant 25 : i32
    %dma_start3A_298 = arith.constant 0 : i32
    %dma_start3A_299 = tpu.memref_slice %arg12[%dma_start3A_297, %dma_start3A_298] : memref<80x128xi32, #tpu.memory_space<vmem>> -> memref<1x128xi32, #tpu.memory_space<vmem>>
    %dma_start3A_300 = tpu.memref_squeeze %dma_start3A_299 : memref<1x128xi32, #tpu.memory_space<vmem>> -> memref<128xi32, #tpu.memory_space<vmem>>
    %dma_start3A_301 = arith.constant 0 : i32
    %dma_start3A_302 = arith.constant 0 : i32
    %dma_start3A_303 = tpu.memref_slice %arg15[%dma_start3A_301, %dma_start3A_302] : memref<10240x128xf32, #tpu.memory_space<vmem_shared>> -> memref<10240x128xf32, #tpu.memory_space<vmem_shared>>
    tpu.enqueue_indirect_dma source(%arg14 : memref<128x128xf32, #tpu.memory_space<vmem>>) target(%dma_start3A_303 : memref<10240x128xf32, #tpu.memory_space<vmem_shared>>) offsets(%dma_start3A_300 : memref<128xi32, #tpu.memory_space<vmem>>) semaphore(%arg16 : memref<!tpu.dma_semaphore, #tpu.memory_space<semaphore_mem>>) {add = true}
    %dma_wait3A_304 = arith.constant 17 : i32
    %dma_wait3A_305 = arith.constant 0 : i32
    %dma_wait3A_306 = tpu.memref_slice %arg12[%dma_wait3A_304, %dma_wait3A_305] : memref<80x128xi32, #tpu.memory_space<vmem>> -> memref<1x128xi32, #tpu.memory_space<vmem>>
    %dma_wait3A_307 = tpu.memref_squeeze %dma_wait3A_306 : memref<1x128xi32, #tpu.memory_space<vmem>> -> memref<128xi32, #tpu.memory_space<vmem>>
    %dma_wait3A_308 = arith.constant 0 : i32
    %dma_wait3A_309 = arith.constant 0 : i32
    %dma_wait3A_310 = tpu.memref_slice %arg15[%dma_wait3A_308, %dma_wait3A_309] : memref<10240x128xf32, #tpu.memory_space<vmem_shared>> -> memref<10240x128xf32, #tpu.memory_space<vmem_shared>>
    tpu.wait_indirect_dma semaphore(%arg16 : memref<!tpu.dma_semaphore, #tpu.memory_space<semaphore_mem>>) src(%arg14 : memref<128x128xf32, #tpu.memory_space<vmem>>) dst(%dma_wait3A_310 : memref<10240x128xf32, #tpu.memory_space<vmem_shared>>)
    %dma_start3A_311 = arith.constant 26 : i32
    %dma_start3A_312 = arith.constant 0 : i32
    %dma_start3A_313 = tpu.memref_slice %arg12[%dma_start3A_311, %dma_start3A_312] : memref<80x128xi32, #tpu.memory_space<vmem>> -> memref<1x128xi32, #tpu.memory_space<vmem>>
    %dma_start3A_314 = tpu.memref_squeeze %dma_start3A_313 : memref<1x128xi32, #tpu.memory_space<vmem>> -> memref<128xi32, #tpu.memory_space<vmem>>
    %dma_start3A_315 = arith.constant 0 : i32
    %dma_start3A_316 = arith.constant 0 : i32
    %dma_start3A_317 = tpu.memref_slice %arg15[%dma_start3A_315, %dma_start3A_316] : memref<10240x128xf32, #tpu.memory_space<vmem_shared>> -> memref<10240x128xf32, #tpu.memory_space<vmem_shared>>
    tpu.enqueue_indirect_dma source(%arg14 : memref<128x128xf32, #tpu.memory_space<vmem>>) target(%dma_start3A_317 : memref<10240x128xf32, #tpu.memory_space<vmem_shared>>) offsets(%dma_start3A_314 : memref<128xi32, #tpu.memory_space<vmem>>) semaphore(%arg16 : memref<!tpu.dma_semaphore, #tpu.memory_space<semaphore_mem>>) {add = true}
    %dma_wait3A_318 = arith.constant 18 : i32
    %dma_wait3A_319 = arith.constant 0 : i32
    %dma_wait3A_320 = tpu.memref_slice %arg12[%dma_wait3A_318, %dma_wait3A_319] : memref<80x128xi32, #tpu.memory_space<vmem>> -> memref<1x128xi32, #tpu.memory_space<vmem>>
    %dma_wait3A_321 = tpu.memref_squeeze %dma_wait3A_320 : memref<1x128xi32, #tpu.memory_space<vmem>> -> memref<128xi32, #tpu.memory_space<vmem>>
    %dma_wait3A_322 = arith.constant 0 : i32
    %dma_wait3A_323 = arith.constant 0 : i32
    %dma_wait3A_324 = tpu.memref_slice %arg15[%dma_wait3A_322, %dma_wait3A_323] : memref<10240x128xf32, #tpu.memory_space<vmem_shared>> -> memref<10240x128xf32, #tpu.memory_space<vmem_shared>>
    tpu.wait_indirect_dma semaphore(%arg16 : memref<!tpu.dma_semaphore, #tpu.memory_space<semaphore_mem>>) src(%arg14 : memref<128x128xf32, #tpu.memory_space<vmem>>) dst(%dma_wait3A_324 : memref<10240x128xf32, #tpu.memory_space<vmem_shared>>)
    %dma_start3A_325 = arith.constant 27 : i32
    %dma_start3A_326 = arith.constant 0 : i32
    %dma_start3A_327 = tpu.memref_slice %arg12[%dma_start3A_325, %dma_start3A_326] : memref<80x128xi32, #tpu.memory_space<vmem>> -> memref<1x128xi32, #tpu.memory_space<vmem>>
    %dma_start3A_328 = tpu.memref_squeeze %dma_start3A_327 : memref<1x128xi32, #tpu.memory_space<vmem>> -> memref<128xi32, #tpu.memory_space<vmem>>
    %dma_start3A_329 = arith.constant 0 : i32
    %dma_start3A_330 = arith.constant 0 : i32
    %dma_start3A_331 = tpu.memref_slice %arg15[%dma_start3A_329, %dma_start3A_330] : memref<10240x128xf32, #tpu.memory_space<vmem_shared>> -> memref<10240x128xf32, #tpu.memory_space<vmem_shared>>
    tpu.enqueue_indirect_dma source(%arg14 : memref<128x128xf32, #tpu.memory_space<vmem>>) target(%dma_start3A_331 : memref<10240x128xf32, #tpu.memory_space<vmem_shared>>) offsets(%dma_start3A_328 : memref<128xi32, #tpu.memory_space<vmem>>) semaphore(%arg16 : memref<!tpu.dma_semaphore, #tpu.memory_space<semaphore_mem>>) {add = true}
    %dma_wait3A_332 = arith.constant 19 : i32
    %dma_wait3A_333 = arith.constant 0 : i32
    %dma_wait3A_334 = tpu.memref_slice %arg12[%dma_wait3A_332, %dma_wait3A_333] : memref<80x128xi32, #tpu.memory_space<vmem>> -> memref<1x128xi32, #tpu.memory_space<vmem>>
    %dma_wait3A_335 = tpu.memref_squeeze %dma_wait3A_334 : memref<1x128xi32, #tpu.memory_space<vmem>> -> memref<128xi32, #tpu.memory_space<vmem>>
    %dma_wait3A_336 = arith.constant 0 : i32
    %dma_wait3A_337 = arith.constant 0 : i32
    %dma_wait3A_338 = tpu.memref_slice %arg15[%dma_wait3A_336, %dma_wait3A_337] : memref<10240x128xf32, #tpu.memory_space<vmem_shared>> -> memref<10240x128xf32, #tpu.memory_space<vmem_shared>>
    tpu.wait_indirect_dma semaphore(%arg16 : memref<!tpu.dma_semaphore, #tpu.memory_space<semaphore_mem>>) src(%arg14 : memref<128x128xf32, #tpu.memory_space<vmem>>) dst(%dma_wait3A_338 : memref<10240x128xf32, #tpu.memory_space<vmem_shared>>)
    %dma_start3A_339 = arith.constant 28 : i32
    %dma_start3A_340 = arith.constant 0 : i32
    %dma_start3A_341 = tpu.memref_slice %arg12[%dma_start3A_339, %dma_start3A_340] : memref<80x128xi32, #tpu.memory_space<vmem>> -> memref<1x128xi32, #tpu.memory_space<vmem>>
    %dma_start3A_342 = tpu.memref_squeeze %dma_start3A_341 : memref<1x128xi32, #tpu.memory_space<vmem>> -> memref<128xi32, #tpu.memory_space<vmem>>
    %dma_start3A_343 = arith.constant 0 : i32
    %dma_start3A_344 = arith.constant 0 : i32
    %dma_start3A_345 = tpu.memref_slice %arg15[%dma_start3A_343, %dma_start3A_344] : memref<10240x128xf32, #tpu.memory_space<vmem_shared>> -> memref<10240x128xf32, #tpu.memory_space<vmem_shared>>
    tpu.enqueue_indirect_dma source(%arg14 : memref<128x128xf32, #tpu.memory_space<vmem>>) target(%dma_start3A_345 : memref<10240x128xf32, #tpu.memory_space<vmem_shared>>) offsets(%dma_start3A_342 : memref<128xi32, #tpu.memory_space<vmem>>) semaphore(%arg16 : memref<!tpu.dma_semaphore, #tpu.memory_space<semaphore_mem>>) {add = true}
    %dma_wait3A_346 = arith.constant 20 : i32
    %dma_wait3A_347 = arith.constant 0 : i32
    %dma_wait3A_348 = tpu.memref_slice %arg12[%dma_wait3A_346, %dma_wait3A_347] : memref<80x128xi32, #tpu.memory_space<vmem>> -> memref<1x128xi32, #tpu.memory_space<vmem>>
    %dma_wait3A_349 = tpu.memref_squeeze %dma_wait3A_348 : memref<1x128xi32, #tpu.memory_space<vmem>> -> memref<128xi32, #tpu.memory_space<vmem>>
    %dma_wait3A_350 = arith.constant 0 : i32
    %dma_wait3A_351 = arith.constant 0 : i32
    %dma_wait3A_352 = tpu.memref_slice %arg15[%dma_wait3A_350, %dma_wait3A_351] : memref<10240x128xf32, #tpu.memory_space<vmem_shared>> -> memref<10240x128xf32, #tpu.memory_space<vmem_shared>>
    tpu.wait_indirect_dma semaphore(%arg16 : memref<!tpu.dma_semaphore, #tpu.memory_space<semaphore_mem>>) src(%arg14 : memref<128x128xf32, #tpu.memory_space<vmem>>) dst(%dma_wait3A_352 : memref<10240x128xf32, #tpu.memory_space<vmem_shared>>)
    %dma_start3A_353 = arith.constant 29 : i32
    %dma_start3A_354 = arith.constant 0 : i32
    %dma_start3A_355 = tpu.memref_slice %arg12[%dma_start3A_353, %dma_start3A_354] : memref<80x128xi32, #tpu.memory_space<vmem>> -> memref<1x128xi32, #tpu.memory_space<vmem>>
    %dma_start3A_356 = tpu.memref_squeeze %dma_start3A_355 : memref<1x128xi32, #tpu.memory_space<vmem>> -> memref<128xi32, #tpu.memory_space<vmem>>
    %dma_start3A_357 = arith.constant 0 : i32
    %dma_start3A_358 = arith.constant 0 : i32
    %dma_start3A_359 = tpu.memref_slice %arg15[%dma_start3A_357, %dma_start3A_358] : memref<10240x128xf32, #tpu.memory_space<vmem_shared>> -> memref<10240x128xf32, #tpu.memory_space<vmem_shared>>
    tpu.enqueue_indirect_dma source(%arg14 : memref<128x128xf32, #tpu.memory_space<vmem>>) target(%dma_start3A_359 : memref<10240x128xf32, #tpu.memory_space<vmem_shared>>) offsets(%dma_start3A_356 : memref<128xi32, #tpu.memory_space<vmem>>) semaphore(%arg16 : memref<!tpu.dma_semaphore, #tpu.memory_space<semaphore_mem>>) {add = true}
    %dma_wait3A_360 = arith.constant 21 : i32
    %dma_wait3A_361 = arith.constant 0 : i32
    %dma_wait3A_362 = tpu.memref_slice %arg12[%dma_wait3A_360, %dma_wait3A_361] : memref<80x128xi32, #tpu.memory_space<vmem>> -> memref<1x128xi32, #tpu.memory_space<vmem>>
    %dma_wait3A_363 = tpu.memref_squeeze %dma_wait3A_362 : memref<1x128xi32, #tpu.memory_space<vmem>> -> memref<128xi32, #tpu.memory_space<vmem>>
    %dma_wait3A_364 = arith.constant 0 : i32
    %dma_wait3A_365 = arith.constant 0 : i32
    %dma_wait3A_366 = tpu.memref_slice %arg15[%dma_wait3A_364, %dma_wait3A_365] : memref<10240x128xf32, #tpu.memory_space<vmem_shared>> -> memref<10240x128xf32, #tpu.memory_space<vmem_shared>>
    tpu.wait_indirect_dma semaphore(%arg16 : memref<!tpu.dma_semaphore, #tpu.memory_space<semaphore_mem>>) src(%arg14 : memref<128x128xf32, #tpu.memory_space<vmem>>) dst(%dma_wait3A_366 : memref<10240x128xf32, #tpu.memory_space<vmem_shared>>)
    %dma_start3A_367 = arith.constant 30 : i32
    %dma_start3A_368 = arith.constant 0 : i32
    %dma_start3A_369 = tpu.memref_slice %arg12[%dma_start3A_367, %dma_start3A_368] : memref<80x128xi32, #tpu.memory_space<vmem>> -> memref<1x128xi32, #tpu.memory_space<vmem>>
    %dma_start3A_370 = tpu.memref_squeeze %dma_start3A_369 : memref<1x128xi32, #tpu.memory_space<vmem>> -> memref<128xi32, #tpu.memory_space<vmem>>
    %dma_start3A_371 = arith.constant 0 : i32
    %dma_start3A_372 = arith.constant 0 : i32
    %dma_start3A_373 = tpu.memref_slice %arg15[%dma_start3A_371, %dma_start3A_372] : memref<10240x128xf32, #tpu.memory_space<vmem_shared>> -> memref<10240x128xf32, #tpu.memory_space<vmem_shared>>
    tpu.enqueue_indirect_dma source(%arg14 : memref<128x128xf32, #tpu.memory_space<vmem>>) target(%dma_start3A_373 : memref<10240x128xf32, #tpu.memory_space<vmem_shared>>) offsets(%dma_start3A_370 : memref<128xi32, #tpu.memory_space<vmem>>) semaphore(%arg16 : memref<!tpu.dma_semaphore, #tpu.memory_space<semaphore_mem>>) {add = true}
    %dma_wait3A_374 = arith.constant 22 : i32
    %dma_wait3A_375 = arith.constant 0 : i32
    %dma_wait3A_376 = tpu.memref_slice %arg12[%dma_wait3A_374, %dma_wait3A_375] : memref<80x128xi32, #tpu.memory_space<vmem>> -> memref<1x128xi32, #tpu.memory_space<vmem>>
    %dma_wait3A_377 = tpu.memref_squeeze %dma_wait3A_376 : memref<1x128xi32, #tpu.memory_space<vmem>> -> memref<128xi32, #tpu.memory_space<vmem>>
    %dma_wait3A_378 = arith.constant 0 : i32
    %dma_wait3A_379 = arith.constant 0 : i32
    %dma_wait3A_380 = tpu.memref_slice %arg15[%dma_wait3A_378, %dma_wait3A_379] : memref<10240x128xf32, #tpu.memory_space<vmem_shared>> -> memref<10240x128xf32, #tpu.memory_space<vmem_shared>>
    tpu.wait_indirect_dma semaphore(%arg16 : memref<!tpu.dma_semaphore, #tpu.memory_space<semaphore_mem>>) src(%arg14 : memref<128x128xf32, #tpu.memory_space<vmem>>) dst(%dma_wait3A_380 : memref<10240x128xf32, #tpu.memory_space<vmem_shared>>)
    %dma_start3A_381 = arith.constant 31 : i32
    %dma_start3A_382 = arith.constant 0 : i32
    %dma_start3A_383 = tpu.memref_slice %arg12[%dma_start3A_381, %dma_start3A_382] : memref<80x128xi32, #tpu.memory_space<vmem>> -> memref<1x128xi32, #tpu.memory_space<vmem>>
    %dma_start3A_384 = tpu.memref_squeeze %dma_start3A_383 : memref<1x128xi32, #tpu.memory_space<vmem>> -> memref<128xi32, #tpu.memory_space<vmem>>
    %dma_start3A_385 = arith.constant 0 : i32
    %dma_start3A_386 = arith.constant 0 : i32
    %dma_start3A_387 = tpu.memref_slice %arg15[%dma_start3A_385, %dma_start3A_386] : memref<10240x128xf32, #tpu.memory_space<vmem_shared>> -> memref<10240x128xf32, #tpu.memory_space<vmem_shared>>
    tpu.enqueue_indirect_dma source(%arg14 : memref<128x128xf32, #tpu.memory_space<vmem>>) target(%dma_start3A_387 : memref<10240x128xf32, #tpu.memory_space<vmem_shared>>) offsets(%dma_start3A_384 : memref<128xi32, #tpu.memory_space<vmem>>) semaphore(%arg16 : memref<!tpu.dma_semaphore, #tpu.memory_space<semaphore_mem>>) {add = true}
    %dma_wait3A_388 = arith.constant 23 : i32
    %dma_wait3A_389 = arith.constant 0 : i32
    %dma_wait3A_390 = tpu.memref_slice %arg12[%dma_wait3A_388, %dma_wait3A_389] : memref<80x128xi32, #tpu.memory_space<vmem>> -> memref<1x128xi32, #tpu.memory_space<vmem>>
    %dma_wait3A_391 = tpu.memref_squeeze %dma_wait3A_390 : memref<1x128xi32, #tpu.memory_space<vmem>> -> memref<128xi32, #tpu.memory_space<vmem>>
    %dma_wait3A_392 = arith.constant 0 : i32
    %dma_wait3A_393 = arith.constant 0 : i32
    %dma_wait3A_394 = tpu.memref_slice %arg15[%dma_wait3A_392, %dma_wait3A_393] : memref<10240x128xf32, #tpu.memory_space<vmem_shared>> -> memref<10240x128xf32, #tpu.memory_space<vmem_shared>>
    tpu.wait_indirect_dma semaphore(%arg16 : memref<!tpu.dma_semaphore, #tpu.memory_space<semaphore_mem>>) src(%arg14 : memref<128x128xf32, #tpu.memory_space<vmem>>) dst(%dma_wait3A_394 : memref<10240x128xf32, #tpu.memory_space<vmem_shared>>)
    %dma_start3A_395 = arith.constant 32 : i32
    %dma_start3A_396 = arith.constant 0 : i32
    %dma_start3A_397 = tpu.memref_slice %arg12[%dma_start3A_395, %dma_start3A_396] : memref<80x128xi32, #tpu.memory_space<vmem>> -> memref<1x128xi32, #tpu.memory_space<vmem>>
    %dma_start3A_398 = tpu.memref_squeeze %dma_start3A_397 : memref<1x128xi32, #tpu.memory_space<vmem>> -> memref<128xi32, #tpu.memory_space<vmem>>
    %dma_start3A_399 = arith.constant 0 : i32
    %dma_start3A_400 = arith.constant 0 : i32
    %dma_start3A_401 = tpu.memref_slice %arg15[%dma_start3A_399, %dma_start3A_400] : memref<10240x128xf32, #tpu.memory_space<vmem_shared>> -> memref<10240x128xf32, #tpu.memory_space<vmem_shared>>
    tpu.enqueue_indirect_dma source(%arg14 : memref<128x128xf32, #tpu.memory_space<vmem>>) target(%dma_start3A_401 : memref<10240x128xf32, #tpu.memory_space<vmem_shared>>) offsets(%dma_start3A_398 : memref<128xi32, #tpu.memory_space<vmem>>) semaphore(%arg16 : memref<!tpu.dma_semaphore, #tpu.memory_space<semaphore_mem>>) {add = true}
    %dma_wait3A_402 = arith.constant 24 : i32
    %dma_wait3A_403 = arith.constant 0 : i32
    %dma_wait3A_404 = tpu.memref_slice %arg12[%dma_wait3A_402, %dma_wait3A_403] : memref<80x128xi32, #tpu.memory_space<vmem>> -> memref<1x128xi32, #tpu.memory_space<vmem>>
    %dma_wait3A_405 = tpu.memref_squeeze %dma_wait3A_404 : memref<1x128xi32, #tpu.memory_space<vmem>> -> memref<128xi32, #tpu.memory_space<vmem>>
    %dma_wait3A_406 = arith.constant 0 : i32
    %dma_wait3A_407 = arith.constant 0 : i32
    %dma_wait3A_408 = tpu.memref_slice %arg15[%dma_wait3A_406, %dma_wait3A_407] : memref<10240x128xf32, #tpu.memory_space<vmem_shared>> -> memref<10240x128xf32, #tpu.memory_space<vmem_shared>>
    tpu.wait_indirect_dma semaphore(%arg16 : memref<!tpu.dma_semaphore, #tpu.memory_space<semaphore_mem>>) src(%arg14 : memref<128x128xf32, #tpu.memory_space<vmem>>) dst(%dma_wait3A_408 : memref<10240x128xf32, #tpu.memory_space<vmem_shared>>)
    %dma_start3A_409 = arith.constant 33 : i32
    %dma_start3A_410 = arith.constant 0 : i32
    %dma_start3A_411 = tpu.memref_slice %arg12[%dma_start3A_409, %dma_start3A_410] : memref<80x128xi32, #tpu.memory_space<vmem>> -> memref<1x128xi32, #tpu.memory_space<vmem>>
    %dma_start3A_412 = tpu.memref_squeeze %dma_start3A_411 : memref<1x128xi32, #tpu.memory_space<vmem>> -> memref<128xi32, #tpu.memory_space<vmem>>
    %dma_start3A_413 = arith.constant 0 : i32
    %dma_start3A_414 = arith.constant 0 : i32
    %dma_start3A_415 = tpu.memref_slice %arg15[%dma_start3A_413, %dma_start3A_414] : memref<10240x128xf32, #tpu.memory_space<vmem_shared>> -> memref<10240x128xf32, #tpu.memory_space<vmem_shared>>
    tpu.enqueue_indirect_dma source(%arg14 : memref<128x128xf32, #tpu.memory_space<vmem>>) target(%dma_start3A_415 : memref<10240x128xf32, #tpu.memory_space<vmem_shared>>) offsets(%dma_start3A_412 : memref<128xi32, #tpu.memory_space<vmem>>) semaphore(%arg16 : memref<!tpu.dma_semaphore, #tpu.memory_space<semaphore_mem>>) {add = true}
    %dma_wait3A_416 = arith.constant 25 : i32
    %dma_wait3A_417 = arith.constant 0 : i32
    %dma_wait3A_418 = tpu.memref_slice %arg12[%dma_wait3A_416, %dma_wait3A_417] : memref<80x128xi32, #tpu.memory_space<vmem>> -> memref<1x128xi32, #tpu.memory_space<vmem>>
    %dma_wait3A_419 = tpu.memref_squeeze %dma_wait3A_418 : memref<1x128xi32, #tpu.memory_space<vmem>> -> memref<128xi32, #tpu.memory_space<vmem>>
    %dma_wait3A_420 = arith.constant 0 : i32
    %dma_wait3A_421 = arith.constant 0 : i32
    %dma_wait3A_422 = tpu.memref_slice %arg15[%dma_wait3A_420, %dma_wait3A_421] : memref<10240x128xf32, #tpu.memory_space<vmem_shared>> -> memref<10240x128xf32, #tpu.memory_space<vmem_shared>>
    tpu.wait_indirect_dma semaphore(%arg16 : memref<!tpu.dma_semaphore, #tpu.memory_space<semaphore_mem>>) src(%arg14 : memref<128x128xf32, #tpu.memory_space<vmem>>) dst(%dma_wait3A_422 : memref<10240x128xf32, #tpu.memory_space<vmem_shared>>)
    %dma_start3A_423 = arith.constant 34 : i32
    %dma_start3A_424 = arith.constant 0 : i32
    %dma_start3A_425 = tpu.memref_slice %arg12[%dma_start3A_423, %dma_start3A_424] : memref<80x128xi32, #tpu.memory_space<vmem>> -> memref<1x128xi32, #tpu.memory_space<vmem>>
    %dma_start3A_426 = tpu.memref_squeeze %dma_start3A_425 : memref<1x128xi32, #tpu.memory_space<vmem>> -> memref<128xi32, #tpu.memory_space<vmem>>
    %dma_start3A_427 = arith.constant 0 : i32
    %dma_start3A_428 = arith.constant 0 : i32
    %dma_start3A_429 = tpu.memref_slice %arg15[%dma_start3A_427, %dma_start3A_428] : memref<10240x128xf32, #tpu.memory_space<vmem_shared>> -> memref<10240x128xf32, #tpu.memory_space<vmem_shared>>
    tpu.enqueue_indirect_dma source(%arg14 : memref<128x128xf32, #tpu.memory_space<vmem>>) target(%dma_start3A_429 : memref<10240x128xf32, #tpu.memory_space<vmem_shared>>) offsets(%dma_start3A_426 : memref<128xi32, #tpu.memory_space<vmem>>) semaphore(%arg16 : memref<!tpu.dma_semaphore, #tpu.memory_space<semaphore_mem>>) {add = true}
    %dma_wait3A_430 = arith.constant 26 : i32
    %dma_wait3A_431 = arith.constant 0 : i32
    %dma_wait3A_432 = tpu.memref_slice %arg12[%dma_wait3A_430, %dma_wait3A_431] : memref<80x128xi32, #tpu.memory_space<vmem>> -> memref<1x128xi32, #tpu.memory_space<vmem>>
    %dma_wait3A_433 = tpu.memref_squeeze %dma_wait3A_432 : memref<1x128xi32, #tpu.memory_space<vmem>> -> memref<128xi32, #tpu.memory_space<vmem>>
    %dma_wait3A_434 = arith.constant 0 : i32
    %dma_wait3A_435 = arith.constant 0 : i32
    %dma_wait3A_436 = tpu.memref_slice %arg15[%dma_wait3A_434, %dma_wait3A_435] : memref<10240x128xf32, #tpu.memory_space<vmem_shared>> -> memref<10240x128xf32, #tpu.memory_space<vmem_shared>>
    tpu.wait_indirect_dma semaphore(%arg16 : memref<!tpu.dma_semaphore, #tpu.memory_space<semaphore_mem>>) src(%arg14 : memref<128x128xf32, #tpu.memory_space<vmem>>) dst(%dma_wait3A_436 : memref<10240x128xf32, #tpu.memory_space<vmem_shared>>)
    %dma_start3A_437 = arith.constant 35 : i32
    %dma_start3A_438 = arith.constant 0 : i32
    %dma_start3A_439 = tpu.memref_slice %arg12[%dma_start3A_437, %dma_start3A_438] : memref<80x128xi32, #tpu.memory_space<vmem>> -> memref<1x128xi32, #tpu.memory_space<vmem>>
    %dma_start3A_440 = tpu.memref_squeeze %dma_start3A_439 : memref<1x128xi32, #tpu.memory_space<vmem>> -> memref<128xi32, #tpu.memory_space<vmem>>
    %dma_start3A_441 = arith.constant 0 : i32
    %dma_start3A_442 = arith.constant 0 : i32
    %dma_start3A_443 = tpu.memref_slice %arg15[%dma_start3A_441, %dma_start3A_442] : memref<10240x128xf32, #tpu.memory_space<vmem_shared>> -> memref<10240x128xf32, #tpu.memory_space<vmem_shared>>
    tpu.enqueue_indirect_dma source(%arg14 : memref<128x128xf32, #tpu.memory_space<vmem>>) target(%dma_start3A_443 : memref<10240x128xf32, #tpu.memory_space<vmem_shared>>) offsets(%dma_start3A_440 : memref<128xi32, #tpu.memory_space<vmem>>) semaphore(%arg16 : memref<!tpu.dma_semaphore, #tpu.memory_space<semaphore_mem>>) {add = true}
    %dma_wait3A_444 = arith.constant 27 : i32
    %dma_wait3A_445 = arith.constant 0 : i32
    %dma_wait3A_446 = tpu.memref_slice %arg12[%dma_wait3A_444, %dma_wait3A_445] : memref<80x128xi32, #tpu.memory_space<vmem>> -> memref<1x128xi32, #tpu.memory_space<vmem>>
    %dma_wait3A_447 = tpu.memref_squeeze %dma_wait3A_446 : memref<1x128xi32, #tpu.memory_space<vmem>> -> memref<128xi32, #tpu.memory_space<vmem>>
    %dma_wait3A_448 = arith.constant 0 : i32
    %dma_wait3A_449 = arith.constant 0 : i32
    %dma_wait3A_450 = tpu.memref_slice %arg15[%dma_wait3A_448, %dma_wait3A_449] : memref<10240x128xf32, #tpu.memory_space<vmem_shared>> -> memref<10240x128xf32, #tpu.memory_space<vmem_shared>>
    tpu.wait_indirect_dma semaphore(%arg16 : memref<!tpu.dma_semaphore, #tpu.memory_space<semaphore_mem>>) src(%arg14 : memref<128x128xf32, #tpu.memory_space<vmem>>) dst(%dma_wait3A_450 : memref<10240x128xf32, #tpu.memory_space<vmem_shared>>)
    %dma_start3A_451 = arith.constant 36 : i32
    %dma_start3A_452 = arith.constant 0 : i32
    %dma_start3A_453 = tpu.memref_slice %arg12[%dma_start3A_451, %dma_start3A_452] : memref<80x128xi32, #tpu.memory_space<vmem>> -> memref<1x128xi32, #tpu.memory_space<vmem>>
    %dma_start3A_454 = tpu.memref_squeeze %dma_start3A_453 : memref<1x128xi32, #tpu.memory_space<vmem>> -> memref<128xi32, #tpu.memory_space<vmem>>
    %dma_start3A_455 = arith.constant 0 : i32
    %dma_start3A_456 = arith.constant 0 : i32
    %dma_start3A_457 = tpu.memref_slice %arg15[%dma_start3A_455, %dma_start3A_456] : memref<10240x128xf32, #tpu.memory_space<vmem_shared>> -> memref<10240x128xf32, #tpu.memory_space<vmem_shared>>
    tpu.enqueue_indirect_dma source(%arg14 : memref<128x128xf32, #tpu.memory_space<vmem>>) target(%dma_start3A_457 : memref<10240x128xf32, #tpu.memory_space<vmem_shared>>) offsets(%dma_start3A_454 : memref<128xi32, #tpu.memory_space<vmem>>) semaphore(%arg16 : memref<!tpu.dma_semaphore, #tpu.memory_space<semaphore_mem>>) {add = true}
    %dma_wait3A_458 = arith.constant 28 : i32
    %dma_wait3A_459 = arith.constant 0 : i32
    %dma_wait3A_460 = tpu.memref_slice %arg12[%dma_wait3A_458, %dma_wait3A_459] : memref<80x128xi32, #tpu.memory_space<vmem>> -> memref<1x128xi32, #tpu.memory_space<vmem>>
    %dma_wait3A_461 = tpu.memref_squeeze %dma_wait3A_460 : memref<1x128xi32, #tpu.memory_space<vmem>> -> memref<128xi32, #tpu.memory_space<vmem>>
    %dma_wait3A_462 = arith.constant 0 : i32
    %dma_wait3A_463 = arith.constant 0 : i32
    %dma_wait3A_464 = tpu.memref_slice %arg15[%dma_wait3A_462, %dma_wait3A_463] : memref<10240x128xf32, #tpu.memory_space<vmem_shared>> -> memref<10240x128xf32, #tpu.memory_space<vmem_shared>>
    tpu.wait_indirect_dma semaphore(%arg16 : memref<!tpu.dma_semaphore, #tpu.memory_space<semaphore_mem>>) src(%arg14 : memref<128x128xf32, #tpu.memory_space<vmem>>) dst(%dma_wait3A_464 : memref<10240x128xf32, #tpu.memory_space<vmem_shared>>)
    %dma_start3A_465 = arith.constant 37 : i32
    %dma_start3A_466 = arith.constant 0 : i32
    %dma_start3A_467 = tpu.memref_slice %arg12[%dma_start3A_465, %dma_start3A_466] : memref<80x128xi32, #tpu.memory_space<vmem>> -> memref<1x128xi32, #tpu.memory_space<vmem>>
    %dma_start3A_468 = tpu.memref_squeeze %dma_start3A_467 : memref<1x128xi32, #tpu.memory_space<vmem>> -> memref<128xi32, #tpu.memory_space<vmem>>
    %dma_start3A_469 = arith.constant 0 : i32
    %dma_start3A_470 = arith.constant 0 : i32
    %dma_start3A_471 = tpu.memref_slice %arg15[%dma_start3A_469, %dma_start3A_470] : memref<10240x128xf32, #tpu.memory_space<vmem_shared>> -> memref<10240x128xf32, #tpu.memory_space<vmem_shared>>
    tpu.enqueue_indirect_dma source(%arg14 : memref<128x128xf32, #tpu.memory_space<vmem>>) target(%dma_start3A_471 : memref<10240x128xf32, #tpu.memory_space<vmem_shared>>) offsets(%dma_start3A_468 : memref<128xi32, #tpu.memory_space<vmem>>) semaphore(%arg16 : memref<!tpu.dma_semaphore, #tpu.memory_space<semaphore_mem>>) {add = true}
    %dma_wait3A_472 = arith.constant 29 : i32
    %dma_wait3A_473 = arith.constant 0 : i32
    %dma_wait3A_474 = tpu.memref_slice %arg12[%dma_wait3A_472, %dma_wait3A_473] : memref<80x128xi32, #tpu.memory_space<vmem>> -> memref<1x128xi32, #tpu.memory_space<vmem>>
    %dma_wait3A_475 = tpu.memref_squeeze %dma_wait3A_474 : memref<1x128xi32, #tpu.memory_space<vmem>> -> memref<128xi32, #tpu.memory_space<vmem>>
    %dma_wait3A_476 = arith.constant 0 : i32
    %dma_wait3A_477 = arith.constant 0 : i32
    %dma_wait3A_478 = tpu.memref_slice %arg15[%dma_wait3A_476, %dma_wait3A_477] : memref<10240x128xf32, #tpu.memory_space<vmem_shared>> -> memref<10240x128xf32, #tpu.memory_space<vmem_shared>>
    tpu.wait_indirect_dma semaphore(%arg16 : memref<!tpu.dma_semaphore, #tpu.memory_space<semaphore_mem>>) src(%arg14 : memref<128x128xf32, #tpu.memory_space<vmem>>) dst(%dma_wait3A_478 : memref<10240x128xf32, #tpu.memory_space<vmem_shared>>)
    %dma_start3A_479 = arith.constant 38 : i32
    %dma_start3A_480 = arith.constant 0 : i32
    %dma_start3A_481 = tpu.memref_slice %arg12[%dma_start3A_479, %dma_start3A_480] : memref<80x128xi32, #tpu.memory_space<vmem>> -> memref<1x128xi32, #tpu.memory_space<vmem>>
    %dma_start3A_482 = tpu.memref_squeeze %dma_start3A_481 : memref<1x128xi32, #tpu.memory_space<vmem>> -> memref<128xi32, #tpu.memory_space<vmem>>
    %dma_start3A_483 = arith.constant 0 : i32
    %dma_start3A_484 = arith.constant 0 : i32
    %dma_start3A_485 = tpu.memref_slice %arg15[%dma_start3A_483, %dma_start3A_484] : memref<10240x128xf32, #tpu.memory_space<vmem_shared>> -> memref<10240x128xf32, #tpu.memory_space<vmem_shared>>
    tpu.enqueue_indirect_dma source(%arg14 : memref<128x128xf32, #tpu.memory_space<vmem>>) target(%dma_start3A_485 : memref<10240x128xf32, #tpu.memory_space<vmem_shared>>) offsets(%dma_start3A_482 : memref<128xi32, #tpu.memory_space<vmem>>) semaphore(%arg16 : memref<!tpu.dma_semaphore, #tpu.memory_space<semaphore_mem>>) {add = true}
    %dma_wait3A_486 = arith.constant 30 : i32
    %dma_wait3A_487 = arith.constant 0 : i32
    %dma_wait3A_488 = tpu.memref_slice %arg12[%dma_wait3A_486, %dma_wait3A_487] : memref<80x128xi32, #tpu.memory_space<vmem>> -> memref<1x128xi32, #tpu.memory_space<vmem>>
    %dma_wait3A_489 = tpu.memref_squeeze %dma_wait3A_488 : memref<1x128xi32, #tpu.memory_space<vmem>> -> memref<128xi32, #tpu.memory_space<vmem>>
    %dma_wait3A_490 = arith.constant 0 : i32
    %dma_wait3A_491 = arith.constant 0 : i32
    %dma_wait3A_492 = tpu.memref_slice %arg15[%dma_wait3A_490, %dma_wait3A_491] : memref<10240x128xf32, #tpu.memory_space<vmem_shared>> -> memref<10240x128xf32, #tpu.memory_space<vmem_shared>>
    tpu.wait_indirect_dma semaphore(%arg16 : memref<!tpu.dma_semaphore, #tpu.memory_space<semaphore_mem>>) src(%arg14 : memref<128x128xf32, #tpu.memory_space<vmem>>) dst(%dma_wait3A_492 : memref<10240x128xf32, #tpu.memory_space<vmem_shared>>)
    %dma_start3A_493 = arith.constant 39 : i32
    %dma_start3A_494 = arith.constant 0 : i32
    %dma_start3A_495 = tpu.memref_slice %arg12[%dma_start3A_493, %dma_start3A_494] : memref<80x128xi32, #tpu.memory_space<vmem>> -> memref<1x128xi32, #tpu.memory_space<vmem>>
    %dma_start3A_496 = tpu.memref_squeeze %dma_start3A_495 : memref<1x128xi32, #tpu.memory_space<vmem>> -> memref<128xi32, #tpu.memory_space<vmem>>
    %dma_start3A_497 = arith.constant 0 : i32
    %dma_start3A_498 = arith.constant 0 : i32
    %dma_start3A_499 = tpu.memref_slice %arg15[%dma_start3A_497, %dma_start3A_498] : memref<10240x128xf32, #tpu.memory_space<vmem_shared>> -> memref<10240x128xf32, #tpu.memory_space<vmem_shared>>
    tpu.enqueue_indirect_dma source(%arg14 : memref<128x128xf32, #tpu.memory_space<vmem>>) target(%dma_start3A_499 : memref<10240x128xf32, #tpu.memory_space<vmem_shared>>) offsets(%dma_start3A_496 : memref<128xi32, #tpu.memory_space<vmem>>) semaphore(%arg16 : memref<!tpu.dma_semaphore, #tpu.memory_space<semaphore_mem>>) {add = true}
    %dma_wait3A_500 = arith.constant 31 : i32
    %dma_wait3A_501 = arith.constant 0 : i32
    %dma_wait3A_502 = tpu.memref_slice %arg12[%dma_wait3A_500, %dma_wait3A_501] : memref<80x128xi32, #tpu.memory_space<vmem>> -> memref<1x128xi32, #tpu.memory_space<vmem>>
    %dma_wait3A_503 = tpu.memref_squeeze %dma_wait3A_502 : memref<1x128xi32, #tpu.memory_space<vmem>> -> memref<128xi32, #tpu.memory_space<vmem>>
    %dma_wait3A_504 = arith.constant 0 : i32
    %dma_wait3A_505 = arith.constant 0 : i32
    %dma_wait3A_506 = tpu.memref_slice %arg15[%dma_wait3A_504, %dma_wait3A_505] : memref<10240x128xf32, #tpu.memory_space<vmem_shared>> -> memref<10240x128xf32, #tpu.memory_space<vmem_shared>>
    tpu.wait_indirect_dma semaphore(%arg16 : memref<!tpu.dma_semaphore, #tpu.memory_space<semaphore_mem>>) src(%arg14 : memref<128x128xf32, #tpu.memory_space<vmem>>) dst(%dma_wait3A_506 : memref<10240x128xf32, #tpu.memory_space<vmem_shared>>)
    %dma_start3A_507 = arith.constant 40 : i32
    %dma_start3A_508 = arith.constant 0 : i32
    %dma_start3A_509 = tpu.memref_slice %arg12[%dma_start3A_507, %dma_start3A_508] : memref<80x128xi32, #tpu.memory_space<vmem>> -> memref<1x128xi32, #tpu.memory_space<vmem>>
    %dma_start3A_510 = tpu.memref_squeeze %dma_start3A_509 : memref<1x128xi32, #tpu.memory_space<vmem>> -> memref<128xi32, #tpu.memory_space<vmem>>
    %dma_start3A_511 = arith.constant 0 : i32
    %dma_start3A_512 = arith.constant 0 : i32
    %dma_start3A_513 = tpu.memref_slice %arg15[%dma_start3A_511, %dma_start3A_512] : memref<10240x128xf32, #tpu.memory_space<vmem_shared>> -> memref<10240x128xf32, #tpu.memory_space<vmem_shared>>
    tpu.enqueue_indirect_dma source(%arg14 : memref<128x128xf32, #tpu.memory_space<vmem>>) target(%dma_start3A_513 : memref<10240x128xf32, #tpu.memory_space<vmem_shared>>) offsets(%dma_start3A_510 : memref<128xi32, #tpu.memory_space<vmem>>) semaphore(%arg16 : memref<!tpu.dma_semaphore, #tpu.memory_space<semaphore_mem>>) {add = true}
    %dma_wait3A_514 = arith.constant 32 : i32
    %dma_wait3A_515 = arith.constant 0 : i32
    %dma_wait3A_516 = tpu.memref_slice %arg12[%dma_wait3A_514, %dma_wait3A_515] : memref<80x128xi32, #tpu.memory_space<vmem>> -> memref<1x128xi32, #tpu.memory_space<vmem>>
    %dma_wait3A_517 = tpu.memref_squeeze %dma_wait3A_516 : memref<1x128xi32, #tpu.memory_space<vmem>> -> memref<128xi32, #tpu.memory_space<vmem>>
    %dma_wait3A_518 = arith.constant 0 : i32
    %dma_wait3A_519 = arith.constant 0 : i32
    %dma_wait3A_520 = tpu.memref_slice %arg15[%dma_wait3A_518, %dma_wait3A_519] : memref<10240x128xf32, #tpu.memory_space<vmem_shared>> -> memref<10240x128xf32, #tpu.memory_space<vmem_shared>>
    tpu.wait_indirect_dma semaphore(%arg16 : memref<!tpu.dma_semaphore, #tpu.memory_space<semaphore_mem>>) src(%arg14 : memref<128x128xf32, #tpu.memory_space<vmem>>) dst(%dma_wait3A_520 : memref<10240x128xf32, #tpu.memory_space<vmem_shared>>)
    %dma_start3A_521 = arith.constant 41 : i32
    %dma_start3A_522 = arith.constant 0 : i32
    %dma_start3A_523 = tpu.memref_slice %arg12[%dma_start3A_521, %dma_start3A_522] : memref<80x128xi32, #tpu.memory_space<vmem>> -> memref<1x128xi32, #tpu.memory_space<vmem>>
    %dma_start3A_524 = tpu.memref_squeeze %dma_start3A_523 : memref<1x128xi32, #tpu.memory_space<vmem>> -> memref<128xi32, #tpu.memory_space<vmem>>
    %dma_start3A_525 = arith.constant 0 : i32
    %dma_start3A_526 = arith.constant 0 : i32
    %dma_start3A_527 = tpu.memref_slice %arg15[%dma_start3A_525, %dma_start3A_526] : memref<10240x128xf32, #tpu.memory_space<vmem_shared>> -> memref<10240x128xf32, #tpu.memory_space<vmem_shared>>
    tpu.enqueue_indirect_dma source(%arg14 : memref<128x128xf32, #tpu.memory_space<vmem>>) target(%dma_start3A_527 : memref<10240x128xf32, #tpu.memory_space<vmem_shared>>) offsets(%dma_start3A_524 : memref<128xi32, #tpu.memory_space<vmem>>) semaphore(%arg16 : memref<!tpu.dma_semaphore, #tpu.memory_space<semaphore_mem>>) {add = true}
    %dma_wait3A_528 = arith.constant 33 : i32
    %dma_wait3A_529 = arith.constant 0 : i32
    %dma_wait3A_530 = tpu.memref_slice %arg12[%dma_wait3A_528, %dma_wait3A_529] : memref<80x128xi32, #tpu.memory_space<vmem>> -> memref<1x128xi32, #tpu.memory_space<vmem>>
    %dma_wait3A_531 = tpu.memref_squeeze %dma_wait3A_530 : memref<1x128xi32, #tpu.memory_space<vmem>> -> memref<128xi32, #tpu.memory_space<vmem>>
    %dma_wait3A_532 = arith.constant 0 : i32
    %dma_wait3A_533 = arith.constant 0 : i32
    %dma_wait3A_534 = tpu.memref_slice %arg15[%dma_wait3A_532, %dma_wait3A_533] : memref<10240x128xf32, #tpu.memory_space<vmem_shared>> -> memref<10240x128xf32, #tpu.memory_space<vmem_shared>>
    tpu.wait_indirect_dma semaphore(%arg16 : memref<!tpu.dma_semaphore, #tpu.memory_space<semaphore_mem>>) src(%arg14 : memref<128x128xf32, #tpu.memory_space<vmem>>) dst(%dma_wait3A_534 : memref<10240x128xf32, #tpu.memory_space<vmem_shared>>)
    %dma_start3A_535 = arith.constant 42 : i32
    %dma_start3A_536 = arith.constant 0 : i32
    %dma_start3A_537 = tpu.memref_slice %arg12[%dma_start3A_535, %dma_start3A_536] : memref<80x128xi32, #tpu.memory_space<vmem>> -> memref<1x128xi32, #tpu.memory_space<vmem>>
    %dma_start3A_538 = tpu.memref_squeeze %dma_start3A_537 : memref<1x128xi32, #tpu.memory_space<vmem>> -> memref<128xi32, #tpu.memory_space<vmem>>
    %dma_start3A_539 = arith.constant 0 : i32
    %dma_start3A_540 = arith.constant 0 : i32
    %dma_start3A_541 = tpu.memref_slice %arg15[%dma_start3A_539, %dma_start3A_540] : memref<10240x128xf32, #tpu.memory_space<vmem_shared>> -> memref<10240x128xf32, #tpu.memory_space<vmem_shared>>
    tpu.enqueue_indirect_dma source(%arg14 : memref<128x128xf32, #tpu.memory_space<vmem>>) target(%dma_start3A_541 : memref<10240x128xf32, #tpu.memory_space<vmem_shared>>) offsets(%dma_start3A_538 : memref<128xi32, #tpu.memory_space<vmem>>) semaphore(%arg16 : memref<!tpu.dma_semaphore, #tpu.memory_space<semaphore_mem>>) {add = true}
    %dma_wait3A_542 = arith.constant 34 : i32
    %dma_wait3A_543 = arith.constant 0 : i32
    %dma_wait3A_544 = tpu.memref_slice %arg12[%dma_wait3A_542, %dma_wait3A_543] : memref<80x128xi32, #tpu.memory_space<vmem>> -> memref<1x128xi32, #tpu.memory_space<vmem>>
    %dma_wait3A_545 = tpu.memref_squeeze %dma_wait3A_544 : memref<1x128xi32, #tpu.memory_space<vmem>> -> memref<128xi32, #tpu.memory_space<vmem>>
    %dma_wait3A_546 = arith.constant 0 : i32
    %dma_wait3A_547 = arith.constant 0 : i32
    %dma_wait3A_548 = tpu.memref_slice %arg15[%dma_wait3A_546, %dma_wait3A_547] : memref<10240x128xf32, #tpu.memory_space<vmem_shared>> -> memref<10240x128xf32, #tpu.memory_space<vmem_shared>>
    tpu.wait_indirect_dma semaphore(%arg16 : memref<!tpu.dma_semaphore, #tpu.memory_space<semaphore_mem>>) src(%arg14 : memref<128x128xf32, #tpu.memory_space<vmem>>) dst(%dma_wait3A_548 : memref<10240x128xf32, #tpu.memory_space<vmem_shared>>)
    %dma_start3A_549 = arith.constant 43 : i32
    %dma_start3A_550 = arith.constant 0 : i32
    %dma_start3A_551 = tpu.memref_slice %arg12[%dma_start3A_549, %dma_start3A_550] : memref<80x128xi32, #tpu.memory_space<vmem>> -> memref<1x128xi32, #tpu.memory_space<vmem>>
    %dma_start3A_552 = tpu.memref_squeeze %dma_start3A_551 : memref<1x128xi32, #tpu.memory_space<vmem>> -> memref<128xi32, #tpu.memory_space<vmem>>
    %dma_start3A_553 = arith.constant 0 : i32
    %dma_start3A_554 = arith.constant 0 : i32
    %dma_start3A_555 = tpu.memref_slice %arg15[%dma_start3A_553, %dma_start3A_554] : memref<10240x128xf32, #tpu.memory_space<vmem_shared>> -> memref<10240x128xf32, #tpu.memory_space<vmem_shared>>
    tpu.enqueue_indirect_dma source(%arg14 : memref<128x128xf32, #tpu.memory_space<vmem>>) target(%dma_start3A_555 : memref<10240x128xf32, #tpu.memory_space<vmem_shared>>) offsets(%dma_start3A_552 : memref<128xi32, #tpu.memory_space<vmem>>) semaphore(%arg16 : memref<!tpu.dma_semaphore, #tpu.memory_space<semaphore_mem>>) {add = true}
    %dma_wait3A_556 = arith.constant 35 : i32
    %dma_wait3A_557 = arith.constant 0 : i32
    %dma_wait3A_558 = tpu.memref_slice %arg12[%dma_wait3A_556, %dma_wait3A_557] : memref<80x128xi32, #tpu.memory_space<vmem>> -> memref<1x128xi32, #tpu.memory_space<vmem>>
    %dma_wait3A_559 = tpu.memref_squeeze %dma_wait3A_558 : memref<1x128xi32, #tpu.memory_space<vmem>> -> memref<128xi32, #tpu.memory_space<vmem>>
    %dma_wait3A_560 = arith.constant 0 : i32
    %dma_wait3A_561 = arith.constant 0 : i32
    %dma_wait3A_562 = tpu.memref_slice %arg15[%dma_wait3A_560, %dma_wait3A_561] : memref<10240x128xf32, #tpu.memory_space<vmem_shared>> -> memref<10240x128xf32, #tpu.memory_space<vmem_shared>>
    tpu.wait_indirect_dma semaphore(%arg16 : memref<!tpu.dma_semaphore, #tpu.memory_space<semaphore_mem>>) src(%arg14 : memref<128x128xf32, #tpu.memory_space<vmem>>) dst(%dma_wait3A_562 : memref<10240x128xf32, #tpu.memory_space<vmem_shared>>)
    %dma_start3A_563 = arith.constant 44 : i32
    %dma_start3A_564 = arith.constant 0 : i32
    %dma_start3A_565 = tpu.memref_slice %arg12[%dma_start3A_563, %dma_start3A_564] : memref<80x128xi32, #tpu.memory_space<vmem>> -> memref<1x128xi32, #tpu.memory_space<vmem>>
    %dma_start3A_566 = tpu.memref_squeeze %dma_start3A_565 : memref<1x128xi32, #tpu.memory_space<vmem>> -> memref<128xi32, #tpu.memory_space<vmem>>
    %dma_start3A_567 = arith.constant 0 : i32
    %dma_start3A_568 = arith.constant 0 : i32
    %dma_start3A_569 = tpu.memref_slice %arg15[%dma_start3A_567, %dma_start3A_568] : memref<10240x128xf32, #tpu.memory_space<vmem_shared>> -> memref<10240x128xf32, #tpu.memory_space<vmem_shared>>
    tpu.enqueue_indirect_dma source(%arg14 : memref<128x128xf32, #tpu.memory_space<vmem>>) target(%dma_start3A_569 : memref<10240x128xf32, #tpu.memory_space<vmem_shared>>) offsets(%dma_start3A_566 : memref<128xi32, #tpu.memory_space<vmem>>) semaphore(%arg16 : memref<!tpu.dma_semaphore, #tpu.memory_space<semaphore_mem>>) {add = true}
    %dma_wait3A_570 = arith.constant 36 : i32
    %dma_wait3A_571 = arith.constant 0 : i32
    %dma_wait3A_572 = tpu.memref_slice %arg12[%dma_wait3A_570, %dma_wait3A_571] : memref<80x128xi32, #tpu.memory_space<vmem>> -> memref<1x128xi32, #tpu.memory_space<vmem>>
    %dma_wait3A_573 = tpu.memref_squeeze %dma_wait3A_572 : memref<1x128xi32, #tpu.memory_space<vmem>> -> memref<128xi32, #tpu.memory_space<vmem>>
    %dma_wait3A_574 = arith.constant 0 : i32
    %dma_wait3A_575 = arith.constant 0 : i32
    %dma_wait3A_576 = tpu.memref_slice %arg15[%dma_wait3A_574, %dma_wait3A_575] : memref<10240x128xf32, #tpu.memory_space<vmem_shared>> -> memref<10240x128xf32, #tpu.memory_space<vmem_shared>>
    tpu.wait_indirect_dma semaphore(%arg16 : memref<!tpu.dma_semaphore, #tpu.memory_space<semaphore_mem>>) src(%arg14 : memref<128x128xf32, #tpu.memory_space<vmem>>) dst(%dma_wait3A_576 : memref<10240x128xf32, #tpu.memory_space<vmem_shared>>)
    %dma_start3A_577 = arith.constant 45 : i32
    %dma_start3A_578 = arith.constant 0 : i32
    %dma_start3A_579 = tpu.memref_slice %arg12[%dma_start3A_577, %dma_start3A_578] : memref<80x128xi32, #tpu.memory_space<vmem>> -> memref<1x128xi32, #tpu.memory_space<vmem>>
    %dma_start3A_580 = tpu.memref_squeeze %dma_start3A_579 : memref<1x128xi32, #tpu.memory_space<vmem>> -> memref<128xi32, #tpu.memory_space<vmem>>
    %dma_start3A_581 = arith.constant 0 : i32
    %dma_start3A_582 = arith.constant 0 : i32
    %dma_start3A_583 = tpu.memref_slice %arg15[%dma_start3A_581, %dma_start3A_582] : memref<10240x128xf32, #tpu.memory_space<vmem_shared>> -> memref<10240x128xf32, #tpu.memory_space<vmem_shared>>
    tpu.enqueue_indirect_dma source(%arg14 : memref<128x128xf32, #tpu.memory_space<vmem>>) target(%dma_start3A_583 : memref<10240x128xf32, #tpu.memory_space<vmem_shared>>) offsets(%dma_start3A_580 : memref<128xi32, #tpu.memory_space<vmem>>) semaphore(%arg16 : memref<!tpu.dma_semaphore, #tpu.memory_space<semaphore_mem>>) {add = true}
    %dma_wait3A_584 = arith.constant 37 : i32
    %dma_wait3A_585 = arith.constant 0 : i32
    %dma_wait3A_586 = tpu.memref_slice %arg12[%dma_wait3A_584, %dma_wait3A_585] : memref<80x128xi32, #tpu.memory_space<vmem>> -> memref<1x128xi32, #tpu.memory_space<vmem>>
    %dma_wait3A_587 = tpu.memref_squeeze %dma_wait3A_586 : memref<1x128xi32, #tpu.memory_space<vmem>> -> memref<128xi32, #tpu.memory_space<vmem>>
    %dma_wait3A_588 = arith.constant 0 : i32
    %dma_wait3A_589 = arith.constant 0 : i32
    %dma_wait3A_590 = tpu.memref_slice %arg15[%dma_wait3A_588, %dma_wait3A_589] : memref<10240x128xf32, #tpu.memory_space<vmem_shared>> -> memref<10240x128xf32, #tpu.memory_space<vmem_shared>>
    tpu.wait_indirect_dma semaphore(%arg16 : memref<!tpu.dma_semaphore, #tpu.memory_space<semaphore_mem>>) src(%arg14 : memref<128x128xf32, #tpu.memory_space<vmem>>) dst(%dma_wait3A_590 : memref<10240x128xf32, #tpu.memory_space<vmem_shared>>)
    %dma_start3A_591 = arith.constant 46 : i32
    %dma_start3A_592 = arith.constant 0 : i32
    %dma_start3A_593 = tpu.memref_slice %arg12[%dma_start3A_591, %dma_start3A_592] : memref<80x128xi32, #tpu.memory_space<vmem>> -> memref<1x128xi32, #tpu.memory_space<vmem>>
    %dma_start3A_594 = tpu.memref_squeeze %dma_start3A_593 : memref<1x128xi32, #tpu.memory_space<vmem>> -> memref<128xi32, #tpu.memory_space<vmem>>
    %dma_start3A_595 = arith.constant 0 : i32
    %dma_start3A_596 = arith.constant 0 : i32
    %dma_start3A_597 = tpu.memref_slice %arg15[%dma_start3A_595, %dma_start3A_596] : memref<10240x128xf32, #tpu.memory_space<vmem_shared>> -> memref<10240x128xf32, #tpu.memory_space<vmem_shared>>
    tpu.enqueue_indirect_dma source(%arg14 : memref<128x128xf32, #tpu.memory_space<vmem>>) target(%dma_start3A_597 : memref<10240x128xf32, #tpu.memory_space<vmem_shared>>) offsets(%dma_start3A_594 : memref<128xi32, #tpu.memory_space<vmem>>) semaphore(%arg16 : memref<!tpu.dma_semaphore, #tpu.memory_space<semaphore_mem>>) {add = true}
    %dma_wait3A_598 = arith.constant 38 : i32
    %dma_wait3A_599 = arith.constant 0 : i32
    %dma_wait3A_600 = tpu.memref_slice %arg12[%dma_wait3A_598, %dma_wait3A_599] : memref<80x128xi32, #tpu.memory_space<vmem>> -> memref<1x128xi32, #tpu.memory_space<vmem>>
    %dma_wait3A_601 = tpu.memref_squeeze %dma_wait3A_600 : memref<1x128xi32, #tpu.memory_space<vmem>> -> memref<128xi32, #tpu.memory_space<vmem>>
    %dma_wait3A_602 = arith.constant 0 : i32
    %dma_wait3A_603 = arith.constant 0 : i32
    %dma_wait3A_604 = tpu.memref_slice %arg15[%dma_wait3A_602, %dma_wait3A_603] : memref<10240x128xf32, #tpu.memory_space<vmem_shared>> -> memref<10240x128xf32, #tpu.memory_space<vmem_shared>>
    tpu.wait_indirect_dma semaphore(%arg16 : memref<!tpu.dma_semaphore, #tpu.memory_space<semaphore_mem>>) src(%arg14 : memref<128x128xf32, #tpu.memory_space<vmem>>) dst(%dma_wait3A_604 : memref<10240x128xf32, #tpu.memory_space<vmem_shared>>)
    %dma_start3A_605 = arith.constant 47 : i32
    %dma_start3A_606 = arith.constant 0 : i32
    %dma_start3A_607 = tpu.memref_slice %arg12[%dma_start3A_605, %dma_start3A_606] : memref<80x128xi32, #tpu.memory_space<vmem>> -> memref<1x128xi32, #tpu.memory_space<vmem>>
    %dma_start3A_608 = tpu.memref_squeeze %dma_start3A_607 : memref<1x128xi32, #tpu.memory_space<vmem>> -> memref<128xi32, #tpu.memory_space<vmem>>
    %dma_start3A_609 = arith.constant 0 : i32
    %dma_start3A_610 = arith.constant 0 : i32
    %dma_start3A_611 = tpu.memref_slice %arg15[%dma_start3A_609, %dma_start3A_610] : memref<10240x128xf32, #tpu.memory_space<vmem_shared>> -> memref<10240x128xf32, #tpu.memory_space<vmem_shared>>
    tpu.enqueue_indirect_dma source(%arg14 : memref<128x128xf32, #tpu.memory_space<vmem>>) target(%dma_start3A_611 : memref<10240x128xf32, #tpu.memory_space<vmem_shared>>) offsets(%dma_start3A_608 : memref<128xi32, #tpu.memory_space<vmem>>) semaphore(%arg16 : memref<!tpu.dma_semaphore, #tpu.memory_space<semaphore_mem>>) {add = true}
    %dma_wait3A_612 = arith.constant 39 : i32
    %dma_wait3A_613 = arith.constant 0 : i32
    %dma_wait3A_614 = tpu.memref_slice %arg12[%dma_wait3A_612, %dma_wait3A_613] : memref<80x128xi32, #tpu.memory_space<vmem>> -> memref<1x128xi32, #tpu.memory_space<vmem>>
    %dma_wait3A_615 = tpu.memref_squeeze %dma_wait3A_614 : memref<1x128xi32, #tpu.memory_space<vmem>> -> memref<128xi32, #tpu.memory_space<vmem>>
    %dma_wait3A_616 = arith.constant 0 : i32
    %dma_wait3A_617 = arith.constant 0 : i32
    %dma_wait3A_618 = tpu.memref_slice %arg15[%dma_wait3A_616, %dma_wait3A_617] : memref<10240x128xf32, #tpu.memory_space<vmem_shared>> -> memref<10240x128xf32, #tpu.memory_space<vmem_shared>>
    tpu.wait_indirect_dma semaphore(%arg16 : memref<!tpu.dma_semaphore, #tpu.memory_space<semaphore_mem>>) src(%arg14 : memref<128x128xf32, #tpu.memory_space<vmem>>) dst(%dma_wait3A_618 : memref<10240x128xf32, #tpu.memory_space<vmem_shared>>)
    %dma_start3A_619 = arith.constant 48 : i32
    %dma_start3A_620 = arith.constant 0 : i32
    %dma_start3A_621 = tpu.memref_slice %arg12[%dma_start3A_619, %dma_start3A_620] : memref<80x128xi32, #tpu.memory_space<vmem>> -> memref<1x128xi32, #tpu.memory_space<vmem>>
    %dma_start3A_622 = tpu.memref_squeeze %dma_start3A_621 : memref<1x128xi32, #tpu.memory_space<vmem>> -> memref<128xi32, #tpu.memory_space<vmem>>
    %dma_start3A_623 = arith.constant 0 : i32
    %dma_start3A_624 = arith.constant 0 : i32
    %dma_start3A_625 = tpu.memref_slice %arg15[%dma_start3A_623, %dma_start3A_624] : memref<10240x128xf32, #tpu.memory_space<vmem_shared>> -> memref<10240x128xf32, #tpu.memory_space<vmem_shared>>
    tpu.enqueue_indirect_dma source(%arg14 : memref<128x128xf32, #tpu.memory_space<vmem>>) target(%dma_start3A_625 : memref<10240x128xf32, #tpu.memory_space<vmem_shared>>) offsets(%dma_start3A_622 : memref<128xi32, #tpu.memory_space<vmem>>) semaphore(%arg16 : memref<!tpu.dma_semaphore, #tpu.memory_space<semaphore_mem>>) {add = true}
    %dma_wait3A_626 = arith.constant 40 : i32
    %dma_wait3A_627 = arith.constant 0 : i32
    %dma_wait3A_628 = tpu.memref_slice %arg12[%dma_wait3A_626, %dma_wait3A_627] : memref<80x128xi32, #tpu.memory_space<vmem>> -> memref<1x128xi32, #tpu.memory_space<vmem>>
    %dma_wait3A_629 = tpu.memref_squeeze %dma_wait3A_628 : memref<1x128xi32, #tpu.memory_space<vmem>> -> memref<128xi32, #tpu.memory_space<vmem>>
    %dma_wait3A_630 = arith.constant 0 : i32
    %dma_wait3A_631 = arith.constant 0 : i32
    %dma_wait3A_632 = tpu.memref_slice %arg15[%dma_wait3A_630, %dma_wait3A_631] : memref<10240x128xf32, #tpu.memory_space<vmem_shared>> -> memref<10240x128xf32, #tpu.memory_space<vmem_shared>>
    tpu.wait_indirect_dma semaphore(%arg16 : memref<!tpu.dma_semaphore, #tpu.memory_space<semaphore_mem>>) src(%arg14 : memref<128x128xf32, #tpu.memory_space<vmem>>) dst(%dma_wait3A_632 : memref<10240x128xf32, #tpu.memory_space<vmem_shared>>)
    %dma_start3A_633 = arith.constant 49 : i32
    %dma_start3A_634 = arith.constant 0 : i32
    %dma_start3A_635 = tpu.memref_slice %arg12[%dma_start3A_633, %dma_start3A_634] : memref<80x128xi32, #tpu.memory_space<vmem>> -> memref<1x128xi32, #tpu.memory_space<vmem>>
    %dma_start3A_636 = tpu.memref_squeeze %dma_start3A_635 : memref<1x128xi32, #tpu.memory_space<vmem>> -> memref<128xi32, #tpu.memory_space<vmem>>
    %dma_start3A_637 = arith.constant 0 : i32
    %dma_start3A_638 = arith.constant 0 : i32
    %dma_start3A_639 = tpu.memref_slice %arg15[%dma_start3A_637, %dma_start3A_638] : memref<10240x128xf32, #tpu.memory_space<vmem_shared>> -> memref<10240x128xf32, #tpu.memory_space<vmem_shared>>
    tpu.enqueue_indirect_dma source(%arg14 : memref<128x128xf32, #tpu.memory_space<vmem>>) target(%dma_start3A_639 : memref<10240x128xf32, #tpu.memory_space<vmem_shared>>) offsets(%dma_start3A_636 : memref<128xi32, #tpu.memory_space<vmem>>) semaphore(%arg16 : memref<!tpu.dma_semaphore, #tpu.memory_space<semaphore_mem>>) {add = true}
    %dma_wait3A_640 = arith.constant 41 : i32
    %dma_wait3A_641 = arith.constant 0 : i32
    %dma_wait3A_642 = tpu.memref_slice %arg12[%dma_wait3A_640, %dma_wait3A_641] : memref<80x128xi32, #tpu.memory_space<vmem>> -> memref<1x128xi32, #tpu.memory_space<vmem>>
    %dma_wait3A_643 = tpu.memref_squeeze %dma_wait3A_642 : memref<1x128xi32, #tpu.memory_space<vmem>> -> memref<128xi32, #tpu.memory_space<vmem>>
    %dma_wait3A_644 = arith.constant 0 : i32
    %dma_wait3A_645 = arith.constant 0 : i32
    %dma_wait3A_646 = tpu.memref_slice %arg15[%dma_wait3A_644, %dma_wait3A_645] : memref<10240x128xf32, #tpu.memory_space<vmem_shared>> -> memref<10240x128xf32, #tpu.memory_space<vmem_shared>>
    tpu.wait_indirect_dma semaphore(%arg16 : memref<!tpu.dma_semaphore, #tpu.memory_space<semaphore_mem>>) src(%arg14 : memref<128x128xf32, #tpu.memory_space<vmem>>) dst(%dma_wait3A_646 : memref<10240x128xf32, #tpu.memory_space<vmem_shared>>)
    %dma_start3A_647 = arith.constant 50 : i32
    %dma_start3A_648 = arith.constant 0 : i32
    %dma_start3A_649 = tpu.memref_slice %arg12[%dma_start3A_647, %dma_start3A_648] : memref<80x128xi32, #tpu.memory_space<vmem>> -> memref<1x128xi32, #tpu.memory_space<vmem>>
    %dma_start3A_650 = tpu.memref_squeeze %dma_start3A_649 : memref<1x128xi32, #tpu.memory_space<vmem>> -> memref<128xi32, #tpu.memory_space<vmem>>
    %dma_start3A_651 = arith.constant 0 : i32
    %dma_start3A_652 = arith.constant 0 : i32
    %dma_start3A_653 = tpu.memref_slice %arg15[%dma_start3A_651, %dma_start3A_652] : memref<10240x128xf32, #tpu.memory_space<vmem_shared>> -> memref<10240x128xf32, #tpu.memory_space<vmem_shared>>
    tpu.enqueue_indirect_dma source(%arg14 : memref<128x128xf32, #tpu.memory_space<vmem>>) target(%dma_start3A_653 : memref<10240x128xf32, #tpu.memory_space<vmem_shared>>) offsets(%dma_start3A_650 : memref<128xi32, #tpu.memory_space<vmem>>) semaphore(%arg16 : memref<!tpu.dma_semaphore, #tpu.memory_space<semaphore_mem>>) {add = true}
    %dma_wait3A_654 = arith.constant 42 : i32
    %dma_wait3A_655 = arith.constant 0 : i32
    %dma_wait3A_656 = tpu.memref_slice %arg12[%dma_wait3A_654, %dma_wait3A_655] : memref<80x128xi32, #tpu.memory_space<vmem>> -> memref<1x128xi32, #tpu.memory_space<vmem>>
    %dma_wait3A_657 = tpu.memref_squeeze %dma_wait3A_656 : memref<1x128xi32, #tpu.memory_space<vmem>> -> memref<128xi32, #tpu.memory_space<vmem>>
    %dma_wait3A_658 = arith.constant 0 : i32
    %dma_wait3A_659 = arith.constant 0 : i32
    %dma_wait3A_660 = tpu.memref_slice %arg15[%dma_wait3A_658, %dma_wait3A_659] : memref<10240x128xf32, #tpu.memory_space<vmem_shared>> -> memref<10240x128xf32, #tpu.memory_space<vmem_shared>>
    tpu.wait_indirect_dma semaphore(%arg16 : memref<!tpu.dma_semaphore, #tpu.memory_space<semaphore_mem>>) src(%arg14 : memref<128x128xf32, #tpu.memory_space<vmem>>) dst(%dma_wait3A_660 : memref<10240x128xf32, #tpu.memory_space<vmem_shared>>)
    %dma_start3A_661 = arith.constant 51 : i32
    %dma_start3A_662 = arith.constant 0 : i32
    %dma_start3A_663 = tpu.memref_slice %arg12[%dma_start3A_661, %dma_start3A_662] : memref<80x128xi32, #tpu.memory_space<vmem>> -> memref<1x128xi32, #tpu.memory_space<vmem>>
    %dma_start3A_664 = tpu.memref_squeeze %dma_start3A_663 : memref<1x128xi32, #tpu.memory_space<vmem>> -> memref<128xi32, #tpu.memory_space<vmem>>
    %dma_start3A_665 = arith.constant 0 : i32
    %dma_start3A_666 = arith.constant 0 : i32
    %dma_start3A_667 = tpu.memref_slice %arg15[%dma_start3A_665, %dma_start3A_666] : memref<10240x128xf32, #tpu.memory_space<vmem_shared>> -> memref<10240x128xf32, #tpu.memory_space<vmem_shared>>
    tpu.enqueue_indirect_dma source(%arg14 : memref<128x128xf32, #tpu.memory_space<vmem>>) target(%dma_start3A_667 : memref<10240x128xf32, #tpu.memory_space<vmem_shared>>) offsets(%dma_start3A_664 : memref<128xi32, #tpu.memory_space<vmem>>) semaphore(%arg16 : memref<!tpu.dma_semaphore, #tpu.memory_space<semaphore_mem>>) {add = true}
    %dma_wait3A_668 = arith.constant 43 : i32
    %dma_wait3A_669 = arith.constant 0 : i32
    %dma_wait3A_670 = tpu.memref_slice %arg12[%dma_wait3A_668, %dma_wait3A_669] : memref<80x128xi32, #tpu.memory_space<vmem>> -> memref<1x128xi32, #tpu.memory_space<vmem>>
    %dma_wait3A_671 = tpu.memref_squeeze %dma_wait3A_670 : memref<1x128xi32, #tpu.memory_space<vmem>> -> memref<128xi32, #tpu.memory_space<vmem>>
    %dma_wait3A_672 = arith.constant 0 : i32
    %dma_wait3A_673 = arith.constant 0 : i32
    %dma_wait3A_674 = tpu.memref_slice %arg15[%dma_wait3A_672, %dma_wait3A_673] : memref<10240x128xf32, #tpu.memory_space<vmem_shared>> -> memref<10240x128xf32, #tpu.memory_space<vmem_shared>>
    tpu.wait_indirect_dma semaphore(%arg16 : memref<!tpu.dma_semaphore, #tpu.memory_space<semaphore_mem>>) src(%arg14 : memref<128x128xf32, #tpu.memory_space<vmem>>) dst(%dma_wait3A_674 : memref<10240x128xf32, #tpu.memory_space<vmem_shared>>)
    %dma_start3A_675 = arith.constant 52 : i32
    %dma_start3A_676 = arith.constant 0 : i32
    %dma_start3A_677 = tpu.memref_slice %arg12[%dma_start3A_675, %dma_start3A_676] : memref<80x128xi32, #tpu.memory_space<vmem>> -> memref<1x128xi32, #tpu.memory_space<vmem>>
    %dma_start3A_678 = tpu.memref_squeeze %dma_start3A_677 : memref<1x128xi32, #tpu.memory_space<vmem>> -> memref<128xi32, #tpu.memory_space<vmem>>
    %dma_start3A_679 = arith.constant 0 : i32
    %dma_start3A_680 = arith.constant 0 : i32
    %dma_start3A_681 = tpu.memref_slice %arg15[%dma_start3A_679, %dma_start3A_680] : memref<10240x128xf32, #tpu.memory_space<vmem_shared>> -> memref<10240x128xf32, #tpu.memory_space<vmem_shared>>
    tpu.enqueue_indirect_dma source(%arg14 : memref<128x128xf32, #tpu.memory_space<vmem>>) target(%dma_start3A_681 : memref<10240x128xf32, #tpu.memory_space<vmem_shared>>) offsets(%dma_start3A_678 : memref<128xi32, #tpu.memory_space<vmem>>) semaphore(%arg16 : memref<!tpu.dma_semaphore, #tpu.memory_space<semaphore_mem>>) {add = true}
    %dma_wait3A_682 = arith.constant 44 : i32
    %dma_wait3A_683 = arith.constant 0 : i32
    %dma_wait3A_684 = tpu.memref_slice %arg12[%dma_wait3A_682, %dma_wait3A_683] : memref<80x128xi32, #tpu.memory_space<vmem>> -> memref<1x128xi32, #tpu.memory_space<vmem>>
    %dma_wait3A_685 = tpu.memref_squeeze %dma_wait3A_684 : memref<1x128xi32, #tpu.memory_space<vmem>> -> memref<128xi32, #tpu.memory_space<vmem>>
    %dma_wait3A_686 = arith.constant 0 : i32
    %dma_wait3A_687 = arith.constant 0 : i32
    %dma_wait3A_688 = tpu.memref_slice %arg15[%dma_wait3A_686, %dma_wait3A_687] : memref<10240x128xf32, #tpu.memory_space<vmem_shared>> -> memref<10240x128xf32, #tpu.memory_space<vmem_shared>>
    tpu.wait_indirect_dma semaphore(%arg16 : memref<!tpu.dma_semaphore, #tpu.memory_space<semaphore_mem>>) src(%arg14 : memref<128x128xf32, #tpu.memory_space<vmem>>) dst(%dma_wait3A_688 : memref<10240x128xf32, #tpu.memory_space<vmem_shared>>)
    %dma_start3A_689 = arith.constant 53 : i32
    %dma_start3A_690 = arith.constant 0 : i32
    %dma_start3A_691 = tpu.memref_slice %arg12[%dma_start3A_689, %dma_start3A_690] : memref<80x128xi32, #tpu.memory_space<vmem>> -> memref<1x128xi32, #tpu.memory_space<vmem>>
    %dma_start3A_692 = tpu.memref_squeeze %dma_start3A_691 : memref<1x128xi32, #tpu.memory_space<vmem>> -> memref<128xi32, #tpu.memory_space<vmem>>
    %dma_start3A_693 = arith.constant 0 : i32
    %dma_start3A_694 = arith.constant 0 : i32
    %dma_start3A_695 = tpu.memref_slice %arg15[%dma_start3A_693, %dma_start3A_694] : memref<10240x128xf32, #tpu.memory_space<vmem_shared>> -> memref<10240x128xf32, #tpu.memory_space<vmem_shared>>
    tpu.enqueue_indirect_dma source(%arg14 : memref<128x128xf32, #tpu.memory_space<vmem>>) target(%dma_start3A_695 : memref<10240x128xf32, #tpu.memory_space<vmem_shared>>) offsets(%dma_start3A_692 : memref<128xi32, #tpu.memory_space<vmem>>) semaphore(%arg16 : memref<!tpu.dma_semaphore, #tpu.memory_space<semaphore_mem>>) {add = true}
    %dma_wait3A_696 = arith.constant 45 : i32
    %dma_wait3A_697 = arith.constant 0 : i32
    %dma_wait3A_698 = tpu.memref_slice %arg12[%dma_wait3A_696, %dma_wait3A_697] : memref<80x128xi32, #tpu.memory_space<vmem>> -> memref<1x128xi32, #tpu.memory_space<vmem>>
    %dma_wait3A_699 = tpu.memref_squeeze %dma_wait3A_698 : memref<1x128xi32, #tpu.memory_space<vmem>> -> memref<128xi32, #tpu.memory_space<vmem>>
    %dma_wait3A_700 = arith.constant 0 : i32
    %dma_wait3A_701 = arith.constant 0 : i32
    %dma_wait3A_702 = tpu.memref_slice %arg15[%dma_wait3A_700, %dma_wait3A_701] : memref<10240x128xf32, #tpu.memory_space<vmem_shared>> -> memref<10240x128xf32, #tpu.memory_space<vmem_shared>>
    tpu.wait_indirect_dma semaphore(%arg16 : memref<!tpu.dma_semaphore, #tpu.memory_space<semaphore_mem>>) src(%arg14 : memref<128x128xf32, #tpu.memory_space<vmem>>) dst(%dma_wait3A_702 : memref<10240x128xf32, #tpu.memory_space<vmem_shared>>)
    %dma_start3A_703 = arith.constant 54 : i32
    %dma_start3A_704 = arith.constant 0 : i32
    %dma_start3A_705 = tpu.memref_slice %arg12[%dma_start3A_703, %dma_start3A_704] : memref<80x128xi32, #tpu.memory_space<vmem>> -> memref<1x128xi32, #tpu.memory_space<vmem>>
    %dma_start3A_706 = tpu.memref_squeeze %dma_start3A_705 : memref<1x128xi32, #tpu.memory_space<vmem>> -> memref<128xi32, #tpu.memory_space<vmem>>
    %dma_start3A_707 = arith.constant 0 : i32
    %dma_start3A_708 = arith.constant 0 : i32
    %dma_start3A_709 = tpu.memref_slice %arg15[%dma_start3A_707, %dma_start3A_708] : memref<10240x128xf32, #tpu.memory_space<vmem_shared>> -> memref<10240x128xf32, #tpu.memory_space<vmem_shared>>
    tpu.enqueue_indirect_dma source(%arg14 : memref<128x128xf32, #tpu.memory_space<vmem>>) target(%dma_start3A_709 : memref<10240x128xf32, #tpu.memory_space<vmem_shared>>) offsets(%dma_start3A_706 : memref<128xi32, #tpu.memory_space<vmem>>) semaphore(%arg16 : memref<!tpu.dma_semaphore, #tpu.memory_space<semaphore_mem>>) {add = true}
    %dma_wait3A_710 = arith.constant 46 : i32
    %dma_wait3A_711 = arith.constant 0 : i32
    %dma_wait3A_712 = tpu.memref_slice %arg12[%dma_wait3A_710, %dma_wait3A_711] : memref<80x128xi32, #tpu.memory_space<vmem>> -> memref<1x128xi32, #tpu.memory_space<vmem>>
    %dma_wait3A_713 = tpu.memref_squeeze %dma_wait3A_712 : memref<1x128xi32, #tpu.memory_space<vmem>> -> memref<128xi32, #tpu.memory_space<vmem>>
    %dma_wait3A_714 = arith.constant 0 : i32
    %dma_wait3A_715 = arith.constant 0 : i32
    %dma_wait3A_716 = tpu.memref_slice %arg15[%dma_wait3A_714, %dma_wait3A_715] : memref<10240x128xf32, #tpu.memory_space<vmem_shared>> -> memref<10240x128xf32, #tpu.memory_space<vmem_shared>>
    tpu.wait_indirect_dma semaphore(%arg16 : memref<!tpu.dma_semaphore, #tpu.memory_space<semaphore_mem>>) src(%arg14 : memref<128x128xf32, #tpu.memory_space<vmem>>) dst(%dma_wait3A_716 : memref<10240x128xf32, #tpu.memory_space<vmem_shared>>)
    %dma_start3A_717 = arith.constant 55 : i32
    %dma_start3A_718 = arith.constant 0 : i32
    %dma_start3A_719 = tpu.memref_slice %arg12[%dma_start3A_717, %dma_start3A_718] : memref<80x128xi32, #tpu.memory_space<vmem>> -> memref<1x128xi32, #tpu.memory_space<vmem>>
    %dma_start3A_720 = tpu.memref_squeeze %dma_start3A_719 : memref<1x128xi32, #tpu.memory_space<vmem>> -> memref<128xi32, #tpu.memory_space<vmem>>
    %dma_start3A_721 = arith.constant 0 : i32
    %dma_start3A_722 = arith.constant 0 : i32
    %dma_start3A_723 = tpu.memref_slice %arg15[%dma_start3A_721, %dma_start3A_722] : memref<10240x128xf32, #tpu.memory_space<vmem_shared>> -> memref<10240x128xf32, #tpu.memory_space<vmem_shared>>
    tpu.enqueue_indirect_dma source(%arg14 : memref<128x128xf32, #tpu.memory_space<vmem>>) target(%dma_start3A_723 : memref<10240x128xf32, #tpu.memory_space<vmem_shared>>) offsets(%dma_start3A_720 : memref<128xi32, #tpu.memory_space<vmem>>) semaphore(%arg16 : memref<!tpu.dma_semaphore, #tpu.memory_space<semaphore_mem>>) {add = true}
    %dma_wait3A_724 = arith.constant 47 : i32
    %dma_wait3A_725 = arith.constant 0 : i32
    %dma_wait3A_726 = tpu.memref_slice %arg12[%dma_wait3A_724, %dma_wait3A_725] : memref<80x128xi32, #tpu.memory_space<vmem>> -> memref<1x128xi32, #tpu.memory_space<vmem>>
    %dma_wait3A_727 = tpu.memref_squeeze %dma_wait3A_726 : memref<1x128xi32, #tpu.memory_space<vmem>> -> memref<128xi32, #tpu.memory_space<vmem>>
    %dma_wait3A_728 = arith.constant 0 : i32
    %dma_wait3A_729 = arith.constant 0 : i32
    %dma_wait3A_730 = tpu.memref_slice %arg15[%dma_wait3A_728, %dma_wait3A_729] : memref<10240x128xf32, #tpu.memory_space<vmem_shared>> -> memref<10240x128xf32, #tpu.memory_space<vmem_shared>>
    tpu.wait_indirect_dma semaphore(%arg16 : memref<!tpu.dma_semaphore, #tpu.memory_space<semaphore_mem>>) src(%arg14 : memref<128x128xf32, #tpu.memory_space<vmem>>) dst(%dma_wait3A_730 : memref<10240x128xf32, #tpu.memory_space<vmem_shared>>)
    %dma_start3A_731 = arith.constant 56 : i32
    %dma_start3A_732 = arith.constant 0 : i32
    %dma_start3A_733 = tpu.memref_slice %arg12[%dma_start3A_731, %dma_start3A_732] : memref<80x128xi32, #tpu.memory_space<vmem>> -> memref<1x128xi32, #tpu.memory_space<vmem>>
    %dma_start3A_734 = tpu.memref_squeeze %dma_start3A_733 : memref<1x128xi32, #tpu.memory_space<vmem>> -> memref<128xi32, #tpu.memory_space<vmem>>
    %dma_start3A_735 = arith.constant 0 : i32
    %dma_start3A_736 = arith.constant 0 : i32
    %dma_start3A_737 = tpu.memref_slice %arg15[%dma_start3A_735, %dma_start3A_736] : memref<10240x128xf32, #tpu.memory_space<vmem_shared>> -> memref<10240x128xf32, #tpu.memory_space<vmem_shared>>
    tpu.enqueue_indirect_dma source(%arg14 : memref<128x128xf32, #tpu.memory_space<vmem>>) target(%dma_start3A_737 : memref<10240x128xf32, #tpu.memory_space<vmem_shared>>) offsets(%dma_start3A_734 : memref<128xi32, #tpu.memory_space<vmem>>) semaphore(%arg16 : memref<!tpu.dma_semaphore, #tpu.memory_space<semaphore_mem>>) {add = true}
    %dma_wait3A_738 = arith.constant 48 : i32
    %dma_wait3A_739 = arith.constant 0 : i32
    %dma_wait3A_740 = tpu.memref_slice %arg12[%dma_wait3A_738, %dma_wait3A_739] : memref<80x128xi32, #tpu.memory_space<vmem>> -> memref<1x128xi32, #tpu.memory_space<vmem>>
    %dma_wait3A_741 = tpu.memref_squeeze %dma_wait3A_740 : memref<1x128xi32, #tpu.memory_space<vmem>> -> memref<128xi32, #tpu.memory_space<vmem>>
    %dma_wait3A_742 = arith.constant 0 : i32
    %dma_wait3A_743 = arith.constant 0 : i32
    %dma_wait3A_744 = tpu.memref_slice %arg15[%dma_wait3A_742, %dma_wait3A_743] : memref<10240x128xf32, #tpu.memory_space<vmem_shared>> -> memref<10240x128xf32, #tpu.memory_space<vmem_shared>>
    tpu.wait_indirect_dma semaphore(%arg16 : memref<!tpu.dma_semaphore, #tpu.memory_space<semaphore_mem>>) src(%arg14 : memref<128x128xf32, #tpu.memory_space<vmem>>) dst(%dma_wait3A_744 : memref<10240x128xf32, #tpu.memory_space<vmem_shared>>)
    %dma_start3A_745 = arith.constant 57 : i32
    %dma_start3A_746 = arith.constant 0 : i32
    %dma_start3A_747 = tpu.memref_slice %arg12[%dma_start3A_745, %dma_start3A_746] : memref<80x128xi32, #tpu.memory_space<vmem>> -> memref<1x128xi32, #tpu.memory_space<vmem>>
    %dma_start3A_748 = tpu.memref_squeeze %dma_start3A_747 : memref<1x128xi32, #tpu.memory_space<vmem>> -> memref<128xi32, #tpu.memory_space<vmem>>
    %dma_start3A_749 = arith.constant 0 : i32
    %dma_start3A_750 = arith.constant 0 : i32
    %dma_start3A_751 = tpu.memref_slice %arg15[%dma_start3A_749, %dma_start3A_750] : memref<10240x128xf32, #tpu.memory_space<vmem_shared>> -> memref<10240x128xf32, #tpu.memory_space<vmem_shared>>
    tpu.enqueue_indirect_dma source(%arg14 : memref<128x128xf32, #tpu.memory_space<vmem>>) target(%dma_start3A_751 : memref<10240x128xf32, #tpu.memory_space<vmem_shared>>) offsets(%dma_start3A_748 : memref<128xi32, #tpu.memory_space<vmem>>) semaphore(%arg16 : memref<!tpu.dma_semaphore, #tpu.memory_space<semaphore_mem>>) {add = true}
    %dma_wait3A_752 = arith.constant 49 : i32
    %dma_wait3A_753 = arith.constant 0 : i32
    %dma_wait3A_754 = tpu.memref_slice %arg12[%dma_wait3A_752, %dma_wait3A_753] : memref<80x128xi32, #tpu.memory_space<vmem>> -> memref<1x128xi32, #tpu.memory_space<vmem>>
    %dma_wait3A_755 = tpu.memref_squeeze %dma_wait3A_754 : memref<1x128xi32, #tpu.memory_space<vmem>> -> memref<128xi32, #tpu.memory_space<vmem>>
    %dma_wait3A_756 = arith.constant 0 : i32
    %dma_wait3A_757 = arith.constant 0 : i32
    %dma_wait3A_758 = tpu.memref_slice %arg15[%dma_wait3A_756, %dma_wait3A_757] : memref<10240x128xf32, #tpu.memory_space<vmem_shared>> -> memref<10240x128xf32, #tpu.memory_space<vmem_shared>>
    tpu.wait_indirect_dma semaphore(%arg16 : memref<!tpu.dma_semaphore, #tpu.memory_space<semaphore_mem>>) src(%arg14 : memref<128x128xf32, #tpu.memory_space<vmem>>) dst(%dma_wait3A_758 : memref<10240x128xf32, #tpu.memory_space<vmem_shared>>)
    %dma_start3A_759 = arith.constant 58 : i32
    %dma_start3A_760 = arith.constant 0 : i32
    %dma_start3A_761 = tpu.memref_slice %arg12[%dma_start3A_759, %dma_start3A_760] : memref<80x128xi32, #tpu.memory_space<vmem>> -> memref<1x128xi32, #tpu.memory_space<vmem>>
    %dma_start3A_762 = tpu.memref_squeeze %dma_start3A_761 : memref<1x128xi32, #tpu.memory_space<vmem>> -> memref<128xi32, #tpu.memory_space<vmem>>
    %dma_start3A_763 = arith.constant 0 : i32
    %dma_start3A_764 = arith.constant 0 : i32
    %dma_start3A_765 = tpu.memref_slice %arg15[%dma_start3A_763, %dma_start3A_764] : memref<10240x128xf32, #tpu.memory_space<vmem_shared>> -> memref<10240x128xf32, #tpu.memory_space<vmem_shared>>
    tpu.enqueue_indirect_dma source(%arg14 : memref<128x128xf32, #tpu.memory_space<vmem>>) target(%dma_start3A_765 : memref<10240x128xf32, #tpu.memory_space<vmem_shared>>) offsets(%dma_start3A_762 : memref<128xi32, #tpu.memory_space<vmem>>) semaphore(%arg16 : memref<!tpu.dma_semaphore, #tpu.memory_space<semaphore_mem>>) {add = true}
    %dma_wait3A_766 = arith.constant 50 : i32
    %dma_wait3A_767 = arith.constant 0 : i32
    %dma_wait3A_768 = tpu.memref_slice %arg12[%dma_wait3A_766, %dma_wait3A_767] : memref<80x128xi32, #tpu.memory_space<vmem>> -> memref<1x128xi32, #tpu.memory_space<vmem>>
    %dma_wait3A_769 = tpu.memref_squeeze %dma_wait3A_768 : memref<1x128xi32, #tpu.memory_space<vmem>> -> memref<128xi32, #tpu.memory_space<vmem>>
    %dma_wait3A_770 = arith.constant 0 : i32
    %dma_wait3A_771 = arith.constant 0 : i32
    %dma_wait3A_772 = tpu.memref_slice %arg15[%dma_wait3A_770, %dma_wait3A_771] : memref<10240x128xf32, #tpu.memory_space<vmem_shared>> -> memref<10240x128xf32, #tpu.memory_space<vmem_shared>>
    tpu.wait_indirect_dma semaphore(%arg16 : memref<!tpu.dma_semaphore, #tpu.memory_space<semaphore_mem>>) src(%arg14 : memref<128x128xf32, #tpu.memory_space<vmem>>) dst(%dma_wait3A_772 : memref<10240x128xf32, #tpu.memory_space<vmem_shared>>)
    %dma_start3A_773 = arith.constant 59 : i32
    %dma_start3A_774 = arith.constant 0 : i32
    %dma_start3A_775 = tpu.memref_slice %arg12[%dma_start3A_773, %dma_start3A_774] : memref<80x128xi32, #tpu.memory_space<vmem>> -> memref<1x128xi32, #tpu.memory_space<vmem>>
    %dma_start3A_776 = tpu.memref_squeeze %dma_start3A_775 : memref<1x128xi32, #tpu.memory_space<vmem>> -> memref<128xi32, #tpu.memory_space<vmem>>
    %dma_start3A_777 = arith.constant 0 : i32
    %dma_start3A_778 = arith.constant 0 : i32
    %dma_start3A_779 = tpu.memref_slice %arg15[%dma_start3A_777, %dma_start3A_778] : memref<10240x128xf32, #tpu.memory_space<vmem_shared>> -> memref<10240x128xf32, #tpu.memory_space<vmem_shared>>
    tpu.enqueue_indirect_dma source(%arg14 : memref<128x128xf32, #tpu.memory_space<vmem>>) target(%dma_start3A_779 : memref<10240x128xf32, #tpu.memory_space<vmem_shared>>) offsets(%dma_start3A_776 : memref<128xi32, #tpu.memory_space<vmem>>) semaphore(%arg16 : memref<!tpu.dma_semaphore, #tpu.memory_space<semaphore_mem>>) {add = true}
    %dma_wait3A_780 = arith.constant 51 : i32
    %dma_wait3A_781 = arith.constant 0 : i32
    %dma_wait3A_782 = tpu.memref_slice %arg12[%dma_wait3A_780, %dma_wait3A_781] : memref<80x128xi32, #tpu.memory_space<vmem>> -> memref<1x128xi32, #tpu.memory_space<vmem>>
    %dma_wait3A_783 = tpu.memref_squeeze %dma_wait3A_782 : memref<1x128xi32, #tpu.memory_space<vmem>> -> memref<128xi32, #tpu.memory_space<vmem>>
    %dma_wait3A_784 = arith.constant 0 : i32
    %dma_wait3A_785 = arith.constant 0 : i32
    %dma_wait3A_786 = tpu.memref_slice %arg15[%dma_wait3A_784, %dma_wait3A_785] : memref<10240x128xf32, #tpu.memory_space<vmem_shared>> -> memref<10240x128xf32, #tpu.memory_space<vmem_shared>>
    tpu.wait_indirect_dma semaphore(%arg16 : memref<!tpu.dma_semaphore, #tpu.memory_space<semaphore_mem>>) src(%arg14 : memref<128x128xf32, #tpu.memory_space<vmem>>) dst(%dma_wait3A_786 : memref<10240x128xf32, #tpu.memory_space<vmem_shared>>)
    %dma_start3A_787 = arith.constant 60 : i32
    %dma_start3A_788 = arith.constant 0 : i32
    %dma_start3A_789 = tpu.memref_slice %arg12[%dma_start3A_787, %dma_start3A_788] : memref<80x128xi32, #tpu.memory_space<vmem>> -> memref<1x128xi32, #tpu.memory_space<vmem>>
    %dma_start3A_790 = tpu.memref_squeeze %dma_start3A_789 : memref<1x128xi32, #tpu.memory_space<vmem>> -> memref<128xi32, #tpu.memory_space<vmem>>
    %dma_start3A_791 = arith.constant 0 : i32
    %dma_start3A_792 = arith.constant 0 : i32
    %dma_start3A_793 = tpu.memref_slice %arg15[%dma_start3A_791, %dma_start3A_792] : memref<10240x128xf32, #tpu.memory_space<vmem_shared>> -> memref<10240x128xf32, #tpu.memory_space<vmem_shared>>
    tpu.enqueue_indirect_dma source(%arg14 : memref<128x128xf32, #tpu.memory_space<vmem>>) target(%dma_start3A_793 : memref<10240x128xf32, #tpu.memory_space<vmem_shared>>) offsets(%dma_start3A_790 : memref<128xi32, #tpu.memory_space<vmem>>) semaphore(%arg16 : memref<!tpu.dma_semaphore, #tpu.memory_space<semaphore_mem>>) {add = true}
    %dma_wait3A_794 = arith.constant 52 : i32
    %dma_wait3A_795 = arith.constant 0 : i32
    %dma_wait3A_796 = tpu.memref_slice %arg12[%dma_wait3A_794, %dma_wait3A_795] : memref<80x128xi32, #tpu.memory_space<vmem>> -> memref<1x128xi32, #tpu.memory_space<vmem>>
    %dma_wait3A_797 = tpu.memref_squeeze %dma_wait3A_796 : memref<1x128xi32, #tpu.memory_space<vmem>> -> memref<128xi32, #tpu.memory_space<vmem>>
    %dma_wait3A_798 = arith.constant 0 : i32
    %dma_wait3A_799 = arith.constant 0 : i32
    %dma_wait3A_800 = tpu.memref_slice %arg15[%dma_wait3A_798, %dma_wait3A_799] : memref<10240x128xf32, #tpu.memory_space<vmem_shared>> -> memref<10240x128xf32, #tpu.memory_space<vmem_shared>>
    tpu.wait_indirect_dma semaphore(%arg16 : memref<!tpu.dma_semaphore, #tpu.memory_space<semaphore_mem>>) src(%arg14 : memref<128x128xf32, #tpu.memory_space<vmem>>) dst(%dma_wait3A_800 : memref<10240x128xf32, #tpu.memory_space<vmem_shared>>)
    %dma_start3A_801 = arith.constant 61 : i32
    %dma_start3A_802 = arith.constant 0 : i32
    %dma_start3A_803 = tpu.memref_slice %arg12[%dma_start3A_801, %dma_start3A_802] : memref<80x128xi32, #tpu.memory_space<vmem>> -> memref<1x128xi32, #tpu.memory_space<vmem>>
    %dma_start3A_804 = tpu.memref_squeeze %dma_start3A_803 : memref<1x128xi32, #tpu.memory_space<vmem>> -> memref<128xi32, #tpu.memory_space<vmem>>
    %dma_start3A_805 = arith.constant 0 : i32
    %dma_start3A_806 = arith.constant 0 : i32
    %dma_start3A_807 = tpu.memref_slice %arg15[%dma_start3A_805, %dma_start3A_806] : memref<10240x128xf32, #tpu.memory_space<vmem_shared>> -> memref<10240x128xf32, #tpu.memory_space<vmem_shared>>
    tpu.enqueue_indirect_dma source(%arg14 : memref<128x128xf32, #tpu.memory_space<vmem>>) target(%dma_start3A_807 : memref<10240x128xf32, #tpu.memory_space<vmem_shared>>) offsets(%dma_start3A_804 : memref<128xi32, #tpu.memory_space<vmem>>) semaphore(%arg16 : memref<!tpu.dma_semaphore, #tpu.memory_space<semaphore_mem>>) {add = true}
    %dma_wait3A_808 = arith.constant 53 : i32
    %dma_wait3A_809 = arith.constant 0 : i32
    %dma_wait3A_810 = tpu.memref_slice %arg12[%dma_wait3A_808, %dma_wait3A_809] : memref<80x128xi32, #tpu.memory_space<vmem>> -> memref<1x128xi32, #tpu.memory_space<vmem>>
    %dma_wait3A_811 = tpu.memref_squeeze %dma_wait3A_810 : memref<1x128xi32, #tpu.memory_space<vmem>> -> memref<128xi32, #tpu.memory_space<vmem>>
    %dma_wait3A_812 = arith.constant 0 : i32
    %dma_wait3A_813 = arith.constant 0 : i32
    %dma_wait3A_814 = tpu.memref_slice %arg15[%dma_wait3A_812, %dma_wait3A_813] : memref<10240x128xf32, #tpu.memory_space<vmem_shared>> -> memref<10240x128xf32, #tpu.memory_space<vmem_shared>>
    tpu.wait_indirect_dma semaphore(%arg16 : memref<!tpu.dma_semaphore, #tpu.memory_space<semaphore_mem>>) src(%arg14 : memref<128x128xf32, #tpu.memory_space<vmem>>) dst(%dma_wait3A_814 : memref<10240x128xf32, #tpu.memory_space<vmem_shared>>)
    %dma_start3A_815 = arith.constant 62 : i32
    %dma_start3A_816 = arith.constant 0 : i32
    %dma_start3A_817 = tpu.memref_slice %arg12[%dma_start3A_815, %dma_start3A_816] : memref<80x128xi32, #tpu.memory_space<vmem>> -> memref<1x128xi32, #tpu.memory_space<vmem>>
    %dma_start3A_818 = tpu.memref_squeeze %dma_start3A_817 : memref<1x128xi32, #tpu.memory_space<vmem>> -> memref<128xi32, #tpu.memory_space<vmem>>
    %dma_start3A_819 = arith.constant 0 : i32
    %dma_start3A_820 = arith.constant 0 : i32
    %dma_start3A_821 = tpu.memref_slice %arg15[%dma_start3A_819, %dma_start3A_820] : memref<10240x128xf32, #tpu.memory_space<vmem_shared>> -> memref<10240x128xf32, #tpu.memory_space<vmem_shared>>
    tpu.enqueue_indirect_dma source(%arg14 : memref<128x128xf32, #tpu.memory_space<vmem>>) target(%dma_start3A_821 : memref<10240x128xf32, #tpu.memory_space<vmem_shared>>) offsets(%dma_start3A_818 : memref<128xi32, #tpu.memory_space<vmem>>) semaphore(%arg16 : memref<!tpu.dma_semaphore, #tpu.memory_space<semaphore_mem>>) {add = true}
    %dma_wait3A_822 = arith.constant 54 : i32
    %dma_wait3A_823 = arith.constant 0 : i32
    %dma_wait3A_824 = tpu.memref_slice %arg12[%dma_wait3A_822, %dma_wait3A_823] : memref<80x128xi32, #tpu.memory_space<vmem>> -> memref<1x128xi32, #tpu.memory_space<vmem>>
    %dma_wait3A_825 = tpu.memref_squeeze %dma_wait3A_824 : memref<1x128xi32, #tpu.memory_space<vmem>> -> memref<128xi32, #tpu.memory_space<vmem>>
    %dma_wait3A_826 = arith.constant 0 : i32
    %dma_wait3A_827 = arith.constant 0 : i32
    %dma_wait3A_828 = tpu.memref_slice %arg15[%dma_wait3A_826, %dma_wait3A_827] : memref<10240x128xf32, #tpu.memory_space<vmem_shared>> -> memref<10240x128xf32, #tpu.memory_space<vmem_shared>>
    tpu.wait_indirect_dma semaphore(%arg16 : memref<!tpu.dma_semaphore, #tpu.memory_space<semaphore_mem>>) src(%arg14 : memref<128x128xf32, #tpu.memory_space<vmem>>) dst(%dma_wait3A_828 : memref<10240x128xf32, #tpu.memory_space<vmem_shared>>)
    %dma_start3A_829 = arith.constant 63 : i32
    %dma_start3A_830 = arith.constant 0 : i32
    %dma_start3A_831 = tpu.memref_slice %arg12[%dma_start3A_829, %dma_start3A_830] : memref<80x128xi32, #tpu.memory_space<vmem>> -> memref<1x128xi32, #tpu.memory_space<vmem>>
    %dma_start3A_832 = tpu.memref_squeeze %dma_start3A_831 : memref<1x128xi32, #tpu.memory_space<vmem>> -> memref<128xi32, #tpu.memory_space<vmem>>
    %dma_start3A_833 = arith.constant 0 : i32
    %dma_start3A_834 = arith.constant 0 : i32
    %dma_start3A_835 = tpu.memref_slice %arg15[%dma_start3A_833, %dma_start3A_834] : memref<10240x128xf32, #tpu.memory_space<vmem_shared>> -> memref<10240x128xf32, #tpu.memory_space<vmem_shared>>
    tpu.enqueue_indirect_dma source(%arg14 : memref<128x128xf32, #tpu.memory_space<vmem>>) target(%dma_start3A_835 : memref<10240x128xf32, #tpu.memory_space<vmem_shared>>) offsets(%dma_start3A_832 : memref<128xi32, #tpu.memory_space<vmem>>) semaphore(%arg16 : memref<!tpu.dma_semaphore, #tpu.memory_space<semaphore_mem>>) {add = true}
    %dma_wait3A_836 = arith.constant 55 : i32
    %dma_wait3A_837 = arith.constant 0 : i32
    %dma_wait3A_838 = tpu.memref_slice %arg12[%dma_wait3A_836, %dma_wait3A_837] : memref<80x128xi32, #tpu.memory_space<vmem>> -> memref<1x128xi32, #tpu.memory_space<vmem>>
    %dma_wait3A_839 = tpu.memref_squeeze %dma_wait3A_838 : memref<1x128xi32, #tpu.memory_space<vmem>> -> memref<128xi32, #tpu.memory_space<vmem>>
    %dma_wait3A_840 = arith.constant 0 : i32
    %dma_wait3A_841 = arith.constant 0 : i32
    %dma_wait3A_842 = tpu.memref_slice %arg15[%dma_wait3A_840, %dma_wait3A_841] : memref<10240x128xf32, #tpu.memory_space<vmem_shared>> -> memref<10240x128xf32, #tpu.memory_space<vmem_shared>>
    tpu.wait_indirect_dma semaphore(%arg16 : memref<!tpu.dma_semaphore, #tpu.memory_space<semaphore_mem>>) src(%arg14 : memref<128x128xf32, #tpu.memory_space<vmem>>) dst(%dma_wait3A_842 : memref<10240x128xf32, #tpu.memory_space<vmem_shared>>)
    %dma_start3A_843 = arith.constant 64 : i32
    %dma_start3A_844 = arith.constant 0 : i32
    %dma_start3A_845 = tpu.memref_slice %arg12[%dma_start3A_843, %dma_start3A_844] : memref<80x128xi32, #tpu.memory_space<vmem>> -> memref<1x128xi32, #tpu.memory_space<vmem>>
    %dma_start3A_846 = tpu.memref_squeeze %dma_start3A_845 : memref<1x128xi32, #tpu.memory_space<vmem>> -> memref<128xi32, #tpu.memory_space<vmem>>
    %dma_start3A_847 = arith.constant 0 : i32
    %dma_start3A_848 = arith.constant 0 : i32
    %dma_start3A_849 = tpu.memref_slice %arg15[%dma_start3A_847, %dma_start3A_848] : memref<10240x128xf32, #tpu.memory_space<vmem_shared>> -> memref<10240x128xf32, #tpu.memory_space<vmem_shared>>
    tpu.enqueue_indirect_dma source(%arg14 : memref<128x128xf32, #tpu.memory_space<vmem>>) target(%dma_start3A_849 : memref<10240x128xf32, #tpu.memory_space<vmem_shared>>) offsets(%dma_start3A_846 : memref<128xi32, #tpu.memory_space<vmem>>) semaphore(%arg16 : memref<!tpu.dma_semaphore, #tpu.memory_space<semaphore_mem>>) {add = true}
    %dma_wait3A_850 = arith.constant 56 : i32
    %dma_wait3A_851 = arith.constant 0 : i32
    %dma_wait3A_852 = tpu.memref_slice %arg12[%dma_wait3A_850, %dma_wait3A_851] : memref<80x128xi32, #tpu.memory_space<vmem>> -> memref<1x128xi32, #tpu.memory_space<vmem>>
    %dma_wait3A_853 = tpu.memref_squeeze %dma_wait3A_852 : memref<1x128xi32, #tpu.memory_space<vmem>> -> memref<128xi32, #tpu.memory_space<vmem>>
    %dma_wait3A_854 = arith.constant 0 : i32
    %dma_wait3A_855 = arith.constant 0 : i32
    %dma_wait3A_856 = tpu.memref_slice %arg15[%dma_wait3A_854, %dma_wait3A_855] : memref<10240x128xf32, #tpu.memory_space<vmem_shared>> -> memref<10240x128xf32, #tpu.memory_space<vmem_shared>>
    tpu.wait_indirect_dma semaphore(%arg16 : memref<!tpu.dma_semaphore, #tpu.memory_space<semaphore_mem>>) src(%arg14 : memref<128x128xf32, #tpu.memory_space<vmem>>) dst(%dma_wait3A_856 : memref<10240x128xf32, #tpu.memory_space<vmem_shared>>)
    %dma_start3A_857 = arith.constant 65 : i32
    %dma_start3A_858 = arith.constant 0 : i32
    %dma_start3A_859 = tpu.memref_slice %arg12[%dma_start3A_857, %dma_start3A_858] : memref<80x128xi32, #tpu.memory_space<vmem>> -> memref<1x128xi32, #tpu.memory_space<vmem>>
    %dma_start3A_860 = tpu.memref_squeeze %dma_start3A_859 : memref<1x128xi32, #tpu.memory_space<vmem>> -> memref<128xi32, #tpu.memory_space<vmem>>
    %dma_start3A_861 = arith.constant 0 : i32
    %dma_start3A_862 = arith.constant 0 : i32
    %dma_start3A_863 = tpu.memref_slice %arg15[%dma_start3A_861, %dma_start3A_862] : memref<10240x128xf32, #tpu.memory_space<vmem_shared>> -> memref<10240x128xf32, #tpu.memory_space<vmem_shared>>
    tpu.enqueue_indirect_dma source(%arg14 : memref<128x128xf32, #tpu.memory_space<vmem>>) target(%dma_start3A_863 : memref<10240x128xf32, #tpu.memory_space<vmem_shared>>) offsets(%dma_start3A_860 : memref<128xi32, #tpu.memory_space<vmem>>) semaphore(%arg16 : memref<!tpu.dma_semaphore, #tpu.memory_space<semaphore_mem>>) {add = true}
    %dma_wait3A_864 = arith.constant 57 : i32
    %dma_wait3A_865 = arith.constant 0 : i32
    %dma_wait3A_866 = tpu.memref_slice %arg12[%dma_wait3A_864, %dma_wait3A_865] : memref<80x128xi32, #tpu.memory_space<vmem>> -> memref<1x128xi32, #tpu.memory_space<vmem>>
    %dma_wait3A_867 = tpu.memref_squeeze %dma_wait3A_866 : memref<1x128xi32, #tpu.memory_space<vmem>> -> memref<128xi32, #tpu.memory_space<vmem>>
    %dma_wait3A_868 = arith.constant 0 : i32
    %dma_wait3A_869 = arith.constant 0 : i32
    %dma_wait3A_870 = tpu.memref_slice %arg15[%dma_wait3A_868, %dma_wait3A_869] : memref<10240x128xf32, #tpu.memory_space<vmem_shared>> -> memref<10240x128xf32, #tpu.memory_space<vmem_shared>>
    tpu.wait_indirect_dma semaphore(%arg16 : memref<!tpu.dma_semaphore, #tpu.memory_space<semaphore_mem>>) src(%arg14 : memref<128x128xf32, #tpu.memory_space<vmem>>) dst(%dma_wait3A_870 : memref<10240x128xf32, #tpu.memory_space<vmem_shared>>)
    %dma_start3A_871 = arith.constant 66 : i32
    %dma_start3A_872 = arith.constant 0 : i32
    %dma_start3A_873 = tpu.memref_slice %arg12[%dma_start3A_871, %dma_start3A_872] : memref<80x128xi32, #tpu.memory_space<vmem>> -> memref<1x128xi32, #tpu.memory_space<vmem>>
    %dma_start3A_874 = tpu.memref_squeeze %dma_start3A_873 : memref<1x128xi32, #tpu.memory_space<vmem>> -> memref<128xi32, #tpu.memory_space<vmem>>
    %dma_start3A_875 = arith.constant 0 : i32
    %dma_start3A_876 = arith.constant 0 : i32
    %dma_start3A_877 = tpu.memref_slice %arg15[%dma_start3A_875, %dma_start3A_876] : memref<10240x128xf32, #tpu.memory_space<vmem_shared>> -> memref<10240x128xf32, #tpu.memory_space<vmem_shared>>
    tpu.enqueue_indirect_dma source(%arg14 : memref<128x128xf32, #tpu.memory_space<vmem>>) target(%dma_start3A_877 : memref<10240x128xf32, #tpu.memory_space<vmem_shared>>) offsets(%dma_start3A_874 : memref<128xi32, #tpu.memory_space<vmem>>) semaphore(%arg16 : memref<!tpu.dma_semaphore, #tpu.memory_space<semaphore_mem>>) {add = true}
    %dma_wait3A_878 = arith.constant 58 : i32
    %dma_wait3A_879 = arith.constant 0 : i32
    %dma_wait3A_880 = tpu.memref_slice %arg12[%dma_wait3A_878, %dma_wait3A_879] : memref<80x128xi32, #tpu.memory_space<vmem>> -> memref<1x128xi32, #tpu.memory_space<vmem>>
    %dma_wait3A_881 = tpu.memref_squeeze %dma_wait3A_880 : memref<1x128xi32, #tpu.memory_space<vmem>> -> memref<128xi32, #tpu.memory_space<vmem>>
    %dma_wait3A_882 = arith.constant 0 : i32
    %dma_wait3A_883 = arith.constant 0 : i32
    %dma_wait3A_884 = tpu.memref_slice %arg15[%dma_wait3A_882, %dma_wait3A_883] : memref<10240x128xf32, #tpu.memory_space<vmem_shared>> -> memref<10240x128xf32, #tpu.memory_space<vmem_shared>>
    tpu.wait_indirect_dma semaphore(%arg16 : memref<!tpu.dma_semaphore, #tpu.memory_space<semaphore_mem>>) src(%arg14 : memref<128x128xf32, #tpu.memory_space<vmem>>) dst(%dma_wait3A_884 : memref<10240x128xf32, #tpu.memory_space<vmem_shared>>)
    %dma_start3A_885 = arith.constant 67 : i32
    %dma_start3A_886 = arith.constant 0 : i32
    %dma_start3A_887 = tpu.memref_slice %arg12[%dma_start3A_885, %dma_start3A_886] : memref<80x128xi32, #tpu.memory_space<vmem>> -> memref<1x128xi32, #tpu.memory_space<vmem>>
    %dma_start3A_888 = tpu.memref_squeeze %dma_start3A_887 : memref<1x128xi32, #tpu.memory_space<vmem>> -> memref<128xi32, #tpu.memory_space<vmem>>
    %dma_start3A_889 = arith.constant 0 : i32
    %dma_start3A_890 = arith.constant 0 : i32
    %dma_start3A_891 = tpu.memref_slice %arg15[%dma_start3A_889, %dma_start3A_890] : memref<10240x128xf32, #tpu.memory_space<vmem_shared>> -> memref<10240x128xf32, #tpu.memory_space<vmem_shared>>
    tpu.enqueue_indirect_dma source(%arg14 : memref<128x128xf32, #tpu.memory_space<vmem>>) target(%dma_start3A_891 : memref<10240x128xf32, #tpu.memory_space<vmem_shared>>) offsets(%dma_start3A_888 : memref<128xi32, #tpu.memory_space<vmem>>) semaphore(%arg16 : memref<!tpu.dma_semaphore, #tpu.memory_space<semaphore_mem>>) {add = true}
    %dma_wait3A_892 = arith.constant 59 : i32
    %dma_wait3A_893 = arith.constant 0 : i32
    %dma_wait3A_894 = tpu.memref_slice %arg12[%dma_wait3A_892, %dma_wait3A_893] : memref<80x128xi32, #tpu.memory_space<vmem>> -> memref<1x128xi32, #tpu.memory_space<vmem>>
    %dma_wait3A_895 = tpu.memref_squeeze %dma_wait3A_894 : memref<1x128xi32, #tpu.memory_space<vmem>> -> memref<128xi32, #tpu.memory_space<vmem>>
    %dma_wait3A_896 = arith.constant 0 : i32
    %dma_wait3A_897 = arith.constant 0 : i32
    %dma_wait3A_898 = tpu.memref_slice %arg15[%dma_wait3A_896, %dma_wait3A_897] : memref<10240x128xf32, #tpu.memory_space<vmem_shared>> -> memref<10240x128xf32, #tpu.memory_space<vmem_shared>>
    tpu.wait_indirect_dma semaphore(%arg16 : memref<!tpu.dma_semaphore, #tpu.memory_space<semaphore_mem>>) src(%arg14 : memref<128x128xf32, #tpu.memory_space<vmem>>) dst(%dma_wait3A_898 : memref<10240x128xf32, #tpu.memory_space<vmem_shared>>)
    %dma_start3A_899 = arith.constant 68 : i32
    %dma_start3A_900 = arith.constant 0 : i32
    %dma_start3A_901 = tpu.memref_slice %arg12[%dma_start3A_899, %dma_start3A_900] : memref<80x128xi32, #tpu.memory_space<vmem>> -> memref<1x128xi32, #tpu.memory_space<vmem>>
    %dma_start3A_902 = tpu.memref_squeeze %dma_start3A_901 : memref<1x128xi32, #tpu.memory_space<vmem>> -> memref<128xi32, #tpu.memory_space<vmem>>
    %dma_start3A_903 = arith.constant 0 : i32
    %dma_start3A_904 = arith.constant 0 : i32
    %dma_start3A_905 = tpu.memref_slice %arg15[%dma_start3A_903, %dma_start3A_904] : memref<10240x128xf32, #tpu.memory_space<vmem_shared>> -> memref<10240x128xf32, #tpu.memory_space<vmem_shared>>
    tpu.enqueue_indirect_dma source(%arg14 : memref<128x128xf32, #tpu.memory_space<vmem>>) target(%dma_start3A_905 : memref<10240x128xf32, #tpu.memory_space<vmem_shared>>) offsets(%dma_start3A_902 : memref<128xi32, #tpu.memory_space<vmem>>) semaphore(%arg16 : memref<!tpu.dma_semaphore, #tpu.memory_space<semaphore_mem>>) {add = true}
    %dma_wait3A_906 = arith.constant 60 : i32
    %dma_wait3A_907 = arith.constant 0 : i32
    %dma_wait3A_908 = tpu.memref_slice %arg12[%dma_wait3A_906, %dma_wait3A_907] : memref<80x128xi32, #tpu.memory_space<vmem>> -> memref<1x128xi32, #tpu.memory_space<vmem>>
    %dma_wait3A_909 = tpu.memref_squeeze %dma_wait3A_908 : memref<1x128xi32, #tpu.memory_space<vmem>> -> memref<128xi32, #tpu.memory_space<vmem>>
    %dma_wait3A_910 = arith.constant 0 : i32
    %dma_wait3A_911 = arith.constant 0 : i32
    %dma_wait3A_912 = tpu.memref_slice %arg15[%dma_wait3A_910, %dma_wait3A_911] : memref<10240x128xf32, #tpu.memory_space<vmem_shared>> -> memref<10240x128xf32, #tpu.memory_space<vmem_shared>>
    tpu.wait_indirect_dma semaphore(%arg16 : memref<!tpu.dma_semaphore, #tpu.memory_space<semaphore_mem>>) src(%arg14 : memref<128x128xf32, #tpu.memory_space<vmem>>) dst(%dma_wait3A_912 : memref<10240x128xf32, #tpu.memory_space<vmem_shared>>)
    %dma_start3A_913 = arith.constant 69 : i32
    %dma_start3A_914 = arith.constant 0 : i32
    %dma_start3A_915 = tpu.memref_slice %arg12[%dma_start3A_913, %dma_start3A_914] : memref<80x128xi32, #tpu.memory_space<vmem>> -> memref<1x128xi32, #tpu.memory_space<vmem>>
    %dma_start3A_916 = tpu.memref_squeeze %dma_start3A_915 : memref<1x128xi32, #tpu.memory_space<vmem>> -> memref<128xi32, #tpu.memory_space<vmem>>
    %dma_start3A_917 = arith.constant 0 : i32
    %dma_start3A_918 = arith.constant 0 : i32
    %dma_start3A_919 = tpu.memref_slice %arg15[%dma_start3A_917, %dma_start3A_918] : memref<10240x128xf32, #tpu.memory_space<vmem_shared>> -> memref<10240x128xf32, #tpu.memory_space<vmem_shared>>
    tpu.enqueue_indirect_dma source(%arg14 : memref<128x128xf32, #tpu.memory_space<vmem>>) target(%dma_start3A_919 : memref<10240x128xf32, #tpu.memory_space<vmem_shared>>) offsets(%dma_start3A_916 : memref<128xi32, #tpu.memory_space<vmem>>) semaphore(%arg16 : memref<!tpu.dma_semaphore, #tpu.memory_space<semaphore_mem>>) {add = true}
    %dma_wait3A_920 = arith.constant 61 : i32
    %dma_wait3A_921 = arith.constant 0 : i32
    %dma_wait3A_922 = tpu.memref_slice %arg12[%dma_wait3A_920, %dma_wait3A_921] : memref<80x128xi32, #tpu.memory_space<vmem>> -> memref<1x128xi32, #tpu.memory_space<vmem>>
    %dma_wait3A_923 = tpu.memref_squeeze %dma_wait3A_922 : memref<1x128xi32, #tpu.memory_space<vmem>> -> memref<128xi32, #tpu.memory_space<vmem>>
    %dma_wait3A_924 = arith.constant 0 : i32
    %dma_wait3A_925 = arith.constant 0 : i32
    %dma_wait3A_926 = tpu.memref_slice %arg15[%dma_wait3A_924, %dma_wait3A_925] : memref<10240x128xf32, #tpu.memory_space<vmem_shared>> -> memref<10240x128xf32, #tpu.memory_space<vmem_shared>>
    tpu.wait_indirect_dma semaphore(%arg16 : memref<!tpu.dma_semaphore, #tpu.memory_space<semaphore_mem>>) src(%arg14 : memref<128x128xf32, #tpu.memory_space<vmem>>) dst(%dma_wait3A_926 : memref<10240x128xf32, #tpu.memory_space<vmem_shared>>)
    %dma_start3A_927 = arith.constant 70 : i32
    %dma_start3A_928 = arith.constant 0 : i32
    %dma_start3A_929 = tpu.memref_slice %arg12[%dma_start3A_927, %dma_start3A_928] : memref<80x128xi32, #tpu.memory_space<vmem>> -> memref<1x128xi32, #tpu.memory_space<vmem>>
    %dma_start3A_930 = tpu.memref_squeeze %dma_start3A_929 : memref<1x128xi32, #tpu.memory_space<vmem>> -> memref<128xi32, #tpu.memory_space<vmem>>
    %dma_start3A_931 = arith.constant 0 : i32
    %dma_start3A_932 = arith.constant 0 : i32
    %dma_start3A_933 = tpu.memref_slice %arg15[%dma_start3A_931, %dma_start3A_932] : memref<10240x128xf32, #tpu.memory_space<vmem_shared>> -> memref<10240x128xf32, #tpu.memory_space<vmem_shared>>
    tpu.enqueue_indirect_dma source(%arg14 : memref<128x128xf32, #tpu.memory_space<vmem>>) target(%dma_start3A_933 : memref<10240x128xf32, #tpu.memory_space<vmem_shared>>) offsets(%dma_start3A_930 : memref<128xi32, #tpu.memory_space<vmem>>) semaphore(%arg16 : memref<!tpu.dma_semaphore, #tpu.memory_space<semaphore_mem>>) {add = true}
    %dma_wait3A_934 = arith.constant 62 : i32
    %dma_wait3A_935 = arith.constant 0 : i32
    %dma_wait3A_936 = tpu.memref_slice %arg12[%dma_wait3A_934, %dma_wait3A_935] : memref<80x128xi32, #tpu.memory_space<vmem>> -> memref<1x128xi32, #tpu.memory_space<vmem>>
    %dma_wait3A_937 = tpu.memref_squeeze %dma_wait3A_936 : memref<1x128xi32, #tpu.memory_space<vmem>> -> memref<128xi32, #tpu.memory_space<vmem>>
    %dma_wait3A_938 = arith.constant 0 : i32
    %dma_wait3A_939 = arith.constant 0 : i32
    %dma_wait3A_940 = tpu.memref_slice %arg15[%dma_wait3A_938, %dma_wait3A_939] : memref<10240x128xf32, #tpu.memory_space<vmem_shared>> -> memref<10240x128xf32, #tpu.memory_space<vmem_shared>>
    tpu.wait_indirect_dma semaphore(%arg16 : memref<!tpu.dma_semaphore, #tpu.memory_space<semaphore_mem>>) src(%arg14 : memref<128x128xf32, #tpu.memory_space<vmem>>) dst(%dma_wait3A_940 : memref<10240x128xf32, #tpu.memory_space<vmem_shared>>)
    %dma_start3A_941 = arith.constant 71 : i32
    %dma_start3A_942 = arith.constant 0 : i32
    %dma_start3A_943 = tpu.memref_slice %arg12[%dma_start3A_941, %dma_start3A_942] : memref<80x128xi32, #tpu.memory_space<vmem>> -> memref<1x128xi32, #tpu.memory_space<vmem>>
    %dma_start3A_944 = tpu.memref_squeeze %dma_start3A_943 : memref<1x128xi32, #tpu.memory_space<vmem>> -> memref<128xi32, #tpu.memory_space<vmem>>
    %dma_start3A_945 = arith.constant 0 : i32
    %dma_start3A_946 = arith.constant 0 : i32
    %dma_start3A_947 = tpu.memref_slice %arg15[%dma_start3A_945, %dma_start3A_946] : memref<10240x128xf32, #tpu.memory_space<vmem_shared>> -> memref<10240x128xf32, #tpu.memory_space<vmem_shared>>
    tpu.enqueue_indirect_dma source(%arg14 : memref<128x128xf32, #tpu.memory_space<vmem>>) target(%dma_start3A_947 : memref<10240x128xf32, #tpu.memory_space<vmem_shared>>) offsets(%dma_start3A_944 : memref<128xi32, #tpu.memory_space<vmem>>) semaphore(%arg16 : memref<!tpu.dma_semaphore, #tpu.memory_space<semaphore_mem>>) {add = true}
    %dma_wait3A_948 = arith.constant 63 : i32
    %dma_wait3A_949 = arith.constant 0 : i32
    %dma_wait3A_950 = tpu.memref_slice %arg12[%dma_wait3A_948, %dma_wait3A_949] : memref<80x128xi32, #tpu.memory_space<vmem>> -> memref<1x128xi32, #tpu.memory_space<vmem>>
    %dma_wait3A_951 = tpu.memref_squeeze %dma_wait3A_950 : memref<1x128xi32, #tpu.memory_space<vmem>> -> memref<128xi32, #tpu.memory_space<vmem>>
    %dma_wait3A_952 = arith.constant 0 : i32
    %dma_wait3A_953 = arith.constant 0 : i32
    %dma_wait3A_954 = tpu.memref_slice %arg15[%dma_wait3A_952, %dma_wait3A_953] : memref<10240x128xf32, #tpu.memory_space<vmem_shared>> -> memref<10240x128xf32, #tpu.memory_space<vmem_shared>>
    tpu.wait_indirect_dma semaphore(%arg16 : memref<!tpu.dma_semaphore, #tpu.memory_space<semaphore_mem>>) src(%arg14 : memref<128x128xf32, #tpu.memory_space<vmem>>) dst(%dma_wait3A_954 : memref<10240x128xf32, #tpu.memory_space<vmem_shared>>)
    %dma_start3A_955 = arith.constant 72 : i32
    %dma_start3A_956 = arith.constant 0 : i32
    %dma_start3A_957 = tpu.memref_slice %arg12[%dma_start3A_955, %dma_start3A_956] : memref<80x128xi32, #tpu.memory_space<vmem>> -> memref<1x128xi32, #tpu.memory_space<vmem>>
    %dma_start3A_958 = tpu.memref_squeeze %dma_start3A_957 : memref<1x128xi32, #tpu.memory_space<vmem>> -> memref<128xi32, #tpu.memory_space<vmem>>
    %dma_start3A_959 = arith.constant 0 : i32
    %dma_start3A_960 = arith.constant 0 : i32
    %dma_start3A_961 = tpu.memref_slice %arg15[%dma_start3A_959, %dma_start3A_960] : memref<10240x128xf32, #tpu.memory_space<vmem_shared>> -> memref<10240x128xf32, #tpu.memory_space<vmem_shared>>
    tpu.enqueue_indirect_dma source(%arg14 : memref<128x128xf32, #tpu.memory_space<vmem>>) target(%dma_start3A_961 : memref<10240x128xf32, #tpu.memory_space<vmem_shared>>) offsets(%dma_start3A_958 : memref<128xi32, #tpu.memory_space<vmem>>) semaphore(%arg16 : memref<!tpu.dma_semaphore, #tpu.memory_space<semaphore_mem>>) {add = true}
    %dma_wait3A_962 = arith.constant 64 : i32
    %dma_wait3A_963 = arith.constant 0 : i32
    %dma_wait3A_964 = tpu.memref_slice %arg12[%dma_wait3A_962, %dma_wait3A_963] : memref<80x128xi32, #tpu.memory_space<vmem>> -> memref<1x128xi32, #tpu.memory_space<vmem>>
    %dma_wait3A_965 = tpu.memref_squeeze %dma_wait3A_964 : memref<1x128xi32, #tpu.memory_space<vmem>> -> memref<128xi32, #tpu.memory_space<vmem>>
    %dma_wait3A_966 = arith.constant 0 : i32
    %dma_wait3A_967 = arith.constant 0 : i32
    %dma_wait3A_968 = tpu.memref_slice %arg15[%dma_wait3A_966, %dma_wait3A_967] : memref<10240x128xf32, #tpu.memory_space<vmem_shared>> -> memref<10240x128xf32, #tpu.memory_space<vmem_shared>>
    tpu.wait_indirect_dma semaphore(%arg16 : memref<!tpu.dma_semaphore, #tpu.memory_space<semaphore_mem>>) src(%arg14 : memref<128x128xf32, #tpu.memory_space<vmem>>) dst(%dma_wait3A_968 : memref<10240x128xf32, #tpu.memory_space<vmem_shared>>)
    %dma_start3A_969 = arith.constant 73 : i32
    %dma_start3A_970 = arith.constant 0 : i32
    %dma_start3A_971 = tpu.memref_slice %arg12[%dma_start3A_969, %dma_start3A_970] : memref<80x128xi32, #tpu.memory_space<vmem>> -> memref<1x128xi32, #tpu.memory_space<vmem>>
    %dma_start3A_972 = tpu.memref_squeeze %dma_start3A_971 : memref<1x128xi32, #tpu.memory_space<vmem>> -> memref<128xi32, #tpu.memory_space<vmem>>
    %dma_start3A_973 = arith.constant 0 : i32
    %dma_start3A_974 = arith.constant 0 : i32
    %dma_start3A_975 = tpu.memref_slice %arg15[%dma_start3A_973, %dma_start3A_974] : memref<10240x128xf32, #tpu.memory_space<vmem_shared>> -> memref<10240x128xf32, #tpu.memory_space<vmem_shared>>
    tpu.enqueue_indirect_dma source(%arg14 : memref<128x128xf32, #tpu.memory_space<vmem>>) target(%dma_start3A_975 : memref<10240x128xf32, #tpu.memory_space<vmem_shared>>) offsets(%dma_start3A_972 : memref<128xi32, #tpu.memory_space<vmem>>) semaphore(%arg16 : memref<!tpu.dma_semaphore, #tpu.memory_space<semaphore_mem>>) {add = true}
    %dma_wait3A_976 = arith.constant 65 : i32
    %dma_wait3A_977 = arith.constant 0 : i32
    %dma_wait3A_978 = tpu.memref_slice %arg12[%dma_wait3A_976, %dma_wait3A_977] : memref<80x128xi32, #tpu.memory_space<vmem>> -> memref<1x128xi32, #tpu.memory_space<vmem>>
    %dma_wait3A_979 = tpu.memref_squeeze %dma_wait3A_978 : memref<1x128xi32, #tpu.memory_space<vmem>> -> memref<128xi32, #tpu.memory_space<vmem>>
    %dma_wait3A_980 = arith.constant 0 : i32
    %dma_wait3A_981 = arith.constant 0 : i32
    %dma_wait3A_982 = tpu.memref_slice %arg15[%dma_wait3A_980, %dma_wait3A_981] : memref<10240x128xf32, #tpu.memory_space<vmem_shared>> -> memref<10240x128xf32, #tpu.memory_space<vmem_shared>>
    tpu.wait_indirect_dma semaphore(%arg16 : memref<!tpu.dma_semaphore, #tpu.memory_space<semaphore_mem>>) src(%arg14 : memref<128x128xf32, #tpu.memory_space<vmem>>) dst(%dma_wait3A_982 : memref<10240x128xf32, #tpu.memory_space<vmem_shared>>)
    %dma_start3A_983 = arith.constant 74 : i32
    %dma_start3A_984 = arith.constant 0 : i32
    %dma_start3A_985 = tpu.memref_slice %arg12[%dma_start3A_983, %dma_start3A_984] : memref<80x128xi32, #tpu.memory_space<vmem>> -> memref<1x128xi32, #tpu.memory_space<vmem>>
    %dma_start3A_986 = tpu.memref_squeeze %dma_start3A_985 : memref<1x128xi32, #tpu.memory_space<vmem>> -> memref<128xi32, #tpu.memory_space<vmem>>
    %dma_start3A_987 = arith.constant 0 : i32
    %dma_start3A_988 = arith.constant 0 : i32
    %dma_start3A_989 = tpu.memref_slice %arg15[%dma_start3A_987, %dma_start3A_988] : memref<10240x128xf32, #tpu.memory_space<vmem_shared>> -> memref<10240x128xf32, #tpu.memory_space<vmem_shared>>
    tpu.enqueue_indirect_dma source(%arg14 : memref<128x128xf32, #tpu.memory_space<vmem>>) target(%dma_start3A_989 : memref<10240x128xf32, #tpu.memory_space<vmem_shared>>) offsets(%dma_start3A_986 : memref<128xi32, #tpu.memory_space<vmem>>) semaphore(%arg16 : memref<!tpu.dma_semaphore, #tpu.memory_space<semaphore_mem>>) {add = true}
    %dma_wait3A_990 = arith.constant 66 : i32
    %dma_wait3A_991 = arith.constant 0 : i32
    %dma_wait3A_992 = tpu.memref_slice %arg12[%dma_wait3A_990, %dma_wait3A_991] : memref<80x128xi32, #tpu.memory_space<vmem>> -> memref<1x128xi32, #tpu.memory_space<vmem>>
    %dma_wait3A_993 = tpu.memref_squeeze %dma_wait3A_992 : memref<1x128xi32, #tpu.memory_space<vmem>> -> memref<128xi32, #tpu.memory_space<vmem>>
    %dma_wait3A_994 = arith.constant 0 : i32
    %dma_wait3A_995 = arith.constant 0 : i32
    %dma_wait3A_996 = tpu.memref_slice %arg15[%dma_wait3A_994, %dma_wait3A_995] : memref<10240x128xf32, #tpu.memory_space<vmem_shared>> -> memref<10240x128xf32, #tpu.memory_space<vmem_shared>>
    tpu.wait_indirect_dma semaphore(%arg16 : memref<!tpu.dma_semaphore, #tpu.memory_space<semaphore_mem>>) src(%arg14 : memref<128x128xf32, #tpu.memory_space<vmem>>) dst(%dma_wait3A_996 : memref<10240x128xf32, #tpu.memory_space<vmem_shared>>)
    %dma_start3A_997 = arith.constant 75 : i32
    %dma_start3A_998 = arith.constant 0 : i32
    %dma_start3A_999 = tpu.memref_slice %arg12[%dma_start3A_997, %dma_start3A_998] : memref<80x128xi32, #tpu.memory_space<vmem>> -> memref<1x128xi32, #tpu.memory_space<vmem>>
    %dma_start3A_1000 = tpu.memref_squeeze %dma_start3A_999 : memref<1x128xi32, #tpu.memory_space<vmem>> -> memref<128xi32, #tpu.memory_space<vmem>>
    %dma_start3A_1001 = arith.constant 0 : i32
    %dma_start3A_1002 = arith.constant 0 : i32
    %dma_start3A_1003 = tpu.memref_slice %arg15[%dma_start3A_1001, %dma_start3A_1002] : memref<10240x128xf32, #tpu.memory_space<vmem_shared>> -> memref<10240x128xf32, #tpu.memory_space<vmem_shared>>
    tpu.enqueue_indirect_dma source(%arg14 : memref<128x128xf32, #tpu.memory_space<vmem>>) target(%dma_start3A_1003 : memref<10240x128xf32, #tpu.memory_space<vmem_shared>>) offsets(%dma_start3A_1000 : memref<128xi32, #tpu.memory_space<vmem>>) semaphore(%arg16 : memref<!tpu.dma_semaphore, #tpu.memory_space<semaphore_mem>>) {add = true}
    %dma_wait3A_1004 = arith.constant 67 : i32
    %dma_wait3A_1005 = arith.constant 0 : i32
    %dma_wait3A_1006 = tpu.memref_slice %arg12[%dma_wait3A_1004, %dma_wait3A_1005] : memref<80x128xi32, #tpu.memory_space<vmem>> -> memref<1x128xi32, #tpu.memory_space<vmem>>
    %dma_wait3A_1007 = tpu.memref_squeeze %dma_wait3A_1006 : memref<1x128xi32, #tpu.memory_space<vmem>> -> memref<128xi32, #tpu.memory_space<vmem>>
    %dma_wait3A_1008 = arith.constant 0 : i32
    %dma_wait3A_1009 = arith.constant 0 : i32
    %dma_wait3A_1010 = tpu.memref_slice %arg15[%dma_wait3A_1008, %dma_wait3A_1009] : memref<10240x128xf32, #tpu.memory_space<vmem_shared>> -> memref<10240x128xf32, #tpu.memory_space<vmem_shared>>
    tpu.wait_indirect_dma semaphore(%arg16 : memref<!tpu.dma_semaphore, #tpu.memory_space<semaphore_mem>>) src(%arg14 : memref<128x128xf32, #tpu.memory_space<vmem>>) dst(%dma_wait3A_1010 : memref<10240x128xf32, #tpu.memory_space<vmem_shared>>)
    %dma_start3A_1011 = arith.constant 76 : i32
    %dma_start3A_1012 = arith.constant 0 : i32
    %dma_start3A_1013 = tpu.memref_slice %arg12[%dma_start3A_1011, %dma_start3A_1012] : memref<80x128xi32, #tpu.memory_space<vmem>> -> memref<1x128xi32, #tpu.memory_space<vmem>>
    %dma_start3A_1014 = tpu.memref_squeeze %dma_start3A_1013 : memref<1x128xi32, #tpu.memory_space<vmem>> -> memref<128xi32, #tpu.memory_space<vmem>>
    %dma_start3A_1015 = arith.constant 0 : i32
    %dma_start3A_1016 = arith.constant 0 : i32
    %dma_start3A_1017 = tpu.memref_slice %arg15[%dma_start3A_1015, %dma_start3A_1016] : memref<10240x128xf32, #tpu.memory_space<vmem_shared>> -> memref<10240x128xf32, #tpu.memory_space<vmem_shared>>
    tpu.enqueue_indirect_dma source(%arg14 : memref<128x128xf32, #tpu.memory_space<vmem>>) target(%dma_start3A_1017 : memref<10240x128xf32, #tpu.memory_space<vmem_shared>>) offsets(%dma_start3A_1014 : memref<128xi32, #tpu.memory_space<vmem>>) semaphore(%arg16 : memref<!tpu.dma_semaphore, #tpu.memory_space<semaphore_mem>>) {add = true}
    %dma_wait3A_1018 = arith.constant 68 : i32
    %dma_wait3A_1019 = arith.constant 0 : i32
    %dma_wait3A_1020 = tpu.memref_slice %arg12[%dma_wait3A_1018, %dma_wait3A_1019] : memref<80x128xi32, #tpu.memory_space<vmem>> -> memref<1x128xi32, #tpu.memory_space<vmem>>
    %dma_wait3A_1021 = tpu.memref_squeeze %dma_wait3A_1020 : memref<1x128xi32, #tpu.memory_space<vmem>> -> memref<128xi32, #tpu.memory_space<vmem>>
    %dma_wait3A_1022 = arith.constant 0 : i32
    %dma_wait3A_1023 = arith.constant 0 : i32
    %dma_wait3A_1024 = tpu.memref_slice %arg15[%dma_wait3A_1022, %dma_wait3A_1023] : memref<10240x128xf32, #tpu.memory_space<vmem_shared>> -> memref<10240x128xf32, #tpu.memory_space<vmem_shared>>
    tpu.wait_indirect_dma semaphore(%arg16 : memref<!tpu.dma_semaphore, #tpu.memory_space<semaphore_mem>>) src(%arg14 : memref<128x128xf32, #tpu.memory_space<vmem>>) dst(%dma_wait3A_1024 : memref<10240x128xf32, #tpu.memory_space<vmem_shared>>)
    %dma_start3A_1025 = arith.constant 77 : i32
    %dma_start3A_1026 = arith.constant 0 : i32
    %dma_start3A_1027 = tpu.memref_slice %arg12[%dma_start3A_1025, %dma_start3A_1026] : memref<80x128xi32, #tpu.memory_space<vmem>> -> memref<1x128xi32, #tpu.memory_space<vmem>>
    %dma_start3A_1028 = tpu.memref_squeeze %dma_start3A_1027 : memref<1x128xi32, #tpu.memory_space<vmem>> -> memref<128xi32, #tpu.memory_space<vmem>>
    %dma_start3A_1029 = arith.constant 0 : i32
    %dma_start3A_1030 = arith.constant 0 : i32
    %dma_start3A_1031 = tpu.memref_slice %arg15[%dma_start3A_1029, %dma_start3A_1030] : memref<10240x128xf32, #tpu.memory_space<vmem_shared>> -> memref<10240x128xf32, #tpu.memory_space<vmem_shared>>
    tpu.enqueue_indirect_dma source(%arg14 : memref<128x128xf32, #tpu.memory_space<vmem>>) target(%dma_start3A_1031 : memref<10240x128xf32, #tpu.memory_space<vmem_shared>>) offsets(%dma_start3A_1028 : memref<128xi32, #tpu.memory_space<vmem>>) semaphore(%arg16 : memref<!tpu.dma_semaphore, #tpu.memory_space<semaphore_mem>>) {add = true}
    %dma_wait3A_1032 = arith.constant 69 : i32
    %dma_wait3A_1033 = arith.constant 0 : i32
    %dma_wait3A_1034 = tpu.memref_slice %arg12[%dma_wait3A_1032, %dma_wait3A_1033] : memref<80x128xi32, #tpu.memory_space<vmem>> -> memref<1x128xi32, #tpu.memory_space<vmem>>
    %dma_wait3A_1035 = tpu.memref_squeeze %dma_wait3A_1034 : memref<1x128xi32, #tpu.memory_space<vmem>> -> memref<128xi32, #tpu.memory_space<vmem>>
    %dma_wait3A_1036 = arith.constant 0 : i32
    %dma_wait3A_1037 = arith.constant 0 : i32
    %dma_wait3A_1038 = tpu.memref_slice %arg15[%dma_wait3A_1036, %dma_wait3A_1037] : memref<10240x128xf32, #tpu.memory_space<vmem_shared>> -> memref<10240x128xf32, #tpu.memory_space<vmem_shared>>
    tpu.wait_indirect_dma semaphore(%arg16 : memref<!tpu.dma_semaphore, #tpu.memory_space<semaphore_mem>>) src(%arg14 : memref<128x128xf32, #tpu.memory_space<vmem>>) dst(%dma_wait3A_1038 : memref<10240x128xf32, #tpu.memory_space<vmem_shared>>)
    %dma_start3A_1039 = arith.constant 78 : i32
    %dma_start3A_1040 = arith.constant 0 : i32
    %dma_start3A_1041 = tpu.memref_slice %arg12[%dma_start3A_1039, %dma_start3A_1040] : memref<80x128xi32, #tpu.memory_space<vmem>> -> memref<1x128xi32, #tpu.memory_space<vmem>>
    %dma_start3A_1042 = tpu.memref_squeeze %dma_start3A_1041 : memref<1x128xi32, #tpu.memory_space<vmem>> -> memref<128xi32, #tpu.memory_space<vmem>>
    %dma_start3A_1043 = arith.constant 0 : i32
    %dma_start3A_1044 = arith.constant 0 : i32
    %dma_start3A_1045 = tpu.memref_slice %arg15[%dma_start3A_1043, %dma_start3A_1044] : memref<10240x128xf32, #tpu.memory_space<vmem_shared>> -> memref<10240x128xf32, #tpu.memory_space<vmem_shared>>
    tpu.enqueue_indirect_dma source(%arg14 : memref<128x128xf32, #tpu.memory_space<vmem>>) target(%dma_start3A_1045 : memref<10240x128xf32, #tpu.memory_space<vmem_shared>>) offsets(%dma_start3A_1042 : memref<128xi32, #tpu.memory_space<vmem>>) semaphore(%arg16 : memref<!tpu.dma_semaphore, #tpu.memory_space<semaphore_mem>>) {add = true}
    %dma_wait3A_1046 = arith.constant 70 : i32
    %dma_wait3A_1047 = arith.constant 0 : i32
    %dma_wait3A_1048 = tpu.memref_slice %arg12[%dma_wait3A_1046, %dma_wait3A_1047] : memref<80x128xi32, #tpu.memory_space<vmem>> -> memref<1x128xi32, #tpu.memory_space<vmem>>
    %dma_wait3A_1049 = tpu.memref_squeeze %dma_wait3A_1048 : memref<1x128xi32, #tpu.memory_space<vmem>> -> memref<128xi32, #tpu.memory_space<vmem>>
    %dma_wait3A_1050 = arith.constant 0 : i32
    %dma_wait3A_1051 = arith.constant 0 : i32
    %dma_wait3A_1052 = tpu.memref_slice %arg15[%dma_wait3A_1050, %dma_wait3A_1051] : memref<10240x128xf32, #tpu.memory_space<vmem_shared>> -> memref<10240x128xf32, #tpu.memory_space<vmem_shared>>
    tpu.wait_indirect_dma semaphore(%arg16 : memref<!tpu.dma_semaphore, #tpu.memory_space<semaphore_mem>>) src(%arg14 : memref<128x128xf32, #tpu.memory_space<vmem>>) dst(%dma_wait3A_1052 : memref<10240x128xf32, #tpu.memory_space<vmem_shared>>)
    %dma_start3A_1053 = arith.constant 79 : i32
    %dma_start3A_1054 = arith.constant 0 : i32
    %dma_start3A_1055 = tpu.memref_slice %arg12[%dma_start3A_1053, %dma_start3A_1054] : memref<80x128xi32, #tpu.memory_space<vmem>> -> memref<1x128xi32, #tpu.memory_space<vmem>>
    %dma_start3A_1056 = tpu.memref_squeeze %dma_start3A_1055 : memref<1x128xi32, #tpu.memory_space<vmem>> -> memref<128xi32, #tpu.memory_space<vmem>>
    %dma_start3A_1057 = arith.constant 0 : i32
    %dma_start3A_1058 = arith.constant 0 : i32
    %dma_start3A_1059 = tpu.memref_slice %arg15[%dma_start3A_1057, %dma_start3A_1058] : memref<10240x128xf32, #tpu.memory_space<vmem_shared>> -> memref<10240x128xf32, #tpu.memory_space<vmem_shared>>
    tpu.enqueue_indirect_dma source(%arg14 : memref<128x128xf32, #tpu.memory_space<vmem>>) target(%dma_start3A_1059 : memref<10240x128xf32, #tpu.memory_space<vmem_shared>>) offsets(%dma_start3A_1056 : memref<128xi32, #tpu.memory_space<vmem>>) semaphore(%arg16 : memref<!tpu.dma_semaphore, #tpu.memory_space<semaphore_mem>>) {add = true}
    %dma_wait3A_1060 = arith.constant 71 : i32
    %dma_wait3A_1061 = arith.constant 0 : i32
    %dma_wait3A_1062 = tpu.memref_slice %arg12[%dma_wait3A_1060, %dma_wait3A_1061] : memref<80x128xi32, #tpu.memory_space<vmem>> -> memref<1x128xi32, #tpu.memory_space<vmem>>
    %dma_wait3A_1063 = tpu.memref_squeeze %dma_wait3A_1062 : memref<1x128xi32, #tpu.memory_space<vmem>> -> memref<128xi32, #tpu.memory_space<vmem>>
    %dma_wait3A_1064 = arith.constant 0 : i32
    %dma_wait3A_1065 = arith.constant 0 : i32
    %dma_wait3A_1066 = tpu.memref_slice %arg15[%dma_wait3A_1064, %dma_wait3A_1065] : memref<10240x128xf32, #tpu.memory_space<vmem_shared>> -> memref<10240x128xf32, #tpu.memory_space<vmem_shared>>
    tpu.wait_indirect_dma semaphore(%arg16 : memref<!tpu.dma_semaphore, #tpu.memory_space<semaphore_mem>>) src(%arg14 : memref<128x128xf32, #tpu.memory_space<vmem>>) dst(%dma_wait3A_1066 : memref<10240x128xf32, #tpu.memory_space<vmem_shared>>)
    %dma_wait3A_1067 = arith.constant 72 : i32
    %dma_wait3A_1068 = arith.constant 0 : i32
    %dma_wait3A_1069 = tpu.memref_slice %arg12[%dma_wait3A_1067, %dma_wait3A_1068] : memref<80x128xi32, #tpu.memory_space<vmem>> -> memref<1x128xi32, #tpu.memory_space<vmem>>
    %dma_wait3A_1070 = tpu.memref_squeeze %dma_wait3A_1069 : memref<1x128xi32, #tpu.memory_space<vmem>> -> memref<128xi32, #tpu.memory_space<vmem>>
    %dma_wait3A_1071 = arith.constant 0 : i32
    %dma_wait3A_1072 = arith.constant 0 : i32
    %dma_wait3A_1073 = tpu.memref_slice %arg15[%dma_wait3A_1071, %dma_wait3A_1072] : memref<10240x128xf32, #tpu.memory_space<vmem_shared>> -> memref<10240x128xf32, #tpu.memory_space<vmem_shared>>
    tpu.wait_indirect_dma semaphore(%arg16 : memref<!tpu.dma_semaphore, #tpu.memory_space<semaphore_mem>>) src(%arg14 : memref<128x128xf32, #tpu.memory_space<vmem>>) dst(%dma_wait3A_1073 : memref<10240x128xf32, #tpu.memory_space<vmem_shared>>)
    %dma_wait3A_1074 = arith.constant 73 : i32
    %dma_wait3A_1075 = arith.constant 0 : i32
    %dma_wait3A_1076 = tpu.memref_slice %arg12[%dma_wait3A_1074, %dma_wait3A_1075] : memref<80x128xi32, #tpu.memory_space<vmem>> -> memref<1x128xi32, #tpu.memory_space<vmem>>
    %dma_wait3A_1077 = tpu.memref_squeeze %dma_wait3A_1076 : memref<1x128xi32, #tpu.memory_space<vmem>> -> memref<128xi32, #tpu.memory_space<vmem>>
    %dma_wait3A_1078 = arith.constant 0 : i32
    %dma_wait3A_1079 = arith.constant 0 : i32
    %dma_wait3A_1080 = tpu.memref_slice %arg15[%dma_wait3A_1078, %dma_wait3A_1079] : memref<10240x128xf32, #tpu.memory_space<vmem_shared>> -> memref<10240x128xf32, #tpu.memory_space<vmem_shared>>
    tpu.wait_indirect_dma semaphore(%arg16 : memref<!tpu.dma_semaphore, #tpu.memory_space<semaphore_mem>>) src(%arg14 : memref<128x128xf32, #tpu.memory_space<vmem>>) dst(%dma_wait3A_1080 : memref<10240x128xf32, #tpu.memory_space<vmem_shared>>)
    %dma_wait3A_1081 = arith.constant 74 : i32
    %dma_wait3A_1082 = arith.constant 0 : i32
    %dma_wait3A_1083 = tpu.memref_slice %arg12[%dma_wait3A_1081, %dma_wait3A_1082] : memref<80x128xi32, #tpu.memory_space<vmem>> -> memref<1x128xi32, #tpu.memory_space<vmem>>
    %dma_wait3A_1084 = tpu.memref_squeeze %dma_wait3A_1083 : memref<1x128xi32, #tpu.memory_space<vmem>> -> memref<128xi32, #tpu.memory_space<vmem>>
    %dma_wait3A_1085 = arith.constant 0 : i32
    %dma_wait3A_1086 = arith.constant 0 : i32
    %dma_wait3A_1087 = tpu.memref_slice %arg15[%dma_wait3A_1085, %dma_wait3A_1086] : memref<10240x128xf32, #tpu.memory_space<vmem_shared>> -> memref<10240x128xf32, #tpu.memory_space<vmem_shared>>
    tpu.wait_indirect_dma semaphore(%arg16 : memref<!tpu.dma_semaphore, #tpu.memory_space<semaphore_mem>>) src(%arg14 : memref<128x128xf32, #tpu.memory_space<vmem>>) dst(%dma_wait3A_1087 : memref<10240x128xf32, #tpu.memory_space<vmem_shared>>)
    %dma_wait3A_1088 = arith.constant 75 : i32
    %dma_wait3A_1089 = arith.constant 0 : i32
    %dma_wait3A_1090 = tpu.memref_slice %arg12[%dma_wait3A_1088, %dma_wait3A_1089] : memref<80x128xi32, #tpu.memory_space<vmem>> -> memref<1x128xi32, #tpu.memory_space<vmem>>
    %dma_wait3A_1091 = tpu.memref_squeeze %dma_wait3A_1090 : memref<1x128xi32, #tpu.memory_space<vmem>> -> memref<128xi32, #tpu.memory_space<vmem>>
    %dma_wait3A_1092 = arith.constant 0 : i32
    %dma_wait3A_1093 = arith.constant 0 : i32
    %dma_wait3A_1094 = tpu.memref_slice %arg15[%dma_wait3A_1092, %dma_wait3A_1093] : memref<10240x128xf32, #tpu.memory_space<vmem_shared>> -> memref<10240x128xf32, #tpu.memory_space<vmem_shared>>
    tpu.wait_indirect_dma semaphore(%arg16 : memref<!tpu.dma_semaphore, #tpu.memory_space<semaphore_mem>>) src(%arg14 : memref<128x128xf32, #tpu.memory_space<vmem>>) dst(%dma_wait3A_1094 : memref<10240x128xf32, #tpu.memory_space<vmem_shared>>)
    %dma_wait3A_1095 = arith.constant 76 : i32
    %dma_wait3A_1096 = arith.constant 0 : i32
    %dma_wait3A_1097 = tpu.memref_slice %arg12[%dma_wait3A_1095, %dma_wait3A_1096] : memref<80x128xi32, #tpu.memory_space<vmem>> -> memref<1x128xi32, #tpu.memory_space<vmem>>
    %dma_wait3A_1098 = tpu.memref_squeeze %dma_wait3A_1097 : memref<1x128xi32, #tpu.memory_space<vmem>> -> memref<128xi32, #tpu.memory_space<vmem>>
    %dma_wait3A_1099 = arith.constant 0 : i32
    %dma_wait3A_1100 = arith.constant 0 : i32
    %dma_wait3A_1101 = tpu.memref_slice %arg15[%dma_wait3A_1099, %dma_wait3A_1100] : memref<10240x128xf32, #tpu.memory_space<vmem_shared>> -> memref<10240x128xf32, #tpu.memory_space<vmem_shared>>
    tpu.wait_indirect_dma semaphore(%arg16 : memref<!tpu.dma_semaphore, #tpu.memory_space<semaphore_mem>>) src(%arg14 : memref<128x128xf32, #tpu.memory_space<vmem>>) dst(%dma_wait3A_1101 : memref<10240x128xf32, #tpu.memory_space<vmem_shared>>)
    %dma_wait3A_1102 = arith.constant 77 : i32
    %dma_wait3A_1103 = arith.constant 0 : i32
    %dma_wait3A_1104 = tpu.memref_slice %arg12[%dma_wait3A_1102, %dma_wait3A_1103] : memref<80x128xi32, #tpu.memory_space<vmem>> -> memref<1x128xi32, #tpu.memory_space<vmem>>
    %dma_wait3A_1105 = tpu.memref_squeeze %dma_wait3A_1104 : memref<1x128xi32, #tpu.memory_space<vmem>> -> memref<128xi32, #tpu.memory_space<vmem>>
    %dma_wait3A_1106 = arith.constant 0 : i32
    %dma_wait3A_1107 = arith.constant 0 : i32
    %dma_wait3A_1108 = tpu.memref_slice %arg15[%dma_wait3A_1106, %dma_wait3A_1107] : memref<10240x128xf32, #tpu.memory_space<vmem_shared>> -> memref<10240x128xf32, #tpu.memory_space<vmem_shared>>
    tpu.wait_indirect_dma semaphore(%arg16 : memref<!tpu.dma_semaphore, #tpu.memory_space<semaphore_mem>>) src(%arg14 : memref<128x128xf32, #tpu.memory_space<vmem>>) dst(%dma_wait3A_1108 : memref<10240x128xf32, #tpu.memory_space<vmem_shared>>)
    %dma_wait3A_1109 = arith.constant 78 : i32
    %dma_wait3A_1110 = arith.constant 0 : i32
    %dma_wait3A_1111 = tpu.memref_slice %arg12[%dma_wait3A_1109, %dma_wait3A_1110] : memref<80x128xi32, #tpu.memory_space<vmem>> -> memref<1x128xi32, #tpu.memory_space<vmem>>
    %dma_wait3A_1112 = tpu.memref_squeeze %dma_wait3A_1111 : memref<1x128xi32, #tpu.memory_space<vmem>> -> memref<128xi32, #tpu.memory_space<vmem>>
    %dma_wait3A_1113 = arith.constant 0 : i32
    %dma_wait3A_1114 = arith.constant 0 : i32
    %dma_wait3A_1115 = tpu.memref_slice %arg15[%dma_wait3A_1113, %dma_wait3A_1114] : memref<10240x128xf32, #tpu.memory_space<vmem_shared>> -> memref<10240x128xf32, #tpu.memory_space<vmem_shared>>
    tpu.wait_indirect_dma semaphore(%arg16 : memref<!tpu.dma_semaphore, #tpu.memory_space<semaphore_mem>>) src(%arg14 : memref<128x128xf32, #tpu.memory_space<vmem>>) dst(%dma_wait3A_1115 : memref<10240x128xf32, #tpu.memory_space<vmem_shared>>)
    %dma_wait3A_1116 = arith.constant 79 : i32
    %dma_wait3A_1117 = arith.constant 0 : i32
    %dma_wait3A_1118 = tpu.memref_slice %arg12[%dma_wait3A_1116, %dma_wait3A_1117] : memref<80x128xi32, #tpu.memory_space<vmem>> -> memref<1x128xi32, #tpu.memory_space<vmem>>
    %dma_wait3A_1119 = tpu.memref_squeeze %dma_wait3A_1118 : memref<1x128xi32, #tpu.memory_space<vmem>> -> memref<128xi32, #tpu.memory_space<vmem>>
    %dma_wait3A_1120 = arith.constant 0 : i32
    %dma_wait3A_1121 = arith.constant 0 : i32
    %dma_wait3A_1122 = tpu.memref_slice %arg15[%dma_wait3A_1120, %dma_wait3A_1121] : memref<10240x128xf32, #tpu.memory_space<vmem_shared>> -> memref<10240x128xf32, #tpu.memory_space<vmem_shared>>
    tpu.wait_indirect_dma semaphore(%arg16 : memref<!tpu.dma_semaphore, #tpu.memory_space<semaphore_mem>>) src(%arg14 : memref<128x128xf32, #tpu.memory_space<vmem>>) dst(%dma_wait3A_1122 : memref<10240x128xf32, #tpu.memory_space<vmem_shared>>)
    %barrier3A_1123 = arith.constant 0 : index
    tpu.barrier barrier_id(%barrier3A_1123)
    %dma_start3A_1124 = arith.constant 0 : i32
    %dma_start3A_1125 = arith.constant 0 : i32
    %dma_start3A_1126 = tpu.memref_slice %arg10[%dma_start3A_1124, %dma_start3A_1125] : memref<5x128xi32, #tpu.memory_space<vmem>> -> memref<1x128xi32, #tpu.memory_space<vmem>>
    %dma_start3A_1127 = tpu.memref_squeeze %dma_start3A_1126 : memref<1x128xi32, #tpu.memory_space<vmem>> -> memref<128xi32, #tpu.memory_space<vmem>>
    %dma_start3A_1128 = arith.constant 0 : i32
    %dma_start3A_1129 = arith.constant 0 : i32
    %dma_start3A_1130 = tpu.memref_slice %arg15[%dma_start3A_1128, %dma_start3A_1129] : memref<10240x128xf32, #tpu.memory_space<vmem_shared>> -> memref<10240x128xf32, #tpu.memory_space<vmem_shared>>
    tpu.enqueue_indirect_dma source(%dma_start3A_1130 : memref<10240x128xf32, #tpu.memory_space<vmem_shared>>) target(%arg13 : memref<128x128xf32, #tpu.memory_space<vmem>>) offsets(%dma_start3A_1127 : memref<128xi32, #tpu.memory_space<vmem>>) semaphore(%arg16 : memref<!tpu.dma_semaphore, #tpu.memory_space<semaphore_mem>>)
    %dma_start3A_1131 = arith.constant 1 : i32
    %dma_start3A_1132 = arith.constant 0 : i32
    %dma_start3A_1133 = tpu.memref_slice %arg10[%dma_start3A_1131, %dma_start3A_1132] : memref<5x128xi32, #tpu.memory_space<vmem>> -> memref<1x128xi32, #tpu.memory_space<vmem>>
    %dma_start3A_1134 = tpu.memref_squeeze %dma_start3A_1133 : memref<1x128xi32, #tpu.memory_space<vmem>> -> memref<128xi32, #tpu.memory_space<vmem>>
    %dma_start3A_1135 = arith.constant 0 : i32
    %dma_start3A_1136 = arith.constant 0 : i32
    %dma_start3A_1137 = tpu.memref_slice %arg15[%dma_start3A_1135, %dma_start3A_1136] : memref<10240x128xf32, #tpu.memory_space<vmem_shared>> -> memref<10240x128xf32, #tpu.memory_space<vmem_shared>>
    tpu.enqueue_indirect_dma source(%dma_start3A_1137 : memref<10240x128xf32, #tpu.memory_space<vmem_shared>>) target(%arg14 : memref<128x128xf32, #tpu.memory_space<vmem>>) offsets(%dma_start3A_1134 : memref<128xi32, #tpu.memory_space<vmem>>) semaphore(%arg17 : memref<!tpu.dma_semaphore, #tpu.memory_space<semaphore_mem>>)
    %dma_wait3A_1138 = arith.constant 0 : i32
    %dma_wait3A_1139 = arith.constant 0 : i32
    %dma_wait3A_1140 = tpu.memref_slice %arg10[%dma_wait3A_1138, %dma_wait3A_1139] : memref<5x128xi32, #tpu.memory_space<vmem>> -> memref<1x128xi32, #tpu.memory_space<vmem>>
    %dma_wait3A_1141 = tpu.memref_squeeze %dma_wait3A_1140 : memref<1x128xi32, #tpu.memory_space<vmem>> -> memref<128xi32, #tpu.memory_space<vmem>>
    %dma_wait3A_1142 = arith.constant 0 : i32
    %dma_wait3A_1143 = arith.constant 0 : i32
    %dma_wait3A_1144 = tpu.memref_slice %arg15[%dma_wait3A_1142, %dma_wait3A_1143] : memref<10240x128xf32, #tpu.memory_space<vmem_shared>> -> memref<10240x128xf32, #tpu.memory_space<vmem_shared>>
    tpu.wait_indirect_dma semaphore(%arg16 : memref<!tpu.dma_semaphore, #tpu.memory_space<semaphore_mem>>) src(%dma_wait3A_1144 : memref<10240x128xf32, #tpu.memory_space<vmem_shared>>) dst(%arg13 : memref<128x128xf32, #tpu.memory_space<vmem>>)
    %mul3A_1145 = arith.constant 10240 : i32
    %mul3A_1146 = arith.muli %arg0, %mul3A_1145 : i32
    %mul3A_1147 = arith.constant 640 : i32
    %mul3A_1148 = arith.muli %arg1, %mul3A_1147 : i32
    %add3A = arith.addi %mul3A_1146, %mul3A_1148 : i32
    %add3A_1149 = arith.constant 0 : i32
    %add3A_1150 = arith.addi %add3A, %add3A_1149 : i32
    "tpu.region"() ({
      %run_scoped3A_1346 = tpu.sem_alloc : memref<!tpu.dma_semaphore, #tpu.memory_space<semaphore_mem>>
      %dma_start3A_1347 = arith.constant 0 : i32
      %dma_start3A_1348 = tpu.memref_slice %arg9[%add3A_1150, %dma_start3A_1347] : memref<20480x128xf32, #tpu.memory_space<hbm>> -> memref<128x128xf32, #tpu.memory_space<hbm>>
      %dma_start3A_1349 = arith.constant 0 : i32
      %dma_start3A_1350 = tpu.memref_slice %arg9[%add3A_1150, %dma_start3A_1349] : memref<20480x128xf32, #tpu.memory_space<hbm>> -> memref<128x128xf32, #tpu.memory_space<hbm>>
      tpu.enqueue_dma source(%arg13 : memref<128x128xf32, #tpu.memory_space<vmem>>) target(%dma_start3A_1350 : memref<128x128xf32, #tpu.memory_space<hbm>>) target_semaphore(%run_scoped3A_1346 : memref<!tpu.dma_semaphore, #tpu.memory_space<semaphore_mem>>)
      %dma_wait3A_1351 = arith.constant 0 : i32
      %dma_wait3A_1352 = tpu.memref_slice %arg9[%add3A_1150, %dma_wait3A_1351] : memref<20480x128xf32, #tpu.memory_space<hbm>> -> memref<128x128xf32, #tpu.memory_space<hbm>>
      %dma_wait3A_1353 = arith.constant 0 : i32
      %dma_wait3A_1354 = tpu.memref_slice %arg9[%add3A_1150, %dma_wait3A_1353] : memref<20480x128xf32, #tpu.memory_space<hbm>> -> memref<128x128xf32, #tpu.memory_space<hbm>>
      tpu.wait_dma2 semaphore(%run_scoped3A_1346 : memref<!tpu.dma_semaphore, #tpu.memory_space<semaphore_mem>>) src(%arg13 : memref<128x128xf32, #tpu.memory_space<vmem>>) dst(%dma_wait3A_1354 : memref<128x128xf32, #tpu.memory_space<hbm>>)
      tpu.yield
    }) : () -> ()
    %dma_start3A_1151 = arith.constant 2 : i32
    %dma_start3A_1152 = arith.constant 0 : i32
    %dma_start3A_1153 = tpu.memref_slice %arg10[%dma_start3A_1151, %dma_start3A_1152] : memref<5x128xi32, #tpu.memory_space<vmem>> -> memref<1x128xi32, #tpu.memory_space<vmem>>
    %dma_start3A_1154 = tpu.memref_squeeze %dma_start3A_1153 : memref<1x128xi32, #tpu.memory_space<vmem>> -> memref<128xi32, #tpu.memory_space<vmem>>
    %dma_start3A_1155 = arith.constant 0 : i32
    %dma_start3A_1156 = arith.constant 0 : i32
    %dma_start3A_1157 = tpu.memref_slice %arg15[%dma_start3A_1155, %dma_start3A_1156] : memref<10240x128xf32, #tpu.memory_space<vmem_shared>> -> memref<10240x128xf32, #tpu.memory_space<vmem_shared>>
    tpu.enqueue_indirect_dma source(%dma_start3A_1157 : memref<10240x128xf32, #tpu.memory_space<vmem_shared>>) target(%arg13 : memref<128x128xf32, #tpu.memory_space<vmem>>) offsets(%dma_start3A_1154 : memref<128xi32, #tpu.memory_space<vmem>>) semaphore(%arg16 : memref<!tpu.dma_semaphore, #tpu.memory_space<semaphore_mem>>)
    %dma_wait3A_1158 = arith.constant 1 : i32
    %dma_wait3A_1159 = arith.constant 0 : i32
    %dma_wait3A_1160 = tpu.memref_slice %arg10[%dma_wait3A_1158, %dma_wait3A_1159] : memref<5x128xi32, #tpu.memory_space<vmem>> -> memref<1x128xi32, #tpu.memory_space<vmem>>
    %dma_wait3A_1161 = tpu.memref_squeeze %dma_wait3A_1160 : memref<1x128xi32, #tpu.memory_space<vmem>> -> memref<128xi32, #tpu.memory_space<vmem>>
    %dma_wait3A_1162 = arith.constant 0 : i32
    %dma_wait3A_1163 = arith.constant 0 : i32
    %dma_wait3A_1164 = tpu.memref_slice %arg15[%dma_wait3A_1162, %dma_wait3A_1163] : memref<10240x128xf32, #tpu.memory_space<vmem_shared>> -> memref<10240x128xf32, #tpu.memory_space<vmem_shared>>
    tpu.wait_indirect_dma semaphore(%arg17 : memref<!tpu.dma_semaphore, #tpu.memory_space<semaphore_mem>>) src(%dma_wait3A_1164 : memref<10240x128xf32, #tpu.memory_space<vmem_shared>>) dst(%arg14 : memref<128x128xf32, #tpu.memory_space<vmem>>)
    %mul3A_1165 = arith.constant 10240 : i32
    %mul3A_1166 = arith.muli %arg0, %mul3A_1165 : i32
    %mul3A_1167 = arith.constant 640 : i32
    %mul3A_1168 = arith.muli %arg1, %mul3A_1167 : i32
    %add3A_1169 = arith.addi %mul3A_1166, %mul3A_1168 : i32
    %add3A_1170 = arith.constant 128 : i32
    %add3A_1171 = arith.addi %add3A_1169, %add3A_1170 : i32
    "tpu.region"() ({
      %run_scoped3A_1346 = tpu.sem_alloc : memref<!tpu.dma_semaphore, #tpu.memory_space<semaphore_mem>>
      %dma_start3A_1347 = arith.constant 0 : i32
      %dma_start3A_1348 = tpu.memref_slice %arg9[%add3A_1171, %dma_start3A_1347] : memref<20480x128xf32, #tpu.memory_space<hbm>> -> memref<128x128xf32, #tpu.memory_space<hbm>>
      %dma_start3A_1349 = arith.constant 0 : i32
      %dma_start3A_1350 = tpu.memref_slice %arg9[%add3A_1171, %dma_start3A_1349] : memref<20480x128xf32, #tpu.memory_space<hbm>> -> memref<128x128xf32, #tpu.memory_space<hbm>>
      tpu.enqueue_dma source(%arg14 : memref<128x128xf32, #tpu.memory_space<vmem>>) target(%dma_start3A_1350 : memref<128x128xf32, #tpu.memory_space<hbm>>) target_semaphore(%run_scoped3A_1346 : memref<!tpu.dma_semaphore, #tpu.memory_space<semaphore_mem>>)
      %dma_wait3A_1351 = arith.constant 0 : i32
      %dma_wait3A_1352 = tpu.memref_slice %arg9[%add3A_1171, %dma_wait3A_1351] : memref<20480x128xf32, #tpu.memory_space<hbm>> -> memref<128x128xf32, #tpu.memory_space<hbm>>
      %dma_wait3A_1353 = arith.constant 0 : i32
      %dma_wait3A_1354 = tpu.memref_slice %arg9[%add3A_1171, %dma_wait3A_1353] : memref<20480x128xf32, #tpu.memory_space<hbm>> -> memref<128x128xf32, #tpu.memory_space<hbm>>
      tpu.wait_dma2 semaphore(%run_scoped3A_1346 : memref<!tpu.dma_semaphore, #tpu.memory_space<semaphore_mem>>) src(%arg14 : memref<128x128xf32, #tpu.memory_space<vmem>>) dst(%dma_wait3A_1354 : memref<128x128xf32, #tpu.memory_space<hbm>>)
      tpu.yield
    }) : () -> ()
    %dma_start3A_1172 = arith.constant 3 : i32
    %dma_start3A_1173 = arith.constant 0 : i32
    %dma_start3A_1174 = tpu.memref_slice %arg10[%dma_start3A_1172, %dma_start3A_1173] : memref<5x128xi32, #tpu.memory_space<vmem>> -> memref<1x128xi32, #tpu.memory_space<vmem>>
    %dma_start3A_1175 = tpu.memref_squeeze %dma_start3A_1174 : memref<1x128xi32, #tpu.memory_space<vmem>> -> memref<128xi32, #tpu.memory_space<vmem>>
    %dma_start3A_1176 = arith.constant 0 : i32
    %dma_start3A_1177 = arith.constant 0 : i32
    %dma_start3A_1178 = tpu.memref_slice %arg15[%dma_start3A_1176, %dma_start3A_1177] : memref<10240x128xf32, #tpu.memory_space<vmem_shared>> -> memref<10240x128xf32, #tpu.memory_space<vmem_shared>>
    tpu.enqueue_indirect_dma source(%dma_start3A_1178 : memref<10240x128xf32, #tpu.memory_space<vmem_shared>>) target(%arg14 : memref<128x128xf32, #tpu.memory_space<vmem>>) offsets(%dma_start3A_1175 : memref<128xi32, #tpu.memory_space<vmem>>) semaphore(%arg17 : memref<!tpu.dma_semaphore, #tpu.memory_space<semaphore_mem>>)
    %dma_wait3A_1179 = arith.constant 2 : i32
    %dma_wait3A_1180 = arith.constant 0 : i32
    %dma_wait3A_1181 = tpu.memref_slice %arg10[%dma_wait3A_1179, %dma_wait3A_1180] : memref<5x128xi32, #tpu.memory_space<vmem>> -> memref<1x128xi32, #tpu.memory_space<vmem>>
    %dma_wait3A_1182 = tpu.memref_squeeze %dma_wait3A_1181 : memref<1x128xi32, #tpu.memory_space<vmem>> -> memref<128xi32, #tpu.memory_space<vmem>>
    %dma_wait3A_1183 = arith.constant 0 : i32
    %dma_wait3A_1184 = arith.constant 0 : i32
    %dma_wait3A_1185 = tpu.memref_slice %arg15[%dma_wait3A_1183, %dma_wait3A_1184] : memref<10240x128xf32, #tpu.memory_space<vmem_shared>> -> memref<10240x128xf32, #tpu.memory_space<vmem_shared>>
    tpu.wait_indirect_dma semaphore(%arg16 : memref<!tpu.dma_semaphore, #tpu.memory_space<semaphore_mem>>) src(%dma_wait3A_1185 : memref<10240x128xf32, #tpu.memory_space<vmem_shared>>) dst(%arg13 : memref<128x128xf32, #tpu.memory_space<vmem>>)
    %mul3A_1186 = arith.constant 10240 : i32
    %mul3A_1187 = arith.muli %arg0, %mul3A_1186 : i32
    %mul3A_1188 = arith.constant 640 : i32
    %mul3A_1189 = arith.muli %arg1, %mul3A_1188 : i32
    %add3A_1190 = arith.addi %mul3A_1187, %mul3A_1189 : i32
    %add3A_1191 = arith.constant 256 : i32
    %add3A_1192 = arith.addi %add3A_1190, %add3A_1191 : i32
    "tpu.region"() ({
      %run_scoped3A_1346 = tpu.sem_alloc : memref<!tpu.dma_semaphore, #tpu.memory_space<semaphore_mem>>
      %dma_start3A_1347 = arith.constant 0 : i32
      %dma_start3A_1348 = tpu.memref_slice %arg9[%add3A_1192, %dma_start3A_1347] : memref<20480x128xf32, #tpu.memory_space<hbm>> -> memref<128x128xf32, #tpu.memory_space<hbm>>
      %dma_start3A_1349 = arith.constant 0 : i32
      %dma_start3A_1350 = tpu.memref_slice %arg9[%add3A_1192, %dma_start3A_1349] : memref<20480x128xf32, #tpu.memory_space<hbm>> -> memref<128x128xf32, #tpu.memory_space<hbm>>
      tpu.enqueue_dma source(%arg13 : memref<128x128xf32, #tpu.memory_space<vmem>>) target(%dma_start3A_1350 : memref<128x128xf32, #tpu.memory_space<hbm>>) target_semaphore(%run_scoped3A_1346 : memref<!tpu.dma_semaphore, #tpu.memory_space<semaphore_mem>>)
      %dma_wait3A_1351 = arith.constant 0 : i32
      %dma_wait3A_1352 = tpu.memref_slice %arg9[%add3A_1192, %dma_wait3A_1351] : memref<20480x128xf32, #tpu.memory_space<hbm>> -> memref<128x128xf32, #tpu.memory_space<hbm>>
      %dma_wait3A_1353 = arith.constant 0 : i32
      %dma_wait3A_1354 = tpu.memref_slice %arg9[%add3A_1192, %dma_wait3A_1353] : memref<20480x128xf32, #tpu.memory_space<hbm>> -> memref<128x128xf32, #tpu.memory_space<hbm>>
      tpu.wait_dma2 semaphore(%run_scoped3A_1346 : memref<!tpu.dma_semaphore, #tpu.memory_space<semaphore_mem>>) src(%arg13 : memref<128x128xf32, #tpu.memory_space<vmem>>) dst(%dma_wait3A_1354 : memref<128x128xf32, #tpu.memory_space<hbm>>)
      tpu.yield
    }) : () -> ()
    %dma_start3A_1193 = arith.constant 4 : i32
    %dma_start3A_1194 = arith.constant 0 : i32
    %dma_start3A_1195 = tpu.memref_slice %arg10[%dma_start3A_1193, %dma_start3A_1194] : memref<5x128xi32, #tpu.memory_space<vmem>> -> memref<1x128xi32, #tpu.memory_space<vmem>>
    %dma_start3A_1196 = tpu.memref_squeeze %dma_start3A_1195 : memref<1x128xi32, #tpu.memory_space<vmem>> -> memref<128xi32, #tpu.memory_space<vmem>>
    %dma_start3A_1197 = arith.constant 0 : i32
    %dma_start3A_1198 = arith.constant 0 : i32
    %dma_start3A_1199 = tpu.memref_slice %arg15[%dma_start3A_1197, %dma_start3A_1198] : memref<10240x128xf32, #tpu.memory_space<vmem_shared>> -> memref<10240x128xf32, #tpu.memory_space<vmem_shared>>
    tpu.enqueue_indirect_dma source(%dma_start3A_1199 : memref<10240x128xf32, #tpu.memory_space<vmem_shared>>) target(%arg13 : memref<128x128xf32, #tpu.memory_space<vmem>>) offsets(%dma_start3A_1196 : memref<128xi32, #tpu.memory_space<vmem>>) semaphore(%arg16 : memref<!tpu.dma_semaphore, #tpu.memory_space<semaphore_mem>>)
    %dma_wait3A_1200 = arith.constant 3 : i32
    %dma_wait3A_1201 = arith.constant 0 : i32
    %dma_wait3A_1202 = tpu.memref_slice %arg10[%dma_wait3A_1200, %dma_wait3A_1201] : memref<5x128xi32, #tpu.memory_space<vmem>> -> memref<1x128xi32, #tpu.memory_space<vmem>>
    %dma_wait3A_1203 = tpu.memref_squeeze %dma_wait3A_1202 : memref<1x128xi32, #tpu.memory_space<vmem>> -> memref<128xi32, #tpu.memory_space<vmem>>
    %dma_wait3A_1204 = arith.constant 0 : i32
    %dma_wait3A_1205 = arith.constant 0 : i32
    %dma_wait3A_1206 = tpu.memref_slice %arg15[%dma_wait3A_1204, %dma_wait3A_1205] : memref<10240x128xf32, #tpu.memory_space<vmem_shared>> -> memref<10240x128xf32, #tpu.memory_space<vmem_shared>>
    tpu.wait_indirect_dma semaphore(%arg17 : memref<!tpu.dma_semaphore, #tpu.memory_space<semaphore_mem>>) src(%dma_wait3A_1206 : memref<10240x128xf32, #tpu.memory_space<vmem_shared>>) dst(%arg14 : memref<128x128xf32, #tpu.memory_space<vmem>>)
    %mul3A_1207 = arith.constant 10240 : i32
    %mul3A_1208 = arith.muli %arg0, %mul3A_1207 : i32
    %mul3A_1209 = arith.constant 640 : i32
    %mul3A_1210 = arith.muli %arg1, %mul3A_1209 : i32
    %add3A_1211 = arith.addi %mul3A_1208, %mul3A_1210 : i32
    %add3A_1212 = arith.constant 384 : i32
    %add3A_1213 = arith.addi %add3A_1211, %add3A_1212 : i32
    "tpu.region"() ({
      %run_scoped3A_1346 = tpu.sem_alloc : memref<!tpu.dma_semaphore, #tpu.memory_space<semaphore_mem>>
      %dma_start3A_1347 = arith.constant 0 : i32
      %dma_start3A_1348 = tpu.memref_slice %arg9[%add3A_1213, %dma_start3A_1347] : memref<20480x128xf32, #tpu.memory_space<hbm>> -> memref<128x128xf32, #tpu.memory_space<hbm>>
      %dma_start3A_1349 = arith.constant 0 : i32
      %dma_start3A_1350 = tpu.memref_slice %arg9[%add3A_1213, %dma_start3A_1349] : memref<20480x128xf32, #tpu.memory_space<hbm>> -> memref<128x128xf32, #tpu.memory_space<hbm>>
      tpu.enqueue_dma source(%arg14 : memref<128x128xf32, #tpu.memory_space<vmem>>) target(%dma_start3A_1350 : memref<128x128xf32, #tpu.memory_space<hbm>>) target_semaphore(%run_scoped3A_1346 : memref<!tpu.dma_semaphore, #tpu.memory_space<semaphore_mem>>)
      %dma_wait3A_1351 = arith.constant 0 : i32
      %dma_wait3A_1352 = tpu.memref_slice %arg9[%add3A_1213, %dma_wait3A_1351] : memref<20480x128xf32, #tpu.memory_space<hbm>> -> memref<128x128xf32, #tpu.memory_space<hbm>>
      %dma_wait3A_1353 = arith.constant 0 : i32
      %dma_wait3A_1354 = tpu.memref_slice %arg9[%add3A_1213, %dma_wait3A_1353] : memref<20480x128xf32, #tpu.memory_space<hbm>> -> memref<128x128xf32, #tpu.memory_space<hbm>>
      tpu.wait_dma2 semaphore(%run_scoped3A_1346 : memref<!tpu.dma_semaphore, #tpu.memory_space<semaphore_mem>>) src(%arg14 : memref<128x128xf32, #tpu.memory_space<vmem>>) dst(%dma_wait3A_1354 : memref<128x128xf32, #tpu.memory_space<hbm>>)
      tpu.yield
    }) : () -> ()
    %dma_wait3A_1214 = arith.constant 4 : i32
    %dma_wait3A_1215 = arith.constant 0 : i32
    %dma_wait3A_1216 = tpu.memref_slice %arg10[%dma_wait3A_1214, %dma_wait3A_1215] : memref<5x128xi32, #tpu.memory_space<vmem>> -> memref<1x128xi32, #tpu.memory_space<vmem>>
    %dma_wait3A_1217 = tpu.memref_squeeze %dma_wait3A_1216 : memref<1x128xi32, #tpu.memory_space<vmem>> -> memref<128xi32, #tpu.memory_space<vmem>>
    %dma_wait3A_1218 = arith.constant 0 : i32
    %dma_wait3A_1219 = arith.constant 0 : i32
    %dma_wait3A_1220 = tpu.memref_slice %arg15[%dma_wait3A_1218, %dma_wait3A_1219] : memref<10240x128xf32, #tpu.memory_space<vmem_shared>> -> memref<10240x128xf32, #tpu.memory_space<vmem_shared>>
    tpu.wait_indirect_dma semaphore(%arg16 : memref<!tpu.dma_semaphore, #tpu.memory_space<semaphore_mem>>) src(%dma_wait3A_1220 : memref<10240x128xf32, #tpu.memory_space<vmem_shared>>) dst(%arg13 : memref<128x128xf32, #tpu.memory_space<vmem>>)
    %mul3A_1221 = arith.constant 10240 : i32
    %mul3A_1222 = arith.muli %arg0, %mul3A_1221 : i32
    %mul3A_1223 = arith.constant 640 : i32
    %mul3A_1224 = arith.muli %arg1, %mul3A_1223 : i32
    %add3A_1225 = arith.addi %mul3A_1222, %mul3A_1224 : i32
    %add3A_1226 = arith.constant 512 : i32
    %add3A_1227 = arith.addi %add3A_1225, %add3A_1226 : i32
    "tpu.region"() ({
      %run_scoped3A_1346 = tpu.sem_alloc : memref<!tpu.dma_semaphore, #tpu.memory_space<semaphore_mem>>
      %dma_start3A_1347 = arith.constant 0 : i32
      %dma_start3A_1348 = tpu.memref_slice %arg9[%add3A_1227, %dma_start3A_1347] : memref<20480x128xf32, #tpu.memory_space<hbm>> -> memref<128x128xf32, #tpu.memory_space<hbm>>
      %dma_start3A_1349 = arith.constant 0 : i32
      %dma_start3A_1350 = tpu.memref_slice %arg9[%add3A_1227, %dma_start3A_1349] : memref<20480x128xf32, #tpu.memory_space<hbm>> -> memref<128x128xf32, #tpu.memory_space<hbm>>
      tpu.enqueue_dma source(%arg13 : memref<128x128xf32, #tpu.memory_space<vmem>>) target(%dma_start3A_1350 : memref<128x128xf32, #tpu.memory_space<hbm>>) target_semaphore(%run_scoped3A_1346 : memref<!tpu.dma_semaphore, #tpu.memory_space<semaphore_mem>>)
      %dma_wait3A_1351 = arith.constant 0 : i32
      %dma_wait3A_1352 = tpu.memref_slice %arg9[%add3A_1227, %dma_wait3A_1351] : memref<20480x128xf32, #tpu.memory_space<hbm>> -> memref<128x128xf32, #tpu.memory_space<hbm>>
      %dma_wait3A_1353 = arith.constant 0 : i32
      %dma_wait3A_1354 = tpu.memref_slice %arg9[%add3A_1227, %dma_wait3A_1353] : memref<20480x128xf32, #tpu.memory_space<hbm>> -> memref<128x128xf32, #tpu.memory_space<hbm>>
      tpu.wait_dma2 semaphore(%run_scoped3A_1346 : memref<!tpu.dma_semaphore, #tpu.memory_space<semaphore_mem>>) src(%arg13 : memref<128x128xf32, #tpu.memory_space<vmem>>) dst(%dma_wait3A_1354 : memref<128x128xf32, #tpu.memory_space<hbm>>)
      tpu.yield
    }) : () -> ()
    %barrier3A_1228 = arith.constant 0 : index
    tpu.barrier barrier_id(%barrier3A_1228)
    "tpu.region"() ({
      %run_scoped3A_1346 = tpu.sem_alloc : memref<!tpu.dma_semaphore, #tpu.memory_space<semaphore_mem>>
      tpu.enqueue_dma source(%arg6 : memref<128x128xf32, #tpu.memory_space<hbm>>) target(%arg13 : memref<128x128xf32, #tpu.memory_space<vmem>>) target_semaphore(%run_scoped3A_1346 : memref<!tpu.dma_semaphore, #tpu.memory_space<semaphore_mem>>)
      tpu.wait_dma2 semaphore(%run_scoped3A_1346 : memref<!tpu.dma_semaphore, #tpu.memory_space<semaphore_mem>>) src(%arg6 : memref<128x128xf32, #tpu.memory_space<hbm>>) dst(%arg13 : memref<128x128xf32, #tpu.memory_space<vmem>>)
      tpu.yield
    }) : () -> ()
    %run_scoped3A_1229 = arith.constant 0 : i32
    "tpu.region"() ({
      %run_scoped3A_1346 = tpu.sem_alloc : memref<!tpu.dma_semaphore, #tpu.memory_space<semaphore_mem>>
      %dma_start3A_1347 = arith.constant 0 : i32
      %dma_start3A_1348 = tpu.memref_slice %arg10[%run_scoped3A_1229, %dma_start3A_1347] : memref<5x128xi32, #tpu.memory_space<vmem>> -> memref<1x128xi32, #tpu.memory_space<vmem>>
      %dma_start3A_1349 = tpu.memref_squeeze %dma_start3A_1348 : memref<1x128xi32, #tpu.memory_space<vmem>> -> memref<128xi32, #tpu.memory_space<vmem>>
      %dma_start3A_1350 = arith.constant 0 : i32
      %dma_start3A_1351 = arith.constant 0 : i32
      %dma_start3A_1352 = tpu.memref_slice %arg15[%dma_start3A_1350, %dma_start3A_1351] : memref<10240x128xf32, #tpu.memory_space<vmem_shared>> -> memref<10240x128xf32, #tpu.memory_space<vmem_shared>>
      tpu.enqueue_indirect_dma source(%arg13 : memref<128x128xf32, #tpu.memory_space<vmem>>) target(%dma_start3A_1352 : memref<10240x128xf32, #tpu.memory_space<vmem_shared>>) offsets(%dma_start3A_1349 : memref<128xi32, #tpu.memory_space<vmem>>) semaphore(%run_scoped3A_1346 : memref<!tpu.dma_semaphore, #tpu.memory_space<semaphore_mem>>)
      %dma_wait3A_1353 = arith.constant 0 : i32
      %dma_wait3A_1354 = tpu.memref_slice %arg10[%run_scoped3A_1229, %dma_wait3A_1353] : memref<5x128xi32, #tpu.memory_space<vmem>> -> memref<1x128xi32, #tpu.memory_space<vmem>>
      %dma_wait3A_1355 = tpu.memref_squeeze %dma_wait3A_1354 : memref<1x128xi32, #tpu.memory_space<vmem>> -> memref<128xi32, #tpu.memory_space<vmem>>
      %dma_wait3A_1356 = arith.constant 0 : i32
      %dma_wait3A_1357 = arith.constant 0 : i32
      %dma_wait3A_1358 = tpu.memref_slice %arg15[%dma_wait3A_1356, %dma_wait3A_1357] : memref<10240x128xf32, #tpu.memory_space<vmem_shared>> -> memref<10240x128xf32, #tpu.memory_space<vmem_shared>>
      tpu.wait_indirect_dma semaphore(%run_scoped3A_1346 : memref<!tpu.dma_semaphore, #tpu.memory_space<semaphore_mem>>) src(%arg13 : memref<128x128xf32, #tpu.memory_space<vmem>>) dst(%dma_wait3A_1358 : memref<10240x128xf32, #tpu.memory_space<vmem_shared>>)
      tpu.yield
    }) : () -> ()
    %run_scoped3A_1230 = arith.constant 1 : i32
    "tpu.region"() ({
      %run_scoped3A_1346 = tpu.sem_alloc : memref<!tpu.dma_semaphore, #tpu.memory_space<semaphore_mem>>
      %dma_start3A_1347 = arith.constant 0 : i32
      %dma_start3A_1348 = tpu.memref_slice %arg10[%run_scoped3A_1230, %dma_start3A_1347] : memref<5x128xi32, #tpu.memory_space<vmem>> -> memref<1x128xi32, #tpu.memory_space<vmem>>
      %dma_start3A_1349 = tpu.memref_squeeze %dma_start3A_1348 : memref<1x128xi32, #tpu.memory_space<vmem>> -> memref<128xi32, #tpu.memory_space<vmem>>
      %dma_start3A_1350 = arith.constant 0 : i32
      %dma_start3A_1351 = arith.constant 0 : i32
      %dma_start3A_1352 = tpu.memref_slice %arg15[%dma_start3A_1350, %dma_start3A_1351] : memref<10240x128xf32, #tpu.memory_space<vmem_shared>> -> memref<10240x128xf32, #tpu.memory_space<vmem_shared>>
      tpu.enqueue_indirect_dma source(%arg13 : memref<128x128xf32, #tpu.memory_space<vmem>>) target(%dma_start3A_1352 : memref<10240x128xf32, #tpu.memory_space<vmem_shared>>) offsets(%dma_start3A_1349 : memref<128xi32, #tpu.memory_space<vmem>>) semaphore(%run_scoped3A_1346 : memref<!tpu.dma_semaphore, #tpu.memory_space<semaphore_mem>>)
      %dma_wait3A_1353 = arith.constant 0 : i32
      %dma_wait3A_1354 = tpu.memref_slice %arg10[%run_scoped3A_1230, %dma_wait3A_1353] : memref<5x128xi32, #tpu.memory_space<vmem>> -> memref<1x128xi32, #tpu.memory_space<vmem>>
      %dma_wait3A_1355 = tpu.memref_squeeze %dma_wait3A_1354 : memref<1x128xi32, #tpu.memory_space<vmem>> -> memref<128xi32, #tpu.memory_space<vmem>>
      %dma_wait3A_1356 = arith.constant 0 : i32
      %dma_wait3A_1357 = arith.constant 0 : i32
      %dma_wait3A_1358 = tpu.memref_slice %arg15[%dma_wait3A_1356, %dma_wait3A_1357] : memref<10240x128xf32, #tpu.memory_space<vmem_shared>> -> memref<10240x128xf32, #tpu.memory_space<vmem_shared>>
      tpu.wait_indirect_dma semaphore(%run_scoped3A_1346 : memref<!tpu.dma_semaphore, #tpu.memory_space<semaphore_mem>>) src(%arg13 : memref<128x128xf32, #tpu.memory_space<vmem>>) dst(%dma_wait3A_1358 : memref<10240x128xf32, #tpu.memory_space<vmem_shared>>)
      tpu.yield
    }) : () -> ()
    %run_scoped3A_1231 = arith.constant 2 : i32
    "tpu.region"() ({
      %run_scoped3A_1346 = tpu.sem_alloc : memref<!tpu.dma_semaphore, #tpu.memory_space<semaphore_mem>>
      %dma_start3A_1347 = arith.constant 0 : i32
      %dma_start3A_1348 = tpu.memref_slice %arg10[%run_scoped3A_1231, %dma_start3A_1347] : memref<5x128xi32, #tpu.memory_space<vmem>> -> memref<1x128xi32, #tpu.memory_space<vmem>>
      %dma_start3A_1349 = tpu.memref_squeeze %dma_start3A_1348 : memref<1x128xi32, #tpu.memory_space<vmem>> -> memref<128xi32, #tpu.memory_space<vmem>>
      %dma_start3A_1350 = arith.constant 0 : i32
      %dma_start3A_1351 = arith.constant 0 : i32
      %dma_start3A_1352 = tpu.memref_slice %arg15[%dma_start3A_1350, %dma_start3A_1351] : memref<10240x128xf32, #tpu.memory_space<vmem_shared>> -> memref<10240x128xf32, #tpu.memory_space<vmem_shared>>
      tpu.enqueue_indirect_dma source(%arg13 : memref<128x128xf32, #tpu.memory_space<vmem>>) target(%dma_start3A_1352 : memref<10240x128xf32, #tpu.memory_space<vmem_shared>>) offsets(%dma_start3A_1349 : memref<128xi32, #tpu.memory_space<vmem>>) semaphore(%run_scoped3A_1346 : memref<!tpu.dma_semaphore, #tpu.memory_space<semaphore_mem>>)
      %dma_wait3A_1353 = arith.constant 0 : i32
      %dma_wait3A_1354 = tpu.memref_slice %arg10[%run_scoped3A_1231, %dma_wait3A_1353] : memref<5x128xi32, #tpu.memory_space<vmem>> -> memref<1x128xi32, #tpu.memory_space<vmem>>
      %dma_wait3A_1355 = tpu.memref_squeeze %dma_wait3A_1354 : memref<1x128xi32, #tpu.memory_space<vmem>> -> memref<128xi32, #tpu.memory_space<vmem>>
      %dma_wait3A_1356 = arith.constant 0 : i32
      %dma_wait3A_1357 = arith.constant 0 : i32
      %dma_wait3A_1358 = tpu.memref_slice %arg15[%dma_wait3A_1356, %dma_wait3A_1357] : memref<10240x128xf32, #tpu.memory_space<vmem_shared>> -> memref<10240x128xf32, #tpu.memory_space<vmem_shared>>
      tpu.wait_indirect_dma semaphore(%run_scoped3A_1346 : memref<!tpu.dma_semaphore, #tpu.memory_space<semaphore_mem>>) src(%arg13 : memref<128x128xf32, #tpu.memory_space<vmem>>) dst(%dma_wait3A_1358 : memref<10240x128xf32, #tpu.memory_space<vmem_shared>>)
      tpu.yield
    }) : () -> ()
    %run_scoped3A_1232 = arith.constant 3 : i32
    "tpu.region"() ({
      %run_scoped3A_1346 = tpu.sem_alloc : memref<!tpu.dma_semaphore, #tpu.memory_space<semaphore_mem>>
      %dma_start3A_1347 = arith.constant 0 : i32
      %dma_start3A_1348 = tpu.memref_slice %arg10[%run_scoped3A_1232, %dma_start3A_1347] : memref<5x128xi32, #tpu.memory_space<vmem>> -> memref<1x128xi32, #tpu.memory_space<vmem>>
      %dma_start3A_1349 = tpu.memref_squeeze %dma_start3A_1348 : memref<1x128xi32, #tpu.memory_space<vmem>> -> memref<128xi32, #tpu.memory_space<vmem>>
      %dma_start3A_1350 = arith.constant 0 : i32
      %dma_start3A_1351 = arith.constant 0 : i32
      %dma_start3A_1352 = tpu.memref_slice %arg15[%dma_start3A_1350, %dma_start3A_1351] : memref<10240x128xf32, #tpu.memory_space<vmem_shared>> -> memref<10240x128xf32, #tpu.memory_space<vmem_shared>>
      tpu.enqueue_indirect_dma source(%arg13 : memref<128x128xf32, #tpu.memory_space<vmem>>) target(%dma_start3A_1352 : memref<10240x128xf32, #tpu.memory_space<vmem_shared>>) offsets(%dma_start3A_1349 : memref<128xi32, #tpu.memory_space<vmem>>) semaphore(%run_scoped3A_1346 : memref<!tpu.dma_semaphore, #tpu.memory_space<semaphore_mem>>)
      %dma_wait3A_1353 = arith.constant 0 : i32
      %dma_wait3A_1354 = tpu.memref_slice %arg10[%run_scoped3A_1232, %dma_wait3A_1353] : memref<5x128xi32, #tpu.memory_space<vmem>> -> memref<1x128xi32, #tpu.memory_space<vmem>>
      %dma_wait3A_1355 = tpu.memref_squeeze %dma_wait3A_1354 : memref<1x128xi32, #tpu.memory_space<vmem>> -> memref<128xi32, #tpu.memory_space<vmem>>
      %dma_wait3A_1356 = arith.constant 0 : i32
      %dma_wait3A_1357 = arith.constant 0 : i32
      %dma_wait3A_1358 = tpu.memref_slice %arg15[%dma_wait3A_1356, %dma_wait3A_1357] : memref<10240x128xf32, #tpu.memory_space<vmem_shared>> -> memref<10240x128xf32, #tpu.memory_space<vmem_shared>>
      tpu.wait_indirect_dma semaphore(%run_scoped3A_1346 : memref<!tpu.dma_semaphore, #tpu.memory_space<semaphore_mem>>) src(%arg13 : memref<128x128xf32, #tpu.memory_space<vmem>>) dst(%dma_wait3A_1358 : memref<10240x128xf32, #tpu.memory_space<vmem_shared>>)
      tpu.yield
    }) : () -> ()
    %run_scoped3A_1233 = arith.constant 4 : i32
    "tpu.region"() ({
      %run_scoped3A_1346 = tpu.sem_alloc : memref<!tpu.dma_semaphore, #tpu.memory_space<semaphore_mem>>
      %dma_start3A_1347 = arith.constant 0 : i32
      %dma_start3A_1348 = tpu.memref_slice %arg10[%run_scoped3A_1233, %dma_start3A_1347] : memref<5x128xi32, #tpu.memory_space<vmem>> -> memref<1x128xi32, #tpu.memory_space<vmem>>
      %dma_start3A_1349 = tpu.memref_squeeze %dma_start3A_1348 : memref<1x128xi32, #tpu.memory_space<vmem>> -> memref<128xi32, #tpu.memory_space<vmem>>
      %dma_start3A_1350 = arith.constant 0 : i32
      %dma_start3A_1351 = arith.constant 0 : i32
      %dma_start3A_1352 = tpu.memref_slice %arg15[%dma_start3A_1350, %dma_start3A_1351] : memref<10240x128xf32, #tpu.memory_space<vmem_shared>> -> memref<10240x128xf32, #tpu.memory_space<vmem_shared>>
      tpu.enqueue_indirect_dma source(%arg13 : memref<128x128xf32, #tpu.memory_space<vmem>>) target(%dma_start3A_1352 : memref<10240x128xf32, #tpu.memory_space<vmem_shared>>) offsets(%dma_start3A_1349 : memref<128xi32, #tpu.memory_space<vmem>>) semaphore(%run_scoped3A_1346 : memref<!tpu.dma_semaphore, #tpu.memory_space<semaphore_mem>>)
      %dma_wait3A_1353 = arith.constant 0 : i32
      %dma_wait3A_1354 = tpu.memref_slice %arg10[%run_scoped3A_1233, %dma_wait3A_1353] : memref<5x128xi32, #tpu.memory_space<vmem>> -> memref<1x128xi32, #tpu.memory_space<vmem>>
      %dma_wait3A_1355 = tpu.memref_squeeze %dma_wait3A_1354 : memref<1x128xi32, #tpu.memory_space<vmem>> -> memref<128xi32, #tpu.memory_space<vmem>>
      %dma_wait3A_1356 = arith.constant 0 : i32
      %dma_wait3A_1357 = arith.constant 0 : i32
      %dma_wait3A_1358 = tpu.memref_slice %arg15[%dma_wait3A_1356, %dma_wait3A_1357] : memref<10240x128xf32, #tpu.memory_space<vmem_shared>> -> memref<10240x128xf32, #tpu.memory_space<vmem_shared>>
      tpu.wait_indirect_dma semaphore(%run_scoped3A_1346 : memref<!tpu.dma_semaphore, #tpu.memory_space<semaphore_mem>>) src(%arg13 : memref<128x128xf32, #tpu.memory_space<vmem>>) dst(%dma_wait3A_1358 : memref<10240x128xf32, #tpu.memory_space<vmem_shared>>)
      tpu.yield
    }) : () -> ()
    %barrier3A_1234 = arith.constant 0 : index
    tpu.barrier barrier_id(%barrier3A_1234)
    %scan3A = arith.constant 0 : i32
    %scan3A_1235 = arith.constant 0 : i32
    %scan3A_1236 = arith.constant 10 : i32
    %scan3A_1237 = arith.addi %scan3A_1235, %scan3A_1236 : i32
    %scan3A_1238 = arith.constant 1 : i32
    scf.for %scan3A_1346 = %scan3A_1235 to %scan3A_1237 step %scan3A_1238  : i32 {
      %mul3A_1347 = arith.constant 163840 : i32
      %mul3A_1348 = arith.muli %arg0, %mul3A_1347 : i32
      %mul3A_1349 = arith.constant 80 : i32
      %mul3A_1350 = arith.muli %arg1, %mul3A_1349 : i32
      %mul3A_1351 = arith.constant 8 : i32
      %mul3A_1352 = arith.muli %scan3A_1346, %mul3A_1351 : i32
      %add3A_1353 = arith.addi %mul3A_1350, %mul3A_1352 : i32
      %mul3A_1354 = arith.constant 128 : i32
      %mul3A_1355 = arith.muli %add3A_1353, %mul3A_1354 : i32
      %add3A_1356 = arith.addi %mul3A_1348, %mul3A_1355 : i32
      "tpu.region"() ({
        %run_scoped3A_1565 = tpu.sem_alloc : memref<!tpu.dma_semaphore, #tpu.memory_space<semaphore_mem>>
        %dma_start3A_1566 = tpu.memref_slice %arg3[%add3A_1356] : memref<327680xi32, #tpu.memory_space<hbm>> -> memref<1024xi32, #tpu.memory_space<hbm>>
        %dma_start3A_1567 = tpu.memref_slice %arg3[%add3A_1356] : memref<327680xi32, #tpu.memory_space<hbm>> -> memref<1024xi32, #tpu.memory_space<hbm>>
        tpu.enqueue_dma source(%dma_start3A_1567 : memref<1024xi32, #tpu.memory_space<hbm>>) target(%arg11 : memref<1024xi32, #tpu.memory_space<vmem>>) target_semaphore(%run_scoped3A_1565 : memref<!tpu.dma_semaphore, #tpu.memory_space<semaphore_mem>>)
        %dma_wait3A_1568 = tpu.memref_slice %arg3[%add3A_1356] : memref<327680xi32, #tpu.memory_space<hbm>> -> memref<1024xi32, #tpu.memory_space<hbm>>
        %dma_wait3A_1569 = tpu.memref_slice %arg3[%add3A_1356] : memref<327680xi32, #tpu.memory_space<hbm>> -> memref<1024xi32, #tpu.memory_space<hbm>>
        tpu.wait_dma2 semaphore(%run_scoped3A_1565 : memref<!tpu.dma_semaphore, #tpu.memory_space<semaphore_mem>>) src(%dma_wait3A_1569 : memref<1024xi32, #tpu.memory_space<hbm>>) dst(%arg11 : memref<1024xi32, #tpu.memory_space<vmem>>)
        tpu.yield
      }) : () -> ()
      %dma_start3A_1357 = arith.constant 0 : i32
      %dma_start3A_1358 = tpu.memref_slice %arg11[%dma_start3A_1357] : memref<1024xi32, #tpu.memory_space<vmem>> -> memref<128xi32, #tpu.memory_space<vmem>>
      %dma_start3A_1359 = arith.constant 0 : i32
      %dma_start3A_1360 = arith.constant 0 : i32
      %dma_start3A_1361 = tpu.memref_slice %arg2[%dma_start3A_1359, %dma_start3A_1360] : memref<20000x128xf32, #tpu.memory_space<hbm>> -> memref<20000x128xf32, #tpu.memory_space<hbm>>
      tpu.enqueue_indirect_dma source(%dma_start3A_1361 : memref<20000x128xf32, #tpu.memory_space<hbm>>) target(%arg13 : memref<128x128xf32, #tpu.memory_space<vmem>>) offsets(%dma_start3A_1358 : memref<128xi32, #tpu.memory_space<vmem>>) semaphore(%arg16 : memref<!tpu.dma_semaphore, #tpu.memory_space<semaphore_mem>>)
      %dma_start3A_1362 = arith.constant 128 : i32
      %dma_start3A_1363 = tpu.memref_slice %arg11[%dma_start3A_1362] : memref<1024xi32, #tpu.memory_space<vmem>> -> memref<128xi32, #tpu.memory_space<vmem>>
      %dma_start3A_1364 = arith.constant 0 : i32
      %dma_start3A_1365 = arith.constant 0 : i32
      %dma_start3A_1366 = tpu.memref_slice %arg2[%dma_start3A_1364, %dma_start3A_1365] : memref<20000x128xf32, #tpu.memory_space<hbm>> -> memref<20000x128xf32, #tpu.memory_space<hbm>>
      tpu.enqueue_indirect_dma source(%dma_start3A_1366 : memref<20000x128xf32, #tpu.memory_space<hbm>>) target(%arg14 : memref<128x128xf32, #tpu.memory_space<vmem>>) offsets(%dma_start3A_1363 : memref<128xi32, #tpu.memory_space<vmem>>) semaphore(%arg17 : memref<!tpu.dma_semaphore, #tpu.memory_space<semaphore_mem>>)
      %dma_wait3A_1367 = arith.constant 0 : i32
      %dma_wait3A_1368 = tpu.memref_slice %arg11[%dma_wait3A_1367] : memref<1024xi32, #tpu.memory_space<vmem>> -> memref<128xi32, #tpu.memory_space<vmem>>
      %dma_wait3A_1369 = arith.constant 0 : i32
      %dma_wait3A_1370 = arith.constant 0 : i32
      %dma_wait3A_1371 = tpu.memref_slice %arg2[%dma_wait3A_1369, %dma_wait3A_1370] : memref<20000x128xf32, #tpu.memory_space<hbm>> -> memref<20000x128xf32, #tpu.memory_space<hbm>>
      tpu.wait_indirect_dma semaphore(%arg16 : memref<!tpu.dma_semaphore, #tpu.memory_space<semaphore_mem>>) src(%dma_wait3A_1371 : memref<20000x128xf32, #tpu.memory_space<hbm>>) dst(%arg13 : memref<128x128xf32, #tpu.memory_space<vmem>>)
      %mul3A_1372 = arith.constant 8 : i32
      %mul3A_1373 = arith.muli %scan3A_1346, %mul3A_1372 : i32
      %add3A_1374 = arith.constant 0 : i32
      %add3A_1375 = arith.addi %mul3A_1373, %add3A_1374 : i32
      %dma_start3A_1376 = arith.constant 0 : i32
      %dma_start3A_1377 = tpu.memref_slice %arg12[%add3A_1375, %dma_start3A_1376] : memref<80x128xi32, #tpu.memory_space<vmem>> -> memref<1x128xi32, #tpu.memory_space<vmem>>
      %dma_start3A_1378 = tpu.memref_squeeze %dma_start3A_1377 : memref<1x128xi32, #tpu.memory_space<vmem>> -> memref<128xi32, #tpu.memory_space<vmem>>
      %dma_start3A_1379 = arith.constant 0 : i32
      %dma_start3A_1380 = arith.constant 0 : i32
      %dma_start3A_1381 = tpu.memref_slice %arg15[%dma_start3A_1379, %dma_start3A_1380] : memref<10240x128xf32, #tpu.memory_space<vmem_shared>> -> memref<10240x128xf32, #tpu.memory_space<vmem_shared>>
      tpu.enqueue_indirect_dma source(%arg13 : memref<128x128xf32, #tpu.memory_space<vmem>>) target(%dma_start3A_1381 : memref<10240x128xf32, #tpu.memory_space<vmem_shared>>) offsets(%dma_start3A_1378 : memref<128xi32, #tpu.memory_space<vmem>>) semaphore(%arg18 : memref<!tpu.dma_semaphore, #tpu.memory_space<semaphore_mem>>) {add = true}
      %dma_wait3A_1382 = arith.constant 0 : i32
      %dma_wait3A_1383 = tpu.memref_slice %arg12[%add3A_1375, %dma_wait3A_1382] : memref<80x128xi32, #tpu.memory_space<vmem>> -> memref<1x128xi32, #tpu.memory_space<vmem>>
      %dma_wait3A_1384 = tpu.memref_squeeze %dma_wait3A_1383 : memref<1x128xi32, #tpu.memory_space<vmem>> -> memref<128xi32, #tpu.memory_space<vmem>>
      %dma_wait3A_1385 = arith.constant 0 : i32
      %dma_wait3A_1386 = arith.constant 0 : i32
      %dma_wait3A_1387 = tpu.memref_slice %arg15[%dma_wait3A_1385, %dma_wait3A_1386] : memref<10240x128xf32, #tpu.memory_space<vmem_shared>> -> memref<10240x128xf32, #tpu.memory_space<vmem_shared>>
      tpu.wait_indirect_dma semaphore(%arg18 : memref<!tpu.dma_semaphore, #tpu.memory_space<semaphore_mem>>) src(%arg13 : memref<128x128xf32, #tpu.memory_space<vmem>>) dst(%dma_wait3A_1387 : memref<10240x128xf32, #tpu.memory_space<vmem_shared>>)
      %dma_start3A_1388 = arith.constant 256 : i32
      %dma_start3A_1389 = tpu.memref_slice %arg11[%dma_start3A_1388] : memref<1024xi32, #tpu.memory_space<vmem>> -> memref<128xi32, #tpu.memory_space<vmem>>
      %dma_start3A_1390 = arith.constant 0 : i32
      %dma_start3A_1391 = arith.constant 0 : i32
      %dma_start3A_1392 = tpu.memref_slice %arg2[%dma_start3A_1390, %dma_start3A_1391] : memref<20000x128xf32, #tpu.memory_space<hbm>> -> memref<20000x128xf32, #tpu.memory_space<hbm>>
      tpu.enqueue_indirect_dma source(%dma_start3A_1392 : memref<20000x128xf32, #tpu.memory_space<hbm>>) target(%arg13 : memref<128x128xf32, #tpu.memory_space<vmem>>) offsets(%dma_start3A_1389 : memref<128xi32, #tpu.memory_space<vmem>>) semaphore(%arg16 : memref<!tpu.dma_semaphore, #tpu.memory_space<semaphore_mem>>)
      %dma_wait3A_1393 = arith.constant 128 : i32
      %dma_wait3A_1394 = tpu.memref_slice %arg11[%dma_wait3A_1393] : memref<1024xi32, #tpu.memory_space<vmem>> -> memref<128xi32, #tpu.memory_space<vmem>>
      %dma_wait3A_1395 = arith.constant 0 : i32
      %dma_wait3A_1396 = arith.constant 0 : i32
      %dma_wait3A_1397 = tpu.memref_slice %arg2[%dma_wait3A_1395, %dma_wait3A_1396] : memref<20000x128xf32, #tpu.memory_space<hbm>> -> memref<20000x128xf32, #tpu.memory_space<hbm>>
      tpu.wait_indirect_dma semaphore(%arg17 : memref<!tpu.dma_semaphore, #tpu.memory_space<semaphore_mem>>) src(%dma_wait3A_1397 : memref<20000x128xf32, #tpu.memory_space<hbm>>) dst(%arg14 : memref<128x128xf32, #tpu.memory_space<vmem>>)
      %mul3A_1398 = arith.constant 8 : i32
      %mul3A_1399 = arith.muli %scan3A_1346, %mul3A_1398 : i32
      %add3A_1400 = arith.constant 1 : i32
      %add3A_1401 = arith.addi %mul3A_1399, %add3A_1400 : i32
      %dma_start3A_1402 = arith.constant 0 : i32
      %dma_start3A_1403 = tpu.memref_slice %arg12[%add3A_1401, %dma_start3A_1402] : memref<80x128xi32, #tpu.memory_space<vmem>> -> memref<1x128xi32, #tpu.memory_space<vmem>>
      %dma_start3A_1404 = tpu.memref_squeeze %dma_start3A_1403 : memref<1x128xi32, #tpu.memory_space<vmem>> -> memref<128xi32, #tpu.memory_space<vmem>>
      %dma_start3A_1405 = arith.constant 0 : i32
      %dma_start3A_1406 = arith.constant 0 : i32
      %dma_start3A_1407 = tpu.memref_slice %arg15[%dma_start3A_1405, %dma_start3A_1406] : memref<10240x128xf32, #tpu.memory_space<vmem_shared>> -> memref<10240x128xf32, #tpu.memory_space<vmem_shared>>
      tpu.enqueue_indirect_dma source(%arg14 : memref<128x128xf32, #tpu.memory_space<vmem>>) target(%dma_start3A_1407 : memref<10240x128xf32, #tpu.memory_space<vmem_shared>>) offsets(%dma_start3A_1404 : memref<128xi32, #tpu.memory_space<vmem>>) semaphore(%arg19 : memref<!tpu.dma_semaphore, #tpu.memory_space<semaphore_mem>>) {add = true}
      %dma_wait3A_1408 = arith.constant 0 : i32
      %dma_wait3A_1409 = tpu.memref_slice %arg12[%add3A_1401, %dma_wait3A_1408] : memref<80x128xi32, #tpu.memory_space<vmem>> -> memref<1x128xi32, #tpu.memory_space<vmem>>
      %dma_wait3A_1410 = tpu.memref_squeeze %dma_wait3A_1409 : memref<1x128xi32, #tpu.memory_space<vmem>> -> memref<128xi32, #tpu.memory_space<vmem>>
      %dma_wait3A_1411 = arith.constant 0 : i32
      %dma_wait3A_1412 = arith.constant 0 : i32
      %dma_wait3A_1413 = tpu.memref_slice %arg15[%dma_wait3A_1411, %dma_wait3A_1412] : memref<10240x128xf32, #tpu.memory_space<vmem_shared>> -> memref<10240x128xf32, #tpu.memory_space<vmem_shared>>
      tpu.wait_indirect_dma semaphore(%arg19 : memref<!tpu.dma_semaphore, #tpu.memory_space<semaphore_mem>>) src(%arg14 : memref<128x128xf32, #tpu.memory_space<vmem>>) dst(%dma_wait3A_1413 : memref<10240x128xf32, #tpu.memory_space<vmem_shared>>)
      %dma_start3A_1414 = arith.constant 384 : i32
      %dma_start3A_1415 = tpu.memref_slice %arg11[%dma_start3A_1414] : memref<1024xi32, #tpu.memory_space<vmem>> -> memref<128xi32, #tpu.memory_space<vmem>>
      %dma_start3A_1416 = arith.constant 0 : i32
      %dma_start3A_1417 = arith.constant 0 : i32
      %dma_start3A_1418 = tpu.memref_slice %arg2[%dma_start3A_1416, %dma_start3A_1417] : memref<20000x128xf32, #tpu.memory_space<hbm>> -> memref<20000x128xf32, #tpu.memory_space<hbm>>
      tpu.enqueue_indirect_dma source(%dma_start3A_1418 : memref<20000x128xf32, #tpu.memory_space<hbm>>) target(%arg14 : memref<128x128xf32, #tpu.memory_space<vmem>>) offsets(%dma_start3A_1415 : memref<128xi32, #tpu.memory_space<vmem>>) semaphore(%arg17 : memref<!tpu.dma_semaphore, #tpu.memory_space<semaphore_mem>>)
      %dma_wait3A_1419 = arith.constant 256 : i32
      %dma_wait3A_1420 = tpu.memref_slice %arg11[%dma_wait3A_1419] : memref<1024xi32, #tpu.memory_space<vmem>> -> memref<128xi32, #tpu.memory_space<vmem>>
      %dma_wait3A_1421 = arith.constant 0 : i32
      %dma_wait3A_1422 = arith.constant 0 : i32
      %dma_wait3A_1423 = tpu.memref_slice %arg2[%dma_wait3A_1421, %dma_wait3A_1422] : memref<20000x128xf32, #tpu.memory_space<hbm>> -> memref<20000x128xf32, #tpu.memory_space<hbm>>
      tpu.wait_indirect_dma semaphore(%arg16 : memref<!tpu.dma_semaphore, #tpu.memory_space<semaphore_mem>>) src(%dma_wait3A_1423 : memref<20000x128xf32, #tpu.memory_space<hbm>>) dst(%arg13 : memref<128x128xf32, #tpu.memory_space<vmem>>)
      %mul3A_1424 = arith.constant 8 : i32
      %mul3A_1425 = arith.muli %scan3A_1346, %mul3A_1424 : i32
      %add3A_1426 = arith.constant 2 : i32
      %add3A_1427 = arith.addi %mul3A_1425, %add3A_1426 : i32
      %dma_start3A_1428 = arith.constant 0 : i32
      %dma_start3A_1429 = tpu.memref_slice %arg12[%add3A_1427, %dma_start3A_1428] : memref<80x128xi32, #tpu.memory_space<vmem>> -> memref<1x128xi32, #tpu.memory_space<vmem>>
      %dma_start3A_1430 = tpu.memref_squeeze %dma_start3A_1429 : memref<1x128xi32, #tpu.memory_space<vmem>> -> memref<128xi32, #tpu.memory_space<vmem>>
      %dma_start3A_1431 = arith.constant 0 : i32
      %dma_start3A_1432 = arith.constant 0 : i32
      %dma_start3A_1433 = tpu.memref_slice %arg15[%dma_start3A_1431, %dma_start3A_1432] : memref<10240x128xf32, #tpu.memory_space<vmem_shared>> -> memref<10240x128xf32, #tpu.memory_space<vmem_shared>>
      tpu.enqueue_indirect_dma source(%arg13 : memref<128x128xf32, #tpu.memory_space<vmem>>) target(%dma_start3A_1433 : memref<10240x128xf32, #tpu.memory_space<vmem_shared>>) offsets(%dma_start3A_1430 : memref<128xi32, #tpu.memory_space<vmem>>) semaphore(%arg18 : memref<!tpu.dma_semaphore, #tpu.memory_space<semaphore_mem>>) {add = true}
      %dma_wait3A_1434 = arith.constant 0 : i32
      %dma_wait3A_1435 = tpu.memref_slice %arg12[%add3A_1427, %dma_wait3A_1434] : memref<80x128xi32, #tpu.memory_space<vmem>> -> memref<1x128xi32, #tpu.memory_space<vmem>>
      %dma_wait3A_1436 = tpu.memref_squeeze %dma_wait3A_1435 : memref<1x128xi32, #tpu.memory_space<vmem>> -> memref<128xi32, #tpu.memory_space<vmem>>
      %dma_wait3A_1437 = arith.constant 0 : i32
      %dma_wait3A_1438 = arith.constant 0 : i32
      %dma_wait3A_1439 = tpu.memref_slice %arg15[%dma_wait3A_1437, %dma_wait3A_1438] : memref<10240x128xf32, #tpu.memory_space<vmem_shared>> -> memref<10240x128xf32, #tpu.memory_space<vmem_shared>>
      tpu.wait_indirect_dma semaphore(%arg18 : memref<!tpu.dma_semaphore, #tpu.memory_space<semaphore_mem>>) src(%arg13 : memref<128x128xf32, #tpu.memory_space<vmem>>) dst(%dma_wait3A_1439 : memref<10240x128xf32, #tpu.memory_space<vmem_shared>>)
      %dma_start3A_1440 = arith.constant 512 : i32
      %dma_start3A_1441 = tpu.memref_slice %arg11[%dma_start3A_1440] : memref<1024xi32, #tpu.memory_space<vmem>> -> memref<128xi32, #tpu.memory_space<vmem>>
      %dma_start3A_1442 = arith.constant 0 : i32
      %dma_start3A_1443 = arith.constant 0 : i32
      %dma_start3A_1444 = tpu.memref_slice %arg2[%dma_start3A_1442, %dma_start3A_1443] : memref<20000x128xf32, #tpu.memory_space<hbm>> -> memref<20000x128xf32, #tpu.memory_space<hbm>>
      tpu.enqueue_indirect_dma source(%dma_start3A_1444 : memref<20000x128xf32, #tpu.memory_space<hbm>>) target(%arg13 : memref<128x128xf32, #tpu.memory_space<vmem>>) offsets(%dma_start3A_1441 : memref<128xi32, #tpu.memory_space<vmem>>) semaphore(%arg16 : memref<!tpu.dma_semaphore, #tpu.memory_space<semaphore_mem>>)
      %dma_wait3A_1445 = arith.constant 384 : i32
      %dma_wait3A_1446 = tpu.memref_slice %arg11[%dma_wait3A_1445] : memref<1024xi32, #tpu.memory_space<vmem>> -> memref<128xi32, #tpu.memory_space<vmem>>
      %dma_wait3A_1447 = arith.constant 0 : i32
      %dma_wait3A_1448 = arith.constant 0 : i32
      %dma_wait3A_1449 = tpu.memref_slice %arg2[%dma_wait3A_1447, %dma_wait3A_1448] : memref<20000x128xf32, #tpu.memory_space<hbm>> -> memref<20000x128xf32, #tpu.memory_space<hbm>>
      tpu.wait_indirect_dma semaphore(%arg17 : memref<!tpu.dma_semaphore, #tpu.memory_space<semaphore_mem>>) src(%dma_wait3A_1449 : memref<20000x128xf32, #tpu.memory_space<hbm>>) dst(%arg14 : memref<128x128xf32, #tpu.memory_space<vmem>>)
      %mul3A_1450 = arith.constant 8 : i32
      %mul3A_1451 = arith.muli %scan3A_1346, %mul3A_1450 : i32
      %add3A_1452 = arith.constant 3 : i32
      %add3A_1453 = arith.addi %mul3A_1451, %add3A_1452 : i32
      %dma_start3A_1454 = arith.constant 0 : i32
      %dma_start3A_1455 = tpu.memref_slice %arg12[%add3A_1453, %dma_start3A_1454] : memref<80x128xi32, #tpu.memory_space<vmem>> -> memref<1x128xi32, #tpu.memory_space<vmem>>
      %dma_start3A_1456 = tpu.memref_squeeze %dma_start3A_1455 : memref<1x128xi32, #tpu.memory_space<vmem>> -> memref<128xi32, #tpu.memory_space<vmem>>
      %dma_start3A_1457 = arith.constant 0 : i32
      %dma_start3A_1458 = arith.constant 0 : i32
      %dma_start3A_1459 = tpu.memref_slice %arg15[%dma_start3A_1457, %dma_start3A_1458] : memref<10240x128xf32, #tpu.memory_space<vmem_shared>> -> memref<10240x128xf32, #tpu.memory_space<vmem_shared>>
      tpu.enqueue_indirect_dma source(%arg14 : memref<128x128xf32, #tpu.memory_space<vmem>>) target(%dma_start3A_1459 : memref<10240x128xf32, #tpu.memory_space<vmem_shared>>) offsets(%dma_start3A_1456 : memref<128xi32, #tpu.memory_space<vmem>>) semaphore(%arg19 : memref<!tpu.dma_semaphore, #tpu.memory_space<semaphore_mem>>) {add = true}
      %dma_wait3A_1460 = arith.constant 0 : i32
      %dma_wait3A_1461 = tpu.memref_slice %arg12[%add3A_1453, %dma_wait3A_1460] : memref<80x128xi32, #tpu.memory_space<vmem>> -> memref<1x128xi32, #tpu.memory_space<vmem>>
      %dma_wait3A_1462 = tpu.memref_squeeze %dma_wait3A_1461 : memref<1x128xi32, #tpu.memory_space<vmem>> -> memref<128xi32, #tpu.memory_space<vmem>>
      %dma_wait3A_1463 = arith.constant 0 : i32
      %dma_wait3A_1464 = arith.constant 0 : i32
      %dma_wait3A_1465 = tpu.memref_slice %arg15[%dma_wait3A_1463, %dma_wait3A_1464] : memref<10240x128xf32, #tpu.memory_space<vmem_shared>> -> memref<10240x128xf32, #tpu.memory_space<vmem_shared>>
      tpu.wait_indirect_dma semaphore(%arg19 : memref<!tpu.dma_semaphore, #tpu.memory_space<semaphore_mem>>) src(%arg14 : memref<128x128xf32, #tpu.memory_space<vmem>>) dst(%dma_wait3A_1465 : memref<10240x128xf32, #tpu.memory_space<vmem_shared>>)
      %dma_start3A_1466 = arith.constant 640 : i32
      %dma_start3A_1467 = tpu.memref_slice %arg11[%dma_start3A_1466] : memref<1024xi32, #tpu.memory_space<vmem>> -> memref<128xi32, #tpu.memory_space<vmem>>
      %dma_start3A_1468 = arith.constant 0 : i32
      %dma_start3A_1469 = arith.constant 0 : i32
      %dma_start3A_1470 = tpu.memref_slice %arg2[%dma_start3A_1468, %dma_start3A_1469] : memref<20000x128xf32, #tpu.memory_space<hbm>> -> memref<20000x128xf32, #tpu.memory_space<hbm>>
      tpu.enqueue_indirect_dma source(%dma_start3A_1470 : memref<20000x128xf32, #tpu.memory_space<hbm>>) target(%arg14 : memref<128x128xf32, #tpu.memory_space<vmem>>) offsets(%dma_start3A_1467 : memref<128xi32, #tpu.memory_space<vmem>>) semaphore(%arg17 : memref<!tpu.dma_semaphore, #tpu.memory_space<semaphore_mem>>)
      %dma_wait3A_1471 = arith.constant 512 : i32
      %dma_wait3A_1472 = tpu.memref_slice %arg11[%dma_wait3A_1471] : memref<1024xi32, #tpu.memory_space<vmem>> -> memref<128xi32, #tpu.memory_space<vmem>>
      %dma_wait3A_1473 = arith.constant 0 : i32
      %dma_wait3A_1474 = arith.constant 0 : i32
      %dma_wait3A_1475 = tpu.memref_slice %arg2[%dma_wait3A_1473, %dma_wait3A_1474] : memref<20000x128xf32, #tpu.memory_space<hbm>> -> memref<20000x128xf32, #tpu.memory_space<hbm>>
      tpu.wait_indirect_dma semaphore(%arg16 : memref<!tpu.dma_semaphore, #tpu.memory_space<semaphore_mem>>) src(%dma_wait3A_1475 : memref<20000x128xf32, #tpu.memory_space<hbm>>) dst(%arg13 : memref<128x128xf32, #tpu.memory_space<vmem>>)
      %mul3A_1476 = arith.constant 8 : i32
      %mul3A_1477 = arith.muli %scan3A_1346, %mul3A_1476 : i32
      %add3A_1478 = arith.constant 4 : i32
      %add3A_1479 = arith.addi %mul3A_1477, %add3A_1478 : i32
      %dma_start3A_1480 = arith.constant 0 : i32
      %dma_start3A_1481 = tpu.memref_slice %arg12[%add3A_1479, %dma_start3A_1480] : memref<80x128xi32, #tpu.memory_space<vmem>> -> memref<1x128xi32, #tpu.memory_space<vmem>>
      %dma_start3A_1482 = tpu.memref_squeeze %dma_start3A_1481 : memref<1x128xi32, #tpu.memory_space<vmem>> -> memref<128xi32, #tpu.memory_space<vmem>>
      %dma_start3A_1483 = arith.constant 0 : i32
      %dma_start3A_1484 = arith.constant 0 : i32
      %dma_start3A_1485 = tpu.memref_slice %arg15[%dma_start3A_1483, %dma_start3A_1484] : memref<10240x128xf32, #tpu.memory_space<vmem_shared>> -> memref<10240x128xf32, #tpu.memory_space<vmem_shared>>
      tpu.enqueue_indirect_dma source(%arg13 : memref<128x128xf32, #tpu.memory_space<vmem>>) target(%dma_start3A_1485 : memref<10240x128xf32, #tpu.memory_space<vmem_shared>>) offsets(%dma_start3A_1482 : memref<128xi32, #tpu.memory_space<vmem>>) semaphore(%arg18 : memref<!tpu.dma_semaphore, #tpu.memory_space<semaphore_mem>>) {add = true}
      %dma_wait3A_1486 = arith.constant 0 : i32
      %dma_wait3A_1487 = tpu.memref_slice %arg12[%add3A_1479, %dma_wait3A_1486] : memref<80x128xi32, #tpu.memory_space<vmem>> -> memref<1x128xi32, #tpu.memory_space<vmem>>
      %dma_wait3A_1488 = tpu.memref_squeeze %dma_wait3A_1487 : memref<1x128xi32, #tpu.memory_space<vmem>> -> memref<128xi32, #tpu.memory_space<vmem>>
      %dma_wait3A_1489 = arith.constant 0 : i32
      %dma_wait3A_1490 = arith.constant 0 : i32
      %dma_wait3A_1491 = tpu.memref_slice %arg15[%dma_wait3A_1489, %dma_wait3A_1490] : memref<10240x128xf32, #tpu.memory_space<vmem_shared>> -> memref<10240x128xf32, #tpu.memory_space<vmem_shared>>
      tpu.wait_indirect_dma semaphore(%arg18 : memref<!tpu.dma_semaphore, #tpu.memory_space<semaphore_mem>>) src(%arg13 : memref<128x128xf32, #tpu.memory_space<vmem>>) dst(%dma_wait3A_1491 : memref<10240x128xf32, #tpu.memory_space<vmem_shared>>)
      %dma_start3A_1492 = arith.constant 768 : i32
      %dma_start3A_1493 = tpu.memref_slice %arg11[%dma_start3A_1492] : memref<1024xi32, #tpu.memory_space<vmem>> -> memref<128xi32, #tpu.memory_space<vmem>>
      %dma_start3A_1494 = arith.constant 0 : i32
      %dma_start3A_1495 = arith.constant 0 : i32
      %dma_start3A_1496 = tpu.memref_slice %arg2[%dma_start3A_1494, %dma_start3A_1495] : memref<20000x128xf32, #tpu.memory_space<hbm>> -> memref<20000x128xf32, #tpu.memory_space<hbm>>
      tpu.enqueue_indirect_dma source(%dma_start3A_1496 : memref<20000x128xf32, #tpu.memory_space<hbm>>) target(%arg13 : memref<128x128xf32, #tpu.memory_space<vmem>>) offsets(%dma_start3A_1493 : memref<128xi32, #tpu.memory_space<vmem>>) semaphore(%arg16 : memref<!tpu.dma_semaphore, #tpu.memory_space<semaphore_mem>>)
      %dma_wait3A_1497 = arith.constant 640 : i32
      %dma_wait3A_1498 = tpu.memref_slice %arg11[%dma_wait3A_1497] : memref<1024xi32, #tpu.memory_space<vmem>> -> memref<128xi32, #tpu.memory_space<vmem>>
      %dma_wait3A_1499 = arith.constant 0 : i32
      %dma_wait3A_1500 = arith.constant 0 : i32
      %dma_wait3A_1501 = tpu.memref_slice %arg2[%dma_wait3A_1499, %dma_wait3A_1500] : memref<20000x128xf32, #tpu.memory_space<hbm>> -> memref<20000x128xf32, #tpu.memory_space<hbm>>
      tpu.wait_indirect_dma semaphore(%arg17 : memref<!tpu.dma_semaphore, #tpu.memory_space<semaphore_mem>>) src(%dma_wait3A_1501 : memref<20000x128xf32, #tpu.memory_space<hbm>>) dst(%arg14 : memref<128x128xf32, #tpu.memory_space<vmem>>)
      %mul3A_1502 = arith.constant 8 : i32
      %mul3A_1503 = arith.muli %scan3A_1346, %mul3A_1502 : i32
      %add3A_1504 = arith.constant 5 : i32
      %add3A_1505 = arith.addi %mul3A_1503, %add3A_1504 : i32
      %dma_start3A_1506 = arith.constant 0 : i32
      %dma_start3A_1507 = tpu.memref_slice %arg12[%add3A_1505, %dma_start3A_1506] : memref<80x128xi32, #tpu.memory_space<vmem>> -> memref<1x128xi32, #tpu.memory_space<vmem>>
      %dma_start3A_1508 = tpu.memref_squeeze %dma_start3A_1507 : memref<1x128xi32, #tpu.memory_space<vmem>> -> memref<128xi32, #tpu.memory_space<vmem>>
      %dma_start3A_1509 = arith.constant 0 : i32
      %dma_start3A_1510 = arith.constant 0 : i32
      %dma_start3A_1511 = tpu.memref_slice %arg15[%dma_start3A_1509, %dma_start3A_1510] : memref<10240x128xf32, #tpu.memory_space<vmem_shared>> -> memref<10240x128xf32, #tpu.memory_space<vmem_shared>>
      tpu.enqueue_indirect_dma source(%arg14 : memref<128x128xf32, #tpu.memory_space<vmem>>) target(%dma_start3A_1511 : memref<10240x128xf32, #tpu.memory_space<vmem_shared>>) offsets(%dma_start3A_1508 : memref<128xi32, #tpu.memory_space<vmem>>) semaphore(%arg19 : memref<!tpu.dma_semaphore, #tpu.memory_space<semaphore_mem>>) {add = true}
      %dma_wait3A_1512 = arith.constant 0 : i32
      %dma_wait3A_1513 = tpu.memref_slice %arg12[%add3A_1505, %dma_wait3A_1512] : memref<80x128xi32, #tpu.memory_space<vmem>> -> memref<1x128xi32, #tpu.memory_space<vmem>>
      %dma_wait3A_1514 = tpu.memref_squeeze %dma_wait3A_1513 : memref<1x128xi32, #tpu.memory_space<vmem>> -> memref<128xi32, #tpu.memory_space<vmem>>
      %dma_wait3A_1515 = arith.constant 0 : i32
      %dma_wait3A_1516 = arith.constant 0 : i32
      %dma_wait3A_1517 = tpu.memref_slice %arg15[%dma_wait3A_1515, %dma_wait3A_1516] : memref<10240x128xf32, #tpu.memory_space<vmem_shared>> -> memref<10240x128xf32, #tpu.memory_space<vmem_shared>>
      tpu.wait_indirect_dma semaphore(%arg19 : memref<!tpu.dma_semaphore, #tpu.memory_space<semaphore_mem>>) src(%arg14 : memref<128x128xf32, #tpu.memory_space<vmem>>) dst(%dma_wait3A_1517 : memref<10240x128xf32, #tpu.memory_space<vmem_shared>>)
      %dma_start3A_1518 = arith.constant 896 : i32
      %dma_start3A_1519 = tpu.memref_slice %arg11[%dma_start3A_1518] : memref<1024xi32, #tpu.memory_space<vmem>> -> memref<128xi32, #tpu.memory_space<vmem>>
      %dma_start3A_1520 = arith.constant 0 : i32
      %dma_start3A_1521 = arith.constant 0 : i32
      %dma_start3A_1522 = tpu.memref_slice %arg2[%dma_start3A_1520, %dma_start3A_1521] : memref<20000x128xf32, #tpu.memory_space<hbm>> -> memref<20000x128xf32, #tpu.memory_space<hbm>>
      tpu.enqueue_indirect_dma source(%dma_start3A_1522 : memref<20000x128xf32, #tpu.memory_space<hbm>>) target(%arg14 : memref<128x128xf32, #tpu.memory_space<vmem>>) offsets(%dma_start3A_1519 : memref<128xi32, #tpu.memory_space<vmem>>) semaphore(%arg17 : memref<!tpu.dma_semaphore, #tpu.memory_space<semaphore_mem>>)
      %dma_wait3A_1523 = arith.constant 768 : i32
      %dma_wait3A_1524 = tpu.memref_slice %arg11[%dma_wait3A_1523] : memref<1024xi32, #tpu.memory_space<vmem>> -> memref<128xi32, #tpu.memory_space<vmem>>
      %dma_wait3A_1525 = arith.constant 0 : i32
      %dma_wait3A_1526 = arith.constant 0 : i32
      %dma_wait3A_1527 = tpu.memref_slice %arg2[%dma_wait3A_1525, %dma_wait3A_1526] : memref<20000x128xf32, #tpu.memory_space<hbm>> -> memref<20000x128xf32, #tpu.memory_space<hbm>>
      tpu.wait_indirect_dma semaphore(%arg16 : memref<!tpu.dma_semaphore, #tpu.memory_space<semaphore_mem>>) src(%dma_wait3A_1527 : memref<20000x128xf32, #tpu.memory_space<hbm>>) dst(%arg13 : memref<128x128xf32, #tpu.memory_space<vmem>>)
      %mul3A_1528 = arith.constant 8 : i32
      %mul3A_1529 = arith.muli %scan3A_1346, %mul3A_1528 : i32
      %add3A_1530 = arith.constant 6 : i32
      %add3A_1531 = arith.addi %mul3A_1529, %add3A_1530 : i32
      %dma_start3A_1532 = arith.constant 0 : i32
      %dma_start3A_1533 = tpu.memref_slice %arg12[%add3A_1531, %dma_start3A_1532] : memref<80x128xi32, #tpu.memory_space<vmem>> -> memref<1x128xi32, #tpu.memory_space<vmem>>
      %dma_start3A_1534 = tpu.memref_squeeze %dma_start3A_1533 : memref<1x128xi32, #tpu.memory_space<vmem>> -> memref<128xi32, #tpu.memory_space<vmem>>
      %dma_start3A_1535 = arith.constant 0 : i32
      %dma_start3A_1536 = arith.constant 0 : i32
      %dma_start3A_1537 = tpu.memref_slice %arg15[%dma_start3A_1535, %dma_start3A_1536] : memref<10240x128xf32, #tpu.memory_space<vmem_shared>> -> memref<10240x128xf32, #tpu.memory_space<vmem_shared>>
      tpu.enqueue_indirect_dma source(%arg13 : memref<128x128xf32, #tpu.memory_space<vmem>>) target(%dma_start3A_1537 : memref<10240x128xf32, #tpu.memory_space<vmem_shared>>) offsets(%dma_start3A_1534 : memref<128xi32, #tpu.memory_space<vmem>>) semaphore(%arg18 : memref<!tpu.dma_semaphore, #tpu.memory_space<semaphore_mem>>) {add = true}
      %dma_wait3A_1538 = arith.constant 896 : i32
      %dma_wait3A_1539 = tpu.memref_slice %arg11[%dma_wait3A_1538] : memref<1024xi32, #tpu.memory_space<vmem>> -> memref<128xi32, #tpu.memory_space<vmem>>
      %dma_wait3A_1540 = arith.constant 0 : i32
      %dma_wait3A_1541 = arith.constant 0 : i32
      %dma_wait3A_1542 = tpu.memref_slice %arg2[%dma_wait3A_1540, %dma_wait3A_1541] : memref<20000x128xf32, #tpu.memory_space<hbm>> -> memref<20000x128xf32, #tpu.memory_space<hbm>>
      tpu.wait_indirect_dma semaphore(%arg17 : memref<!tpu.dma_semaphore, #tpu.memory_space<semaphore_mem>>) src(%dma_wait3A_1542 : memref<20000x128xf32, #tpu.memory_space<hbm>>) dst(%arg14 : memref<128x128xf32, #tpu.memory_space<vmem>>)
      %mul3A_1543 = arith.constant 8 : i32
      %mul3A_1544 = arith.muli %scan3A_1346, %mul3A_1543 : i32
      %add3A_1545 = arith.constant 7 : i32
      %add3A_1546 = arith.addi %mul3A_1544, %add3A_1545 : i32
      %dma_start3A_1547 = arith.constant 0 : i32
      %dma_start3A_1548 = tpu.memref_slice %arg12[%add3A_1546, %dma_start3A_1547] : memref<80x128xi32, #tpu.memory_space<vmem>> -> memref<1x128xi32, #tpu.memory_space<vmem>>
      %dma_start3A_1549 = tpu.memref_squeeze %dma_start3A_1548 : memref<1x128xi32, #tpu.memory_space<vmem>> -> memref<128xi32, #tpu.memory_space<vmem>>
      %dma_start3A_1550 = arith.constant 0 : i32
      %dma_start3A_1551 = arith.constant 0 : i32
      %dma_start3A_1552 = tpu.memref_slice %arg15[%dma_start3A_1550, %dma_start3A_1551] : memref<10240x128xf32, #tpu.memory_space<vmem_shared>> -> memref<10240x128xf32, #tpu.memory_space<vmem_shared>>
      tpu.enqueue_indirect_dma source(%arg14 : memref<128x128xf32, #tpu.memory_space<vmem>>) target(%dma_start3A_1552 : memref<10240x128xf32, #tpu.memory_space<vmem_shared>>) offsets(%dma_start3A_1549 : memref<128xi32, #tpu.memory_space<vmem>>) semaphore(%arg19 : memref<!tpu.dma_semaphore, #tpu.memory_space<semaphore_mem>>) {add = true}
      %dma_wait3A_1553 = arith.constant 0 : i32
      %dma_wait3A_1554 = tpu.memref_slice %arg12[%add3A_1531, %dma_wait3A_1553] : memref<80x128xi32, #tpu.memory_space<vmem>> -> memref<1x128xi32, #tpu.memory_space<vmem>>
      %dma_wait3A_1555 = tpu.memref_squeeze %dma_wait3A_1554 : memref<1x128xi32, #tpu.memory_space<vmem>> -> memref<128xi32, #tpu.memory_space<vmem>>
      %dma_wait3A_1556 = arith.constant 0 : i32
      %dma_wait3A_1557 = arith.constant 0 : i32
      %dma_wait3A_1558 = tpu.memref_slice %arg15[%dma_wait3A_1556, %dma_wait3A_1557] : memref<10240x128xf32, #tpu.memory_space<vmem_shared>> -> memref<10240x128xf32, #tpu.memory_space<vmem_shared>>
      tpu.wait_indirect_dma semaphore(%arg18 : memref<!tpu.dma_semaphore, #tpu.memory_space<semaphore_mem>>) src(%arg13 : memref<128x128xf32, #tpu.memory_space<vmem>>) dst(%dma_wait3A_1558 : memref<10240x128xf32, #tpu.memory_space<vmem_shared>>)
      %dma_wait3A_1559 = arith.constant 0 : i32
      %dma_wait3A_1560 = tpu.memref_slice %arg12[%add3A_1546, %dma_wait3A_1559] : memref<80x128xi32, #tpu.memory_space<vmem>> -> memref<1x128xi32, #tpu.memory_space<vmem>>
      %dma_wait3A_1561 = tpu.memref_squeeze %dma_wait3A_1560 : memref<1x128xi32, #tpu.memory_space<vmem>> -> memref<128xi32, #tpu.memory_space<vmem>>
      %dma_wait3A_1562 = arith.constant 0 : i32
      %dma_wait3A_1563 = arith.constant 0 : i32
      %dma_wait3A_1564 = tpu.memref_slice %arg15[%dma_wait3A_1562, %dma_wait3A_1563] : memref<10240x128xf32, #tpu.memory_space<vmem_shared>> -> memref<10240x128xf32, #tpu.memory_space<vmem_shared>>
      tpu.wait_indirect_dma semaphore(%arg19 : memref<!tpu.dma_semaphore, #tpu.memory_space<semaphore_mem>>) src(%arg14 : memref<128x128xf32, #tpu.memory_space<vmem>>) dst(%dma_wait3A_1564 : memref<10240x128xf32, #tpu.memory_space<vmem_shared>>)
    }
    %scan3A_1239 = arith.constant 10 : i32
    %barrier3A_1240 = arith.constant 0 : index
    tpu.barrier barrier_id(%barrier3A_1240)
    %dma_start3A_1241 = arith.constant 0 : i32
    %dma_start3A_1242 = arith.constant 0 : i32
    %dma_start3A_1243 = tpu.memref_slice %arg10[%dma_start3A_1241, %dma_start3A_1242] : memref<5x128xi32, #tpu.memory_space<vmem>> -> memref<1x128xi32, #tpu.memory_space<vmem>>
    %dma_start3A_1244 = tpu.memref_squeeze %dma_start3A_1243 : memref<1x128xi32, #tpu.memory_space<vmem>> -> memref<128xi32, #tpu.memory_space<vmem>>
    %dma_start3A_1245 = arith.constant 0 : i32
    %dma_start3A_1246 = arith.constant 0 : i32
    %dma_start3A_1247 = tpu.memref_slice %arg15[%dma_start3A_1245, %dma_start3A_1246] : memref<10240x128xf32, #tpu.memory_space<vmem_shared>> -> memref<10240x128xf32, #tpu.memory_space<vmem_shared>>
    tpu.enqueue_indirect_dma source(%dma_start3A_1247 : memref<10240x128xf32, #tpu.memory_space<vmem_shared>>) target(%arg13 : memref<128x128xf32, #tpu.memory_space<vmem>>) offsets(%dma_start3A_1244 : memref<128xi32, #tpu.memory_space<vmem>>) semaphore(%arg16 : memref<!tpu.dma_semaphore, #tpu.memory_space<semaphore_mem>>)
    %dma_start3A_1248 = arith.constant 1 : i32
    %dma_start3A_1249 = arith.constant 0 : i32
    %dma_start3A_1250 = tpu.memref_slice %arg10[%dma_start3A_1248, %dma_start3A_1249] : memref<5x128xi32, #tpu.memory_space<vmem>> -> memref<1x128xi32, #tpu.memory_space<vmem>>
    %dma_start3A_1251 = tpu.memref_squeeze %dma_start3A_1250 : memref<1x128xi32, #tpu.memory_space<vmem>> -> memref<128xi32, #tpu.memory_space<vmem>>
    %dma_start3A_1252 = arith.constant 0 : i32
    %dma_start3A_1253 = arith.constant 0 : i32
    %dma_start3A_1254 = tpu.memref_slice %arg15[%dma_start3A_1252, %dma_start3A_1253] : memref<10240x128xf32, #tpu.memory_space<vmem_shared>> -> memref<10240x128xf32, #tpu.memory_space<vmem_shared>>
    tpu.enqueue_indirect_dma source(%dma_start3A_1254 : memref<10240x128xf32, #tpu.memory_space<vmem_shared>>) target(%arg14 : memref<128x128xf32, #tpu.memory_space<vmem>>) offsets(%dma_start3A_1251 : memref<128xi32, #tpu.memory_space<vmem>>) semaphore(%arg17 : memref<!tpu.dma_semaphore, #tpu.memory_space<semaphore_mem>>)
    %dma_wait3A_1255 = arith.constant 0 : i32
    %dma_wait3A_1256 = arith.constant 0 : i32
    %dma_wait3A_1257 = tpu.memref_slice %arg10[%dma_wait3A_1255, %dma_wait3A_1256] : memref<5x128xi32, #tpu.memory_space<vmem>> -> memref<1x128xi32, #tpu.memory_space<vmem>>
    %dma_wait3A_1258 = tpu.memref_squeeze %dma_wait3A_1257 : memref<1x128xi32, #tpu.memory_space<vmem>> -> memref<128xi32, #tpu.memory_space<vmem>>
    %dma_wait3A_1259 = arith.constant 0 : i32
    %dma_wait3A_1260 = arith.constant 0 : i32
    %dma_wait3A_1261 = tpu.memref_slice %arg15[%dma_wait3A_1259, %dma_wait3A_1260] : memref<10240x128xf32, #tpu.memory_space<vmem_shared>> -> memref<10240x128xf32, #tpu.memory_space<vmem_shared>>
    tpu.wait_indirect_dma semaphore(%arg16 : memref<!tpu.dma_semaphore, #tpu.memory_space<semaphore_mem>>) src(%dma_wait3A_1261 : memref<10240x128xf32, #tpu.memory_space<vmem_shared>>) dst(%arg13 : memref<128x128xf32, #tpu.memory_space<vmem>>)
    %mul3A_1262 = arith.constant 10240 : i32
    %mul3A_1263 = arith.muli %arg0, %mul3A_1262 : i32
    %mul3A_1264 = arith.constant 640 : i32
    %mul3A_1265 = arith.muli %arg1, %mul3A_1264 : i32
    %add3A_1266 = arith.addi %mul3A_1263, %mul3A_1265 : i32
    %add3A_1267 = arith.constant 0 : i32
    %add3A_1268 = arith.addi %add3A_1266, %add3A_1267 : i32
    "tpu.region"() ({
      %run_scoped3A_1346 = tpu.sem_alloc : memref<!tpu.dma_semaphore, #tpu.memory_space<semaphore_mem>>
      %dma_start3A_1347 = arith.constant 0 : i32
      %dma_start3A_1348 = tpu.memref_slice %arg8[%add3A_1268, %dma_start3A_1347] : memref<20480x128xf32, #tpu.memory_space<hbm>> -> memref<128x128xf32, #tpu.memory_space<hbm>>
      %dma_start3A_1349 = arith.constant 0 : i32
      %dma_start3A_1350 = tpu.memref_slice %arg8[%add3A_1268, %dma_start3A_1349] : memref<20480x128xf32, #tpu.memory_space<hbm>> -> memref<128x128xf32, #tpu.memory_space<hbm>>
      tpu.enqueue_dma source(%arg13 : memref<128x128xf32, #tpu.memory_space<vmem>>) target(%dma_start3A_1350 : memref<128x128xf32, #tpu.memory_space<hbm>>) target_semaphore(%run_scoped3A_1346 : memref<!tpu.dma_semaphore, #tpu.memory_space<semaphore_mem>>)
      %dma_wait3A_1351 = arith.constant 0 : i32
      %dma_wait3A_1352 = tpu.memref_slice %arg8[%add3A_1268, %dma_wait3A_1351] : memref<20480x128xf32, #tpu.memory_space<hbm>> -> memref<128x128xf32, #tpu.memory_space<hbm>>
      %dma_wait3A_1353 = arith.constant 0 : i32
      %dma_wait3A_1354 = tpu.memref_slice %arg8[%add3A_1268, %dma_wait3A_1353] : memref<20480x128xf32, #tpu.memory_space<hbm>> -> memref<128x128xf32, #tpu.memory_space<hbm>>
      tpu.wait_dma2 semaphore(%run_scoped3A_1346 : memref<!tpu.dma_semaphore, #tpu.memory_space<semaphore_mem>>) src(%arg13 : memref<128x128xf32, #tpu.memory_space<vmem>>) dst(%dma_wait3A_1354 : memref<128x128xf32, #tpu.memory_space<hbm>>)
      tpu.yield
    }) : () -> ()
    %dma_start3A_1269 = arith.constant 2 : i32
    %dma_start3A_1270 = arith.constant 0 : i32
    %dma_start3A_1271 = tpu.memref_slice %arg10[%dma_start3A_1269, %dma_start3A_1270] : memref<5x128xi32, #tpu.memory_space<vmem>> -> memref<1x128xi32, #tpu.memory_space<vmem>>
    %dma_start3A_1272 = tpu.memref_squeeze %dma_start3A_1271 : memref<1x128xi32, #tpu.memory_space<vmem>> -> memref<128xi32, #tpu.memory_space<vmem>>
    %dma_start3A_1273 = arith.constant 0 : i32
    %dma_start3A_1274 = arith.constant 0 : i32
    %dma_start3A_1275 = tpu.memref_slice %arg15[%dma_start3A_1273, %dma_start3A_1274] : memref<10240x128xf32, #tpu.memory_space<vmem_shared>> -> memref<10240x128xf32, #tpu.memory_space<vmem_shared>>
    tpu.enqueue_indirect_dma source(%dma_start3A_1275 : memref<10240x128xf32, #tpu.memory_space<vmem_shared>>) target(%arg13 : memref<128x128xf32, #tpu.memory_space<vmem>>) offsets(%dma_start3A_1272 : memref<128xi32, #tpu.memory_space<vmem>>) semaphore(%arg16 : memref<!tpu.dma_semaphore, #tpu.memory_space<semaphore_mem>>)
    %dma_wait3A_1276 = arith.constant 1 : i32
    %dma_wait3A_1277 = arith.constant 0 : i32
    %dma_wait3A_1278 = tpu.memref_slice %arg10[%dma_wait3A_1276, %dma_wait3A_1277] : memref<5x128xi32, #tpu.memory_space<vmem>> -> memref<1x128xi32, #tpu.memory_space<vmem>>
    %dma_wait3A_1279 = tpu.memref_squeeze %dma_wait3A_1278 : memref<1x128xi32, #tpu.memory_space<vmem>> -> memref<128xi32, #tpu.memory_space<vmem>>
    %dma_wait3A_1280 = arith.constant 0 : i32
    %dma_wait3A_1281 = arith.constant 0 : i32
    %dma_wait3A_1282 = tpu.memref_slice %arg15[%dma_wait3A_1280, %dma_wait3A_1281] : memref<10240x128xf32, #tpu.memory_space<vmem_shared>> -> memref<10240x128xf32, #tpu.memory_space<vmem_shared>>
    tpu.wait_indirect_dma semaphore(%arg17 : memref<!tpu.dma_semaphore, #tpu.memory_space<semaphore_mem>>) src(%dma_wait3A_1282 : memref<10240x128xf32, #tpu.memory_space<vmem_shared>>) dst(%arg14 : memref<128x128xf32, #tpu.memory_space<vmem>>)
    %mul3A_1283 = arith.constant 10240 : i32
    %mul3A_1284 = arith.muli %arg0, %mul3A_1283 : i32
    %mul3A_1285 = arith.constant 640 : i32
    %mul3A_1286 = arith.muli %arg1, %mul3A_1285 : i32
    %add3A_1287 = arith.addi %mul3A_1284, %mul3A_1286 : i32
    %add3A_1288 = arith.constant 128 : i32
    %add3A_1289 = arith.addi %add3A_1287, %add3A_1288 : i32
    "tpu.region"() ({
      %run_scoped3A_1346 = tpu.sem_alloc : memref<!tpu.dma_semaphore, #tpu.memory_space<semaphore_mem>>
      %dma_start3A_1347 = arith.constant 0 : i32
      %dma_start3A_1348 = tpu.memref_slice %arg8[%add3A_1289, %dma_start3A_1347] : memref<20480x128xf32, #tpu.memory_space<hbm>> -> memref<128x128xf32, #tpu.memory_space<hbm>>
      %dma_start3A_1349 = arith.constant 0 : i32
      %dma_start3A_1350 = tpu.memref_slice %arg8[%add3A_1289, %dma_start3A_1349] : memref<20480x128xf32, #tpu.memory_space<hbm>> -> memref<128x128xf32, #tpu.memory_space<hbm>>
      tpu.enqueue_dma source(%arg14 : memref<128x128xf32, #tpu.memory_space<vmem>>) target(%dma_start3A_1350 : memref<128x128xf32, #tpu.memory_space<hbm>>) target_semaphore(%run_scoped3A_1346 : memref<!tpu.dma_semaphore, #tpu.memory_space<semaphore_mem>>)
      %dma_wait3A_1351 = arith.constant 0 : i32
      %dma_wait3A_1352 = tpu.memref_slice %arg8[%add3A_1289, %dma_wait3A_1351] : memref<20480x128xf32, #tpu.memory_space<hbm>> -> memref<128x128xf32, #tpu.memory_space<hbm>>
      %dma_wait3A_1353 = arith.constant 0 : i32
      %dma_wait3A_1354 = tpu.memref_slice %arg8[%add3A_1289, %dma_wait3A_1353] : memref<20480x128xf32, #tpu.memory_space<hbm>> -> memref<128x128xf32, #tpu.memory_space<hbm>>
      tpu.wait_dma2 semaphore(%run_scoped3A_1346 : memref<!tpu.dma_semaphore, #tpu.memory_space<semaphore_mem>>) src(%arg14 : memref<128x128xf32, #tpu.memory_space<vmem>>) dst(%dma_wait3A_1354 : memref<128x128xf32, #tpu.memory_space<hbm>>)
      tpu.yield
    }) : () -> ()
    %dma_start3A_1290 = arith.constant 3 : i32
    %dma_start3A_1291 = arith.constant 0 : i32
    %dma_start3A_1292 = tpu.memref_slice %arg10[%dma_start3A_1290, %dma_start3A_1291] : memref<5x128xi32, #tpu.memory_space<vmem>> -> memref<1x128xi32, #tpu.memory_space<vmem>>
    %dma_start3A_1293 = tpu.memref_squeeze %dma_start3A_1292 : memref<1x128xi32, #tpu.memory_space<vmem>> -> memref<128xi32, #tpu.memory_space<vmem>>
    %dma_start3A_1294 = arith.constant 0 : i32
    %dma_start3A_1295 = arith.constant 0 : i32
    %dma_start3A_1296 = tpu.memref_slice %arg15[%dma_start3A_1294, %dma_start3A_1295] : memref<10240x128xf32, #tpu.memory_space<vmem_shared>> -> memref<10240x128xf32, #tpu.memory_space<vmem_shared>>
    tpu.enqueue_indirect_dma source(%dma_start3A_1296 : memref<10240x128xf32, #tpu.memory_space<vmem_shared>>) target(%arg14 : memref<128x128xf32, #tpu.memory_space<vmem>>) offsets(%dma_start3A_1293 : memref<128xi32, #tpu.memory_space<vmem>>) semaphore(%arg17 : memref<!tpu.dma_semaphore, #tpu.memory_space<semaphore_mem>>)
    %dma_wait3A_1297 = arith.constant 2 : i32
    %dma_wait3A_1298 = arith.constant 0 : i32
    %dma_wait3A_1299 = tpu.memref_slice %arg10[%dma_wait3A_1297, %dma_wait3A_1298] : memref<5x128xi32, #tpu.memory_space<vmem>> -> memref<1x128xi32, #tpu.memory_space<vmem>>
    %dma_wait3A_1300 = tpu.memref_squeeze %dma_wait3A_1299 : memref<1x128xi32, #tpu.memory_space<vmem>> -> memref<128xi32, #tpu.memory_space<vmem>>
    %dma_wait3A_1301 = arith.constant 0 : i32
    %dma_wait3A_1302 = arith.constant 0 : i32
    %dma_wait3A_1303 = tpu.memref_slice %arg15[%dma_wait3A_1301, %dma_wait3A_1302] : memref<10240x128xf32, #tpu.memory_space<vmem_shared>> -> memref<10240x128xf32, #tpu.memory_space<vmem_shared>>
    tpu.wait_indirect_dma semaphore(%arg16 : memref<!tpu.dma_semaphore, #tpu.memory_space<semaphore_mem>>) src(%dma_wait3A_1303 : memref<10240x128xf32, #tpu.memory_space<vmem_shared>>) dst(%arg13 : memref<128x128xf32, #tpu.memory_space<vmem>>)
    %mul3A_1304 = arith.constant 10240 : i32
    %mul3A_1305 = arith.muli %arg0, %mul3A_1304 : i32
    %mul3A_1306 = arith.constant 640 : i32
    %mul3A_1307 = arith.muli %arg1, %mul3A_1306 : i32
    %add3A_1308 = arith.addi %mul3A_1305, %mul3A_1307 : i32
    %add3A_1309 = arith.constant 256 : i32
    %add3A_1310 = arith.addi %add3A_1308, %add3A_1309 : i32
    "tpu.region"() ({
      %run_scoped3A_1346 = tpu.sem_alloc : memref<!tpu.dma_semaphore, #tpu.memory_space<semaphore_mem>>
      %dma_start3A_1347 = arith.constant 0 : i32
      %dma_start3A_1348 = tpu.memref_slice %arg8[%add3A_1310, %dma_start3A_1347] : memref<20480x128xf32, #tpu.memory_space<hbm>> -> memref<128x128xf32, #tpu.memory_space<hbm>>
      %dma_start3A_1349 = arith.constant 0 : i32
      %dma_start3A_1350 = tpu.memref_slice %arg8[%add3A_1310, %dma_start3A_1349] : memref<20480x128xf32, #tpu.memory_space<hbm>> -> memref<128x128xf32, #tpu.memory_space<hbm>>
      tpu.enqueue_dma source(%arg13 : memref<128x128xf32, #tpu.memory_space<vmem>>) target(%dma_start3A_1350 : memref<128x128xf32, #tpu.memory_space<hbm>>) target_semaphore(%run_scoped3A_1346 : memref<!tpu.dma_semaphore, #tpu.memory_space<semaphore_mem>>)
      %dma_wait3A_1351 = arith.constant 0 : i32
      %dma_wait3A_1352 = tpu.memref_slice %arg8[%add3A_1310, %dma_wait3A_1351] : memref<20480x128xf32, #tpu.memory_space<hbm>> -> memref<128x128xf32, #tpu.memory_space<hbm>>
      %dma_wait3A_1353 = arith.constant 0 : i32
      %dma_wait3A_1354 = tpu.memref_slice %arg8[%add3A_1310, %dma_wait3A_1353] : memref<20480x128xf32, #tpu.memory_space<hbm>> -> memref<128x128xf32, #tpu.memory_space<hbm>>
      tpu.wait_dma2 semaphore(%run_scoped3A_1346 : memref<!tpu.dma_semaphore, #tpu.memory_space<semaphore_mem>>) src(%arg13 : memref<128x128xf32, #tpu.memory_space<vmem>>) dst(%dma_wait3A_1354 : memref<128x128xf32, #tpu.memory_space<hbm>>)
      tpu.yield
    }) : () -> ()
    %dma_start3A_1311 = arith.constant 4 : i32
    %dma_start3A_1312 = arith.constant 0 : i32
    %dma_start3A_1313 = tpu.memref_slice %arg10[%dma_start3A_1311, %dma_start3A_1312] : memref<5x128xi32, #tpu.memory_space<vmem>> -> memref<1x128xi32, #tpu.memory_space<vmem>>
    %dma_start3A_1314 = tpu.memref_squeeze %dma_start3A_1313 : memref<1x128xi32, #tpu.memory_space<vmem>> -> memref<128xi32, #tpu.memory_space<vmem>>
    %dma_start3A_1315 = arith.constant 0 : i32
    %dma_start3A_1316 = arith.constant 0 : i32
    %dma_start3A_1317 = tpu.memref_slice %arg15[%dma_start3A_1315, %dma_start3A_1316] : memref<10240x128xf32, #tpu.memory_space<vmem_shared>> -> memref<10240x128xf32, #tpu.memory_space<vmem_shared>>
    tpu.enqueue_indirect_dma source(%dma_start3A_1317 : memref<10240x128xf32, #tpu.memory_space<vmem_shared>>) target(%arg13 : memref<128x128xf32, #tpu.memory_space<vmem>>) offsets(%dma_start3A_1314 : memref<128xi32, #tpu.memory_space<vmem>>) semaphore(%arg16 : memref<!tpu.dma_semaphore, #tpu.memory_space<semaphore_mem>>)
    %dma_wait3A_1318 = arith.constant 3 : i32
    %dma_wait3A_1319 = arith.constant 0 : i32
    %dma_wait3A_1320 = tpu.memref_slice %arg10[%dma_wait3A_1318, %dma_wait3A_1319] : memref<5x128xi32, #tpu.memory_space<vmem>> -> memref<1x128xi32, #tpu.memory_space<vmem>>
    %dma_wait3A_1321 = tpu.memref_squeeze %dma_wait3A_1320 : memref<1x128xi32, #tpu.memory_space<vmem>> -> memref<128xi32, #tpu.memory_space<vmem>>
    %dma_wait3A_1322 = arith.constant 0 : i32
    %dma_wait3A_1323 = arith.constant 0 : i32
    %dma_wait3A_1324 = tpu.memref_slice %arg15[%dma_wait3A_1322, %dma_wait3A_1323] : memref<10240x128xf32, #tpu.memory_space<vmem_shared>> -> memref<10240x128xf32, #tpu.memory_space<vmem_shared>>
    tpu.wait_indirect_dma semaphore(%arg17 : memref<!tpu.dma_semaphore, #tpu.memory_space<semaphore_mem>>) src(%dma_wait3A_1324 : memref<10240x128xf32, #tpu.memory_space<vmem_shared>>) dst(%arg14 : memref<128x128xf32, #tpu.memory_space<vmem>>)
    %mul3A_1325 = arith.constant 10240 : i32
    %mul3A_1326 = arith.muli %arg0, %mul3A_1325 : i32
    %mul3A_1327 = arith.constant 640 : i32
    %mul3A_1328 = arith.muli %arg1, %mul3A_1327 : i32
    %add3A_1329 = arith.addi %mul3A_1326, %mul3A_1328 : i32
    %add3A_1330 = arith.constant 384 : i32
    %add3A_1331 = arith.addi %add3A_1329, %add3A_1330 : i32
    "tpu.region"() ({
      %run_scoped3A_1346 = tpu.sem_alloc : memref<!tpu.dma_semaphore, #tpu.memory_space<semaphore_mem>>
      %dma_start3A_1347 = arith.constant 0 : i32
      %dma_start3A_1348 = tpu.memref_slice %arg8[%add3A_1331, %dma_start3A_1347] : memref<20480x128xf32, #tpu.memory_space<hbm>> -> memref<128x128xf32, #tpu.memory_space<hbm>>
      %dma_start3A_1349 = arith.constant 0 : i32
      %dma_start3A_1350 = tpu.memref_slice %arg8[%add3A_1331, %dma_start3A_1349] : memref<20480x128xf32, #tpu.memory_space<hbm>> -> memref<128x128xf32, #tpu.memory_space<hbm>>
      tpu.enqueue_dma source(%arg14 : memref<128x128xf32, #tpu.memory_space<vmem>>) target(%dma_start3A_1350 : memref<128x128xf32, #tpu.memory_space<hbm>>) target_semaphore(%run_scoped3A_1346 : memref<!tpu.dma_semaphore, #tpu.memory_space<semaphore_mem>>)
      %dma_wait3A_1351 = arith.constant 0 : i32
      %dma_wait3A_1352 = tpu.memref_slice %arg8[%add3A_1331, %dma_wait3A_1351] : memref<20480x128xf32, #tpu.memory_space<hbm>> -> memref<128x128xf32, #tpu.memory_space<hbm>>
      %dma_wait3A_1353 = arith.constant 0 : i32
      %dma_wait3A_1354 = tpu.memref_slice %arg8[%add3A_1331, %dma_wait3A_1353] : memref<20480x128xf32, #tpu.memory_space<hbm>> -> memref<128x128xf32, #tpu.memory_space<hbm>>
      tpu.wait_dma2 semaphore(%run_scoped3A_1346 : memref<!tpu.dma_semaphore, #tpu.memory_space<semaphore_mem>>) src(%arg14 : memref<128x128xf32, #tpu.memory_space<vmem>>) dst(%dma_wait3A_1354 : memref<128x128xf32, #tpu.memory_space<hbm>>)
      tpu.yield
    }) : () -> ()
    %dma_wait3A_1332 = arith.constant 4 : i32
    %dma_wait3A_1333 = arith.constant 0 : i32
    %dma_wait3A_1334 = tpu.memref_slice %arg10[%dma_wait3A_1332, %dma_wait3A_1333] : memref<5x128xi32, #tpu.memory_space<vmem>> -> memref<1x128xi32, #tpu.memory_space<vmem>>
    %dma_wait3A_1335 = tpu.memref_squeeze %dma_wait3A_1334 : memref<1x128xi32, #tpu.memory_space<vmem>> -> memref<128xi32, #tpu.memory_space<vmem>>
    %dma_wait3A_1336 = arith.constant 0 : i32
    %dma_wait3A_1337 = arith.constant 0 : i32
    %dma_wait3A_1338 = tpu.memref_slice %arg15[%dma_wait3A_1336, %dma_wait3A_1337] : memref<10240x128xf32, #tpu.memory_space<vmem_shared>> -> memref<10240x128xf32, #tpu.memory_space<vmem_shared>>
    tpu.wait_indirect_dma semaphore(%arg16 : memref<!tpu.dma_semaphore, #tpu.memory_space<semaphore_mem>>) src(%dma_wait3A_1338 : memref<10240x128xf32, #tpu.memory_space<vmem_shared>>) dst(%arg13 : memref<128x128xf32, #tpu.memory_space<vmem>>)
    %mul3A_1339 = arith.constant 10240 : i32
    %mul3A_1340 = arith.muli %arg0, %mul3A_1339 : i32
    %mul3A_1341 = arith.constant 640 : i32
    %mul3A_1342 = arith.muli %arg1, %mul3A_1341 : i32
    %add3A_1343 = arith.addi %mul3A_1340, %mul3A_1342 : i32
    %add3A_1344 = arith.constant 512 : i32
    %add3A_1345 = arith.addi %add3A_1343, %add3A_1344 : i32
    "tpu.region"() ({
      %run_scoped3A_1346 = tpu.sem_alloc : memref<!tpu.dma_semaphore, #tpu.memory_space<semaphore_mem>>
      %dma_start3A_1347 = arith.constant 0 : i32
      %dma_start3A_1348 = tpu.memref_slice %arg8[%add3A_1345, %dma_start3A_1347] : memref<20480x128xf32, #tpu.memory_space<hbm>> -> memref<128x128xf32, #tpu.memory_space<hbm>>
      %dma_start3A_1349 = arith.constant 0 : i32
      %dma_start3A_1350 = tpu.memref_slice %arg8[%add3A_1345, %dma_start3A_1349] : memref<20480x128xf32, #tpu.memory_space<hbm>> -> memref<128x128xf32, #tpu.memory_space<hbm>>
      tpu.enqueue_dma source(%arg13 : memref<128x128xf32, #tpu.memory_space<vmem>>) target(%dma_start3A_1350 : memref<128x128xf32, #tpu.memory_space<hbm>>) target_semaphore(%run_scoped3A_1346 : memref<!tpu.dma_semaphore, #tpu.memory_space<semaphore_mem>>)
      %dma_wait3A_1351 = arith.constant 0 : i32
      %dma_wait3A_1352 = tpu.memref_slice %arg8[%add3A_1345, %dma_wait3A_1351] : memref<20480x128xf32, #tpu.memory_space<hbm>> -> memref<128x128xf32, #tpu.memory_space<hbm>>
      %dma_wait3A_1353 = arith.constant 0 : i32
      %dma_wait3A_1354 = tpu.memref_slice %arg8[%add3A_1345, %dma_wait3A_1353] : memref<20480x128xf32, #tpu.memory_space<hbm>> -> memref<128x128xf32, #tpu.memory_space<hbm>>
      tpu.wait_dma2 semaphore(%run_scoped3A_1346 : memref<!tpu.dma_semaphore, #tpu.memory_space<semaphore_mem>>) src(%arg13 : memref<128x128xf32, #tpu.memory_space<vmem>>) dst(%dma_wait3A_1354 : memref<128x128xf32, #tpu.memory_space<hbm>>)
      tpu.yield
    }) : () -> ()
    return
  }
}

module attributes {stable_mosaic.version = 14 : i64} {
  func.func @body(%arg0: i32, %arg1: memref<400x256xf32, #tpu.memory_space<vmem>>, %arg2: memref<256x256xf32, #tpu.memory_space<vmem>>, %arg3: memref<2x400x128xf32, #tpu.memory_space<vmem>>) attributes {dimension_semantics = [#tpu.dimension_semantics<arbitrary>], iteration_bounds = array<i64: 25>, scalar_prefetch = 0 : i64, scratch_operands = 0 : i64, tpu.core_type = #tpu.core_type<tc>, window_params = [{transform_indices = @transform_0, window_bounds = array<i64: 400, 256>}, {pipeline_mode = #tpu.pipeline_mode<synchronous>, transform_indices = @transform_1, window_bounds = array<i64: 256, 256>}, {transform_indices = @transform_2, window_bounds = array<i64: 2, 400, 128>}]} {
    %get3A = arith.constant 0 : index
    %get3A_0 = arith.constant 0 : index
    %get3A_1 = vector.load %arg1[%get3A, %get3A_0] : memref<400x256xf32, #tpu.memory_space<vmem>>, vector<400x256xf32>
    %get3A_2 = arith.constant 0 : index
    %get3A_3 = arith.constant 0 : index
    %get3A_4 = vector.load %arg2[%get3A_2, %get3A_3] : memref<256x256xf32, #tpu.memory_space<vmem>>, vector<256x256xf32>
    %dot_general3A = arith.constant dense<0.000000e+00> : vector<400x256xf32>
    %dot_general3A_5 = tpu.matmul %get3A_1, %get3A_4, %dot_general3A {dimension_numbers = #tpu.dot_dimension_numbers<[1], [0], [0], [1], [0, 0, 1, 1], [], []>, transpose_lhs_hint = false} : vector<400x256xf32>, vector<256x256xf32>, vector<400x256xf32> -> vector<400x256xf32>
    %slice3A = vector.extract_strided_slice %dot_general3A_5 {offsets = [0, 0], sizes = [400, 128], strides = [1, 1]} : vector<400x256xf32> to vector<400x128xf32>
    %swap3A = arith.constant 0 : index
    %swap3A_6 = arith.constant 0 : index
    %swap3A_7 = arith.constant 0 : index
    %swap3A_8 = vector.load %arg3[%swap3A, %swap3A_6, %swap3A_7] : memref<2x400x128xf32, #tpu.memory_space<vmem>>, vector<1x400x128xf32>
    %swap3A_9 = vector.shape_cast %swap3A_8 : vector<1x400x128xf32> to vector<400x128xf32>
    %swap3A_10 = vector.shape_cast %slice3A : vector<400x128xf32> to vector<1x400x128xf32>
    tpu.vector_store %arg3[%swap3A, %swap3A_6, %swap3A_7], %swap3A_10 {strides = array<i32>} : memref<2x400x128xf32, #tpu.memory_space<vmem>>, vector<1x400x128xf32>,
    %slice3A_11 = vector.extract_strided_slice %dot_general3A_5 {offsets = [0, 128], sizes = [400, 128], strides = [1, 1]} : vector<400x256xf32> to vector<400x128xf32>
    %swap3A_12 = arith.constant 1 : index
    %swap3A_13 = arith.constant 0 : index
    %swap3A_14 = arith.constant 0 : index
    %swap3A_15 = vector.load %arg3[%swap3A_12, %swap3A_13, %swap3A_14] : memref<2x400x128xf32, #tpu.memory_space<vmem>>, vector<1x400x128xf32>
    %swap3A_16 = vector.shape_cast %swap3A_15 : vector<1x400x128xf32> to vector<400x128xf32>
    %swap3A_17 = vector.shape_cast %slice3A_11 : vector<400x128xf32> to vector<1x400x128xf32>
    tpu.vector_store %arg3[%swap3A_12, %swap3A_13, %swap3A_14], %swap3A_17 {strides = array<i32>} : memref<2x400x128xf32, #tpu.memory_space<vmem>>, vector<1x400x128xf32>,
    return
  }
  func.func @transform_0(%arg0: i32) -> (i32, i32) {
    %c0_i32 = arith.constant 0 : i32
    %c0_i32_0 = arith.constant 0 : i32
    return %arg0, %c0_i32 : i32, i32
  }
  func.func @transform_1(%arg0: i32) -> (i32, i32) {
    %c0_i32 = arith.constant 0 : i32
    %c0_i32_0 = arith.constant 0 : i32
    %c0_i32_1 = arith.constant 0 : i32
    return %c0_i32, %c0_i32_0 : i32, i32
  }
  func.func @transform_2(%arg0: i32) -> (i32, i32, i32) {
    %c0_i32 = arith.constant 0 : i32
    %c0_i32_0 = arith.constant 0 : i32
    %c0_i32_1 = arith.constant 0 : i32
    return %c0_i32, %arg0, %c0_i32_0 : i32, i32, i32
  }
}

module attributes {stable_mosaic.version = 14 : i64} {
  func.func @body(%arg0: i32, %arg1: memref<2x400x128xf32, #tpu.memory_space<vmem>>, %arg2: memref<2x400x128xf32, #tpu.memory_space<vmem>>, %arg3: memref<1x400x128xf32, #tpu.memory_space<vmem>>, %arg4: memref<1x256xf32, #tpu.memory_space<vmem>>, %arg5: memref<256x256xf32, #tpu.memory_space<vmem>>, %arg6: memref<2x400x128xf32, #tpu.memory_space<vmem>>) attributes {dimension_semantics = [#tpu.dimension_semantics<arbitrary>], iteration_bounds = array<i64: 25>, scalar_prefetch = 0 : i64, scratch_operands = 0 : i64, tpu.core_type = #tpu.core_type<tc>, window_params = [{transform_indices = @transform_0, window_bounds = array<i64: 2, 400, 128>}, {transform_indices = @transform_1, window_bounds = array<i64: 2, 400, 128>}, {transform_indices = @transform_2, window_bounds = array<i64: 1, 400, 128>}, {pipeline_mode = #tpu.pipeline_mode<synchronous>, transform_indices = @transform_3, window_bounds = array<i64: 1, 256>}, {pipeline_mode = #tpu.pipeline_mode<synchronous>, transform_indices = @transform_4, window_bounds = array<i64: 256, 256>}, {transform_indices = @transform_5, window_bounds = array<i64: 2, 400, 128>}]} {
    %get3A = arith.constant 0 : index
    %get3A_0 = arith.constant 0 : index
    %get3A_1 = arith.constant 0 : index
    %get3A_2 = vector.load %arg3[%get3A, %get3A_0, %get3A_1] : memref<1x400x128xf32, #tpu.memory_space<vmem>>, vector<1x400x128xf32>
    %get3A_3 = vector.shape_cast %get3A_2 : vector<1x400x128xf32> to vector<400x128xf32>
    %slice3A = vector.extract_strided_slice %get3A_3 {offsets = [0, 0], sizes = [400, 1], strides = [1, 1]} : vector<400x128xf32> to vector<400x1xf32>
    %max3A = arith.constant 1.000000e+00 : f32
    %max3A_4 = vector.broadcast %max3A : f32 to vector<400x1xf32>
    %max3A_5 = arith.maximumf %slice3A, %max3A_4 : vector<400x1xf32>
    %div3A = arith.constant 1.000000e+00 : f32
    %div3A_6 = vector.broadcast %div3A : f32 to vector<400x1xf32>
    %div3A_7 = arith.divf %div3A_6, %max3A_5 : vector<400x1xf32>
    %get3A_8 = arith.constant 0 : index
    %get3A_9 = arith.constant 0 : index
    %get3A_10 = arith.constant 0 : index
    %get3A_11 = vector.load %arg1[%get3A_8, %get3A_9, %get3A_10] : memref<2x400x128xf32, #tpu.memory_space<vmem>>, vector<1x400x128xf32>
    %get3A_12 = vector.shape_cast %get3A_11 : vector<1x400x128xf32> to vector<400x128xf32>
    %get3A_13 = arith.constant 0 : index
    %get3A_14 = arith.constant 0 : index
    %get3A_15 = arith.constant 0 : index
    %get3A_16 = vector.load %arg2[%get3A_13, %get3A_14, %get3A_15] : memref<2x400x128xf32, #tpu.memory_space<vmem>>, vector<1x400x128xf32>
    %get3A_17 = vector.shape_cast %get3A_16 : vector<1x400x128xf32> to vector<400x128xf32>
    %mul3A = vector.broadcast %div3A_7 : vector<400x1xf32> to vector<400x128xf32>
    %mul3A_18 = arith.mulf %get3A_17, %mul3A : vector<400x128xf32>
    %add3A = arith.addf %get3A_12, %mul3A_18 : vector<400x128xf32>
    %get3A_19 = arith.constant 1 : index
    %get3A_20 = arith.constant 0 : index
    %get3A_21 = arith.constant 0 : index
    %get3A_22 = vector.load %arg1[%get3A_19, %get3A_20, %get3A_21] : memref<2x400x128xf32, #tpu.memory_space<vmem>>, vector<1x400x128xf32>
    %get3A_23 = vector.shape_cast %get3A_22 : vector<1x400x128xf32> to vector<400x128xf32>
    %get3A_24 = arith.constant 1 : index
    %get3A_25 = arith.constant 0 : index
    %get3A_26 = arith.constant 0 : index
    %get3A_27 = vector.load %arg2[%get3A_24, %get3A_25, %get3A_26] : memref<2x400x128xf32, #tpu.memory_space<vmem>>, vector<1x400x128xf32>
    %get3A_28 = vector.shape_cast %get3A_27 : vector<1x400x128xf32> to vector<400x128xf32>
    %mul3A_29 = vector.broadcast %div3A_7 : vector<400x1xf32> to vector<400x128xf32>
    %mul3A_30 = arith.mulf %get3A_28, %mul3A_29 : vector<400x128xf32>
    %add3A_31 = arith.addf %get3A_23, %mul3A_30 : vector<400x128xf32>
    %concatenate3A = tpu.concatenate %add3A, %add3A_31 in 1 : vector<400x128xf32>, vector<400x128xf32> -> vector<400x256xf32>
    %get3A_32 = arith.constant 0 : index
    %get3A_33 = arith.constant 0 : index
    %get3A_34 = vector.load %arg4[%get3A_32, %get3A_33] : memref<1x256xf32, #tpu.memory_space<vmem>>, vector<1x256xf32>
    %add3A_35 = vector.broadcast %get3A_34 : vector<1x256xf32> to vector<400x256xf32>
    %add3A_36 = arith.addf %concatenate3A, %add3A_35 : vector<400x256xf32>
    %max3A_37 = arith.constant 0.000000e+00 : f32
    %max3A_38 = vector.broadcast %max3A_37 : f32 to vector<400x256xf32>
    %max3A_39 = arith.maximumf %add3A_36, %max3A_38 : vector<400x256xf32>
    %get3A_40 = arith.constant 0 : index
    %get3A_41 = arith.constant 0 : index
    %get3A_42 = vector.load %arg5[%get3A_40, %get3A_41] : memref<256x256xf32, #tpu.memory_space<vmem>>, vector<256x256xf32>
    %dot_general3A = arith.constant dense<0.000000e+00> : vector<400x256xf32>
    %dot_general3A_43 = tpu.matmul %max3A_39, %get3A_42, %dot_general3A {dimension_numbers = #tpu.dot_dimension_numbers<[1], [0], [0], [1], [0, 0, 1, 1], [], []>, transpose_lhs_hint = false} : vector<400x256xf32>, vector<256x256xf32>, vector<400x256xf32> -> vector<400x256xf32>
    %slice3A_44 = vector.extract_strided_slice %dot_general3A_43 {offsets = [0, 0], sizes = [400, 128], strides = [1, 1]} : vector<400x256xf32> to vector<400x128xf32>
    %swap3A = arith.constant 0 : index
    %swap3A_45 = arith.constant 0 : index
    %swap3A_46 = arith.constant 0 : index
    %swap3A_47 = vector.load %arg6[%swap3A, %swap3A_45, %swap3A_46] : memref<2x400x128xf32, #tpu.memory_space<vmem>>, vector<1x400x128xf32>
    %swap3A_48 = vector.shape_cast %swap3A_47 : vector<1x400x128xf32> to vector<400x128xf32>
    %swap3A_49 = vector.shape_cast %slice3A_44 : vector<400x128xf32> to vector<1x400x128xf32>
    tpu.vector_store %arg6[%swap3A, %swap3A_45, %swap3A_46], %swap3A_49 {strides = array<i32>} : memref<2x400x128xf32, #tpu.memory_space<vmem>>, vector<1x400x128xf32>,
    %slice3A_50 = vector.extract_strided_slice %dot_general3A_43 {offsets = [0, 128], sizes = [400, 128], strides = [1, 1]} : vector<400x256xf32> to vector<400x128xf32>
    %swap3A_51 = arith.constant 1 : index
    %swap3A_52 = arith.constant 0 : index
    %swap3A_53 = arith.constant 0 : index
    %swap3A_54 = vector.load %arg6[%swap3A_51, %swap3A_52, %swap3A_53] : memref<2x400x128xf32, #tpu.memory_space<vmem>>, vector<1x400x128xf32>
    %swap3A_55 = vector.shape_cast %swap3A_54 : vector<1x400x128xf32> to vector<400x128xf32>
    %swap3A_56 = vector.shape_cast %slice3A_50 : vector<400x128xf32> to vector<1x400x128xf32>
    tpu.vector_store %arg6[%swap3A_51, %swap3A_52, %swap3A_53], %swap3A_56 {strides = array<i32>} : memref<2x400x128xf32, #tpu.memory_space<vmem>>, vector<1x400x128xf32>,
    return
  }
  func.func @transform_0(%arg0: i32) -> (i32, i32, i32) {
    %c0_i32 = arith.constant 0 : i32
    %c0_i32_0 = arith.constant 0 : i32
    %c0_i32_1 = arith.constant 0 : i32
    return %c0_i32, %arg0, %c0_i32_0 : i32, i32, i32
  }
  func.func @transform_1(%arg0: i32) -> (i32, i32, i32) {
    %c0_i32 = arith.constant 0 : i32
    %c0_i32_0 = arith.constant 0 : i32
    %c0_i32_1 = arith.constant 0 : i32
    return %c0_i32, %arg0, %c0_i32_0 : i32, i32, i32
  }
  func.func @transform_2(%arg0: i32) -> (i32, i32, i32) {
    %c0_i32 = arith.constant 0 : i32
    %c0_i32_0 = arith.constant 0 : i32
    %c0_i32_1 = arith.constant 0 : i32
    return %c0_i32, %arg0, %c0_i32_0 : i32, i32, i32
  }
  func.func @transform_3(%arg0: i32) -> (i32, i32) {
    %c0_i32 = arith.constant 0 : i32
    %c0_i32_0 = arith.constant 0 : i32
    %c0_i32_1 = arith.constant 0 : i32
    return %c0_i32, %c0_i32_0 : i32, i32
  }
  func.func @transform_4(%arg0: i32) -> (i32, i32) {
    %c0_i32 = arith.constant 0 : i32
    %c0_i32_0 = arith.constant 0 : i32
    %c0_i32_1 = arith.constant 0 : i32
    return %c0_i32, %c0_i32_0 : i32, i32
  }
  func.func @transform_5(%arg0: i32) -> (i32, i32, i32) {
    %c0_i32 = arith.constant 0 : i32
    %c0_i32_0 = arith.constant 0 : i32
    %c0_i32_1 = arith.constant 0 : i32
    return %c0_i32, %arg0, %c0_i32_0 : i32, i32, i32
  }
}

module attributes {stable_mosaic.version = 14 : i64} {
  func.func @body(%arg0: i32, %arg1: memref<2x400x128xf32, #tpu.memory_space<vmem>>, %arg2: memref<2x400x128xf32, #tpu.memory_space<vmem>>, %arg3: memref<1x400x128xf32, #tpu.memory_space<vmem>>, %arg4: memref<1x256xf32, #tpu.memory_space<vmem>>, %arg5: memref<400x256xf32, #tpu.memory_space<vmem>>) attributes {dimension_semantics = [#tpu.dimension_semantics<arbitrary>], iteration_bounds = array<i64: 25>, scalar_prefetch = 0 : i64, scratch_operands = 0 : i64, tpu.core_type = #tpu.core_type<tc>, window_params = [{transform_indices = @transform_0, window_bounds = array<i64: 2, 400, 128>}, {transform_indices = @transform_1, window_bounds = array<i64: 2, 400, 128>}, {transform_indices = @transform_2, window_bounds = array<i64: 1, 400, 128>}, {pipeline_mode = #tpu.pipeline_mode<synchronous>, transform_indices = @transform_3, window_bounds = array<i64: 1, 256>}, {transform_indices = @transform_4, window_bounds = array<i64: 400, 256>}]} {
    %get3A = arith.constant 0 : index
    %get3A_0 = arith.constant 0 : index
    %get3A_1 = arith.constant 0 : index
    %get3A_2 = vector.load %arg3[%get3A, %get3A_0, %get3A_1] : memref<1x400x128xf32, #tpu.memory_space<vmem>>, vector<1x400x128xf32>
    %get3A_3 = vector.shape_cast %get3A_2 : vector<1x400x128xf32> to vector<400x128xf32>
    %slice3A = vector.extract_strided_slice %get3A_3 {offsets = [0, 0], sizes = [400, 1], strides = [1, 1]} : vector<400x128xf32> to vector<400x1xf32>
    %max3A = arith.constant 1.000000e+00 : f32
    %max3A_4 = vector.broadcast %max3A : f32 to vector<400x1xf32>
    %max3A_5 = arith.maximumf %slice3A, %max3A_4 : vector<400x1xf32>
    %div3A = arith.constant 1.000000e+00 : f32
    %div3A_6 = vector.broadcast %div3A : f32 to vector<400x1xf32>
    %div3A_7 = arith.divf %div3A_6, %max3A_5 : vector<400x1xf32>
    %get3A_8 = arith.constant 0 : index
    %get3A_9 = arith.constant 0 : index
    %get3A_10 = arith.constant 0 : index
    %get3A_11 = vector.load %arg1[%get3A_8, %get3A_9, %get3A_10] : memref<2x400x128xf32, #tpu.memory_space<vmem>>, vector<1x400x128xf32>
    %get3A_12 = vector.shape_cast %get3A_11 : vector<1x400x128xf32> to vector<400x128xf32>
    %get3A_13 = arith.constant 0 : index
    %get3A_14 = arith.constant 0 : index
    %get3A_15 = arith.constant 0 : index
    %get3A_16 = vector.load %arg2[%get3A_13, %get3A_14, %get3A_15] : memref<2x400x128xf32, #tpu.memory_space<vmem>>, vector<1x400x128xf32>
    %get3A_17 = vector.shape_cast %get3A_16 : vector<1x400x128xf32> to vector<400x128xf32>
    %mul3A = vector.broadcast %div3A_7 : vector<400x1xf32> to vector<400x128xf32>
    %mul3A_18 = arith.mulf %get3A_17, %mul3A : vector<400x128xf32>
    %add3A = arith.addf %get3A_12, %mul3A_18 : vector<400x128xf32>
    %get3A_19 = arith.constant 1 : index
    %get3A_20 = arith.constant 0 : index
    %get3A_21 = arith.constant 0 : index
    %get3A_22 = vector.load %arg1[%get3A_19, %get3A_20, %get3A_21] : memref<2x400x128xf32, #tpu.memory_space<vmem>>, vector<1x400x128xf32>
    %get3A_23 = vector.shape_cast %get3A_22 : vector<1x400x128xf32> to vector<400x128xf32>
    %get3A_24 = arith.constant 1 : index
    %get3A_25 = arith.constant 0 : index
    %get3A_26 = arith.constant 0 : index
    %get3A_27 = vector.load %arg2[%get3A_24, %get3A_25, %get3A_26] : memref<2x400x128xf32, #tpu.memory_space<vmem>>, vector<1x400x128xf32>
    %get3A_28 = vector.shape_cast %get3A_27 : vector<1x400x128xf32> to vector<400x128xf32>
    %mul3A_29 = vector.broadcast %div3A_7 : vector<400x1xf32> to vector<400x128xf32>
    %mul3A_30 = arith.mulf %get3A_28, %mul3A_29 : vector<400x128xf32>
    %add3A_31 = arith.addf %get3A_23, %mul3A_30 : vector<400x128xf32>
    %concatenate3A = tpu.concatenate %add3A, %add3A_31 in 1 : vector<400x128xf32>, vector<400x128xf32> -> vector<400x256xf32>
    %get3A_32 = arith.constant 0 : index
    %get3A_33 = arith.constant 0 : index
    %get3A_34 = vector.load %arg4[%get3A_32, %get3A_33] : memref<1x256xf32, #tpu.memory_space<vmem>>, vector<1x256xf32>
    %add3A_35 = vector.broadcast %get3A_34 : vector<1x256xf32> to vector<400x256xf32>
    %add3A_36 = arith.addf %concatenate3A, %add3A_35 : vector<400x256xf32>
    %swap3A = arith.constant 0 : index
    %swap3A_37 = arith.constant 0 : index
    %swap3A_38 = vector.load %arg5[%swap3A, %swap3A_37] : memref<400x256xf32, #tpu.memory_space<vmem>>, vector<400x256xf32>
    tpu.vector_store %arg5[%swap3A, %swap3A_37], %add3A_36 {strides = array<i32>} : memref<400x256xf32, #tpu.memory_space<vmem>>, vector<400x256xf32>,
    return
  }
  func.func @transform_0(%arg0: i32) -> (i32, i32, i32) {
    %c0_i32 = arith.constant 0 : i32
    %c0_i32_0 = arith.constant 0 : i32
    %c0_i32_1 = arith.constant 0 : i32
    return %c0_i32, %arg0, %c0_i32_0 : i32, i32, i32
  }
  func.func @transform_1(%arg0: i32) -> (i32, i32, i32) {
    %c0_i32 = arith.constant 0 : i32
    %c0_i32_0 = arith.constant 0 : i32
    %c0_i32_1 = arith.constant 0 : i32
    return %c0_i32, %arg0, %c0_i32_0 : i32, i32, i32
  }
  func.func @transform_2(%arg0: i32) -> (i32, i32, i32) {
    %c0_i32 = arith.constant 0 : i32
    %c0_i32_0 = arith.constant 0 : i32
    %c0_i32_1 = arith.constant 0 : i32
    return %c0_i32, %arg0, %c0_i32_0 : i32, i32, i32
  }
  func.func @transform_3(%arg0: i32) -> (i32, i32) {
    %c0_i32 = arith.constant 0 : i32
    %c0_i32_0 = arith.constant 0 : i32
    %c0_i32_1 = arith.constant 0 : i32
    return %c0_i32, %c0_i32_0 : i32, i32
  }
  func.func @transform_4(%arg0: i32) -> (i32, i32) {
    %c0_i32 = arith.constant 0 : i32
    %c0_i32_0 = arith.constant 0 : i32
    return %arg0, %c0_i32 : i32, i32
  }
}

</mosaic_0001>

<sc_bundles>
// kernel: kernel.10.cloned.1.call-start
scs
__scs_entry_jumppad:
0x0: {  	(pc) =	sbr.rel $0x88, $3  }
0x1: {  	(tag) =	ssettag $0x0;
	lr =	simm.s32 $0x1  }
0x2: {  	[smem:$0x3F9B] =	sst lr;
	_ =	strace $0xD0000000  }
0x3: {  	_ = 	snop  }
0x4: {  	_ = 	snop  }
0x5: {  	_ = 	snop  }
0x6: {  	_ = 	snop  }
0x7: {  	_ = 	snop  }
__scs_overlays_trampoline_lowered:
0x8: {  	[smem:$0x3FAA] =	sst s0  }
0x9: {  	[smem:$0x3FAB] =	sst s1  }
0xa: {  	[smem:$0x3FAC] =	sst s2  }
0xb: {  	[smem:$0x3FAD] =	sst s3  }
0xc: {  	[smem:$0x3FAE] =	sst s4  }
0xd: {  	[smem:$0x3FAF] =	sst s5  }
0xe: {  	[smem:$0x3FB0] =	sst s6  }
0xf: {  	[smem:$0x3FB1] =	sst s7  }
0x10: {  	[smem:$0x3FB2] =	sst s8  }
0x11: {  	[smem:$0x3FB3] =	sst s9;
	s0 =	simm.s32 @!p0 $0x0  }
0x12: {  	s1 =	sld [smem:$0x3F99];
	s0 =	simm.s32 @p0 $0x1  }
0x13: {  	[smem:$0x3FB4] =	sst s0;
	s0 =	simm.s32 @!p1 $0x0  }
0x14: {  	s2 =	sld [smem:$0x3F98];
	s0 =	simm.s32 @p1 $0x1  }
0x15: {  	[smem:$0x3FB5] =	sst s0;
	s0 =	simm.s32 @!p2 $0x0  }
0x16: {  	s3 =	sld [smem:$0x3FDB];
	s0 =	simm.s32 @p2 $0x1  }
0x17: {  	s4 =	simm.s32 $0x1BF5;
	[smem:$0x3FB7] =	sst s0  }
0x18: {  	s0 =	sld [smem:$0x3F9A];
	_ =	swait.ge [sflag:s4], $0x0  }
0x19: {  	s7 =	sld [smem:$0x3F9B]  }
0x1a: {  	s8 =	sadd.s32 $0xFFFFE003, lr  }
0x1b: {  	s9 =	sadd.s32 $0xFFFFFEF7, lr;
	s5 =	simm.s32 $0xFFFFFFFF;
	p2 =	slt.u32 s8, $0xFFFFF086  }
0x1c: {  	p1 =	slt.u32 s9, $0xF7A;
	s5 =	simm.s32 @!p2 $0x0  }
0x1d: {  	s5 =	simm.s32 @p1 $0x1;
	p0 =	seq.s32 s7, s2  }
0x1e: {  	s7 =	smul.u32 @!p0 $0xF7A, s2;
	p2 =	seq.s32 @!p0 s5, $0x0  }
0x1f: {  	s9 =	smul.u32 $0xF7A, s1;
	s8 =	simm.s32 @!p0 $0x1BF5;
	p2 =	por !p2, p0  }
0x20: {  	[sflag:s8] =	ssyncset.s32 @!p0 $0xFFFFF086;
	s6 =	sadd.s32 @!p0 s3, s7;
	s7 =	simm.s32 @!p0 $0x108  }
0x21: {  	s3 =	sadd.s32 s3, s9;
	s6 =	sadd.s32 @!p0 $0x88, s6;
	s7 =	simm.s32 @p2 $0x1082  }
0x22: {  	[simem:s7], [sflag:s8] =	dma.local @!p0 [hbm:s6], $0xF7A  }
0x23: {  	s9 =	sor.u32 $0xD0000000, s2;
	s6 =	simm.s32 $0x108;
	_ =	swait.ge @!p0 [sflag:s8], $0x0  }
0x24: {  	s3 =	sadd.s32 $0x88, s3;
	s6 =	simm.s32 @!p1 $0x1082;
	[sflag:s4] =	ssyncset.s32 $0xFFFFF086  }
0x25: {  	[simem:s6], [sflag:s4] =	dma.local [hbm:s3], $0xF7A  }
0x26: {  	[smem:$0x3F9B] =	sst s1;
	(tag) =	ssettag s2;
	_ =	strace s9  }
0x27: {  	s1 =	sld [smem:$0x3FAB]  }
0x28: {  	s2 =	sld [smem:$0x3FAC]  }
0x29: {  	s4 =	sld [smem:$0x3FAE]  }
0x2a: {  	p0 =	seq.s32 s5, $0x0;
	s5 =	sld [smem:$0x3FAF]  }
0x2b: {  	s6 =	sld [smem:$0x3FB0]  }
0x2c: {  	s7 =	sld [smem:$0x3FB1]  }
0x2d: {  	s3 =	simm.s32 $0x108;
	s8 =	sld [smem:$0x3FB2]  }
0x2e: {  	s3 =	simm.s32 @!p0 $0x1082;
	s9 =	sld [smem:$0x3FB3]  }
0x2f: {  	lr =	sadd.s32 s0, s3;
	s0 =	sld [smem:$0x3FAA]  }
0x30: {  	s3 =	sld [smem:$0x3FAD]  }
0x31: {  	[smem:$0x3FB6] =	sst s10  }
0x32: {  	s10 =	sld [smem:$0x3FB4];
	_ =	sdelay $0x3  }
0x33: {  	p0 =	seq.s32 s10, $0x1;
	s10 =	sld [smem:$0x3FB6];
	_ =	sdelay $0x3  }
0x34: {  	[smem:$0x3FB6] =	sst s10  }
0x35: {  	s10 =	sld [smem:$0x3FB5];
	_ =	sdelay $0x3  }
0x36: {  	p1 =	seq.s32 s10, $0x1;
	s10 =	sld [smem:$0x3FB6];
	_ =	sdelay $0x3  }
0x37: {  	[smem:$0x3FB6] =	sst s10  }
0x38: {  	s10 =	sld [smem:$0x3FB7]  }
0x39: {  	_ = 	snop;
	(pc) =	sbr.ind lr, $3  }
0x3a: {  	_ = 	snop  }
0x3b: {  	_ = 	snop  }
0x3c: {  	p2 =	seq.s32 s10, $0x1;
	s10 =	sld [smem:$0x3FB6]  }
0x3d: {  	_ =	shalt  }
0x3e: {  	_ =	shalt  }
0x3f: {  	_ =	shalt  }
0x40: {  	_ =	shalt  }
0x41: {  	_ =	shalt  }
0x42: {  	_ =	shalt  }
0x43: {  	_ =	shalt  }
0x44: {  	_ =	shalt  }
0x45: {  	_ =	shalt  }
0x46: {  	_ =	shalt  }
0x47: {  	_ =	shalt  }
0x48: {  	_ =	shalt  }
0x49: {  	_ =	shalt  }
0x4a: {  	_ =	shalt  }
0x4b: {  	_ =	shalt  }
0x4c: {  	_ =	shalt  }
0x4d: {  	_ =	shalt  }
0x4e: {  	_ =	shalt  }
0x4f: {  	_ =	shalt  }
0x50: {  	_ =	shalt  }
0x51: {  	_ =	shalt  }
0x52: {  	_ =	shalt  }
0x53: {  	_ =	shalt  }
0x54: {  	_ =	shalt  }
0x55: {  	_ =	shalt  }
0x56: {  	_ =	shalt  }
0x57: {  	_ =	shalt  }
0x58: {  	_ =	shalt  }
0x59: {  	_ =	shalt  }
0x5a: {  	_ =	shalt  }
0x5b: {  	_ =	shalt  }
0x5c: {  	_ =	shalt  }
0x5d: {  	_ =	shalt  }
0x5e: {  	_ =	shalt  }
0x5f: {  	_ =	shalt  }
0x60: {  	_ =	shalt  }
0x61: {  	_ =	shalt  }
0x62: {  	_ =	shalt  }
0x63: {  	_ =	shalt  }
0x64: {  	_ =	shalt  }
0x65: {  	_ =	shalt  }
0x66: {  	_ =	shalt  }
0x67: {  	_ =	shalt  }
0x68: {  	_ =	shalt  }
0x69: {  	_ =	shalt  }
0x6a: {  	_ =	shalt  }
0x6b: {  	_ =	shalt  }
0x6c: {  	_ =	shalt  }
0x6d: {  	_ =	shalt  }
0x6e: {  	_ =	shalt  }
0x6f: {  	_ =	shalt  }
0x70: {  	_ =	shalt  }
0x71: {  	_ =	shalt  }
0x72: {  	_ =	shalt  }
0x73: {  	_ =	shalt  }
0x74: {  	_ =	shalt  }
0x75: {  	_ =	shalt  }
0x76: {  	_ =	shalt  }
0x77: {  	_ =	shalt  }
0x78: {  	_ =	shalt  }
0x79: {  	_ =	shalt  }
0x7a: {  	_ =	shalt  }
0x7b: {  	_ =	shalt  }
0x7c: {  	_ =	shalt  }
0x7d: {  	_ =	shalt  }
0x7e: {  	_ =	shalt  }
0x7f: {  	_ =	shalt  }
0x80: {  	_ =	shalt  }
0x81: {  	_ =	shalt  }
0x82: {  	_ =	shalt  }
0x83: {  	_ =	shalt  }
0x84: {  	_ =	shalt  }
0x85: {  	_ =	shalt  }
0x86: {  	_ =	shalt  }
0x87: {  	_ =	shalt  }
.Lfunc_end0:
.L_simem_size_0:
called_computation.1_lowered:
.L_overlay_start_0:
0x88: {  	s2 =	sld [smem:$0x3FD9]  }
0x89: {  	s3 =	sld [smem:$0x3FFE];
	_ =	sdelay $0x1  }
0x8a: {  	s1 =	srdreg.scid  }
0x8b: {  	s0 =	sand.u32 $0x1, s1  }
0x8c: {  	s17 =	sshll.u32 s0, $0xA;
	s2 =	sadd.s32 s3, s2  }
0x8d: {  	s2 =	sadd.s32 s2, s17  }
0x8e: {  	[smem:$0x3FC2] =	sst s2  }
0x8f: {  	_ = 	snop  }
0x90: {  	s2 =	sld [smem:$0x3FD0];
	(tm) =	ssettm $0x1  }
0x91: {  	s18 =	sld [smem:$0x3FFB];
	_ =	sdelay $0x3  }
0x92: {  	_ =	strace s18  }
0x93: {  	s3 =	sld [smem:$0x3FFC];
	_ =	sdelay $0x3  }
0x94: {  	_ =	strace s3  }
0x95: {  	s3 =	sld [smem:$0x3FFD];
	_ =	sdelay $0x3  }
0x96: {  	_ =	strace s3  }
0x97: {  	_ =	strace $0x8FFFFFFF  }
0x98: {  	s19 =	sld [smem:$0x3FDB];
	_ =	sdelay $0x1  }
0x99: {  	s4 =	simm.s32 $_scs_section_size  }
0x9a: {  	s5 =	simm.s32 $_size__tile_overlayer_lowered;
	s6 =	simm.s32 $_tile_overlayer_lowered  }
0x9b: {  	s22 =	simm.s32 $0x1BFF;
	s21 =	sshll.u32 s6, $0x1;
	s3 =	sadd.s32 s4, s19  }
0x9c: {  	s7 =	simm.s32 $0x0;
	s20 =	sshll.u32 s5, $0x1;
	s5 =	sadd.s32 s21, s3  }
0x9d: {  	[timem:s7], [sflag:s22] =	dma.local [hbm:s5], s20  }
0x9e: {  	_ =	swait.ge [sflag:s22], s20  }
0x9f: {  	s4 =	ssub.s32 $0x0, s20;
	[sflag:s22] =	ssyncset.done $0x0  }
0xa0: {  	[sflag:s22] =	ssyncadd.s32 s4;
	_ =	sdelay $0x1  }
0xa1: {  	s23 =	simm.s32 $0x1B8B  }
0xa2: {  	_ =	swait.ge [sflag:s23], $0x1  }
0xa3: {  	[sflag:s23] =	ssyncset.done $0x0  }
0xa4: {  	s25 =	simm.s32 $0x1B8E;
	s24 =	sld [smem:$0x3FFE];
	[sflag:s23] =	ssyncadd.s32 $0xFFFFFFFF  }
0xa5: {  	s26 =	simm.s32 $execute0_lowered;
	[smem:$0x3FD2] =	sst s25  }
0xa6: {  	s5 =	sshll.u32 s26, $0x1;
	_ =	strace $0x80000049;
	[dreg:$0x1] =	wrdreg $0xFFFFFFFF  }
0xa7: {  	s28 =	simm.s32 $_size_execute0_lowered;
	s3 =	sadd.s32 s3, s5;
	[dreg:$0x0] =	wrdreg $0x0  }
0xa8: {  	s5 =	sshll.u32 s28, $0x1;
	[dreg:$0x2] =	wrdreg s3  }
0xa9: {  	[dreg:$0x3] =	wrdreg s5  }
0xaa: {  	[dreg:$0x4] =	wrdreg $0xC0  }
0xab: {  	_ =	task [dreg:s7], $0x5FFFF  }
0xac: {  	[dreg:$0x1] =	wrdreg $0xFFFFFFFF  }
0xad: {  	[dreg:$0x0] =	wrdreg $0x60  }
0xae: {  	[dreg:$0x2] =	wrdreg s2  }
0xaf: {  	[dreg:$0x3] =	wrdreg s24  }
0xb0: {  	[dreg:$0x4] =	wrdreg $0xB0000  }
0xb1: {  	[dreg:$0x5] =	wrdreg $0x9  }
0xb2: {  	_ =	task.clear_ibuf [dreg:s7], $0x6FFFF;
	_ =	strace $0x90000049  }
0xb3: {  	s29 =	simm.s32 $0x9;
	_ =	strace $0x8000004B  }
0xb4: {  	_ =	swait.ge [sflag:s29], $0x1  }
0xb5: {  	[sflag:s29] =	ssyncadd.s32 $0xFFFFFFFF  }
0xb6: {  	_ =	strace $0x9000004B  }
0xb7: {  	_ =	sfence  }
0xb8: {  	s30 =	sld [smem:$0x0];
	_ =	sdelay $0x2  }
0xb9: {  	s31 =	sshll.u32 s1, $0xD;
	s1 =	sshrl.u32 s1, $0x2  }
0xba: {  	s3 =	sand.u32 $0x4000, s31;
	s1 =	sadd.s32 s1, s30  }
0xbb: {  	s0 =	sor.u32 s3, s0;
	s1 =	sshll.u32 s1, $0x11  }
0xbc: {  	s0 =	sor.u32 s1, s0  }
0xbd: {  	s0 =	sadd.s32 $0x8F2B, s0  }
0xbe: {  	[sflag:s0] =	ssyncadd.remote.s32 $0x1  }
0xbf: {  	_ =	sfence.sel $0xFFFF  }
0xc0: {  	[dreg:$0x0] =	wrdreg $0xFFFFFFFF;
	(pc) =	sbr.abs _section_cstart, $3  }
0xc1: {  	[dreg:$0x1] =	wrdreg $0xFFFFFFFF  }
0xc2: {  	_ =	task.clear_ibuf [dreg:s7], $0x2FFFF;
	_ =	strace $0x9FFFFFFF  }
0xc3: {  	(tm) =	ssettm $0x7FFFFFFF  }
tec
execute0_lowered:
.L_overlay_start_1:
0x0: {  	(tag) =	ssettag $0x1  }
0x1: {  	s1 =	rddreg [dreg:$0x0]  }
0x2: {  	s0 =	srdreg.scid;
	s2 =	rddreg [dreg:$0x1]  }
0x3: {  	s9 =	stileid.u32;
	s3 =	rddreg [dreg:$0x2]  }
0x4: {  	s4 =	simm.s32 $0x0;
	s15 =	simm.s32 $0x5;
	s17 =	simm.s32 $0x3000  }
0x5: {  	s18 =	simm.s32 $0x80;
	s28 =	simm.s32 $0x500;
	s5 =	smul.u32 $0x50, s9  }
0x6: {  	s29 =	simm.s32 $0x2;
	s30 =	simm.s32 $0x4;
	s7 =	smul.u32 $0x500, s9  }
0x7: {  	s31 =	simm.s32 $0x580;
	s0 =	sand.u32 $0x1, s0;
	s8 =	smul.u32 $0x280, s9  }
0x8: {  	s16 =	simm.s32 $0x700;
	[smem:$0x7FF] =	sst s4;
	s6 =	smul.u32 $0x500, s0  }
0x9: {  	s9 =	sshll.u32 s9, $0x7;
	s10 =	sadd.s32 $0x12C00, s2;
	s19 =	smul.u32 $0x2800, s0  }
0xa: {  	_ =	strace $0x8000004A;
	s0 =	ssub.s32 $0x2, s0;
	s20 =	sadd.s32 s9, s2  }
0xb: {  	[dreg:$0x4] =	wrdreg s10;
	s7 =	sadd.s32 s7, s2;
	s21 =	sshrl.u32 s0, $0x1  }
0xc: {  	s22 =	sadd.s32 $0x2C00, s20;
	s20 =	simm.s32 $0x180;
	s5 =	sadd.s32 s5, s6  }
0xd: {  	s6 =	sadd.s32 s8, s19;
	s0 =	ssub.s32 s0, s21;
	[dreg:$0x5] =	wrdreg s22  }
0xe: {  	s23 =	sadd.s32 $0x3400, s7;
	s19 =	simm.s32 $0x100;
	s21 =	simm.s32 $0x200  }
0xf: {  	s22 =	simm.s32 $0x400;
	s5 =	sshll.u32 s5, $0x4;
	s6 =	sshll.u32 s6, $0x4  }
0x10: {  	[dreg:$0x6] =	wrdreg s23;
	s13 =	smax.u32 s0, $0x1;
	s23 =	simm.s32 $0x480  }
0x11: {  	s0 =	simm.s32 $0x680;
	s5 =	sadd.s32 s5, s2;
	s2 =	sadd.s32 s6, s2  }
0x12: {  	s6 =	simm.s32 $0x0;
	s24 =	sadd.s32 $0x13400, s2;
	s25 =	sadd.s32 $0x13C00, s2  }
0x13: {  	s26 =	sadd.s32 $0x14400, s2;
	s11 =	sadd.s32 $0x14C00, s2;
	[dreg:$0x7] =	wrdreg s24  }
0x14: {  	s12 =	sadd.s32 $0x15400, s2;
	s8 =	sadd.s32 $0x8400, s5;
	[dreg:$0x8] =	wrdreg s25  }
0x15: {  	s2 =	simm.s32 $0x600;
	s5 =	simm.s32 $0x780;
	[dreg:$0x9] =	wrdreg s26  }
0x16: {  	s24 =	simm.s32 $0x7000;
	s25 =	simm.s32 $0x1;
	s26 =	simm.s32 $0x3  }
.LBB2_1:
0x17: {  	s7 =	rddreg [dreg:$0x5]  }
0x18: {  	[tilespmem:s4], [sflag:$0x5] =	stream.linear.gather [hbm4b:s7+s4], $0x280, $0x38;
	[tilespmem:$0x1F000] =	vst v63  }
0x19: {  	_ =	swait.ge [sflag:s15], $0x280  }
0x1a: {  	[sflag:s15] =	ssyncset.done $0x0  }
0x1b: {  	s9 =	simm.s32 $0x800;
	s14 =	rddreg [dreg:$0x6];
	[sflag:s15] =	ssyncadd.s32 $0xFFFFFD80  }
0x1c: {  	[tilespmem:s9], [sflag:$0x5] =	stream.linear.gather [hbm4b:s14+s4], $0x2800, $0x38;
	[tilespmem:$0x1F000] =	vst v63  }
0x1d: {  	_ =	swait.ge [sflag:s15], $0x2800  }
0x1e: {  	[sflag:s15] =	ssyncset.done $0x0  }
0x1f: {  	s9 =	rddreg [dreg:$0x4];
	[sflag:s15] =	ssyncadd.s32 $0xFFFFD800  }
0x20: {  	[tilespmem:s17], [sflag:$0x5] =	stream.linear.gather [hbm4b:s9+s4], $0x4000, $0x38;
	[tilespmem:$0x1F000] =	vst v63  }
0x21: {  	_ =	swait.ge [sflag:s15], $0x4000  }
0x22: {  	[sflag:s15] =	ssyncset.done $0x0  }
0x23: {  	[sflag:s15] =	ssyncadd.s32 $0xFFFFC000  }
0x24: {  	[spmem:s3] =	stream.indirect.scatter [tilespmem:s17], [sflag:$0x5], $0x80, s4, s18, $0xb8;
	[tilespmem:$0x1F000] =	vst v63  }
0x25: {  	_ =	swait.ge [sflag:s15], $0x4000  }
0x26: {  	[sflag:s15] =	ssyncset.done $0x0  }
0x27: {  	[sflag:s15] =	ssyncadd.s32 $0xFFFFC000  }
0x28: {  	[spmem:s3] =	stream.indirect.scatter [tilespmem:s17], [sflag:$0x5], $0x80, s18, s18, $0xb8;
	[tilespmem:$0x1F000] =	vst v63  }
0x29: {  	_ =	swait.ge [sflag:s15], $0x4000  }
0x2a: {  	[sflag:s15] =	ssyncset.done $0x0  }
0x2b: {  	[sflag:s15] =	ssyncadd.s32 $0xFFFFC000  }
0x2c: {  	[spmem:s3] =	stream.indirect.scatter [tilespmem:s17], [sflag:$0x5], $0x80, s19, s18, $0xb8;
	[tilespmem:$0x1F000] =	vst v63  }
0x2d: {  	_ =	swait.ge [sflag:s15], $0x4000  }
0x2e: {  	[sflag:s15] =	ssyncset.done $0x0  }
0x2f: {  	[sflag:s15] =	ssyncadd.s32 $0xFFFFC000  }
0x30: {  	[spmem:s3] =	stream.indirect.scatter [tilespmem:s17], [sflag:$0x5], $0x80, s20, s18, $0xb8;
	[tilespmem:$0x1F000] =	vst v63  }
0x31: {  	_ =	swait.ge [sflag:s15], $0x4000  }
0x32: {  	[sflag:s15] =	ssyncset.done $0x0  }
0x33: {  	[sflag:s15] =	ssyncadd.s32 $0xFFFFC000  }
0x34: {  	[spmem:s3] =	stream.indirect.scatter [tilespmem:s17], [sflag:$0x5], $0x80, s21, s18, $0xb8;
	[tilespmem:$0x1F000] =	vst v63  }
0x35: {  	_ =	swait.ge [sflag:s15], $0x4000  }
0x36: {  	[sflag:s15] =	ssyncset.done $0x0  }
0x37: {  	[sflag:s15] =	ssyncadd.s32 $0xFFFFC000  }
0x38: {  	[bflag:$0x0] =	sbarrier.arrive $0xFFFF  }
0x39: {  	[tilespmem:s22], [sflag:$0x5] =	stream.linear.gather [hbm4b:s8+s4], $0x400, $0x38;
	[tilespmem:$0x1F000] =	vst v63  }
0x3a: {  	_ =	swait.ge [sflag:s15], $0x400  }
0x3b: {  	[sflag:s15] =	ssyncset.done $0x0  }
0x3c: {  	[sflag:s15] =	ssyncadd.s32 $0xFFFFFC00  }
0x3d: {  	[tilespmem:s17], [sflag:$0x1] =	stream.indirect.gather [hbm4b:s1+s18], $0x80, s22, s18, $0xb8;
	[tilespmem:$0x1F000] =	vst v63  }
0x3e: {  	_ = 	snop  }
0x3f: {  	[tilespmem:s24], [sflag:$0x2] =	stream.indirect.gather [hbm4b:s1+s18], $0x80, s23, s18, $0xb8;
	[tilespmem:$0x1F000] =	vst v63  }
0x40: {  	_ =	swait.ge [sflag:s25], $0x4000  }
0x41: {  	[sflag:s25] =	ssyncset.done $0x0  }
0x42: {  	s10 =	simm.s32 $0x800;
	[sflag:s25] =	ssyncadd.s32 $0xFFFFC000  }
0x43: {  	[spmem:s3] =	stream.indirect.scatter.add.f32 [tilespmem:s17], [sflag:$0x3], $0x80, s10, s18, $0xb8;
	[tilespmem:$0x1F000] =	vst v63  }
0x44: {  	_ =	swait.ge [sflag:s26], $0x4000  }
0x45: {  	[sflag:s26] =	ssyncset.done $0x0  }
0x46: {  	[sflag:s26] =	ssyncadd.s32 $0xFFFFC000  }
0x47: {  	[tilespmem:s17], [sflag:$0x1] =	stream.indirect.gather [hbm4b:s1+s18], $0x80, s28, s18, $0xb8;
	[tilespmem:$0x1F000] =	vst v63  }
0x48: {  	_ =	swait.ge [sflag:s29], $0x4000  }
0x49: {  	[sflag:s29] =	ssyncset.done $0x0  }
0x4a: {  	s14 =	simm.s32 $0x880;
	[sflag:s29] =	ssyncadd.s32 $0xFFFFC000  }
0x4b: {  	[spmem:s3] =	stream.indirect.scatter.add.f32 [tilespmem:s24], [sflag:$0x4], $0x80, s14, s18, $0xb8;
	[tilespmem:$0x1F000] =	vst v63  }
0x4c: {  	_ =	swait.ge [sflag:s30], $0x4000  }
0x4d: {  	[sflag:s30] =	ssyncset.done $0x0  }
0x4e: {  	[sflag:s30] =	ssyncadd.s32 $0xFFFFC000  }
0x4f: {  	[tilespmem:s24], [sflag:$0x2] =	stream.indirect.gather [hbm4b:s1+s18], $0x80, s31, s18, $0xb8;
	[tilespmem:$0x1F000] =	vst v63  }
0x50: {  	_ =	swait.ge [sflag:s25], $0x4000  }
0x51: {  	[sflag:s25] =	ssyncset.done $0x0  }
0x52: {  	s9 =	simm.s32 $0x900;
	[sflag:s25] =	ssyncadd.s32 $0xFFFFC000  }
0x53: {  	[spmem:s3] =	stream.indirect.scatter.add.f32 [tilespmem:s17], [sflag:$0x3], $0x80, s9, s18, $0xb8;
	[tilespmem:$0x1F000] =	vst v63  }
0x54: {  	_ =	swait.ge [sflag:s26], $0x4000  }
0x55: {  	[sflag:s26] =	ssyncset.done $0x0  }
0x56: {  	[sflag:s26] =	ssyncadd.s32 $0xFFFFC000  }
0x57: {  	[tilespmem:s17], [sflag:$0x1] =	stream.indirect.gather [hbm4b:s1+s18], $0x80, s2, s18, $0xb8;
	[tilespmem:$0x1F000] =	vst v63  }
0x58: {  	_ =	swait.ge [sflag:s29], $0x4000  }
0x59: {  	[sflag:s29] =	ssyncset.done $0x0  }
0x5a: {  	s10 =	simm.s32 $0x980;
	[sflag:s29] =	ssyncadd.s32 $0xFFFFC000  }
0x5b: {  	[spmem:s3] =	stream.indirect.scatter.add.f32 [tilespmem:s24], [sflag:$0x4], $0x80, s10, s18, $0xb8;
	[tilespmem:$0x1F000] =	vst v63  }
0x5c: {  	_ =	swait.ge [sflag:s30], $0x4000  }
0x5d: {  	[sflag:s30] =	ssyncset.done $0x0  }
0x5e: {  	[sflag:s30] =	ssyncadd.s32 $0xFFFFC000  }
0x5f: {  	[tilespmem:s24], [sflag:$0x2] =	stream.indirect.gather [hbm4b:s1+s18], $0x80, s0, s18, $0xb8;
	[tilespmem:$0x1F000] =	vst v63  }
0x60: {  	_ =	swait.ge [sflag:s25], $0x4000  }
0x61: {  	[sflag:s25] =	ssyncset.done $0x0  }
0x62: {  	s14 =	simm.s32 $0xA00;
	[sflag:s25] =	ssyncadd.s32 $0xFFFFC000  }
0x63: {  	[spmem:s3] =	stream.indirect.scatter.add.f32 [tilespmem:s17], [sflag:$0x3], $0x80, s14, s18, $0xb8;
	[tilespmem:$0x1F000] =	vst v63  }
0x64: {  	_ =	swait.ge [sflag:s26], $0x4000  }
0x65: {  	[sflag:s26] =	ssyncset.done $0x0  }
0x66: {  	[sflag:s26] =	ssyncadd.s32 $0xFFFFC000  }
0x67: {  	[tilespmem:s17], [sflag:$0x1] =	stream.indirect.gather [hbm4b:s1+s18], $0x80, s16, s18, $0xb8;
	[tilespmem:$0x1F000] =	vst v63  }
0x68: {  	_ =	swait.ge [sflag:s29], $0x4000  }
0x69: {  	[sflag:s29] =	ssyncset.done $0x0  }
0x6a: {  	s9 =	simm.s32 $0xA80;
	[sflag:s29] =	ssyncadd.s32 $0xFFFFC000  }
0x6b: {  	[spmem:s3] =	stream.indirect.scatter.add.f32 [tilespmem:s24], [sflag:$0x4], $0x80, s9, s18, $0xb8;
	[tilespmem:$0x1F000] =	vst v63  }
0x6c: {  	_ =	swait.ge [sflag:s30], $0x4000  }
0x6d: {  	[sflag:s30] =	ssyncset.done $0x0  }
0x6e: {  	[sflag:s30] =	ssyncadd.s32 $0xFFFFC000  }
0x6f: {  	[tilespmem:s24], [sflag:$0x2] =	stream.indirect.gather [hbm4b:s1+s18], $0x80, s5, s18, $0xb8;
	[tilespmem:$0x1F000] =	vst v63  }
0x70: {  	_ =	swait.ge [sflag:s25], $0x4000  }
0x71: {  	[sflag:s25] =	ssyncset.done $0x0  }
0x72: {  	s10 =	simm.s32 $0xB00;
	[sflag:s25] =	ssyncadd.s32 $0xFFFFC000  }
0x73: {  	[spmem:s3] =	stream.indirect.scatter.add.f32 [tilespmem:s17], [sflag:$0x3], $0x80, s10, s18, $0xb8;
	[tilespmem:$0x1F000] =	vst v63  }
0x74: {  	_ =	swait.ge [sflag:s29], $0x4000  }
0x75: {  	[sflag:s29] =	ssyncset.done $0x0  }
0x76: {  	s14 =	simm.s32 $0xB80;
	[sflag:s29] =	ssyncadd.s32 $0xFFFFC000  }
0x77: {  	[spmem:s3] =	stream.indirect.scatter.add.f32 [tilespmem:s24], [sflag:$0x4], $0x80, s14, s18, $0xb8;
	[tilespmem:$0x1F000] =	vst v63  }
0x78: {  	_ =	swait.ge [sflag:s26], $0x4000  }
0x79: {  	[sflag:s26] =	ssyncset.done $0x0  }
0x7a: {  	[sflag:s26] =	ssyncadd.s32 $0xFFFFC000  }
0x7b: {  	_ =	swait.ge [sflag:s30], $0x4000  }
0x7c: {  	s7 =	simm.s32 $0x1000;
	s14 =	smov.u32 s8;
	[sflag:s30] =	ssyncset.done $0x0  }
.LBB2_2:
0x7d: {  	p0 =	sne.s32 s7, $0x9000;
	[sflag:s30] =	ssyncadd.s32 $0xFFFFC000;
	s14 =	sadd.s32 $0x80, s14  }
0x7e: {  	[tilespmem:s22], [sflag:$0x5] =	stream.linear.gather [hbm4b:s14+s4], $0x400, $0x38;
	[tilespmem:$0x1F000] =	vst v63  }
0x7f: {  	s9 =	smov.u32 s7;
	s7 =	sadd.s32 $0x1000, s7;
	_ =	swait.ge [sflag:s15], $0x400  }
0x80: {  	[sflag:s15] =	ssyncset.done $0x0  }
0x81: {  	[sflag:s15] =	ssyncadd.s32 $0xFFFFFC00  }
0x82: {  	[tilespmem:s17], [sflag:$0x1] =	stream.indirect.gather [hbm4b:s1+s18], $0x80, s22, s18, $0xb8;
	[tilespmem:$0x1F000] =	vst v63  }
0x83: {  	_ = 	snop  }
0x84: {  	[tilespmem:s24], [sflag:$0x2] =	stream.indirect.gather [hbm4b:s1+s18], $0x80, s23, s18, $0xb8;
	[tilespmem:$0x1F000] =	vst v63  }
0x85: {  	_ =	swait.ge [sflag:s25], $0x4000  }
0x86: {  	s9 =	sshra.s32 s9, $0x2;
	[sflag:s25] =	ssyncset.done $0x0  }
0x87: {  	s10 =	sadd.s32 $0x800, s9;
	[sflag:s25] =	ssyncadd.s32 $0xFFFFC000  }
0x88: {  	[spmem:s3] =	stream.indirect.scatter.add.f32 [tilespmem:s17], [sflag:$0x3], $0x80, s10, s18, $0xb8;
	[tilespmem:$0x1F000] =	vst v63  }
0x89: {  	_ =	swait.ge [sflag:s26], $0x4000  }
0x8a: {  	[sflag:s26] =	ssyncset.done $0x0  }
0x8b: {  	[sflag:s26] =	ssyncadd.s32 $0xFFFFC000  }
0x8c: {  	[tilespmem:s17], [sflag:$0x1] =	stream.indirect.gather [hbm4b:s1+s18], $0x80, s28, s18, $0xb8;
	[tilespmem:$0x1F000] =	vst v63  }
0x8d: {  	_ =	swait.ge [sflag:s29], $0x4000  }
0x8e: {  	[sflag:s29] =	ssyncset.done $0x0  }
0x8f: {  	s10 =	sadd.s32 $0x880, s9;
	[sflag:s29] =	ssyncadd.s32 $0xFFFFC000  }
0x90: {  	[spmem:s3] =	stream.indirect.scatter.add.f32 [tilespmem:s24], [sflag:$0x4], $0x80, s10, s18, $0xb8;
	[tilespmem:$0x1F000] =	vst v63  }
0x91: {  	_ =	swait.ge [sflag:s30], $0x4000  }
0x92: {  	[sflag:s30] =	ssyncset.done $0x0  }
0x93: {  	[sflag:s30] =	ssyncadd.s32 $0xFFFFC000  }
0x94: {  	[tilespmem:s24], [sflag:$0x2] =	stream.indirect.gather [hbm4b:s1+s18], $0x80, s31, s18, $0xb8;
	[tilespmem:$0x1F000] =	vst v63  }
0x95: {  	_ =	swait.ge [sflag:s25], $0x4000  }
0x96: {  	[sflag:s25] =	ssyncset.done $0x0  }
0x97: {  	s10 =	sadd.s32 $0x900, s9;
	[sflag:s25] =	ssyncadd.s32 $0xFFFFC000  }
0x98: {  	[spmem:s3] =	stream.indirect.scatter.add.f32 [tilespmem:s17], [sflag:$0x3], $0x80, s10, s18, $0xb8;
	[tilespmem:$0x1F000] =	vst v63  }
0x99: {  	_ =	swait.ge [sflag:s26], $0x4000  }
0x9a: {  	[sflag:s26] =	ssyncset.done $0x0  }
0x9b: {  	[sflag:s26] =	ssyncadd.s32 $0xFFFFC000  }
0x9c: {  	[tilespmem:s17], [sflag:$0x1] =	stream.indirect.gather [hbm4b:s1+s18], $0x80, s2, s18, $0xb8;
	[tilespmem:$0x1F000] =	vst v63  }
0x9d: {  	_ =	swait.ge [sflag:s29], $0x4000  }
0x9e: {  	[sflag:s29] =	ssyncset.done $0x0  }
0x9f: {  	s10 =	sadd.s32 $0x980, s9;
	[sflag:s29] =	ssyncadd.s32 $0xFFFFC000  }
0xa0: {  	[spmem:s3] =	stream.indirect.scatter.add.f32 [tilespmem:s24], [sflag:$0x4], $0x80, s10, s18, $0xb8;
	[tilespmem:$0x1F000] =	vst v63  }
0xa1: {  	_ =	swait.ge [sflag:s30], $0x4000  }
0xa2: {  	[sflag:s30] =	ssyncset.done $0x0  }
0xa3: {  	[sflag:s30] =	ssyncadd.s32 $0xFFFFC000  }
0xa4: {  	[tilespmem:s24], [sflag:$0x2] =	stream.indirect.gather [hbm4b:s1+s18], $0x80, s0, s18, $0xb8;
	[tilespmem:$0x1F000] =	vst v63  }
0xa5: {  	_ =	swait.ge [sflag:s25], $0x4000  }
0xa6: {  	[sflag:s25] =	ssyncset.done $0x0  }
0xa7: {  	s10 =	sadd.s32 $0xA00, s9;
	[sflag:s25] =	ssyncadd.s32 $0xFFFFC000  }
0xa8: {  	[spmem:s3] =	stream.indirect.scatter.add.f32 [tilespmem:s17], [sflag:$0x3], $0x80, s10, s18, $0xb8;
	[tilespmem:$0x1F000] =	vst v63  }
0xa9: {  	_ =	swait.ge [sflag:s26], $0x4000  }
0xaa: {  	[sflag:s26] =	ssyncset.done $0x0  }
0xab: {  	[sflag:s26] =	ssyncadd.s32 $0xFFFFC000  }
0xac: {  	[tilespmem:s17], [sflag:$0x1] =	stream.indirect.gather [hbm4b:s1+s18], $0x80, s16, s18, $0xb8;
	[tilespmem:$0x1F000] =	vst v63  }
0xad: {  	_ =	swait.ge [sflag:s29], $0x4000  }
0xae: {  	[sflag:s29] =	ssyncset.done $0x0  }
0xaf: {  	s10 =	sadd.s32 $0xA80, s9;
	[sflag:s29] =	ssyncadd.s32 $0xFFFFC000  }
0xb0: {  	[spmem:s3] =	stream.indirect.scatter.add.f32 [tilespmem:s24], [sflag:$0x4], $0x80, s10, s18, $0xb8;
	[tilespmem:$0x1F000] =	vst v63  }
0xb1: {  	_ =	swait.ge [sflag:s30], $0x4000  }
0xb2: {  	[sflag:s30] =	ssyncset.done $0x0  }
0xb3: {  	[sflag:s30] =	ssyncadd.s32 $0xFFFFC000  }
0xb4: {  	[tilespmem:s24], [sflag:$0x2] =	stream.indirect.gather [hbm4b:s1+s18], $0x80, s5, s18, $0xb8;
	[tilespmem:$0x1F000] =	vst v63  }
0xb5: {  	_ =	swait.ge [sflag:s25], $0x4000  }
0xb6: {  	[sflag:s25] =	ssyncset.done $0x0  }
0xb7: {  	s10 =	sadd.s32 $0xB00, s9;
	[sflag:s25] =	ssyncadd.s32 $0xFFFFC000  }
0xb8: {  	[spmem:s3] =	stream.indirect.scatter.add.f32 [tilespmem:s17], [sflag:$0x3], $0x80, s10, s18, $0xb8;
	[tilespmem:$0x1F000] =	vst v63  }
0xb9: {  	_ =	swait.ge [sflag:s29], $0x4000  }
0xba: {  	[sflag:s29] =	ssyncset.done $0x0  }
0xbb: {  	s9 =	sadd.s32 $0xB80, s9;
	[sflag:s29] =	ssyncadd.s32 $0xFFFFC000  }
0xbc: {  	[spmem:s3] =	stream.indirect.scatter.add.f32 [tilespmem:s24], [sflag:$0x4], $0x80, s9, s18, $0xb8;
	[tilespmem:$0x1F000] =	vst v63  }
.Ltmp0:
0xbd: {  	_ =	swait.ge [sflag:s26], $0x4000;
	(pc) =	sbr.rel @p0 .LBB2_2-.Ltmp0, $4  }
0xbe: {  	[sflag:s26] =	ssyncset.done $0x0  }
0xbf: {  	[sflag:s26] =	ssyncadd.s32 $0xFFFFC000  }
0xc0: {  	_ =	swait.ge [sflag:s30], $0x4000  }
0xc1: {  	[sflag:s30] =	ssyncset.done $0x0  }
0xc2: {  	[sflag:s30] =	ssyncadd.s32 $0xFFFFC000  }
0xc3: {  	[bflag:$0x0] =	sbarrier.arrive $0xFFFF  }
0xc4: {  	[tilespmem:s17], [sflag:$0x1] =	stream.indirect.gather [spmem:s3], $0x80, s4, s18, $0xb8;
	[tilespmem:$0x1F000] =	vst v63  }
0xc5: {  	_ = 	snop  }
0xc6: {  	[tilespmem:s24], [sflag:$0x2] =	stream.indirect.gather [spmem:s3], $0x80, s18, s18, $0xb8;
	[tilespmem:$0x1F000] =	vst v63  }
0xc7: {  	_ =	swait.ge [sflag:s25], $0x4000  }
0xc8: {  	[sflag:s25] =	ssyncset.done $0x0  }
0xc9: {  	s7 =	rddreg [dreg:$0x7];
	[sflag:s25] =	ssyncadd.s32 $0xFFFFC000  }
0xca: {  	[hbm4b:s7+s4] =	stream.linear.scatter [tilespmem:s17], [sflag:$0x5], $0x4000, $0x38;
	[tilespmem:$0x1F000] =	vst v63  }
0xcb: {  	_ =	swait.ge [sflag:s15], $0x4000  }
0xcc: {  	[sflag:s15] =	ssyncset.done $0x0  }
0xcd: {  	[sflag:s15] =	ssyncadd.s32 $0xFFFFC000  }
0xce: {  	[tilespmem:s17], [sflag:$0x1] =	stream.indirect.gather [spmem:s3], $0x80, s19, s18, $0xb8;
	[tilespmem:$0x1F000] =	vst v63  }
0xcf: {  	_ =	swait.ge [sflag:s29], $0x4000  }
0xd0: {  	[sflag:s29] =	ssyncset.done $0x0  }
0xd1: {  	s10 =	rddreg [dreg:$0x8];
	[sflag:s29] =	ssyncadd.s32 $0xFFFFC000  }
0xd2: {  	[hbm4b:s10+s4] =	stream.linear.scatter [tilespmem:s24], [sflag:$0x5], $0x4000, $0x38;
	[tilespmem:$0x1F000] =	vst v63  }
0xd3: {  	_ =	swait.ge [sflag:s15], $0x4000  }
0xd4: {  	[sflag:s15] =	ssyncset.done $0x0  }
0xd5: {  	[sflag:s15] =	ssyncadd.s32 $0xFFFFC000  }
0xd6: {  	[tilespmem:s24], [sflag:$0x2] =	stream.indirect.gather [spmem:s3], $0x80, s20, s18, $0xb8;
	[tilespmem:$0x1F000] =	vst v63  }
0xd7: {  	_ =	swait.ge [sflag:s25], $0x4000  }
0xd8: {  	[sflag:s25] =	ssyncset.done $0x0  }
0xd9: {  	s14 =	rddreg [dreg:$0x9];
	[sflag:s25] =	ssyncadd.s32 $0xFFFFC000  }
0xda: {  	[hbm4b:s14+s4] =	stream.linear.scatter [tilespmem:s17], [sflag:$0x5], $0x4000, $0x38;
	[tilespmem:$0x1F000] =	vst v63  }
0xdb: {  	_ =	swait.ge [sflag:s15], $0x4000  }
0xdc: {  	[sflag:s15] =	ssyncset.done $0x0  }
0xdd: {  	[sflag:s15] =	ssyncadd.s32 $0xFFFFC000  }
0xde: {  	[tilespmem:s17], [sflag:$0x1] =	stream.indirect.gather [spmem:s3], $0x80, s21, s18, $0xb8;
	[tilespmem:$0x1F000] =	vst v63  }
0xdf: {  	_ =	swait.ge [sflag:s29], $0x4000  }
0xe0: {  	[sflag:s29] =	ssyncset.done $0x0  }
0xe1: {  	[sflag:s29] =	ssyncadd.s32 $0xFFFFC000  }
0xe2: {  	[hbm4b:s11+s4] =	stream.linear.scatter [tilespmem:s24], [sflag:$0x5], $0x4000, $0x38;
	[tilespmem:$0x1F000] =	vst v63  }
0xe3: {  	_ =	swait.ge [sflag:s15], $0x4000  }
0xe4: {  	[sflag:s15] =	ssyncset.done $0x0  }
0xe5: {  	[sflag:s15] =	ssyncadd.s32 $0xFFFFC000  }
0xe6: {  	s6 =	sadd.s32 $0x1, s6;
	_ =	swait.ge [sflag:s25], $0x4000  }
0xe7: {  	p0 =	sne.s32 s6, s13;
	[sflag:s25] =	ssyncset.done $0x0  }
.Ltmp1:
0xe8: {  	[sflag:s25] =	ssyncadd.s32 $0xFFFFC000;
	(pc) =	sbr.rel @p0 .LBB2_1-.Ltmp1, $4  }
0xe9: {  	[hbm4b:s12+s4] =	stream.linear.scatter [tilespmem:s17], [sflag:$0x5], $0x4000, $0x38;
	[tilespmem:$0x1F000] =	vst v63  }
0xea: {  	_ =	swait.ge [sflag:s15], $0x4000  }
0xeb: {  	[sflag:s15] =	ssyncset.done $0x0  }
0xec: {  	[sflag:s15] =	ssyncadd.s32 $0xFFFFC000  }
0xed: {  	_ =	sfence.sel $0x180000  }
0xee: {  	[bflag:$0x0] =	sbarrier.arrive $0xFFFF  }
0xef: {  	_ =	strace $0x9000004A  }
0xf0: {  	s0 =	stileid.u32;
	[bflag:$0x2] =	sbarrier.arrive $0xFFFF  }
0xf1: {  	p0 =	sne.s32 s0, $0x0;
	s0 =	rddreg [dreg:$0x3]  }
0xf2: {  	s0 =	sadd.s32 @!p0 $0x100000, s0  }
0xf3: {  	[sflag:s0] =	ssyncadd.tile.s32 @!p0 $0x1;
	_ =	shalt  }
.Lfunc_end2:
_tile_overlayer_lowered:
.L_overlay_start_2:
0xf4: {  	(tag) =	ssettag $0x2  }
0xf5: {  	s0 =	rddreg [dreg:$0x0];
	s2 =	stileid.u32  }
0xf6: {  	s1 =	rddreg [dreg:$0x1];
	p0 =	sne.s32 s2, $0x0  }
0xf7: {  	s3 =	rddreg [dreg:$0x2];
	[bflag:$0x3] =	sbarrier.arrive $0xFFFF;
	s2 =	simm.s32 @!p0 $0x1C05  }
0xf8: {  	[timem:s3], [sflag:s2] =	dma.local @!p0 [hbm:s0], s1  }
0xf9: {  	s0 =	simm.s32 @!p0 $0x5  }
0xfa: {  	_ =	swait.ge @!p0 [sflag:s0], s1  }
0xfb: {  	s1 =	ssub.s32 @!p0 $0x0, s1;
	[sflag:s0] =	ssyncset.done @!p0 $0x0  }
0xfc: {  	[sflag:s0] =	ssyncadd.s32 @!p0 s1  }
0xfd: {  	[bflag:$0x3] =	sbarrier.arrive $0xFFFF  }
0xfe: {  	_ =	shalt  }

// kernel: kernel.7.cloned.1.call-start
scs
__scs_entry_jumppad:
0x0: {  	(pc) =	sbr.rel $0x88, $3  }
0x1: {  	(tag) =	ssettag $0x0;
	lr =	simm.s32 $0x1  }
0x2: {  	[smem:$0x3F9B] =	sst lr;
	_ =	strace $0xD0000000  }
0x3: {  	_ = 	snop  }
0x4: {  	_ = 	snop  }
0x5: {  	_ = 	snop  }
0x6: {  	_ = 	snop  }
0x7: {  	_ = 	snop  }
__scs_overlays_trampoline_lowered:
0x8: {  	[smem:$0x3FAA] =	sst s0  }
0x9: {  	[smem:$0x3FAB] =	sst s1  }
0xa: {  	[smem:$0x3FAC] =	sst s2  }
0xb: {  	[smem:$0x3FAD] =	sst s3  }
0xc: {  	[smem:$0x3FAE] =	sst s4  }
0xd: {  	[smem:$0x3FAF] =	sst s5  }
0xe: {  	[smem:$0x3FB0] =	sst s6  }
0xf: {  	[smem:$0x3FB1] =	sst s7  }
0x10: {  	[smem:$0x3FB2] =	sst s8  }
0x11: {  	[smem:$0x3FB3] =	sst s9;
	s0 =	simm.s32 @!p0 $0x0  }
0x12: {  	s1 =	sld [smem:$0x3F99];
	s0 =	simm.s32 @p0 $0x1  }
0x13: {  	[smem:$0x3FB4] =	sst s0;
	s0 =	simm.s32 @!p1 $0x0  }
0x14: {  	s2 =	sld [smem:$0x3F98];
	s0 =	simm.s32 @p1 $0x1  }
0x15: {  	[smem:$0x3FB5] =	sst s0;
	s0 =	simm.s32 @!p2 $0x0  }
0x16: {  	s3 =	sld [smem:$0x3FDB];
	s0 =	simm.s32 @p2 $0x1  }
0x17: {  	s4 =	simm.s32 $0x1BF5;
	[smem:$0x3FB7] =	sst s0  }
0x18: {  	s0 =	sld [smem:$0x3F9A];
	_ =	swait.ge [sflag:s4], $0x0  }
0x19: {  	s7 =	sld [smem:$0x3F9B]  }
0x1a: {  	s8 =	sadd.s32 $0xFFFFE003, lr  }
0x1b: {  	s9 =	sadd.s32 $0xFFFFFEF7, lr;
	s5 =	simm.s32 $0xFFFFFFFF;
	p2 =	slt.u32 s8, $0xFFFFF086  }
0x1c: {  	p1 =	slt.u32 s9, $0xF7A;
	s5 =	simm.s32 @!p2 $0x0  }
0x1d: {  	s5 =	simm.s32 @p1 $0x1;
	p0 =	seq.s32 s7, s2  }
0x1e: {  	s7 =	smul.u32 @!p0 $0xF7A, s2;
	p2 =	seq.s32 @!p0 s5, $0x0  }
0x1f: {  	s9 =	smul.u32 $0xF7A, s1;
	s8 =	simm.s32 @!p0 $0x1BF5;
	p2 =	por !p2, p0  }
0x20: {  	[sflag:s8] =	ssyncset.s32 @!p0 $0xFFFFF086;
	s6 =	sadd.s32 @!p0 s3, s7;
	s7 =	simm.s32 @!p0 $0x108  }
0x21: {  	s3 =	sadd.s32 s3, s9;
	s6 =	sadd.s32 @!p0 $0x88, s6;
	s7 =	simm.s32 @p2 $0x1082  }
0x22: {  	[simem:s7], [sflag:s8] =	dma.local @!p0 [hbm:s6], $0xF7A  }
0x23: {  	s9 =	sor.u32 $0xD0000000, s2;
	s6 =	simm.s32 $0x108;
	_ =	swait.ge @!p0 [sflag:s8], $0x0  }
0x24: {  	s3 =	sadd.s32 $0x88, s3;
	s6 =	simm.s32 @!p1 $0x1082;
	[sflag:s4] =	ssyncset.s32 $0xFFFFF086  }
0x25: {  	[simem:s6], [sflag:s4] =	dma.local [hbm:s3], $0xF7A  }
0x26: {  	[smem:$0x3F9B] =	sst s1;
	(tag) =	ssettag s2;
	_ =	strace s9  }
0x27: {  	s1 =	sld [smem:$0x3FAB]  }
0x28: {  	s2 =	sld [smem:$0x3FAC]  }
0x29: {  	s4 =	sld [smem:$0x3FAE]  }
0x2a: {  	p0 =	seq.s32 s5, $0x0;
	s5 =	sld [smem:$0x3FAF]  }
0x2b: {  	s6 =	sld [smem:$0x3FB0]  }
0x2c: {  	s7 =	sld [smem:$0x3FB1]  }
0x2d: {  	s3 =	simm.s32 $0x108;
	s8 =	sld [smem:$0x3FB2]  }
0x2e: {  	s3 =	simm.s32 @!p0 $0x1082;
	s9 =	sld [smem:$0x3FB3]  }
0x2f: {  	lr =	sadd.s32 s0, s3;
	s0 =	sld [smem:$0x3FAA]  }
0x30: {  	s3 =	sld [smem:$0x3FAD]  }
0x31: {  	[smem:$0x3FB6] =	sst s10  }
0x32: {  	s10 =	sld [smem:$0x3FB4];
	_ =	sdelay $0x3  }
0x33: {  	p0 =	seq.s32 s10, $0x1;
	s10 =	sld [smem:$0x3FB6];
	_ =	sdelay $0x3  }
0x34: {  	[smem:$0x3FB6] =	sst s10  }
0x35: {  	s10 =	sld [smem:$0x3FB5];
	_ =	sdelay $0x3  }
0x36: {  	p1 =	seq.s32 s10, $0x1;
	s10 =	sld [smem:$0x3FB6];
	_ =	sdelay $0x3  }
0x37: {  	[smem:$0x3FB6] =	sst s10  }
0x38: {  	s10 =	sld [smem:$0x3FB7]  }
0x39: {  	_ = 	snop;
	(pc) =	sbr.ind lr, $3  }
0x3a: {  	_ = 	snop  }
0x3b: {  	_ = 	snop  }
0x3c: {  	p2 =	seq.s32 s10, $0x1;
	s10 =	sld [smem:$0x3FB6]  }
0x3d: {  	_ =	shalt  }
0x3e: {  	_ =	shalt  }
0x3f: {  	_ =	shalt  }
0x40: {  	_ =	shalt  }
0x41: {  	_ =	shalt  }
0x42: {  	_ =	shalt  }
0x43: {  	_ =	shalt  }
0x44: {  	_ =	shalt  }
0x45: {  	_ =	shalt  }
0x46: {  	_ =	shalt  }
0x47: {  	_ =	shalt  }
0x48: {  	_ =	shalt  }
0x49: {  	_ =	shalt  }
0x4a: {  	_ =	shalt  }
0x4b: {  	_ =	shalt  }
0x4c: {  	_ =	shalt  }
0x4d: {  	_ =	shalt  }
0x4e: {  	_ =	shalt  }
0x4f: {  	_ =	shalt  }
0x50: {  	_ =	shalt  }
0x51: {  	_ =	shalt  }
0x52: {  	_ =	shalt  }
0x53: {  	_ =	shalt  }
0x54: {  	_ =	shalt  }
0x55: {  	_ =	shalt  }
0x56: {  	_ =	shalt  }
0x57: {  	_ =	shalt  }
0x58: {  	_ =	shalt  }
0x59: {  	_ =	shalt  }
0x5a: {  	_ =	shalt  }
0x5b: {  	_ =	shalt  }
0x5c: {  	_ =	shalt  }
0x5d: {  	_ =	shalt  }
0x5e: {  	_ =	shalt  }
0x5f: {  	_ =	shalt  }
0x60: {  	_ =	shalt  }
0x61: {  	_ =	shalt  }
0x62: {  	_ =	shalt  }
0x63: {  	_ =	shalt  }
0x64: {  	_ =	shalt  }
0x65: {  	_ =	shalt  }
0x66: {  	_ =	shalt  }
0x67: {  	_ =	shalt  }
0x68: {  	_ =	shalt  }
0x69: {  	_ =	shalt  }
0x6a: {  	_ =	shalt  }
0x6b: {  	_ =	shalt  }
0x6c: {  	_ =	shalt  }
0x6d: {  	_ =	shalt  }
0x6e: {  	_ =	shalt  }
0x6f: {  	_ =	shalt  }
0x70: {  	_ =	shalt  }
0x71: {  	_ =	shalt  }
0x72: {  	_ =	shalt  }
0x73: {  	_ =	shalt  }
0x74: {  	_ =	shalt  }
0x75: {  	_ =	shalt  }
0x76: {  	_ =	shalt  }
0x77: {  	_ =	shalt  }
0x78: {  	_ =	shalt  }
0x79: {  	_ =	shalt  }
0x7a: {  	_ =	shalt  }
0x7b: {  	_ =	shalt  }
0x7c: {  	_ =	shalt  }
0x7d: {  	_ =	shalt  }
0x7e: {  	_ =	shalt  }
0x7f: {  	_ =	shalt  }
0x80: {  	_ =	shalt  }
0x81: {  	_ =	shalt  }
0x82: {  	_ =	shalt  }
0x83: {  	_ =	shalt  }
0x84: {  	_ =	shalt  }
0x85: {  	_ =	shalt  }
0x86: {  	_ =	shalt  }
0x87: {  	_ =	shalt  }
.Lfunc_end0:
.L_simem_size_0:
called_computation_lowered:
.L_overlay_start_0:
0x88: {  	s2 =	sld [smem:$0x3FD9]  }
0x89: {  	s3 =	sld [smem:$0x3FFE];
	_ =	sdelay $0x1  }
0x8a: {  	s1 =	srdreg.scid  }
0x8b: {  	s0 =	sand.u32 $0x1, s1  }
0x8c: {  	s17 =	sshll.u32 s0, $0xA;
	s2 =	sadd.s32 s3, s2  }
0x8d: {  	s2 =	sadd.s32 s2, s17  }
0x8e: {  	[smem:$0x3FC2] =	sst s2  }
0x8f: {  	_ = 	snop  }
0x90: {  	s2 =	sld [smem:$0x3FD0];
	(tm) =	ssettm $0x1  }
0x91: {  	s18 =	sld [smem:$0x3FFB];
	_ =	sdelay $0x3  }
0x92: {  	_ =	strace s18  }
0x93: {  	s3 =	sld [smem:$0x3FFC];
	_ =	sdelay $0x3  }
0x94: {  	_ =	strace s3  }
0x95: {  	s3 =	sld [smem:$0x3FFD];
	_ =	sdelay $0x3  }
0x96: {  	_ =	strace s3  }
0x97: {  	_ =	strace $0x8FFFFFFF  }
0x98: {  	s19 =	sld [smem:$0x3FDB];
	_ =	sdelay $0x1  }
0x99: {  	s4 =	simm.s32 $_scs_section_size  }
0x9a: {  	s5 =	simm.s32 $_size__tile_overlayer_lowered;
	s6 =	simm.s32 $_tile_overlayer_lowered  }
0x9b: {  	s22 =	simm.s32 $0x1BFF;
	s21 =	sshll.u32 s6, $0x1;
	s3 =	sadd.s32 s4, s19  }
0x9c: {  	s7 =	simm.s32 $0x0;
	s20 =	sshll.u32 s5, $0x1;
	s5 =	sadd.s32 s21, s3  }
0x9d: {  	[timem:s7], [sflag:s22] =	dma.local [hbm:s5], s20  }
0x9e: {  	_ =	swait.ge [sflag:s22], s20  }
0x9f: {  	s4 =	ssub.s32 $0x0, s20;
	[sflag:s22] =	ssyncset.done $0x0  }
0xa0: {  	[sflag:s22] =	ssyncadd.s32 s4;
	_ =	sdelay $0x1  }
0xa1: {  	s23 =	simm.s32 $0x1B8B  }
0xa2: {  	_ =	swait.ge [sflag:s23], $0x1  }
0xa3: {  	[sflag:s23] =	ssyncset.done $0x0  }
0xa4: {  	s25 =	simm.s32 $0x1B8E;
	s24 =	sld [smem:$0x3FFE];
	[sflag:s23] =	ssyncadd.s32 $0xFFFFFFFF  }
0xa5: {  	s26 =	simm.s32 $execute0_lowered;
	[smem:$0x3FD2] =	sst s25  }
0xa6: {  	s5 =	sshll.u32 s26, $0x1;
	_ =	strace $0x80000046;
	[dreg:$0x1] =	wrdreg $0xFFFFFFFF  }
0xa7: {  	s28 =	simm.s32 $_size_execute0_lowered;
	s3 =	sadd.s32 s3, s5;
	[dreg:$0x0] =	wrdreg $0x0  }
0xa8: {  	s5 =	sshll.u32 s28, $0x1;
	[dreg:$0x2] =	wrdreg s3  }
0xa9: {  	[dreg:$0x3] =	wrdreg s5  }
0xaa: {  	[dreg:$0x4] =	wrdreg $0xC0  }
0xab: {  	_ =	task [dreg:s7], $0x5FFFF  }
0xac: {  	[dreg:$0x1] =	wrdreg $0xFFFFFFFF  }
0xad: {  	[dreg:$0x0] =	wrdreg $0x60  }
0xae: {  	[dreg:$0x2] =	wrdreg s2  }
0xaf: {  	[dreg:$0x3] =	wrdreg s24  }
0xb0: {  	[dreg:$0x4] =	wrdreg $0xB0000  }
0xb1: {  	[dreg:$0x5] =	wrdreg $0x9  }
0xb2: {  	_ =	task.clear_ibuf [dreg:s7], $0x6FFFF;
	_ =	strace $0x90000046  }
0xb3: {  	s29 =	simm.s32 $0x9;
	_ =	strace $0x80000048  }
0xb4: {  	_ =	swait.ge [sflag:s29], $0x1  }
0xb5: {  	[sflag:s29] =	ssyncadd.s32 $0xFFFFFFFF  }
0xb6: {  	_ =	strace $0x90000048  }
0xb7: {  	_ =	sfence  }
0xb8: {  	s30 =	sld [smem:$0x0];
	_ =	sdelay $0x2  }
0xb9: {  	s31 =	sshll.u32 s1, $0xD;
	s1 =	sshrl.u32 s1, $0x2  }
0xba: {  	s3 =	sand.u32 $0x4000, s31;
	s1 =	sadd.s32 s1, s30  }
0xbb: {  	s0 =	sor.u32 s3, s0;
	s1 =	sshll.u32 s1, $0x11  }
0xbc: {  	s0 =	sor.u32 s1, s0  }
0xbd: {  	s0 =	sadd.s32 $0x8F2B, s0  }
0xbe: {  	[sflag:s0] =	ssyncadd.remote.s32 $0x1  }
0xbf: {  	_ =	sfence.sel $0xFFFF  }
0xc0: {  	[dreg:$0x0] =	wrdreg $0xFFFFFFFF;
	(pc) =	sbr.abs _section_cstart, $3  }
0xc1: {  	[dreg:$0x1] =	wrdreg $0xFFFFFFFF  }
0xc2: {  	_ =	task.clear_ibuf [dreg:s7], $0x2FFFF;
	_ =	strace $0x9FFFFFFF  }
0xc3: {  	(tm) =	ssettm $0x7FFFFFFF  }
tec
execute0_lowered:
.L_overlay_start_1:
0x0: {  	(tag) =	ssettag $0x1  }
0x1: {  	s0 =	srdreg.scid;
	s2 =	rddreg [dreg:$0x0]  }
0x2: {  	s10 =	stileid.u32;
	s6 =	rddreg [dreg:$0x1]  }
0x3: {  	s3 =	rddreg [dreg:$0x2];
	s4 =	simm.s32 $0x0;
	s28 =	simm.s32 $0x200  }
0x4: {  	s29 =	simm.s32 $0x7000;
	s30 =	simm.s32 $0x1;
	s1 =	smul.u32 $0x50, s10  }
0x5: {  	s31 =	simm.s32 $0x400;
	s0 =	sand.u32 $0x1, s0;
	s12 =	smul.u32 $0x500, s10  }
0x6: {  	[smem:$0x7FF] =	sst s4;
	s13 =	sshll.u32 s10, $0x7;
	s10 =	smul.u32 $0x280, s10  }
0x7: {  	s11 =	sadd.s32 $0x12400, s6;
	s14 =	sadd.s32 $0x13400, s6;
	s5 =	smul.u32 $0x500, s0  }
0x8: {  	_ =	strace $0x80000047;
	s8 =	smul.u32 $0x2800, s0;
	s9 =	sadd.s32 s13, s6  }
0x9: {  	[dreg:$0x4] =	wrdreg s11;
	s0 =	ssub.s32 $0x2, s0;
	s11 =	simm.s32 $0x700  }
0xa: {  	s13 =	simm.s32 $0x0;
	s7 =	sadd.s32 s12, s6;
	s12 =	sshrl.u32 s0, $0x1  }
0xb: {  	s9 =	sadd.s32 $0x2C00, s9;
	s1 =	sadd.s32 s1, s5;
	s5 =	sadd.s32 $0x12C00, s6  }
0xc: {  	s8 =	sadd.s32 s10, s8;
	s0 =	ssub.s32 s0, s12;
	[dreg:$0x5] =	wrdreg s9  }
0xd: {  	s7 =	sadd.s32 $0x3400, s7;
	s9 =	simm.s32 $0x580;
	s10 =	simm.s32 $0x600  }
0xe: {  	s12 =	simm.s32 $0x780;
	s1 =	sshll.u32 s1, $0x4;
	s8 =	sshll.u32 s8, $0x4  }
0xf: {  	[dreg:$0x6] =	wrdreg s7;
	s7 =	simm.s32 $0x500;
	s1 =	sadd.s32 s1, s6  }
0x10: {  	s6 =	sadd.s32 $0x63400, s6;
	s16 =	sadd.s32 $0x800, s8;
	s23 =	sadd.s32 s14, s8  }
0x11: {  	s18 =	sadd.s32 $0x1000, s8;
	s15 =	sadd.s32 s6, s8;
	[dreg:$0xc] =	wrdreg s23  }
0x12: {  	s19 =	sadd.s32 $0x1800, s8;
	s17 =	sadd.s32 s6, s16;
	[dreg:$0x7] =	wrdreg s15  }
0x13: {  	s22 =	sadd.s32 $0x2000, s8;
	s20 =	sadd.s32 s6, s18;
	[dreg:$0x8] =	wrdreg s17  }
0x14: {  	s21 =	sadd.s32 s6, s19;
	s6 =	sadd.s32 s6, s22;
	[dreg:$0x9] =	wrdreg s20  }
0x15: {  	s24 =	sadd.s32 s14, s16;
	s25 =	sadd.s32 s14, s18;
	[dreg:$0xa] =	wrdreg s21  }
0x16: {  	s26 =	sadd.s32 s14, s19;
	s18 =	sadd.s32 s14, s22;
	[dreg:$0xb] =	wrdreg s6  }
0x17: {  	s19 =	smax.u32 s0, $0x1;
	s23 =	simm.s32 $0x3000;
	[dreg:$0xd] =	wrdreg s24  }
0x18: {  	s0 =	simm.s32 $0x2;
	s8 =	simm.s32 $0x4;
	[dreg:$0xe] =	wrdreg s25  }
0x19: {  	s22 =	simm.s32 $0x680;
	[dreg:$0xf] =	wrdreg s26;
	s15 =	sadd.s32 $0x8400, s1  }
0x1a: {  	s21 =	simm.s32 $0x5;
	s24 =	simm.s32 $0x80;
	s25 =	simm.s32 $0x100  }
0x1b: {  	s26 =	simm.s32 $0x180;
	s1 =	simm.s32 $0x480;
	s6 =	simm.s32 $0x3  }
.LBB2_1:
0x1c: {  	s14 =	rddreg [dreg:$0x5]  }
0x1d: {  	[tilespmem:s4], [sflag:$0x5] =	stream.linear.gather [hbm4b:s14+s4], $0x280, $0x38;
	[tilespmem:$0x1F000] =	vst v63  }
0x1e: {  	_ =	swait.ge [sflag:s21], $0x280  }
0x1f: {  	[sflag:s21] =	ssyncset.done $0x0  }
0x20: {  	s16 =	simm.s32 $0x800;
	s17 =	rddreg [dreg:$0x6];
	[sflag:s21] =	ssyncadd.s32 $0xFFFFFD80  }
0x21: {  	[tilespmem:s16], [sflag:$0x5] =	stream.linear.gather [hbm4b:s17+s4], $0x2800, $0x38;
	[tilespmem:$0x1F000] =	vst v63  }
0x22: {  	_ =	swait.ge [sflag:s21], $0x2800  }
0x23: {  	[sflag:s21] =	ssyncset.done $0x0  }
0x24: {  	[sflag:s21] =	ssyncadd.s32 $0xFFFFD800  }
0x25: {  	[tilespmem:s23], [sflag:$0x5] =	stream.linear.gather [hbm4b:s5+s4], $0x4000, $0x38;
	[tilespmem:$0x1F000] =	vst v63  }
0x26: {  	_ =	swait.ge [sflag:s21], $0x4000  }
0x27: {  	[sflag:s21] =	ssyncset.done $0x0  }
0x28: {  	[sflag:s21] =	ssyncadd.s32 $0xFFFFC000  }
0x29: {  	[spmem:s3] =	stream.indirect.scatter [tilespmem:s23], [sflag:$0x5], $0x80, s4, s24, $0xb8;
	[tilespmem:$0x1F000] =	vst v63  }
0x2a: {  	_ =	swait.ge [sflag:s21], $0x4000  }
0x2b: {  	[sflag:s21] =	ssyncset.done $0x0  }
0x2c: {  	[sflag:s21] =	ssyncadd.s32 $0xFFFFC000  }
0x2d: {  	[spmem:s3] =	stream.indirect.scatter [tilespmem:s23], [sflag:$0x5], $0x80, s24, s24, $0xb8;
	[tilespmem:$0x1F000] =	vst v63  }
0x2e: {  	_ =	swait.ge [sflag:s21], $0x4000  }
0x2f: {  	[sflag:s21] =	ssyncset.done $0x0  }
0x30: {  	[sflag:s21] =	ssyncadd.s32 $0xFFFFC000  }
0x31: {  	[spmem:s3] =	stream.indirect.scatter [tilespmem:s23], [sflag:$0x5], $0x80, s25, s24, $0xb8;
	[tilespmem:$0x1F000] =	vst v63  }
0x32: {  	_ =	swait.ge [sflag:s21], $0x4000  }
0x33: {  	[sflag:s21] =	ssyncset.done $0x0  }
0x34: {  	[sflag:s21] =	ssyncadd.s32 $0xFFFFC000  }
0x35: {  	[spmem:s3] =	stream.indirect.scatter [tilespmem:s23], [sflag:$0x5], $0x80, s26, s24, $0xb8;
	[tilespmem:$0x1F000] =	vst v63  }
0x36: {  	_ =	swait.ge [sflag:s21], $0x4000  }
0x37: {  	[sflag:s21] =	ssyncset.done $0x0  }
0x38: {  	[sflag:s21] =	ssyncadd.s32 $0xFFFFC000  }
0x39: {  	[spmem:s3] =	stream.indirect.scatter [tilespmem:s23], [sflag:$0x5], $0x80, s28, s24, $0xb8;
	[tilespmem:$0x1F000] =	vst v63  }
0x3a: {  	_ =	swait.ge [sflag:s21], $0x4000  }
0x3b: {  	[sflag:s21] =	ssyncset.done $0x0  }
0x3c: {  	s20 =	rddreg [dreg:$0x4];
	[sflag:s21] =	ssyncadd.s32 $0xFFFFC000  }
0x3d: {  	[tilespmem:s29], [sflag:$0x5] =	stream.linear.gather [hbm4b:s20+s4], $0x4000, $0x38;
	[tilespmem:$0x1F000] =	vst v63  }
0x3e: {  	_ =	swait.ge [sflag:s21], $0x4000  }
0x3f: {  	[sflag:s21] =	ssyncset.done $0x0  }
0x40: {  	[sflag:s21] =	ssyncadd.s32 $0xFFFFC000  }
0x41: {  	[bflag:$0x0] =	sbarrier.arrive $0xFFFF  }
0x42: {  	[spmem:s3] =	stream.indirect.scatter.add.f32 [tilespmem:s29], [sflag:$0x1], $0x80, s16, s24, $0xb8;
	[tilespmem:$0x1F000] =	vst v63  }
0x43: {  	s17 =	simm.s32 $0x880  }
0x44: {  	[spmem:s3] =	stream.indirect.scatter.add.f32 [tilespmem:s29], [sflag:$0x1], $0x80, s17, s24, $0xb8;
	[tilespmem:$0x1F000] =	vst v63  }
0x45: {  	s20 =	simm.s32 $0x900  }
0x46: {  	[spmem:s3] =	stream.indirect.scatter.add.f32 [tilespmem:s29], [sflag:$0x1], $0x80, s20, s24, $0xb8;
	[tilespmem:$0x1F000] =	vst v63  }
0x47: {  	s16 =	simm.s32 $0x980  }
0x48: {  	[spmem:s3] =	stream.indirect.scatter.add.f32 [tilespmem:s29], [sflag:$0x1], $0x80, s16, s24, $0xb8;
	[tilespmem:$0x1F000] =	vst v63  }
0x49: {  	s17 =	simm.s32 $0xA00  }
0x4a: {  	[spmem:s3] =	stream.indirect.scatter.add.f32 [tilespmem:s29], [sflag:$0x1], $0x80, s17, s24, $0xb8;
	[tilespmem:$0x1F000] =	vst v63  }
0x4b: {  	s20 =	simm.s32 $0xA80  }
0x4c: {  	[spmem:s3] =	stream.indirect.scatter.add.f32 [tilespmem:s29], [sflag:$0x1], $0x80, s20, s24, $0xb8;
	[tilespmem:$0x1F000] =	vst v63  }
0x4d: {  	s16 =	simm.s32 $0xB00  }
0x4e: {  	[spmem:s3] =	stream.indirect.scatter.add.f32 [tilespmem:s29], [sflag:$0x1], $0x80, s16, s24, $0xb8;
	[tilespmem:$0x1F000] =	vst v63  }
0x4f: {  	s17 =	simm.s32 $0xB80  }
0x50: {  	[spmem:s3] =	stream.indirect.scatter.add.f32 [tilespmem:s29], [sflag:$0x1], $0x80, s17, s24, $0xb8;
	[tilespmem:$0x1F000] =	vst v63  }
0x51: {  	s20 =	simm.s32 $0xC00  }
0x52: {  	[spmem:s3] =	stream.indirect.scatter.add.f32 [tilespmem:s29], [sflag:$0x1], $0x80, s20, s24, $0xb8;
	[tilespmem:$0x1F000] =	vst v63  }
0x53: {  	_ =	swait.ge [sflag:s30], $0x4000  }
0x54: {  	[sflag:s30] =	ssyncset.done $0x0  }
0x55: {  	s16 =	simm.s32 $0xC80;
	[sflag:s30] =	ssyncadd.s32 $0xFFFFC000  }
0x56: {  	[spmem:s3] =	stream.indirect.scatter.add.f32 [tilespmem:s29], [sflag:$0x1], $0x80, s16, s24, $0xb8;
	[tilespmem:$0x1F000] =	vst v63  }
0x57: {  	_ =	swait.ge [sflag:s30], $0x4000  }
0x58: {  	[sflag:s30] =	ssyncset.done $0x0  }
0x59: {  	s17 =	simm.s32 $0xD00;
	[sflag:s30] =	ssyncadd.s32 $0xFFFFC000  }
0x5a: {  	[spmem:s3] =	stream.indirect.scatter.add.f32 [tilespmem:s29], [sflag:$0x1], $0x80, s17, s24, $0xb8;
	[tilespmem:$0x1F000] =	vst v63  }
0x5b: {  	_ =	swait.ge [sflag:s30], $0x4000  }
0x5c: {  	[sflag:s30] =	ssyncset.done $0x0  }
0x5d: {  	s20 =	simm.s32 $0xD80;
	[sflag:s30] =	ssyncadd.s32 $0xFFFFC000  }
0x5e: {  	[spmem:s3] =	stream.indirect.scatter.add.f32 [tilespmem:s29], [sflag:$0x1], $0x80, s20, s24, $0xb8;
	[tilespmem:$0x1F000] =	vst v63  }
0x5f: {  	_ =	swait.ge [sflag:s30], $0x4000  }
0x60: {  	[sflag:s30] =	ssyncset.done $0x0  }
0x61: {  	s16 =	simm.s32 $0xE00;
	[sflag:s30] =	ssyncadd.s32 $0xFFFFC000  }
0x62: {  	[spmem:s3] =	stream.indirect.scatter.add.f32 [tilespmem:s29], [sflag:$0x1], $0x80, s16, s24, $0xb8;
	[tilespmem:$0x1F000] =	vst v63  }
0x63: {  	_ =	swait.ge [sflag:s30], $0x4000  }
0x64: {  	[sflag:s30] =	ssyncset.done $0x0  }
0x65: {  	s17 =	simm.s32 $0xE80;
	[sflag:s30] =	ssyncadd.s32 $0xFFFFC000  }
0x66: {  	[spmem:s3] =	stream.indirect.scatter.add.f32 [tilespmem:s29], [sflag:$0x1], $0x80, s17, s24, $0xb8;
	[tilespmem:$0x1F000] =	vst v63  }
0x67: {  	_ =	swait.ge [sflag:s30], $0x4000  }
0x68: {  	[sflag:s30] =	ssyncset.done $0x0  }
0x69: {  	s20 =	simm.s32 $0xF00;
	[sflag:s30] =	ssyncadd.s32 $0xFFFFC000  }
0x6a: {  	[spmem:s3] =	stream.indirect.scatter.add.f32 [tilespmem:s29], [sflag:$0x1], $0x80, s20, s24, $0xb8;
	[tilespmem:$0x1F000] =	vst v63  }
0x6b: {  	_ =	swait.ge [sflag:s30], $0x4000  }
0x6c: {  	[sflag:s30] =	ssyncset.done $0x0  }
0x6d: {  	s16 =	simm.s32 $0xF80;
	[sflag:s30] =	ssyncadd.s32 $0xFFFFC000  }
0x6e: {  	[spmem:s3] =	stream.indirect.scatter.add.f32 [tilespmem:s29], [sflag:$0x1], $0x80, s16, s24, $0xb8;
	[tilespmem:$0x1F000] =	vst v63  }
0x6f: {  	_ =	swait.ge [sflag:s30], $0x4000  }
0x70: {  	[sflag:s30] =	ssyncset.done $0x0  }
0x71: {  	s17 =	simm.s32 $0x1000;
	[sflag:s30] =	ssyncadd.s32 $0xFFFFC000  }
0x72: {  	[spmem:s3] =	stream.indirect.scatter.add.f32 [tilespmem:s29], [sflag:$0x1], $0x80, s17, s24, $0xb8;
	[tilespmem:$0x1F000] =	vst v63  }
0x73: {  	_ =	swait.ge [sflag:s30], $0x4000  }
0x74: {  	[sflag:s30] =	ssyncset.done $0x0  }
0x75: {  	s20 =	simm.s32 $0x1080;
	[sflag:s30] =	ssyncadd.s32 $0xFFFFC000  }
0x76: {  	[spmem:s3] =	stream.indirect.scatter.add.f32 [tilespmem:s29], [sflag:$0x1], $0x80, s20, s24, $0xb8;
	[tilespmem:$0x1F000] =	vst v63  }
0x77: {  	_ =	swait.ge [sflag:s30], $0x4000  }
0x78: {  	[sflag:s30] =	ssyncset.done $0x0  }
0x79: {  	s16 =	simm.s32 $0x1100;
	[sflag:s30] =	ssyncadd.s32 $0xFFFFC000  }
0x7a: {  	[spmem:s3] =	stream.indirect.scatter.add.f32 [tilespmem:s29], [sflag:$0x1], $0x80, s16, s24, $0xb8;
	[tilespmem:$0x1F000] =	vst v63  }
0x7b: {  	_ =	swait.ge [sflag:s30], $0x4000  }
0x7c: {  	[sflag:s30] =	ssyncset.done $0x0  }
0x7d: {  	s17 =	simm.s32 $0x1180;
	[sflag:s30] =	ssyncadd.s32 $0xFFFFC000  }
0x7e: {  	[spmem:s3] =	stream.indirect.scatter.add.f32 [tilespmem:s29], [sflag:$0x1], $0x80, s17, s24, $0xb8;
	[tilespmem:$0x1F000] =	vst v63  }
0x7f: {  	_ =	swait.ge [sflag:s30], $0x4000  }
0x80: {  	[sflag:s30] =	ssyncset.done $0x0  }
0x81: {  	s20 =	simm.s32 $0x1200;
	[sflag:s30] =	ssyncadd.s32 $0xFFFFC000  }
0x82: {  	[spmem:s3] =	stream.indirect.scatter.add.f32 [tilespmem:s29], [sflag:$0x1], $0x80, s20, s24, $0xb8;
	[tilespmem:$0x1F000] =	vst v63  }
0x83: {  	_ =	swait.ge [sflag:s30], $0x4000  }
0x84: {  	[sflag:s30] =	ssyncset.done $0x0  }
0x85: {  	s16 =	simm.s32 $0x1280;
	[sflag:s30] =	ssyncadd.s32 $0xFFFFC000  }
0x86: {  	[spmem:s3] =	stream.indirect.scatter.add.f32 [tilespmem:s29], [sflag:$0x1], $0x80, s16, s24, $0xb8;
	[tilespmem:$0x1F000] =	vst v63  }
0x87: {  	_ =	swait.ge [sflag:s30], $0x4000  }
0x88: {  	[sflag:s30] =	ssyncset.done $0x0  }
0x89: {  	s17 =	simm.s32 $0x1300;
	[sflag:s30] =	ssyncadd.s32 $0xFFFFC000  }
0x8a: {  	[spmem:s3] =	stream.indirect.scatter.add.f32 [tilespmem:s29], [sflag:$0x1], $0x80, s17, s24, $0xb8;
	[tilespmem:$0x1F000] =	vst v63  }
0x8b: {  	_ =	swait.ge [sflag:s30], $0x4000  }
0x8c: {  	[sflag:s30] =	ssyncset.done $0x0  }
0x8d: {  	s20 =	simm.s32 $0x1380;
	[sflag:s30] =	ssyncadd.s32 $0xFFFFC000  }
0x8e: {  	[spmem:s3] =	stream.indirect.scatter.add.f32 [tilespmem:s29], [sflag:$0x1], $0x80, s20, s24, $0xb8;
	[tilespmem:$0x1F000] =	vst v63  }
0x8f: {  	_ =	swait.ge [sflag:s30], $0x4000  }
0x90: {  	[sflag:s30] =	ssyncset.done $0x0  }
0x91: {  	s16 =	simm.s32 $0x1400;
	[sflag:s30] =	ssyncadd.s32 $0xFFFFC000  }
0x92: {  	[spmem:s3] =	stream.indirect.scatter.add.f32 [tilespmem:s29], [sflag:$0x1], $0x80, s16, s24, $0xb8;
	[tilespmem:$0x1F000] =	vst v63  }
0x93: {  	_ =	swait.ge [sflag:s30], $0x4000  }
0x94: {  	[sflag:s30] =	ssyncset.done $0x0  }
0x95: {  	s17 =	simm.s32 $0x1480;
	[sflag:s30] =	ssyncadd.s32 $0xFFFFC000  }
0x96: {  	[spmem:s3] =	stream.indirect.scatter.add.f32 [tilespmem:s29], [sflag:$0x1], $0x80, s17, s24, $0xb8;
	[tilespmem:$0x1F000] =	vst v63  }
0x97: {  	_ =	swait.ge [sflag:s30], $0x4000  }
0x98: {  	[sflag:s30] =	ssyncset.done $0x0  }
0x99: {  	s20 =	simm.s32 $0x1500;
	[sflag:s30] =	ssyncadd.s32 $0xFFFFC000  }
0x9a: {  	[spmem:s3] =	stream.indirect.scatter.add.f32 [tilespmem:s29], [sflag:$0x1], $0x80, s20, s24, $0xb8;
	[tilespmem:$0x1F000] =	vst v63  }
0x9b: {  	_ =	swait.ge [sflag:s30], $0x4000  }
0x9c: {  	[sflag:s30] =	ssyncset.done $0x0  }
0x9d: {  	s16 =	simm.s32 $0x1580;
	[sflag:s30] =	ssyncadd.s32 $0xFFFFC000  }
0x9e: {  	[spmem:s3] =	stream.indirect.scatter.add.f32 [tilespmem:s29], [sflag:$0x1], $0x80, s16, s24, $0xb8;
	[tilespmem:$0x1F000] =	vst v63  }
0x9f: {  	_ =	swait.ge [sflag:s30], $0x4000  }
0xa0: {  	[sflag:s30] =	ssyncset.done $0x0  }
0xa1: {  	s17 =	simm.s32 $0x1600;
	[sflag:s30] =	ssyncadd.s32 $0xFFFFC000  }
0xa2: {  	[spmem:s3] =	stream.indirect.scatter.add.f32 [tilespmem:s29], [sflag:$0x1], $0x80, s17, s24, $0xb8;
	[tilespmem:$0x1F000] =	vst v63  }
0xa3: {  	_ =	swait.ge [sflag:s30], $0x4000  }
0xa4: {  	[sflag:s30] =	ssyncset.done $0x0  }
0xa5: {  	s20 =	simm.s32 $0x1680;
	[sflag:s30] =	ssyncadd.s32 $0xFFFFC000  }
0xa6: {  	[spmem:s3] =	stream.indirect.scatter.add.f32 [tilespmem:s29], [sflag:$0x1], $0x80, s20, s24, $0xb8;
	[tilespmem:$0x1F000] =	vst v63  }
0xa7: {  	_ =	swait.ge [sflag:s30], $0x4000  }
0xa8: {  	[sflag:s30] =	ssyncset.done $0x0  }
0xa9: {  	s16 =	simm.s32 $0x1700;
	[sflag:s30] =	ssyncadd.s32 $0xFFFFC000  }
0xaa: {  	[spmem:s3] =	stream.indirect.scatter.add.f32 [tilespmem:s29], [sflag:$0x1], $0x80, s16, s24, $0xb8;
	[tilespmem:$0x1F000] =	vst v63  }
0xab: {  	_ =	swait.ge [sflag:s30], $0x4000  }
0xac: {  	[sflag:s30] =	ssyncset.done $0x0  }
0xad: {  	s17 =	simm.s32 $0x1780;
	[sflag:s30] =	ssyncadd.s32 $0xFFFFC000  }
0xae: {  	[spmem:s3] =	stream.indirect.scatter.add.f32 [tilespmem:s29], [sflag:$0x1], $0x80, s17, s24, $0xb8;
	[tilespmem:$0x1F000] =	vst v63  }
0xaf: {  	_ =	swait.ge [sflag:s30], $0x4000  }
0xb0: {  	[sflag:s30] =	ssyncset.done $0x0  }
0xb1: {  	s20 =	simm.s32 $0x1800;
	[sflag:s30] =	ssyncadd.s32 $0xFFFFC000  }
0xb2: {  	[spmem:s3] =	stream.indirect.scatter.add.f32 [tilespmem:s29], [sflag:$0x1], $0x80, s20, s24, $0xb8;
	[tilespmem:$0x1F000] =	vst v63  }
0xb3: {  	_ =	swait.ge [sflag:s30], $0x4000  }
0xb4: {  	[sflag:s30] =	ssyncset.done $0x0  }
0xb5: {  	s16 =	simm.s32 $0x1880;
	[sflag:s30] =	ssyncadd.s32 $0xFFFFC000  }
0xb6: {  	[spmem:s3] =	stream.indirect.scatter.add.f32 [tilespmem:s29], [sflag:$0x1], $0x80, s16, s24, $0xb8;
	[tilespmem:$0x1F000] =	vst v63  }
0xb7: {  	_ =	swait.ge [sflag:s30], $0x4000  }
0xb8: {  	[sflag:s30] =	ssyncset.done $0x0  }
0xb9: {  	s17 =	simm.s32 $0x1900;
	[sflag:s30] =	ssyncadd.s32 $0xFFFFC000  }
0xba: {  	[spmem:s3] =	stream.indirect.scatter.add.f32 [tilespmem:s29], [sflag:$0x1], $0x80, s17, s24, $0xb8;
	[tilespmem:$0x1F000] =	vst v63  }
0xbb: {  	_ =	swait.ge [sflag:s30], $0x4000  }
0xbc: {  	[sflag:s30] =	ssyncset.done $0x0  }
0xbd: {  	s20 =	simm.s32 $0x1980;
	[sflag:s30] =	ssyncadd.s32 $0xFFFFC000  }
0xbe: {  	[spmem:s3] =	stream.indirect.scatter.add.f32 [tilespmem:s29], [sflag:$0x1], $0x80, s20, s24, $0xb8;
	[tilespmem:$0x1F000] =	vst v63  }
0xbf: {  	_ =	swait.ge [sflag:s30], $0x4000  }
0xc0: {  	[sflag:s30] =	ssyncset.done $0x0  }
0xc1: {  	s16 =	simm.s32 $0x1A00;
	[sflag:s30] =	ssyncadd.s32 $0xFFFFC000  }
0xc2: {  	[spmem:s3] =	stream.indirect.scatter.add.f32 [tilespmem:s29], [sflag:$0x1], $0x80, s16, s24, $0xb8;
	[tilespmem:$0x1F000] =	vst v63  }
0xc3: {  	_ =	swait.ge [sflag:s30], $0x4000  }
0xc4: {  	[sflag:s30] =	ssyncset.done $0x0  }
0xc5: {  	s17 =	simm.s32 $0x1A80;
	[sflag:s30] =	ssyncadd.s32 $0xFFFFC000  }
0xc6: {  	[spmem:s3] =	stream.indirect.scatter.add.f32 [tilespmem:s29], [sflag:$0x1], $0x80, s17, s24, $0xb8;
	[tilespmem:$0x1F000] =	vst v63  }
0xc7: {  	_ =	swait.ge [sflag:s30], $0x4000  }
0xc8: {  	[sflag:s30] =	ssyncset.done $0x0  }
0xc9: {  	s20 =	simm.s32 $0x1B00;
	[sflag:s30] =	ssyncadd.s32 $0xFFFFC000  }
0xca: {  	[spmem:s3] =	stream.indirect.scatter.add.f32 [tilespmem:s29], [sflag:$0x1], $0x80, s20, s24, $0xb8;
	[tilespmem:$0x1F000] =	vst v63  }
0xcb: {  	_ =	swait.ge [sflag:s30], $0x4000  }
0xcc: {  	[sflag:s30] =	ssyncset.done $0x0  }
0xcd: {  	s16 =	simm.s32 $0x1B80;
	[sflag:s30] =	ssyncadd.s32 $0xFFFFC000  }
0xce: {  	[spmem:s3] =	stream.indirect.scatter.add.f32 [tilespmem:s29], [sflag:$0x1], $0x80, s16, s24, $0xb8;
	[tilespmem:$0x1F000] =	vst v63  }
0xcf: {  	_ =	swait.ge [sflag:s30], $0x4000  }
0xd0: {  	[sflag:s30] =	ssyncset.done $0x0  }
0xd1: {  	s17 =	simm.s32 $0x1C00;
	[sflag:s30] =	ssyncadd.s32 $0xFFFFC000  }
0xd2: {  	[spmem:s3] =	stream.indirect.scatter.add.f32 [tilespmem:s29], [sflag:$0x1], $0x80, s17, s24, $0xb8;
	[tilespmem:$0x1F000] =	vst v63  }
0xd3: {  	_ =	swait.ge [sflag:s30], $0x4000  }
0xd4: {  	[sflag:s30] =	ssyncset.done $0x0  }
0xd5: {  	s20 =	simm.s32 $0x1C80;
	[sflag:s30] =	ssyncadd.s32 $0xFFFFC000  }
0xd6: {  	[spmem:s3] =	stream.indirect.scatter.add.f32 [tilespmem:s29], [sflag:$0x1], $0x80, s20, s24, $0xb8;
	[tilespmem:$0x1F000] =	vst v63  }
0xd7: {  	_ =	swait.ge [sflag:s30], $0x4000  }
0xd8: {  	[sflag:s30] =	ssyncset.done $0x0  }
0xd9: {  	s16 =	simm.s32 $0x1D00;
	[sflag:s30] =	ssyncadd.s32 $0xFFFFC000  }
0xda: {  	[spmem:s3] =	stream.indirect.scatter.add.f32 [tilespmem:s29], [sflag:$0x1], $0x80, s16, s24, $0xb8;
	[tilespmem:$0x1F000] =	vst v63  }
0xdb: {  	_ =	swait.ge [sflag:s30], $0x4000  }
0xdc: {  	[sflag:s30] =	ssyncset.done $0x0  }
0xdd: {  	s17 =	simm.s32 $0x1D80;
	[sflag:s30] =	ssyncadd.s32 $0xFFFFC000  }
0xde: {  	[spmem:s3] =	stream.indirect.scatter.add.f32 [tilespmem:s29], [sflag:$0x1], $0x80, s17, s24, $0xb8;
	[tilespmem:$0x1F000] =	vst v63  }
0xdf: {  	_ =	swait.ge [sflag:s30], $0x4000  }
0xe0: {  	[sflag:s30] =	ssyncset.done $0x0  }
0xe1: {  	s20 =	simm.s32 $0x1E00;
	[sflag:s30] =	ssyncadd.s32 $0xFFFFC000  }
0xe2: {  	[spmem:s3] =	stream.indirect.scatter.add.f32 [tilespmem:s29], [sflag:$0x1], $0x80, s20, s24, $0xb8;
	[tilespmem:$0x1F000] =	vst v63  }
0xe3: {  	_ =	swait.ge [sflag:s30], $0x4000  }
0xe4: {  	[sflag:s30] =	ssyncset.done $0x0  }
0xe5: {  	s16 =	simm.s32 $0x1E80;
	[sflag:s30] =	ssyncadd.s32 $0xFFFFC000  }
0xe6: {  	[spmem:s3] =	stream.indirect.scatter.add.f32 [tilespmem:s29], [sflag:$0x1], $0x80, s16, s24, $0xb8;
	[tilespmem:$0x1F000] =	vst v63  }
0xe7: {  	_ =	swait.ge [sflag:s30], $0x4000  }
0xe8: {  	[sflag:s30] =	ssyncset.done $0x0  }
0xe9: {  	s17 =	simm.s32 $0x1F00;
	[sflag:s30] =	ssyncadd.s32 $0xFFFFC000  }
0xea: {  	[spmem:s3] =	stream.indirect.scatter.add.f32 [tilespmem:s29], [sflag:$0x1], $0x80, s17, s24, $0xb8;
	[tilespmem:$0x1F000] =	vst v63  }
0xeb: {  	_ =	swait.ge [sflag:s30], $0x4000  }
0xec: {  	[sflag:s30] =	ssyncset.done $0x0  }
0xed: {  	s20 =	simm.s32 $0x1F80;
	[sflag:s30] =	ssyncadd.s32 $0xFFFFC000  }
0xee: {  	[spmem:s3] =	stream.indirect.scatter.add.f32 [tilespmem:s29], [sflag:$0x1], $0x80, s20, s24, $0xb8;
	[tilespmem:$0x1F000] =	vst v63  }
0xef: {  	_ =	swait.ge [sflag:s30], $0x4000  }
0xf0: {  	[sflag:s30] =	ssyncset.done $0x0  }
0xf1: {  	s16 =	simm.s32 $0x2000;
	[sflag:s30] =	ssyncadd.s32 $0xFFFFC000  }
0xf2: {  	[spmem:s3] =	stream.indirect.scatter.add.f32 [tilespmem:s29], [sflag:$0x1], $0x80, s16, s24, $0xb8;
	[tilespmem:$0x1F000] =	vst v63  }
0xf3: {  	_ =	swait.ge [sflag:s30], $0x4000  }
0xf4: {  	[sflag:s30] =	ssyncset.done $0x0  }
0xf5: {  	s17 =	simm.s32 $0x2080;
	[sflag:s30] =	ssyncadd.s32 $0xFFFFC000  }
0xf6: {  	[spmem:s3] =	stream.indirect.scatter.add.f32 [tilespmem:s29], [sflag:$0x1], $0x80, s17, s24, $0xb8;
	[tilespmem:$0x1F000] =	vst v63  }
0xf7: {  	_ =	swait.ge [sflag:s30], $0x4000  }
0xf8: {  	[sflag:s30] =	ssyncset.done $0x0  }
0xf9: {  	s20 =	simm.s32 $0x2100;
	[sflag:s30] =	ssyncadd.s32 $0xFFFFC000  }
0xfa: {  	[spmem:s3] =	stream.indirect.scatter.add.f32 [tilespmem:s29], [sflag:$0x1], $0x80, s20, s24, $0xb8;
	[tilespmem:$0x1F000] =	vst v63  }
0xfb: {  	_ =	swait.ge [sflag:s30], $0x4000  }
0xfc: {  	[sflag:s30] =	ssyncset.done $0x0  }
0xfd: {  	s16 =	simm.s32 $0x2180;
	[sflag:s30] =	ssyncadd.s32 $0xFFFFC000  }
0xfe: {  	[spmem:s3] =	stream.indirect.scatter.add.f32 [tilespmem:s29], [sflag:$0x1], $0x80, s16, s24, $0xb8;
	[tilespmem:$0x1F000] =	vst v63  }
0xff: {  	_ =	swait.ge [sflag:s30], $0x4000  }
0x100: {  	[sflag:s30] =	ssyncset.done $0x0  }
0x101: {  	s17 =	simm.s32 $0x2200;
	[sflag:s30] =	ssyncadd.s32 $0xFFFFC000  }
0x102: {  	[spmem:s3] =	stream.indirect.scatter.add.f32 [tilespmem:s29], [sflag:$0x1], $0x80, s17, s24, $0xb8;
	[tilespmem:$0x1F000] =	vst v63  }
0x103: {  	_ =	swait.ge [sflag:s30], $0x4000  }
0x104: {  	[sflag:s30] =	ssyncset.done $0x0  }
0x105: {  	s20 =	simm.s32 $0x2280;
	[sflag:s30] =	ssyncadd.s32 $0xFFFFC000  }
0x106: {  	[spmem:s3] =	stream.indirect.scatter.add.f32 [tilespmem:s29], [sflag:$0x1], $0x80, s20, s24, $0xb8;
	[tilespmem:$0x1F000] =	vst v63  }
0x107: {  	_ =	swait.ge [sflag:s30], $0x4000  }
0x108: {  	[sflag:s30] =	ssyncset.done $0x0  }
0x109: {  	s16 =	simm.s32 $0x2300;
	[sflag:s30] =	ssyncadd.s32 $0xFFFFC000  }
0x10a: {  	[spmem:s3] =	stream.indirect.scatter.add.f32 [tilespmem:s29], [sflag:$0x1], $0x80, s16, s24, $0xb8;
	[tilespmem:$0x1F000] =	vst v63  }
0x10b: {  	_ =	swait.ge [sflag:s30], $0x4000  }
0x10c: {  	[sflag:s30] =	ssyncset.done $0x0  }
0x10d: {  	s17 =	simm.s32 $0x2380;
	[sflag:s30] =	ssyncadd.s32 $0xFFFFC000  }
0x10e: {  	[spmem:s3] =	stream.indirect.scatter.add.f32 [tilespmem:s29], [sflag:$0x1], $0x80, s17, s24, $0xb8;
	[tilespmem:$0x1F000] =	vst v63  }
0x10f: {  	_ =	swait.ge [sflag:s30], $0x4000  }
0x110: {  	[sflag:s30] =	ssyncset.done $0x0  }
0x111: {  	s20 =	simm.s32 $0x2400;
	[sflag:s30] =	ssyncadd.s32 $0xFFFFC000  }
0x112: {  	[spmem:s3] =	stream.indirect.scatter.add.f32 [tilespmem:s29], [sflag:$0x1], $0x80, s20, s24, $0xb8;
	[tilespmem:$0x1F000] =	vst v63  }
0x113: {  	_ =	swait.ge [sflag:s30], $0x4000  }
0x114: {  	[sflag:s30] =	ssyncset.done $0x0  }
0x115: {  	s16 =	simm.s32 $0x2480;
	[sflag:s30] =	ssyncadd.s32 $0xFFFFC000  }
0x116: {  	[spmem:s3] =	stream.indirect.scatter.add.f32 [tilespmem:s29], [sflag:$0x1], $0x80, s16, s24, $0xb8;
	[tilespmem:$0x1F000] =	vst v63  }
0x117: {  	_ =	swait.ge [sflag:s30], $0x4000  }
0x118: {  	[sflag:s30] =	ssyncset.done $0x0  }
0x119: {  	s17 =	simm.s32 $0x2500;
	[sflag:s30] =	ssyncadd.s32 $0xFFFFC000  }
0x11a: {  	[spmem:s3] =	stream.indirect.scatter.add.f32 [tilespmem:s29], [sflag:$0x1], $0x80, s17, s24, $0xb8;
	[tilespmem:$0x1F000] =	vst v63  }
0x11b: {  	_ =	swait.ge [sflag:s30], $0x4000  }
0x11c: {  	[sflag:s30] =	ssyncset.done $0x0  }
0x11d: {  	s20 =	simm.s32 $0x2580;
	[sflag:s30] =	ssyncadd.s32 $0xFFFFC000  }
0x11e: {  	[spmem:s3] =	stream.indirect.scatter.add.f32 [tilespmem:s29], [sflag:$0x1], $0x80, s20, s24, $0xb8;
	[tilespmem:$0x1F000] =	vst v63  }
0x11f: {  	_ =	swait.ge [sflag:s30], $0x4000  }
0x120: {  	[sflag:s30] =	ssyncset.done $0x0  }
0x121: {  	s16 =	simm.s32 $0x2600;
	[sflag:s30] =	ssyncadd.s32 $0xFFFFC000  }
0x122: {  	[spmem:s3] =	stream.indirect.scatter.add.f32 [tilespmem:s29], [sflag:$0x1], $0x80, s16, s24, $0xb8;
	[tilespmem:$0x1F000] =	vst v63  }
0x123: {  	_ =	swait.ge [sflag:s30], $0x4000  }
0x124: {  	[sflag:s30] =	ssyncset.done $0x0  }
0x125: {  	s17 =	simm.s32 $0x2680;
	[sflag:s30] =	ssyncadd.s32 $0xFFFFC000  }
0x126: {  	[spmem:s3] =	stream.indirect.scatter.add.f32 [tilespmem:s29], [sflag:$0x1], $0x80, s17, s24, $0xb8;
	[tilespmem:$0x1F000] =	vst v63  }
0x127: {  	_ =	swait.ge [sflag:s30], $0x4000  }
0x128: {  	[sflag:s30] =	ssyncset.done $0x0  }
0x129: {  	s20 =	simm.s32 $0x2700;
	[sflag:s30] =	ssyncadd.s32 $0xFFFFC000  }
0x12a: {  	[spmem:s3] =	stream.indirect.scatter.add.f32 [tilespmem:s29], [sflag:$0x1], $0x80, s20, s24, $0xb8;
	[tilespmem:$0x1F000] =	vst v63  }
0x12b: {  	_ =	swait.ge [sflag:s30], $0x4000  }
0x12c: {  	[sflag:s30] =	ssyncset.done $0x0  }
0x12d: {  	s16 =	simm.s32 $0x2780;
	[sflag:s30] =	ssyncadd.s32 $0xFFFFC000  }
0x12e: {  	[spmem:s3] =	stream.indirect.scatter.add.f32 [tilespmem:s29], [sflag:$0x1], $0x80, s16, s24, $0xb8;
	[tilespmem:$0x1F000] =	vst v63  }
0x12f: {  	_ =	swait.ge [sflag:s30], $0x4000  }
0x130: {  	[sflag:s30] =	ssyncset.done $0x0  }
0x131: {  	s17 =	simm.s32 $0x2800;
	[sflag:s30] =	ssyncadd.s32 $0xFFFFC000  }
0x132: {  	[spmem:s3] =	stream.indirect.scatter.add.f32 [tilespmem:s29], [sflag:$0x1], $0x80, s17, s24, $0xb8;
	[tilespmem:$0x1F000] =	vst v63  }
0x133: {  	_ =	swait.ge [sflag:s30], $0x4000  }
0x134: {  	[sflag:s30] =	ssyncset.done $0x0  }
0x135: {  	s20 =	simm.s32 $0x2880;
	[sflag:s30] =	ssyncadd.s32 $0xFFFFC000  }
0x136: {  	[spmem:s3] =	stream.indirect.scatter.add.f32 [tilespmem:s29], [sflag:$0x1], $0x80, s20, s24, $0xb8;
	[tilespmem:$0x1F000] =	vst v63  }
0x137: {  	_ =	swait.ge [sflag:s30], $0x4000  }
0x138: {  	[sflag:s30] =	ssyncset.done $0x0  }
0x139: {  	s16 =	simm.s32 $0x2900;
	[sflag:s30] =	ssyncadd.s32 $0xFFFFC000  }
0x13a: {  	[spmem:s3] =	stream.indirect.scatter.add.f32 [tilespmem:s29], [sflag:$0x1], $0x80, s16, s24, $0xb8;
	[tilespmem:$0x1F000] =	vst v63  }
0x13b: {  	_ =	swait.ge [sflag:s30], $0x4000  }
0x13c: {  	[sflag:s30] =	ssyncset.done $0x0  }
0x13d: {  	s17 =	simm.s32 $0x2980;
	[sflag:s30] =	ssyncadd.s32 $0xFFFFC000  }
0x13e: {  	[spmem:s3] =	stream.indirect.scatter.add.f32 [tilespmem:s29], [sflag:$0x1], $0x80, s17, s24, $0xb8;
	[tilespmem:$0x1F000] =	vst v63  }
0x13f: {  	_ =	swait.ge [sflag:s30], $0x4000  }
0x140: {  	[sflag:s30] =	ssyncset.done $0x0  }
0x141: {  	s20 =	simm.s32 $0x2A00;
	[sflag:s30] =	ssyncadd.s32 $0xFFFFC000  }
0x142: {  	[spmem:s3] =	stream.indirect.scatter.add.f32 [tilespmem:s29], [sflag:$0x1], $0x80, s20, s24, $0xb8;
	[tilespmem:$0x1F000] =	vst v63  }
0x143: {  	_ =	swait.ge [sflag:s30], $0x4000  }
0x144: {  	[sflag:s30] =	ssyncset.done $0x0  }
0x145: {  	s16 =	simm.s32 $0x2A80;
	[sflag:s30] =	ssyncadd.s32 $0xFFFFC000  }
0x146: {  	[spmem:s3] =	stream.indirect.scatter.add.f32 [tilespmem:s29], [sflag:$0x1], $0x80, s16, s24, $0xb8;
	[tilespmem:$0x1F000] =	vst v63  }
0x147: {  	_ =	swait.ge [sflag:s30], $0x4000  }
0x148: {  	[sflag:s30] =	ssyncset.done $0x0  }
0x149: {  	s17 =	simm.s32 $0x2B00;
	[sflag:s30] =	ssyncadd.s32 $0xFFFFC000  }
0x14a: {  	[spmem:s3] =	stream.indirect.scatter.add.f32 [tilespmem:s29], [sflag:$0x1], $0x80, s17, s24, $0xb8;
	[tilespmem:$0x1F000] =	vst v63  }
0x14b: {  	_ =	swait.ge [sflag:s30], $0x4000  }
0x14c: {  	[sflag:s30] =	ssyncset.done $0x0  }
0x14d: {  	s20 =	simm.s32 $0x2B80;
	[sflag:s30] =	ssyncadd.s32 $0xFFFFC000  }
0x14e: {  	[spmem:s3] =	stream.indirect.scatter.add.f32 [tilespmem:s29], [sflag:$0x1], $0x80, s20, s24, $0xb8;
	[tilespmem:$0x1F000] =	vst v63  }
0x14f: {  	_ =	swait.ge [sflag:s30], $0x4000  }
0x150: {  	[sflag:s30] =	ssyncset.done $0x0  }
0x151: {  	s16 =	simm.s32 $0x2C00;
	[sflag:s30] =	ssyncadd.s32 $0xFFFFC000  }
0x152: {  	[spmem:s3] =	stream.indirect.scatter.add.f32 [tilespmem:s29], [sflag:$0x1], $0x80, s16, s24, $0xb8;
	[tilespmem:$0x1F000] =	vst v63  }
0x153: {  	_ =	swait.ge [sflag:s30], $0x4000  }
0x154: {  	[sflag:s30] =	ssyncset.done $0x0  }
0x155: {  	s17 =	simm.s32 $0x2C80;
	[sflag:s30] =	ssyncadd.s32 $0xFFFFC000  }
0x156: {  	[spmem:s3] =	stream.indirect.scatter.add.f32 [tilespmem:s29], [sflag:$0x1], $0x80, s17, s24, $0xb8;
	[tilespmem:$0x1F000] =	vst v63  }
0x157: {  	_ =	swait.ge [sflag:s30], $0x4000  }
0x158: {  	[sflag:s30] =	ssyncset.done $0x0  }
0x159: {  	s20 =	simm.s32 $0x2D00;
	[sflag:s30] =	ssyncadd.s32 $0xFFFFC000  }
0x15a: {  	[spmem:s3] =	stream.indirect.scatter.add.f32 [tilespmem:s29], [sflag:$0x1], $0x80, s20, s24, $0xb8;
	[tilespmem:$0x1F000] =	vst v63  }
0x15b: {  	_ =	swait.ge [sflag:s30], $0x4000  }
0x15c: {  	[sflag:s30] =	ssyncset.done $0x0  }
0x15d: {  	s16 =	simm.s32 $0x2D80;
	[sflag:s30] =	ssyncadd.s32 $0xFFFFC000  }
0x15e: {  	[spmem:s3] =	stream.indirect.scatter.add.f32 [tilespmem:s29], [sflag:$0x1], $0x80, s16, s24, $0xb8;
	[tilespmem:$0x1F000] =	vst v63  }
0x15f: {  	_ =	swait.ge [sflag:s30], $0x4000  }
0x160: {  	[sflag:s30] =	ssyncset.done $0x0  }
0x161: {  	s17 =	simm.s32 $0x2E00;
	[sflag:s30] =	ssyncadd.s32 $0xFFFFC000  }
0x162: {  	[spmem:s3] =	stream.indirect.scatter.add.f32 [tilespmem:s29], [sflag:$0x1], $0x80, s17, s24, $0xb8;
	[tilespmem:$0x1F000] =	vst v63  }
0x163: {  	_ =	swait.ge [sflag:s30], $0x4000  }
0x164: {  	[sflag:s30] =	ssyncset.done $0x0  }
0x165: {  	s20 =	simm.s32 $0x2E80;
	[sflag:s30] =	ssyncadd.s32 $0xFFFFC000  }
0x166: {  	[spmem:s3] =	stream.indirect.scatter.add.f32 [tilespmem:s29], [sflag:$0x1], $0x80, s20, s24, $0xb8;
	[tilespmem:$0x1F000] =	vst v63  }
0x167: {  	_ =	swait.ge [sflag:s30], $0x4000  }
0x168: {  	[sflag:s30] =	ssyncset.done $0x0  }
0x169: {  	s16 =	simm.s32 $0x2F00;
	[sflag:s30] =	ssyncadd.s32 $0xFFFFC000  }
0x16a: {  	[spmem:s3] =	stream.indirect.scatter.add.f32 [tilespmem:s29], [sflag:$0x1], $0x80, s16, s24, $0xb8;
	[tilespmem:$0x1F000] =	vst v63  }
0x16b: {  	_ =	swait.ge [sflag:s30], $0x4000  }
0x16c: {  	[sflag:s30] =	ssyncset.done $0x0  }
0x16d: {  	s17 =	simm.s32 $0x2F80;
	[sflag:s30] =	ssyncadd.s32 $0xFFFFC000  }
0x16e: {  	[spmem:s3] =	stream.indirect.scatter.add.f32 [tilespmem:s29], [sflag:$0x1], $0x80, s17, s24, $0xb8;
	[tilespmem:$0x1F000] =	vst v63  }
0x16f: {  	_ =	swait.ge [sflag:s30], $0x4000  }
0x170: {  	[sflag:s30] =	ssyncset.done $0x0  }
0x171: {  	[sflag:s30] =	ssyncadd.s32 $0xFFFFC000  }
0x172: {  	_ =	swait.ge [sflag:s30], $0x4000  }
0x173: {  	[sflag:s30] =	ssyncset.done $0x0  }
0x174: {  	[sflag:s30] =	ssyncadd.s32 $0xFFFFC000  }
0x175: {  	_ =	swait.ge [sflag:s30], $0x4000  }
0x176: {  	[sflag:s30] =	ssyncset.done $0x0  }
0x177: {  	[sflag:s30] =	ssyncadd.s32 $0xFFFFC000  }
0x178: {  	_ =	swait.ge [sflag:s30], $0x4000  }
0x179: {  	[sflag:s30] =	ssyncset.done $0x0  }
0x17a: {  	[sflag:s30] =	ssyncadd.s32 $0xFFFFC000  }
0x17b: {  	_ =	swait.ge [sflag:s30], $0x4000  }
0x17c: {  	[sflag:s30] =	ssyncset.done $0x0  }
0x17d: {  	[sflag:s30] =	ssyncadd.s32 $0xFFFFC000  }
0x17e: {  	_ =	swait.ge [sflag:s30], $0x4000  }
0x17f: {  	[sflag:s30] =	ssyncset.done $0x0  }
0x180: {  	[sflag:s30] =	ssyncadd.s32 $0xFFFFC000  }
0x181: {  	_ =	swait.ge [sflag:s30], $0x4000  }
0x182: {  	[sflag:s30] =	ssyncset.done $0x0  }
0x183: {  	[sflag:s30] =	ssyncadd.s32 $0xFFFFC000  }
0x184: {  	_ =	swait.ge [sflag:s30], $0x4000  }
0x185: {  	[sflag:s30] =	ssyncset.done $0x0  }
0x186: {  	[sflag:s30] =	ssyncadd.s32 $0xFFFFC000  }
0x187: {  	_ =	swait.ge [sflag:s30], $0x4000  }
0x188: {  	[sflag:s30] =	ssyncset.done $0x0  }
0x189: {  	[sflag:s30] =	ssyncadd.s32 $0xFFFFC000  }
0x18a: {  	[bflag:$0x0] =	sbarrier.arrive $0xFFFF  }
0x18b: {  	[tilespmem:s23], [sflag:$0x1] =	stream.indirect.gather [spmem:s3], $0x80, s4, s24, $0xb8;
	[tilespmem:$0x1F000] =	vst v63  }
0x18c: {  	_ = 	snop  }
0x18d: {  	[tilespmem:s29], [sflag:$0x2] =	stream.indirect.gather [spmem:s3], $0x80, s24, s24, $0xb8;
	[tilespmem:$0x1F000] =	vst v63  }
0x18e: {  	_ =	swait.ge [sflag:s30], $0x4000  }
0x18f: {  	[sflag:s30] =	ssyncset.done $0x0  }
0x190: {  	s20 =	rddreg [dreg:$0x7];
	[sflag:s30] =	ssyncadd.s32 $0xFFFFC000  }
0x191: {  	[hbm4b:s20+s4] =	stream.linear.scatter [tilespmem:s23], [sflag:$0x5], $0x4000, $0x38;
	[tilespmem:$0x1F000] =	vst v63  }
0x192: {  	_ =	swait.ge [sflag:s21], $0x4000  }
0x193: {  	[sflag:s21] =	ssyncset.done $0x0  }
0x194: {  	[sflag:s21] =	ssyncadd.s32 $0xFFFFC000  }
0x195: {  	[tilespmem:s23], [sflag:$0x1] =	stream.indirect.gather [spmem:s3], $0x80, s25, s24, $0xb8;
	[tilespmem:$0x1F000] =	vst v63  }
0x196: {  	_ =	swait.ge [sflag:s0], $0x4000  }
0x197: {  	[sflag:s0] =	ssyncset.done $0x0  }
0x198: {  	s16 =	rddreg [dreg:$0x8];
	[sflag:s0] =	ssyncadd.s32 $0xFFFFC000  }
0x199: {  	[hbm4b:s16+s4] =	stream.linear.scatter [tilespmem:s29], [sflag:$0x5], $0x4000, $0x38;
	[tilespmem:$0x1F000] =	vst v63  }
0x19a: {  	_ =	swait.ge [sflag:s21], $0x4000  }
0x19b: {  	[sflag:s21] =	ssyncset.done $0x0  }
0x19c: {  	[sflag:s21] =	ssyncadd.s32 $0xFFFFC000  }
0x19d: {  	[tilespmem:s29], [sflag:$0x2] =	stream.indirect.gather [spmem:s3], $0x80, s26, s24, $0xb8;
	[tilespmem:$0x1F000] =	vst v63  }
0x19e: {  	_ =	swait.ge [sflag:s30], $0x4000  }
0x19f: {  	[sflag:s30] =	ssyncset.done $0x0  }
0x1a0: {  	s17 =	rddreg [dreg:$0x9];
	[sflag:s30] =	ssyncadd.s32 $0xFFFFC000  }
0x1a1: {  	[hbm4b:s17+s4] =	stream.linear.scatter [tilespmem:s23], [sflag:$0x5], $0x4000, $0x38;
	[tilespmem:$0x1F000] =	vst v63  }
0x1a2: {  	_ =	swait.ge [sflag:s21], $0x4000  }
0x1a3: {  	[sflag:s21] =	ssyncset.done $0x0  }
0x1a4: {  	[sflag:s21] =	ssyncadd.s32 $0xFFFFC000  }
0x1a5: {  	[tilespmem:s23], [sflag:$0x1] =	stream.indirect.gather [spmem:s3], $0x80, s28, s24, $0xb8;
	[tilespmem:$0x1F000] =	vst v63  }
0x1a6: {  	_ =	swait.ge [sflag:s0], $0x4000  }
0x1a7: {  	[sflag:s0] =	ssyncset.done $0x0  }
0x1a8: {  	s20 =	rddreg [dreg:$0xa];
	[sflag:s0] =	ssyncadd.s32 $0xFFFFC000  }
0x1a9: {  	[hbm4b:s20+s4] =	stream.linear.scatter [tilespmem:s29], [sflag:$0x5], $0x4000, $0x38;
	[tilespmem:$0x1F000] =	vst v63  }
0x1aa: {  	_ =	swait.ge [sflag:s21], $0x4000  }
0x1ab: {  	[sflag:s21] =	ssyncset.done $0x0  }
0x1ac: {  	[sflag:s21] =	ssyncadd.s32 $0xFFFFC000  }
0x1ad: {  	_ =	swait.ge [sflag:s30], $0x4000  }
0x1ae: {  	[sflag:s30] =	ssyncset.done $0x0  }
0x1af: {  	s16 =	rddreg [dreg:$0xb];
	[sflag:s30] =	ssyncadd.s32 $0xFFFFC000  }
0x1b0: {  	[hbm4b:s16+s4] =	stream.linear.scatter [tilespmem:s23], [sflag:$0x5], $0x4000, $0x38;
	[tilespmem:$0x1F000] =	vst v63  }
0x1b1: {  	_ =	swait.ge [sflag:s21], $0x4000  }
0x1b2: {  	[sflag:s21] =	ssyncset.done $0x0  }
0x1b3: {  	[sflag:s21] =	ssyncadd.s32 $0xFFFFC000  }
0x1b4: {  	[bflag:$0x0] =	sbarrier.arrive $0xFFFF  }
0x1b5: {  	[tilespmem:s23], [sflag:$0x5] =	stream.linear.gather [hbm4b:s5+s4], $0x4000, $0x38;
	[tilespmem:$0x1F000] =	vst v63  }
0x1b6: {  	_ =	swait.ge [sflag:s21], $0x4000  }
0x1b7: {  	[sflag:s21] =	ssyncset.done $0x0  }
0x1b8: {  	[sflag:s21] =	ssyncadd.s32 $0xFFFFC000  }
0x1b9: {  	[spmem:s3] =	stream.indirect.scatter [tilespmem:s23], [sflag:$0x5], $0x80, s4, s24, $0xb8;
	[tilespmem:$0x1F000] =	vst v63  }
0x1ba: {  	_ =	swait.ge [sflag:s21], $0x4000  }
0x1bb: {  	[sflag:s21] =	ssyncset.done $0x0  }
0x1bc: {  	[sflag:s21] =	ssyncadd.s32 $0xFFFFC000  }
0x1bd: {  	[spmem:s3] =	stream.indirect.scatter [tilespmem:s23], [sflag:$0x5], $0x80, s24, s24, $0xb8;
	[tilespmem:$0x1F000] =	vst v63  }
0x1be: {  	_ =	swait.ge [sflag:s21], $0x4000  }
0x1bf: {  	[sflag:s21] =	ssyncset.done $0x0  }
0x1c0: {  	[sflag:s21] =	ssyncadd.s32 $0xFFFFC000  }
0x1c1: {  	[spmem:s3] =	stream.indirect.scatter [tilespmem:s23], [sflag:$0x5], $0x80, s25, s24, $0xb8;
	[tilespmem:$0x1F000] =	vst v63  }
0x1c2: {  	_ =	swait.ge [sflag:s21], $0x4000  }
0x1c3: {  	[sflag:s21] =	ssyncset.done $0x0  }
0x1c4: {  	[sflag:s21] =	ssyncadd.s32 $0xFFFFC000  }
0x1c5: {  	[spmem:s3] =	stream.indirect.scatter [tilespmem:s23], [sflag:$0x5], $0x80, s26, s24, $0xb8;
	[tilespmem:$0x1F000] =	vst v63  }
0x1c6: {  	_ =	swait.ge [sflag:s21], $0x4000  }
0x1c7: {  	[sflag:s21] =	ssyncset.done $0x0  }
0x1c8: {  	[sflag:s21] =	ssyncadd.s32 $0xFFFFC000  }
0x1c9: {  	[spmem:s3] =	stream.indirect.scatter [tilespmem:s23], [sflag:$0x5], $0x80, s28, s24, $0xb8;
	[tilespmem:$0x1F000] =	vst v63  }
0x1ca: {  	_ =	swait.ge [sflag:s21], $0x4000  }
0x1cb: {  	[sflag:s21] =	ssyncset.done $0x0  }
0x1cc: {  	[sflag:s21] =	ssyncadd.s32 $0xFFFFC000  }
0x1cd: {  	[bflag:$0x0] =	sbarrier.arrive $0xFFFF  }
0x1ce: {  	[tilespmem:s31], [sflag:$0x5] =	stream.linear.gather [hbm4b:s15+s4], $0x400, $0x38;
	[tilespmem:$0x1F000] =	vst v63  }
0x1cf: {  	_ =	swait.ge [sflag:s21], $0x400  }
0x1d0: {  	[sflag:s21] =	ssyncset.done $0x0  }
0x1d1: {  	[sflag:s21] =	ssyncadd.s32 $0xFFFFFC00  }
0x1d2: {  	[tilespmem:s23], [sflag:$0x1] =	stream.indirect.gather [hbm4b:s2+s24], $0x80, s31, s24, $0xb8;
	[tilespmem:$0x1F000] =	vst v63  }
0x1d3: {  	_ = 	snop  }
0x1d4: {  	[tilespmem:s29], [sflag:$0x2] =	stream.indirect.gather [hbm4b:s2+s24], $0x80, s1, s24, $0xb8;
	[tilespmem:$0x1F000] =	vst v63  }
0x1d5: {  	_ =	swait.ge [sflag:s30], $0x4000  }
0x1d6: {  	[sflag:s30] =	ssyncset.done $0x0  }
0x1d7: {  	s17 =	simm.s32 $0x800;
	[sflag:s30] =	ssyncadd.s32 $0xFFFFC000  }
0x1d8: {  	[spmem:s3] =	stream.indirect.scatter.add.f32 [tilespmem:s23], [sflag:$0x3], $0x80, s17, s24, $0xb8;
	[tilespmem:$0x1F000] =	vst v63  }
0x1d9: {  	_ =	swait.ge [sflag:s6], $0x4000  }
0x1da: {  	[sflag:s6] =	ssyncset.done $0x0  }
0x1db: {  	[sflag:s6] =	ssyncadd.s32 $0xFFFFC000  }
0x1dc: {  	[tilespmem:s23], [sflag:$0x1] =	stream.indirect.gather [hbm4b:s2+s24], $0x80, s7, s24, $0xb8;
	[tilespmem:$0x1F000] =	vst v63  }
0x1dd: {  	_ =	swait.ge [sflag:s0], $0x4000  }
0x1de: {  	[sflag:s0] =	ssyncset.done $0x0  }
0x1df: {  	s20 =	simm.s32 $0x880;
	[sflag:s0] =	ssyncadd.s32 $0xFFFFC000  }
0x1e0: {  	[spmem:s3] =	stream.indirect.scatter.add.f32 [tilespmem:s29], [sflag:$0x4], $0x80, s20, s24, $0xb8;
	[tilespmem:$0x1F000] =	vst v63  }
0x1e1: {  	_ =	swait.ge [sflag:s8], $0x4000  }
0x1e2: {  	[sflag:s8] =	ssyncset.done $0x0  }
0x1e3: {  	[sflag:s8] =	ssyncadd.s32 $0xFFFFC000  }
0x1e4: {  	[tilespmem:s29], [sflag:$0x2] =	stream.indirect.gather [hbm4b:s2+s24], $0x80, s9, s24, $0xb8;
	[tilespmem:$0x1F000] =	vst v63  }
0x1e5: {  	_ =	swait.ge [sflag:s30], $0x4000  }
0x1e6: {  	[sflag:s30] =	ssyncset.done $0x0  }
0x1e7: {  	s16 =	simm.s32 $0x900;
	[sflag:s30] =	ssyncadd.s32 $0xFFFFC000  }
0x1e8: {  	[spmem:s3] =	stream.indirect.scatter.add.f32 [tilespmem:s23], [sflag:$0x3], $0x80, s16, s24, $0xb8;
	[tilespmem:$0x1F000] =	vst v63  }
0x1e9: {  	_ =	swait.ge [sflag:s6], $0x4000  }
0x1ea: {  	[sflag:s6] =	ssyncset.done $0x0  }
0x1eb: {  	[sflag:s6] =	ssyncadd.s32 $0xFFFFC000  }
0x1ec: {  	[tilespmem:s23], [sflag:$0x1] =	stream.indirect.gather [hbm4b:s2+s24], $0x80, s10, s24, $0xb8;
	[tilespmem:$0x1F000] =	vst v63  }
0x1ed: {  	_ =	swait.ge [sflag:s0], $0x4000  }
0x1ee: {  	[sflag:s0] =	ssyncset.done $0x0  }
0x1ef: {  	s17 =	simm.s32 $0x980;
	[sflag:s0] =	ssyncadd.s32 $0xFFFFC000  }
0x1f0: {  	[spmem:s3] =	stream.indirect.scatter.add.f32 [tilespmem:s29], [sflag:$0x4], $0x80, s17, s24, $0xb8;
	[tilespmem:$0x1F000] =	vst v63  }
0x1f1: {  	_ =	swait.ge [sflag:s8], $0x4000  }
0x1f2: {  	[sflag:s8] =	ssyncset.done $0x0  }
0x1f3: {  	[sflag:s8] =	ssyncadd.s32 $0xFFFFC000  }
0x1f4: {  	[tilespmem:s29], [sflag:$0x2] =	stream.indirect.gather [hbm4b:s2+s24], $0x80, s22, s24, $0xb8;
	[tilespmem:$0x1F000] =	vst v63  }
0x1f5: {  	_ =	swait.ge [sflag:s30], $0x4000  }
0x1f6: {  	[sflag:s30] =	ssyncset.done $0x0  }
0x1f7: {  	s20 =	simm.s32 $0xA00;
	[sflag:s30] =	ssyncadd.s32 $0xFFFFC000  }
0x1f8: {  	[spmem:s3] =	stream.indirect.scatter.add.f32 [tilespmem:s23], [sflag:$0x3], $0x80, s20, s24, $0xb8;
	[tilespmem:$0x1F000] =	vst v63  }
0x1f9: {  	_ =	swait.ge [sflag:s6], $0x4000  }
0x1fa: {  	[sflag:s6] =	ssyncset.done $0x0  }
0x1fb: {  	[sflag:s6] =	ssyncadd.s32 $0xFFFFC000  }
0x1fc: {  	[tilespmem:s23], [sflag:$0x1] =	stream.indirect.gather [hbm4b:s2+s24], $0x80, s11, s24, $0xb8;
	[tilespmem:$0x1F000] =	vst v63  }
0x1fd: {  	_ =	swait.ge [sflag:s0], $0x4000  }
0x1fe: {  	[sflag:s0] =	ssyncset.done $0x0  }
0x1ff: {  	s16 =	simm.s32 $0xA80;
	[sflag:s0] =	ssyncadd.s32 $0xFFFFC000  }
0x200: {  	[spmem:s3] =	stream.indirect.scatter.add.f32 [tilespmem:s29], [sflag:$0x4], $0x80, s16, s24, $0xb8;
	[tilespmem:$0x1F000] =	vst v63  }
0x201: {  	_ =	swait.ge [sflag:s8], $0x4000  }
0x202: {  	[sflag:s8] =	ssyncset.done $0x0  }
0x203: {  	[sflag:s8] =	ssyncadd.s32 $0xFFFFC000  }
0x204: {  	[tilespmem:s29], [sflag:$0x2] =	stream.indirect.gather [hbm4b:s2+s24], $0x80, s12, s24, $0xb8;
	[tilespmem:$0x1F000] =	vst v63  }
0x205: {  	_ =	swait.ge [sflag:s30], $0x4000  }
0x206: {  	[sflag:s30] =	ssyncset.done $0x0  }
0x207: {  	s17 =	simm.s32 $0xB00;
	[sflag:s30] =	ssyncadd.s32 $0xFFFFC000  }
0x208: {  	[spmem:s3] =	stream.indirect.scatter.add.f32 [tilespmem:s23], [sflag:$0x3], $0x80, s17, s24, $0xb8;
	[tilespmem:$0x1F000] =	vst v63  }
0x209: {  	_ =	swait.ge [sflag:s0], $0x4000  }
0x20a: {  	[sflag:s0] =	ssyncset.done $0x0  }
0x20b: {  	s20 =	simm.s32 $0xB80;
	[sflag:s0] =	ssyncadd.s32 $0xFFFFC000  }
0x20c: {  	[spmem:s3] =	stream.indirect.scatter.add.f32 [tilespmem:s29], [sflag:$0x4], $0x80, s20, s24, $0xb8;
	[tilespmem:$0x1F000] =	vst v63  }
0x20d: {  	_ =	swait.ge [sflag:s6], $0x4000  }
0x20e: {  	[sflag:s6] =	ssyncset.done $0x0  }
0x20f: {  	[sflag:s6] =	ssyncadd.s32 $0xFFFFC000  }
0x210: {  	_ =	swait.ge [sflag:s8], $0x4000  }
0x211: {  	s14 =	simm.s32 $0x1000;
	s20 =	smov.u32 s15;
	[sflag:s8] =	ssyncset.done $0x0  }
.LBB2_2:
0x212: {  	p0 =	sne.s32 s14, $0x9000;
	[sflag:s8] =	ssyncadd.s32 $0xFFFFC000;
	s20 =	sadd.s32 $0x80, s20  }
0x213: {  	[tilespmem:s31], [sflag:$0x5] =	stream.linear.gather [hbm4b:s20+s4], $0x400, $0x38;
	[tilespmem:$0x1F000] =	vst v63  }
0x214: {  	s16 =	smov.u32 s14;
	s14 =	sadd.s32 $0x1000, s14;
	_ =	swait.ge [sflag:s21], $0x400  }
0x215: {  	[sflag:s21] =	ssyncset.done $0x0  }
0x216: {  	[sflag:s21] =	ssyncadd.s32 $0xFFFFFC00  }
0x217: {  	[tilespmem:s23], [sflag:$0x1] =	stream.indirect.gather [hbm4b:s2+s24], $0x80, s31, s24, $0xb8;
	[tilespmem:$0x1F000] =	vst v63  }
0x218: {  	_ = 	snop  }
0x219: {  	[tilespmem:s29], [sflag:$0x2] =	stream.indirect.gather [hbm4b:s2+s24], $0x80, s1, s24, $0xb8;
	[tilespmem:$0x1F000] =	vst v63  }
0x21a: {  	_ =	swait.ge [sflag:s30], $0x4000  }
0x21b: {  	s16 =	sshra.s32 s16, $0x2;
	[sflag:s30] =	ssyncset.done $0x0  }
0x21c: {  	s17 =	sadd.s32 $0x800, s16;
	[sflag:s30] =	ssyncadd.s32 $0xFFFFC000  }
0x21d: {  	[spmem:s3] =	stream.indirect.scatter.add.f32 [tilespmem:s23], [sflag:$0x3], $0x80, s17, s24, $0xb8;
	[tilespmem:$0x1F000] =	vst v63  }
0x21e: {  	_ =	swait.ge [sflag:s6], $0x4000  }
0x21f: {  	[sflag:s6] =	ssyncset.done $0x0  }
0x220: {  	[sflag:s6] =	ssyncadd.s32 $0xFFFFC000  }
0x221: {  	[tilespmem:s23], [sflag:$0x1] =	stream.indirect.gather [hbm4b:s2+s24], $0x80, s7, s24, $0xb8;
	[tilespmem:$0x1F000] =	vst v63  }
0x222: {  	_ =	swait.ge [sflag:s0], $0x4000  }
0x223: {  	[sflag:s0] =	ssyncset.done $0x0  }
0x224: {  	s17 =	sadd.s32 $0x880, s16;
	[sflag:s0] =	ssyncadd.s32 $0xFFFFC000  }
0x225: {  	[spmem:s3] =	stream.indirect.scatter.add.f32 [tilespmem:s29], [sflag:$0x4], $0x80, s17, s24, $0xb8;
	[tilespmem:$0x1F000] =	vst v63  }
0x226: {  	_ =	swait.ge [sflag:s8], $0x4000  }
0x227: {  	[sflag:s8] =	ssyncset.done $0x0  }
0x228: {  	[sflag:s8] =	ssyncadd.s32 $0xFFFFC000  }
0x229: {  	[tilespmem:s29], [sflag:$0x2] =	stream.indirect.gather [hbm4b:s2+s24], $0x80, s9, s24, $0xb8;
	[tilespmem:$0x1F000] =	vst v63  }
0x22a: {  	_ =	swait.ge [sflag:s30], $0x4000  }
0x22b: {  	[sflag:s30] =	ssyncset.done $0x0  }
0x22c: {  	s17 =	sadd.s32 $0x900, s16;
	[sflag:s30] =	ssyncadd.s32 $0xFFFFC000  }
0x22d: {  	[spmem:s3] =	stream.indirect.scatter.add.f32 [tilespmem:s23], [sflag:$0x3], $0x80, s17, s24, $0xb8;
	[tilespmem:$0x1F000] =	vst v63  }
0x22e: {  	_ =	swait.ge [sflag:s6], $0x4000  }
0x22f: {  	[sflag:s6] =	ssyncset.done $0x0  }
0x230: {  	[sflag:s6] =	ssyncadd.s32 $0xFFFFC000  }
0x231: {  	[tilespmem:s23], [sflag:$0x1] =	stream.indirect.gather [hbm4b:s2+s24], $0x80, s10, s24, $0xb8;
	[tilespmem:$0x1F000] =	vst v63  }
0x232: {  	_ =	swait.ge [sflag:s0], $0x4000  }
0x233: {  	[sflag:s0] =	ssyncset.done $0x0  }
0x234: {  	s17 =	sadd.s32 $0x980, s16;
	[sflag:s0] =	ssyncadd.s32 $0xFFFFC000  }
0x235: {  	[spmem:s3] =	stream.indirect.scatter.add.f32 [tilespmem:s29], [sflag:$0x4], $0x80, s17, s24, $0xb8;
	[tilespmem:$0x1F000] =	vst v63  }
0x236: {  	_ =	swait.ge [sflag:s8], $0x4000  }
0x237: {  	[sflag:s8] =	ssyncset.done $0x0  }
0x238: {  	[sflag:s8] =	ssyncadd.s32 $0xFFFFC000  }
0x239: {  	[tilespmem:s29], [sflag:$0x2] =	stream.indirect.gather [hbm4b:s2+s24], $0x80, s22, s24, $0xb8;
	[tilespmem:$0x1F000] =	vst v63  }
0x23a: {  	_ =	swait.ge [sflag:s30], $0x4000  }
0x23b: {  	[sflag:s30] =	ssyncset.done $0x0  }
0x23c: {  	s17 =	sadd.s32 $0xA00, s16;
	[sflag:s30] =	ssyncadd.s32 $0xFFFFC000  }
0x23d: {  	[spmem:s3] =	stream.indirect.scatter.add.f32 [tilespmem:s23], [sflag:$0x3], $0x80, s17, s24, $0xb8;
	[tilespmem:$0x1F000] =	vst v63  }
0x23e: {  	_ =	swait.ge [sflag:s6], $0x4000  }
0x23f: {  	[sflag:s6] =	ssyncset.done $0x0  }
0x240: {  	[sflag:s6] =	ssyncadd.s32 $0xFFFFC000  }
0x241: {  	[tilespmem:s23], [sflag:$0x1] =	stream.indirect.gather [hbm4b:s2+s24], $0x80, s11, s24, $0xb8;
	[tilespmem:$0x1F000] =	vst v63  }
0x242: {  	_ =	swait.ge [sflag:s0], $0x4000  }
0x243: {  	[sflag:s0] =	ssyncset.done $0x0  }
0x244: {  	s17 =	sadd.s32 $0xA80, s16;
	[sflag:s0] =	ssyncadd.s32 $0xFFFFC000  }
0x245: {  	[spmem:s3] =	stream.indirect.scatter.add.f32 [tilespmem:s29], [sflag:$0x4], $0x80, s17, s24, $0xb8;
	[tilespmem:$0x1F000] =	vst v63  }
0x246: {  	_ =	swait.ge [sflag:s8], $0x4000  }
0x247: {  	[sflag:s8] =	ssyncset.done $0x0  }
0x248: {  	[sflag:s8] =	ssyncadd.s32 $0xFFFFC000  }
0x249: {  	[tilespmem:s29], [sflag:$0x2] =	stream.indirect.gather [hbm4b:s2+s24], $0x80, s12, s24, $0xb8;
	[tilespmem:$0x1F000] =	vst v63  }
0x24a: {  	_ =	swait.ge [sflag:s30], $0x4000  }
0x24b: {  	[sflag:s30] =	ssyncset.done $0x0  }
0x24c: {  	s17 =	sadd.s32 $0xB00, s16;
	[sflag:s30] =	ssyncadd.s32 $0xFFFFC000  }
0x24d: {  	[spmem:s3] =	stream.indirect.scatter.add.f32 [tilespmem:s23], [sflag:$0x3], $0x80, s17, s24, $0xb8;
	[tilespmem:$0x1F000] =	vst v63  }
0x24e: {  	_ =	swait.ge [sflag:s0], $0x4000  }
0x24f: {  	[sflag:s0] =	ssyncset.done $0x0  }
0x250: {  	s16 =	sadd.s32 $0xB80, s16;
	[sflag:s0] =	ssyncadd.s32 $0xFFFFC000  }
0x251: {  	[spmem:s3] =	stream.indirect.scatter.add.f32 [tilespmem:s29], [sflag:$0x4], $0x80, s16, s24, $0xb8;
	[tilespmem:$0x1F000] =	vst v63  }
.Ltmp0:
0x252: {  	_ =	swait.ge [sflag:s6], $0x4000;
	(pc) =	sbr.rel @p0 .LBB2_2-.Ltmp0, $4  }
0x253: {  	[sflag:s6] =	ssyncset.done $0x0  }
0x254: {  	[sflag:s6] =	ssyncadd.s32 $0xFFFFC000  }
0x255: {  	_ =	swait.ge [sflag:s8], $0x4000  }
0x256: {  	[sflag:s8] =	ssyncset.done $0x0  }
0x257: {  	[sflag:s8] =	ssyncadd.s32 $0xFFFFC000  }
0x258: {  	[bflag:$0x0] =	sbarrier.arrive $0xFFFF  }
0x259: {  	[tilespmem:s23], [sflag:$0x1] =	stream.indirect.gather [spmem:s3], $0x80, s4, s24, $0xb8;
	[tilespmem:$0x1F000] =	vst v63  }
0x25a: {  	_ = 	snop  }
0x25b: {  	[tilespmem:s29], [sflag:$0x2] =	stream.indirect.gather [spmem:s3], $0x80, s24, s24, $0xb8;
	[tilespmem:$0x1F000] =	vst v63  }
0x25c: {  	_ =	swait.ge [sflag:s30], $0x4000  }
0x25d: {  	[sflag:s30] =	ssyncset.done $0x0  }
0x25e: {  	s14 =	rddreg [dreg:$0xc];
	[sflag:s30] =	ssyncadd.s32 $0xFFFFC000  }
0x25f: {  	[hbm4b:s14+s4] =	stream.linear.scatter [tilespmem:s23], [sflag:$0x5], $0x4000, $0x38;
	[tilespmem:$0x1F000] =	vst v63  }
0x260: {  	_ =	swait.ge [sflag:s21], $0x4000  }
0x261: {  	[sflag:s21] =	ssyncset.done $0x0  }
0x262: {  	[sflag:s21] =	ssyncadd.s32 $0xFFFFC000  }
0x263: {  	[tilespmem:s23], [sflag:$0x1] =	stream.indirect.gather [spmem:s3], $0x80, s25, s24, $0xb8;
	[tilespmem:$0x1F000] =	vst v63  }
0x264: {  	_ =	swait.ge [sflag:s0], $0x4000  }
0x265: {  	[sflag:s0] =	ssyncset.done $0x0  }
0x266: {  	s16 =	rddreg [dreg:$0xd];
	[sflag:s0] =	ssyncadd.s32 $0xFFFFC000  }
0x267: {  	[hbm4b:s16+s4] =	stream.linear.scatter [tilespmem:s29], [sflag:$0x5], $0x4000, $0x38;
	[tilespmem:$0x1F000] =	vst v63  }
0x268: {  	_ =	swait.ge [sflag:s21], $0x4000  }
0x269: {  	[sflag:s21] =	ssyncset.done $0x0  }
0x26a: {  	[sflag:s21] =	ssyncadd.s32 $0xFFFFC000  }
0x26b: {  	[tilespmem:s29], [sflag:$0x2] =	stream.indirect.gather [spmem:s3], $0x80, s26, s24, $0xb8;
	[tilespmem:$0x1F000] =	vst v63  }
0x26c: {  	_ =	swait.ge [sflag:s30], $0x4000  }
0x26d: {  	[sflag:s30] =	ssyncset.done $0x0  }
0x26e: {  	s17 =	rddreg [dreg:$0xe];
	[sflag:s30] =	ssyncadd.s32 $0xFFFFC000  }
0x26f: {  	[hbm4b:s17+s4] =	stream.linear.scatter [tilespmem:s23], [sflag:$0x5], $0x4000, $0x38;
	[tilespmem:$0x1F000] =	vst v63  }
0x270: {  	_ =	swait.ge [sflag:s21], $0x4000  }
0x271: {  	[sflag:s21] =	ssyncset.done $0x0  }
0x272: {  	[sflag:s21] =	ssyncadd.s32 $0xFFFFC000  }
0x273: {  	[tilespmem:s23], [sflag:$0x1] =	stream.indirect.gather [spmem:s3], $0x80, s28, s24, $0xb8;
	[tilespmem:$0x1F000] =	vst v63  }
0x274: {  	_ =	swait.ge [sflag:s0], $0x4000  }
0x275: {  	[sflag:s0] =	ssyncset.done $0x0  }
0x276: {  	s20 =	rddreg [dreg:$0xf];
	[sflag:s0] =	ssyncadd.s32 $0xFFFFC000  }
0x277: {  	[hbm4b:s20+s4] =	stream.linear.scatter [tilespmem:s29], [sflag:$0x5], $0x4000, $0x38;
	[tilespmem:$0x1F000] =	vst v63  }
0x278: {  	_ =	swait.ge [sflag:s21], $0x4000  }
0x279: {  	[sflag:s21] =	ssyncset.done $0x0  }
0x27a: {  	[sflag:s21] =	ssyncadd.s32 $0xFFFFC000  }
0x27b: {  	s13 =	sadd.s32 $0x1, s13;
	_ =	swait.ge [sflag:s30], $0x4000  }
0x27c: {  	p0 =	sne.s32 s13, s19;
	[sflag:s30] =	ssyncset.done $0x0  }
.Ltmp1:
0x27d: {  	[sflag:s30] =	ssyncadd.s32 $0xFFFFC000;
	(pc) =	sbr.rel @p0 .LBB2_1-.Ltmp1, $4  }
0x27e: {  	[hbm4b:s18+s4] =	stream.linear.scatter [tilespmem:s23], [sflag:$0x5], $0x4000, $0x38;
	[tilespmem:$0x1F000] =	vst v63  }
0x27f: {  	_ =	swait.ge [sflag:s21], $0x4000  }
0x280: {  	[sflag:s21] =	ssyncset.done $0x0  }
0x281: {  	[sflag:s21] =	ssyncadd.s32 $0xFFFFC000  }
0x282: {  	_ =	sfence.sel $0x180000  }
0x283: {  	[bflag:$0x0] =	sbarrier.arrive $0xFFFF  }
0x284: {  	_ =	strace $0x90000047  }
0x285: {  	s0 =	stileid.u32;
	[bflag:$0x2] =	sbarrier.arrive $0xFFFF  }
0x286: {  	p0 =	sne.s32 s0, $0x0;
	s0 =	rddreg [dreg:$0x3]  }
0x287: {  	s0 =	sadd.s32 @!p0 $0x100000, s0  }
0x288: {  	[sflag:s0] =	ssyncadd.tile.s32 @!p0 $0x1;
	_ =	shalt  }
.Lfunc_end2:
_tile_overlayer_lowered:
.L_overlay_start_2:
0x289: {  	(tag) =	ssettag $0x2  }
0x28a: {  	s0 =	rddreg [dreg:$0x0];
	s2 =	stileid.u32  }
0x28b: {  	s1 =	rddreg [dreg:$0x1];
	p0 =	sne.s32 s2, $0x0  }
0x28c: {  	s3 =	rddreg [dreg:$0x2];
	[bflag:$0x3] =	sbarrier.arrive $0xFFFF;
	s2 =	simm.s32 @!p0 $0x1C05  }
0x28d: {  	[timem:s3], [sflag:s2] =	dma.local @!p0 [hbm:s0], s1  }
0x28e: {  	s0 =	simm.s32 @!p0 $0x5  }
0x28f: {  	_ =	swait.ge @!p0 [sflag:s0], s1  }
0x290: {  	s1 =	ssub.s32 @!p0 $0x0, s1;
	[sflag:s0] =	ssyncset.done @!p0 $0x0  }
0x291: {  	[sflag:s0] =	ssyncadd.s32 @!p0 s1  }
0x292: {  	[bflag:$0x3] =	sbarrier.arrive $0xFFFF  }
0x293: {  	_ =	shalt  }

</sc_bundles>
